<compile_context>
chip_gen: v7x
topology: tpu7x:2x2x1
jax: 0.10.2.dev20260603
libtpu: 0.0.44.dev20260713+nightly
codegen_flags: <defaults>
</compile_context>

<pallas_src>
import functools
import jax
import jax.numpy as jnp
from jax import lax
from jax.experimental import pallas as pl
from jax.experimental.pallas import tpu as pltpu
from jax.experimental.pallas import tpu_sc as plsc

QUARTERS = 4


@functools.cache
def _build(B, V, D):
    info = plsc.get_sparse_core_info()
    nw = info.num_cores * info.num_subcores
    assert D == nw
    q = B // QUARTERS
    mesh = plsc.VectorSubcoreMesh(core_axis_name="c", subcore_axis_name="s")

    @functools.partial(
        pl.kernel,
        mesh=mesh,
        out_type=jax.ShapeDtypeStruct((D, B), jnp.float32),
        compiler_params=pltpu.CompilerParams(
            use_tc_tiling_on_sc=True, needs_layout_passes=False
        ),
        scratch_types=[
            pltpu.VMEM((V,), jnp.float32),
            pltpu.VMEM((B,), jnp.int32),
            pltpu.VMEM((2, q), jnp.float32),
            pltpu.SemaphoreType.DMA,
            [pltpu.SemaphoreType.DMA] * QUARTERS,
            pltpu.SemaphoreType.DMA,
        ],
    )
    def k(idx_hbm, tablet_hbm, outt_hbm, row_v, idx_v, out_v, sem_row,
          sem_idx, sem_out):
        d = lax.axis_index("s") * info.num_cores + lax.axis_index("c")
        idxcps = [
            pltpu.make_async_copy(
                idx_hbm.at[pl.ds(c * q, q)],
                idx_v.at[pl.ds(c * q, q)],
                sem_idx[c],
            )
            for c in range(QUARTERS)
        ]
        idxcps[0].start()
        rowcp = pltpu.make_async_copy(tablet_hbm.at[d], row_v, sem_row)
        rowcp.start()
        for c in range(1, QUARTERS):
            idxcps[c].start()
        idxcps[0].wait()
        rowcp.wait()

        outcps = [None, None]
        for c in range(QUARTERS):
            buf = c % 2
            if c > 0:
                idxcps[c].wait()
            if outcps[buf] is not None:
                outcps[buf].wait()

            def body(sg, carry, c=c, buf=buf):
                vecs = [
                    idx_v[pl.ds(c * q + sg * 128 + l * 16, 16)]
                    for l in range(8)
                ]
                vals = [plsc.load_gather(row_v, [v]) for v in vecs]
                for l in range(8):
                    out_v[buf, pl.ds(sg * 128 + l * 16, 16)] = vals[l]
                return carry

            lax.fori_loop(0, q // 128, body, 0, unroll=8)
            cp = pltpu.make_async_copy(
                out_v.at[buf], outt_hbm.at[d, pl.ds(c * q, q)], sem_out
            )
            cp.start()
            outcps[buf] = cp
        for cp in outcps:
            cp.wait()

    return k


def kernel(nombre, table):
    B = nombre.shape[0]
    V, D = table.shape
    idx = nombre.astype(jnp.int32)
    outt = _build(B, V, D)(idx, table.T)
    return outt.T

# --- scband reference (transcript-rebuilt; emitter-appended) ---
"""Pipeline reference for scband-pub-model-25975962206726 (READ-ONLY COPY).

The authoritative reference and input builder live on the scoring server;
editing this copy changes nothing except your own understanding.
"""

import jax, jax.numpy as jnp
import numpy as np

VOCAB = 100000  # len(unique_pubs_names)
EMBED_DIM = 32
BATCH = 16384

def setup_inputs(seed: int = 0) -> dict:
    key = jax.random.key(seed)
    k1, k2 = jax.random.split(key)
    # StringLookup output simulated as int indices in [0, vocab+1)
    # (index 0 is the OOV bucket in keras StringLookup; table has vocab+1 rows)
    nombre = jax.random.randint(k1, (BATCH,), 0, VOCAB + 1, dtype=jnp.int64)
    table = jax.random.normal(k2, (VOCAB + 1, EMBED_DIM), dtype=jnp.float32) * 0.05
    return {"nombre": nombre, "table": table}

def reference(nombre, table):
    # title_embedding: StringLookup (already applied -> int ids) then Embedding
    emb = jnp.take(table, nombre, axis=0)  # [B, EMBED_DIM]
    # tf.concat([emb], axis=1) is identity on a single tensor
    out = jnp.concatenate([emb], axis=1)
    return out

if __name__ == "__main__":
    import jax
    _d = setup_inputs()
    print(jax.jit(kernel)(*tuple(_d.values())))

</pallas_src>

<mosaic_0001>
#map = affine_map<(d0, d1) -> (0)>
#map1 = affine_map<(d0, d1) -> (0, 0)>
module attributes {stable_mosaic.version = 14 : i64} {
  func.func @k(%arg0: i32, %arg1: i32, %arg2: memref<16384xi32, #tpu.memory_space<hbm>>, %arg3: memref<32x100001xf32, #tpu.memory_space<hbm>>, %arg4: memref<32x16384xf32, #tpu.memory_space<hbm>>, %arg5: memref<100001xf32, #tpu.memory_space<vmem>>, %arg6: memref<16384xi32, #tpu.memory_space<vmem>>, %arg7: memref<2x4096xf32, #tpu.memory_space<vmem>>, %arg8: memref<!tpu.dma_semaphore, #tpu.memory_space<semaphore_mem>>, %arg9: memref<!tpu.dma_semaphore, #tpu.memory_space<semaphore_mem>>, %arg10: memref<!tpu.dma_semaphore, #tpu.memory_space<semaphore_mem>>, %arg11: memref<!tpu.dma_semaphore, #tpu.memory_space<semaphore_mem>>, %arg12: memref<!tpu.dma_semaphore, #tpu.memory_space<semaphore_mem>>, %arg13: memref<!tpu.dma_semaphore, #tpu.memory_space<semaphore_mem>>) attributes {dimension_semantics = [#tpu.dimension_semantics<core_parallel>, #tpu.dimension_semantics<subcore_parallel>], iteration_bounds = array<i64: 2, 16>, scalar_prefetch = 0 : i64, scratch_operands = 9 : i64, tpu.core_type = #tpu.core_type<sc_vector_subcore>, window_params = [{transform_indices = #map}, {transform_indices = #map1}, {transform_indices = #map1}]} {
    %mul3A = arith.constant 2 : i32
    %mul3A_0 = arith.muli %arg1, %mul3A : i32
    %add3A = arith.addi %mul3A_0, %arg0 : i32
    %dma_start3A = arith.constant 0 : i32
    %dma_start3A_1 = tpu.memref_slice %arg6[%dma_start3A] : memref<16384xi32, #tpu.memory_space<vmem>> -> memref<4096xi32, #tpu.memory_space<vmem>>
    %dma_start3A_2 = arith.constant 0 : i32
    %dma_start3A_3 = tpu.memref_slice %arg2[%dma_start3A_2] : memref<16384xi32, #tpu.memory_space<hbm>> -> memref<4096xi32, #tpu.memory_space<hbm>>
    %dma_start3A_4 = arith.constant 0 : i32
    %dma_start3A_5 = tpu.memref_slice %arg6[%dma_start3A_4] : memref<16384xi32, #tpu.memory_space<vmem>> -> memref<4096xi32, #tpu.memory_space<vmem>>
    %dma_start3A_6 = arith.constant 0 : i32
    %dma_start3A_7 = tpu.memref_slice %arg2[%dma_start3A_6] : memref<16384xi32, #tpu.memory_space<hbm>> -> memref<4096xi32, #tpu.memory_space<hbm>>
    tpu.enqueue_dma source(%dma_start3A_7 : memref<4096xi32, #tpu.memory_space<hbm>>) target(%dma_start3A_5 : memref<4096xi32, #tpu.memory_space<vmem>>) target_semaphore(%arg9 : memref<!tpu.dma_semaphore, #tpu.memory_space<semaphore_mem>>)
    %dma_start3A_8 = arith.constant 0 : i32
    %dma_start3A_9 = tpu.memref_slice %arg3[%add3A, %dma_start3A_8] : memref<32x100001xf32, #tpu.memory_space<hbm>> -> memref<1x100001xf32, #tpu.memory_space<hbm>>
    %dma_start3A_10 = tpu.memref_squeeze %dma_start3A_9 : memref<1x100001xf32, #tpu.memory_space<hbm>> -> memref<100001xf32, #tpu.memory_space<hbm>>
    %dma_start3A_11 = arith.constant 0 : i32
    %dma_start3A_12 = tpu.memref_slice %arg3[%add3A, %dma_start3A_11] : memref<32x100001xf32, #tpu.memory_space<hbm>> -> memref<1x100001xf32, #tpu.memory_space<hbm>>
    %dma_start3A_13 = tpu.memref_squeeze %dma_start3A_12 : memref<1x100001xf32, #tpu.memory_space<hbm>> -> memref<100001xf32, #tpu.memory_space<hbm>>
    tpu.enqueue_dma source(%dma_start3A_13 : memref<100001xf32, #tpu.memory_space<hbm>>) target(%arg5 : memref<100001xf32, #tpu.memory_space<vmem>>) target_semaphore(%arg8 : memref<!tpu.dma_semaphore, #tpu.memory_space<semaphore_mem>>)
    %dma_start3A_14 = arith.constant 4096 : i32
    %dma_start3A_15 = tpu.memref_slice %arg6[%dma_start3A_14] : memref<16384xi32, #tpu.memory_space<vmem>> -> memref<4096xi32, #tpu.memory_space<vmem>>
    %dma_start3A_16 = arith.constant 4096 : i32
    %dma_start3A_17 = tpu.memref_slice %arg2[%dma_start3A_16] : memref<16384xi32, #tpu.memory_space<hbm>> -> memref<4096xi32, #tpu.memory_space<hbm>>
    %dma_start3A_18 = arith.constant 4096 : i32
    %dma_start3A_19 = tpu.memref_slice %arg6[%dma_start3A_18] : memref<16384xi32, #tpu.memory_space<vmem>> -> memref<4096xi32, #tpu.memory_space<vmem>>
    %dma_start3A_20 = arith.constant 4096 : i32
    %dma_start3A_21 = tpu.memref_slice %arg2[%dma_start3A_20] : memref<16384xi32, #tpu.memory_space<hbm>> -> memref<4096xi32, #tpu.memory_space<hbm>>
    tpu.enqueue_dma source(%dma_start3A_21 : memref<4096xi32, #tpu.memory_space<hbm>>) target(%dma_start3A_19 : memref<4096xi32, #tpu.memory_space<vmem>>) target_semaphore(%arg10 : memref<!tpu.dma_semaphore, #tpu.memory_space<semaphore_mem>>)
    %dma_start3A_22 = arith.constant 8192 : i32
    %dma_start3A_23 = tpu.memref_slice %arg6[%dma_start3A_22] : memref<16384xi32, #tpu.memory_space<vmem>> -> memref<4096xi32, #tpu.memory_space<vmem>>
    %dma_start3A_24 = arith.constant 8192 : i32
    %dma_start3A_25 = tpu.memref_slice %arg2[%dma_start3A_24] : memref<16384xi32, #tpu.memory_space<hbm>> -> memref<4096xi32, #tpu.memory_space<hbm>>
    %dma_start3A_26 = arith.constant 8192 : i32
    %dma_start3A_27 = tpu.memref_slice %arg6[%dma_start3A_26] : memref<16384xi32, #tpu.memory_space<vmem>> -> memref<4096xi32, #tpu.memory_space<vmem>>
    %dma_start3A_28 = arith.constant 8192 : i32
    %dma_start3A_29 = tpu.memref_slice %arg2[%dma_start3A_28] : memref<16384xi32, #tpu.memory_space<hbm>> -> memref<4096xi32, #tpu.memory_space<hbm>>
    tpu.enqueue_dma source(%dma_start3A_29 : memref<4096xi32, #tpu.memory_space<hbm>>) target(%dma_start3A_27 : memref<4096xi32, #tpu.memory_space<vmem>>) target_semaphore(%arg11 : memref<!tpu.dma_semaphore, #tpu.memory_space<semaphore_mem>>)
    %dma_start3A_30 = arith.constant 12288 : i32
    %dma_start3A_31 = tpu.memref_slice %arg6[%dma_start3A_30] : memref<16384xi32, #tpu.memory_space<vmem>> -> memref<4096xi32, #tpu.memory_space<vmem>>
    %dma_start3A_32 = arith.constant 12288 : i32
    %dma_start3A_33 = tpu.memref_slice %arg2[%dma_start3A_32] : memref<16384xi32, #tpu.memory_space<hbm>> -> memref<4096xi32, #tpu.memory_space<hbm>>
    %dma_start3A_34 = arith.constant 12288 : i32
    %dma_start3A_35 = tpu.memref_slice %arg6[%dma_start3A_34] : memref<16384xi32, #tpu.memory_space<vmem>> -> memref<4096xi32, #tpu.memory_space<vmem>>
    %dma_start3A_36 = arith.constant 12288 : i32
    %dma_start3A_37 = tpu.memref_slice %arg2[%dma_start3A_36] : memref<16384xi32, #tpu.memory_space<hbm>> -> memref<4096xi32, #tpu.memory_space<hbm>>
    tpu.enqueue_dma source(%dma_start3A_37 : memref<4096xi32, #tpu.memory_space<hbm>>) target(%dma_start3A_35 : memref<4096xi32, #tpu.memory_space<vmem>>) target_semaphore(%arg12 : memref<!tpu.dma_semaphore, #tpu.memory_space<semaphore_mem>>)
    %dma_wait3A = arith.constant 0 : i32
    %dma_wait3A_38 = tpu.memref_slice %arg6[%dma_wait3A] : memref<16384xi32, #tpu.memory_space<vmem>> -> memref<4096xi32, #tpu.memory_space<vmem>>
    %dma_wait3A_39 = arith.constant 0 : i32
    %dma_wait3A_40 = tpu.memref_slice %arg2[%dma_wait3A_39] : memref<16384xi32, #tpu.memory_space<hbm>> -> memref<4096xi32, #tpu.memory_space<hbm>>
    %dma_wait3A_41 = arith.constant 0 : i32
    %dma_wait3A_42 = tpu.memref_slice %arg6[%dma_wait3A_41] : memref<16384xi32, #tpu.memory_space<vmem>> -> memref<4096xi32, #tpu.memory_space<vmem>>
    %dma_wait3A_43 = arith.constant 0 : i32
    %dma_wait3A_44 = tpu.memref_slice %arg2[%dma_wait3A_43] : memref<16384xi32, #tpu.memory_space<hbm>> -> memref<4096xi32, #tpu.memory_space<hbm>>
    tpu.wait_dma2 semaphore(%arg9 : memref<!tpu.dma_semaphore, #tpu.memory_space<semaphore_mem>>) src(%dma_wait3A_44 : memref<4096xi32, #tpu.memory_space<hbm>>) dst(%dma_wait3A_42 : memref<4096xi32, #tpu.memory_space<vmem>>)
    %dma_wait3A_45 = arith.constant 0 : i32
    %dma_wait3A_46 = tpu.memref_slice %arg3[%add3A, %dma_wait3A_45] : memref<32x100001xf32, #tpu.memory_space<hbm>> -> memref<1x100001xf32, #tpu.memory_space<hbm>>
    %dma_wait3A_47 = tpu.memref_squeeze %dma_wait3A_46 : memref<1x100001xf32, #tpu.memory_space<hbm>> -> memref<100001xf32, #tpu.memory_space<hbm>>
    %dma_wait3A_48 = arith.constant 0 : i32
    %dma_wait3A_49 = tpu.memref_slice %arg3[%add3A, %dma_wait3A_48] : memref<32x100001xf32, #tpu.memory_space<hbm>> -> memref<1x100001xf32, #tpu.memory_space<hbm>>
    %dma_wait3A_50 = tpu.memref_squeeze %dma_wait3A_49 : memref<1x100001xf32, #tpu.memory_space<hbm>> -> memref<100001xf32, #tpu.memory_space<hbm>>
    tpu.wait_dma2 semaphore(%arg8 : memref<!tpu.dma_semaphore, #tpu.memory_space<semaphore_mem>>) src(%dma_wait3A_50 : memref<100001xf32, #tpu.memory_space<hbm>>) dst(%arg5 : memref<100001xf32, #tpu.memory_space<vmem>>)
    %scan3A = arith.constant 0 : i32
    %scan3A_51 = arith.constant 0 : i32
    %scan3A_52 = arith.constant 32 : i32
    %scan3A_53 = arith.addi %scan3A_51, %scan3A_52 : i32
    %scan3A_54 = arith.constant 8 : i32
    scf.for %scan3A_202 = %scan3A_51 to %scan3A_53 step %scan3A_54  : i32 {
      %mul3A_203 = arith.constant 128 : i32
      %mul3A_204 = arith.muli %scan3A_202, %mul3A_203 : i32
      %add3A_205 = arith.constant 0 : i32
      %add3A_206 = arith.addi %add3A_205, %mul3A_204 : i32
      %add3A_207 = arith.constant 0 : i32
      %add3A_208 = arith.addi %add3A_206, %add3A_207 : i32
      %get3A = arith.index_cast %add3A_208 : i32 to index
      %get3A_209 = tpu.vector_load %arg6[%get3A] {strides = array<i32>} : memref<16384xi32, #tpu.memory_space<vmem>>, vector<16xi32>,
      %mul3A_210 = arith.constant 128 : i32
      %mul3A_211 = arith.muli %scan3A_202, %mul3A_210 : i32
      %add3A_212 = arith.constant 0 : i32
      %add3A_213 = arith.addi %add3A_212, %mul3A_211 : i32
      %add3A_214 = arith.constant 16 : i32
      %add3A_215 = arith.addi %add3A_213, %add3A_214 : i32
      %get3A_216 = arith.index_cast %add3A_215 : i32 to index
      %get3A_217 = tpu.vector_load %arg6[%get3A_216] {strides = array<i32>} : memref<16384xi32, #tpu.memory_space<vmem>>, vector<16xi32>,
      %mul3A_218 = arith.constant 128 : i32
      %mul3A_219 = arith.muli %scan3A_202, %mul3A_218 : i32
      %add3A_220 = arith.constant 0 : i32
      %add3A_221 = arith.addi %add3A_220, %mul3A_219 : i32
      %add3A_222 = arith.constant 32 : i32
      %add3A_223 = arith.addi %add3A_221, %add3A_222 : i32
      %get3A_224 = arith.index_cast %add3A_223 : i32 to index
      %get3A_225 = tpu.vector_load %arg6[%get3A_224] {strides = array<i32>} : memref<16384xi32, #tpu.memory_space<vmem>>, vector<16xi32>,
      %mul3A_226 = arith.constant 128 : i32
      %mul3A_227 = arith.muli %scan3A_202, %mul3A_226 : i32
      %add3A_228 = arith.constant 0 : i32
      %add3A_229 = arith.addi %add3A_228, %mul3A_227 : i32
      %add3A_230 = arith.constant 48 : i32
      %add3A_231 = arith.addi %add3A_229, %add3A_230 : i32
      %get3A_232 = arith.index_cast %add3A_231 : i32 to index
      %get3A_233 = tpu.vector_load %arg6[%get3A_232] {strides = array<i32>} : memref<16384xi32, #tpu.memory_space<vmem>>, vector<16xi32>,
      %mul3A_234 = arith.constant 128 : i32
      %mul3A_235 = arith.muli %scan3A_202, %mul3A_234 : i32
      %add3A_236 = arith.constant 0 : i32
      %add3A_237 = arith.addi %add3A_236, %mul3A_235 : i32
      %add3A_238 = arith.constant 64 : i32
      %add3A_239 = arith.addi %add3A_237, %add3A_238 : i32
      %get3A_240 = arith.index_cast %add3A_239 : i32 to index
      %get3A_241 = tpu.vector_load %arg6[%get3A_240] {strides = array<i32>} : memref<16384xi32, #tpu.memory_space<vmem>>, vector<16xi32>,
      %mul3A_242 = arith.constant 128 : i32
      %mul3A_243 = arith.muli %scan3A_202, %mul3A_242 : i32
      %add3A_244 = arith.constant 0 : i32
      %add3A_245 = arith.addi %add3A_244, %mul3A_243 : i32
      %add3A_246 = arith.constant 80 : i32
      %add3A_247 = arith.addi %add3A_245, %add3A_246 : i32
      %get3A_248 = arith.index_cast %add3A_247 : i32 to index
      %get3A_249 = tpu.vector_load %arg6[%get3A_248] {strides = array<i32>} : memref<16384xi32, #tpu.memory_space<vmem>>, vector<16xi32>,
      %mul3A_250 = arith.constant 128 : i32
      %mul3A_251 = arith.muli %scan3A_202, %mul3A_250 : i32
      %add3A_252 = arith.constant 0 : i32
      %add3A_253 = arith.addi %add3A_252, %mul3A_251 : i32
      %add3A_254 = arith.constant 96 : i32
      %add3A_255 = arith.addi %add3A_253, %add3A_254 : i32
      %get3A_256 = arith.index_cast %add3A_255 : i32 to index
      %get3A_257 = tpu.vector_load %arg6[%get3A_256] {strides = array<i32>} : memref<16384xi32, #tpu.memory_space<vmem>>, vector<16xi32>,
      %mul3A_258 = arith.constant 128 : i32
      %mul3A_259 = arith.muli %scan3A_202, %mul3A_258 : i32
      %add3A_260 = arith.constant 0 : i32
      %add3A_261 = arith.addi %add3A_260, %mul3A_259 : i32
      %add3A_262 = arith.constant 112 : i32
      %add3A_263 = arith.addi %add3A_261, %add3A_262 : i32
      %get3A_264 = arith.index_cast %add3A_263 : i32 to index
      %get3A_265 = tpu.vector_load %arg6[%get3A_264] {strides = array<i32>} : memref<16384xi32, #tpu.memory_space<vmem>>, vector<16xi32>,
      %gather3A = tpu.vector_load_idx %arg5[%get3A_209] : memref<100001xf32, #tpu.memory_space<vmem>>[vector<16xi32>], vector<16xf32>,
      %gather3A_266 = tpu.vector_load_idx %arg5[%get3A_217] : memref<100001xf32, #tpu.memory_space<vmem>>[vector<16xi32>], vector<16xf32>,
      %gather3A_267 = tpu.vector_load_idx %arg5[%get3A_225] : memref<100001xf32, #tpu.memory_space<vmem>>[vector<16xi32>], vector<16xf32>,
      %gather3A_268 = tpu.vector_load_idx %arg5[%get3A_233] : memref<100001xf32, #tpu.memory_space<vmem>>[vector<16xi32>], vector<16xf32>,
      %gather3A_269 = tpu.vector_load_idx %arg5[%get3A_241] : memref<100001xf32, #tpu.memory_space<vmem>>[vector<16xi32>], vector<16xf32>,
      %gather3A_270 = tpu.vector_load_idx %arg5[%get3A_249] : memref<100001xf32, #tpu.memory_space<vmem>>[vector<16xi32>], vector<16xf32>,
      %gather3A_271 = tpu.vector_load_idx %arg5[%get3A_257] : memref<100001xf32, #tpu.memory_space<vmem>>[vector<16xi32>], vector<16xf32>,
      %gather3A_272 = tpu.vector_load_idx %arg5[%get3A_265] : memref<100001xf32, #tpu.memory_space<vmem>>[vector<16xi32>], vector<16xf32>,
      %mul3A_273 = arith.constant 128 : i32
      %mul3A_274 = arith.muli %scan3A_202, %mul3A_273 : i32
      %add3A_275 = arith.constant 0 : i32
      %add3A_276 = arith.addi %mul3A_274, %add3A_275 : i32
      %swap3A = arith.constant 0 : i32
      %swap3A_277 = arith.index_cast %swap3A : i32 to index
      %swap3A_278 = arith.index_cast %add3A_276 : i32 to index
      %swap3A_279 = tpu.vector_load %arg7[%swap3A_277, %swap3A_278] {strides = array<i32>} : memref<2x4096xf32, #tpu.memory_space<vmem>>, vector<16xf32>,
      tpu.vector_store %arg7[%swap3A_277, %swap3A_278], %gather3A {strides = array<i32>} : memref<2x4096xf32, #tpu.memory_space<vmem>>, vector<16xf32>,
      %mul3A_280 = arith.constant 128 : i32
      %mul3A_281 = arith.muli %scan3A_202, %mul3A_280 : i32
      %add3A_282 = arith.constant 16 : i32
      %add3A_283 = arith.addi %mul3A_281, %add3A_282 : i32
      %swap3A_284 = arith.constant 0 : i32
      %swap3A_285 = arith.index_cast %swap3A_284 : i32 to index
      %swap3A_286 = arith.index_cast %add3A_283 : i32 to index
      %swap3A_287 = tpu.vector_load %arg7[%swap3A_285, %swap3A_286] {strides = array<i32>} : memref<2x4096xf32, #tpu.memory_space<vmem>>, vector<16xf32>,
      tpu.vector_store %arg7[%swap3A_285, %swap3A_286], %gather3A_266 {strides = array<i32>} : memref<2x4096xf32, #tpu.memory_space<vmem>>, vector<16xf32>,
      %mul3A_288 = arith.constant 128 : i32
      %mul3A_289 = arith.muli %scan3A_202, %mul3A_288 : i32
      %add3A_290 = arith.constant 32 : i32
      %add3A_291 = arith.addi %mul3A_289, %add3A_290 : i32
      %swap3A_292 = arith.constant 0 : i32
      %swap3A_293 = arith.index_cast %swap3A_292 : i32 to index
      %swap3A_294 = arith.index_cast %add3A_291 : i32 to index
      %swap3A_295 = tpu.vector_load %arg7[%swap3A_293, %swap3A_294] {strides = array<i32>} : memref<2x4096xf32, #tpu.memory_space<vmem>>, vector<16xf32>,
      tpu.vector_store %arg7[%swap3A_293, %swap3A_294], %gather3A_267 {strides = array<i32>} : memref<2x4096xf32, #tpu.memory_space<vmem>>, vector<16xf32>,
      %mul3A_296 = arith.constant 128 : i32
      %mul3A_297 = arith.muli %scan3A_202, %mul3A_296 : i32
      %add3A_298 = arith.constant 48 : i32
      %add3A_299 = arith.addi %mul3A_297, %add3A_298 : i32
      %swap3A_300 = arith.constant 0 : i32
      %swap3A_301 = arith.index_cast %swap3A_300 : i32 to index
      %swap3A_302 = arith.index_cast %add3A_299 : i32 to index
      %swap3A_303 = tpu.vector_load %arg7[%swap3A_301, %swap3A_302] {strides = array<i32>} : memref<2x4096xf32, #tpu.memory_space<vmem>>, vector<16xf32>,
      tpu.vector_store %arg7[%swap3A_301, %swap3A_302], %gather3A_268 {strides = array<i32>} : memref<2x4096xf32, #tpu.memory_space<vmem>>, vector<16xf32>,
      %mul3A_304 = arith.constant 128 : i32
      %mul3A_305 = arith.muli %scan3A_202, %mul3A_304 : i32
      %add3A_306 = arith.constant 64 : i32
      %add3A_307 = arith.addi %mul3A_305, %add3A_306 : i32
      %swap3A_308 = arith.constant 0 : i32
      %swap3A_309 = arith.index_cast %swap3A_308 : i32 to index
      %swap3A_310 = arith.index_cast %add3A_307 : i32 to index
      %swap3A_311 = tpu.vector_load %arg7[%swap3A_309, %swap3A_310] {strides = array<i32>} : memref<2x4096xf32, #tpu.memory_space<vmem>>, vector<16xf32>,
      tpu.vector_store %arg7[%swap3A_309, %swap3A_310], %gather3A_269 {strides = array<i32>} : memref<2x4096xf32, #tpu.memory_space<vmem>>, vector<16xf32>,
      %mul3A_312 = arith.constant 128 : i32
      %mul3A_313 = arith.muli %scan3A_202, %mul3A_312 : i32
      %add3A_314 = arith.constant 80 : i32
      %add3A_315 = arith.addi %mul3A_313, %add3A_314 : i32
      %swap3A_316 = arith.constant 0 : i32
      %swap3A_317 = arith.index_cast %swap3A_316 : i32 to index
      %swap3A_318 = arith.index_cast %add3A_315 : i32 to index
      %swap3A_319 = tpu.vector_load %arg7[%swap3A_317, %swap3A_318] {strides = array<i32>} : memref<2x4096xf32, #tpu.memory_space<vmem>>, vector<16xf32>,
      tpu.vector_store %arg7[%swap3A_317, %swap3A_318], %gather3A_270 {strides = array<i32>} : memref<2x4096xf32, #tpu.memory_space<vmem>>, vector<16xf32>,
      %mul3A_320 = arith.constant 128 : i32
      %mul3A_321 = arith.muli %scan3A_202, %mul3A_320 : i32
      %add3A_322 = arith.constant 96 : i32
      %add3A_323 = arith.addi %mul3A_321, %add3A_322 : i32
      %swap3A_324 = arith.constant 0 : i32
      %swap3A_325 = arith.index_cast %swap3A_324 : i32 to index
      %swap3A_326 = arith.index_cast %add3A_323 : i32 to index
      %swap3A_327 = tpu.vector_load %arg7[%swap3A_325, %swap3A_326] {strides = array<i32>} : memref<2x4096xf32, #tpu.memory_space<vmem>>, vector<16xf32>,
      tpu.vector_store %arg7[%swap3A_325, %swap3A_326], %gather3A_271 {strides = array<i32>} : memref<2x4096xf32, #tpu.memory_space<vmem>>, vector<16xf32>,
      %mul3A_328 = arith.constant 128 : i32
      %mul3A_329 = arith.muli %scan3A_202, %mul3A_328 : i32
      %add3A_330 = arith.constant 112 : i32
      %add3A_331 = arith.addi %mul3A_329, %add3A_330 : i32
      %swap3A_332 = arith.constant 0 : i32
      %swap3A_333 = arith.index_cast %swap3A_332 : i32 to index
      %swap3A_334 = arith.index_cast %add3A_331 : i32 to index
      %swap3A_335 = tpu.vector_load %arg7[%swap3A_333, %swap3A_334] {strides = array<i32>} : memref<2x4096xf32, #tpu.memory_space<vmem>>, vector<16xf32>,
      tpu.vector_store %arg7[%swap3A_333, %swap3A_334], %gather3A_272 {strides = array<i32>} : memref<2x4096xf32, #tpu.memory_space<vmem>>, vector<16xf32>,
      %scan3A_336 = arith.constant 1 : i32
      %scan3A_337 = arith.addi %scan3A_202, %scan3A_336 : i32
      %mul3A_338 = arith.constant 128 : i32
      %mul3A_339 = arith.muli %scan3A_337, %mul3A_338 : i32
      %add3A_340 = arith.constant 0 : i32
      %add3A_341 = arith.addi %add3A_340, %mul3A_339 : i32
      %add3A_342 = arith.constant 0 : i32
      %add3A_343 = arith.addi %add3A_341, %add3A_342 : i32
      %get3A_344 = arith.index_cast %add3A_343 : i32 to index
      %get3A_345 = tpu.vector_load %arg6[%get3A_344] {strides = array<i32>} : memref<16384xi32, #tpu.memory_space<vmem>>, vector<16xi32>,
      %mul3A_346 = arith.constant 128 : i32
      %mul3A_347 = arith.muli %scan3A_337, %mul3A_346 : i32
      %add3A_348 = arith.constant 0 : i32
      %add3A_349 = arith.addi %add3A_348, %mul3A_347 : i32
      %add3A_350 = arith.constant 16 : i32
      %add3A_351 = arith.addi %add3A_349, %add3A_350 : i32
      %get3A_352 = arith.index_cast %add3A_351 : i32 to index
      %get3A_353 = tpu.vector_load %arg6[%get3A_352] {strides = array<i32>} : memref<16384xi32, #tpu.memory_space<vmem>>, vector<16xi32>,
      %mul3A_354 = arith.constant 128 : i32
      %mul3A_355 = arith.muli %scan3A_337, %mul3A_354 : i32
      %add3A_356 = arith.constant 0 : i32
      %add3A_357 = arith.addi %add3A_356, %mul3A_355 : i32
      %add3A_358 = arith.constant 32 : i32
      %add3A_359 = arith.addi %add3A_357, %add3A_358 : i32
      %get3A_360 = arith.index_cast %add3A_359 : i32 to index
      %get3A_361 = tpu.vector_load %arg6[%get3A_360] {strides = array<i32>} : memref<16384xi32, #tpu.memory_space<vmem>>, vector<16xi32>,
      %mul3A_362 = arith.constant 128 : i32
      %mul3A_363 = arith.muli %scan3A_337, %mul3A_362 : i32
      %add3A_364 = arith.constant 0 : i32
      %add3A_365 = arith.addi %add3A_364, %mul3A_363 : i32
      %add3A_366 = arith.constant 48 : i32
      %add3A_367 = arith.addi %add3A_365, %add3A_366 : i32
      %get3A_368 = arith.index_cast %add3A_367 : i32 to index
      %get3A_369 = tpu.vector_load %arg6[%get3A_368] {strides = array<i32>} : memref<16384xi32, #tpu.memory_space<vmem>>, vector<16xi32>,
      %mul3A_370 = arith.constant 128 : i32
      %mul3A_371 = arith.muli %scan3A_337, %mul3A_370 : i32
      %add3A_372 = arith.constant 0 : i32
      %add3A_373 = arith.addi %add3A_372, %mul3A_371 : i32
      %add3A_374 = arith.constant 64 : i32
      %add3A_375 = arith.addi %add3A_373, %add3A_374 : i32
      %get3A_376 = arith.index_cast %add3A_375 : i32 to index
      %get3A_377 = tpu.vector_load %arg6[%get3A_376] {strides = array<i32>} : memref<16384xi32, #tpu.memory_space<vmem>>, vector<16xi32>,
      %mul3A_378 = arith.constant 128 : i32
      %mul3A_379 = arith.muli %scan3A_337, %mul3A_378 : i32
      %add3A_380 = arith.constant 0 : i32
      %add3A_381 = arith.addi %add3A_380, %mul3A_379 : i32
      %add3A_382 = arith.constant 80 : i32
      %add3A_383 = arith.addi %add3A_381, %add3A_382 : i32
      %get3A_384 = arith.index_cast %add3A_383 : i32 to index
      %get3A_385 = tpu.vector_load %arg6[%get3A_384] {strides = array<i32>} : memref<16384xi32, #tpu.memory_space<vmem>>, vector<16xi32>,
      %mul3A_386 = arith.constant 128 : i32
      %mul3A_387 = arith.muli %scan3A_337, %mul3A_386 : i32
      %add3A_388 = arith.constant 0 : i32
      %add3A_389 = arith.addi %add3A_388, %mul3A_387 : i32
      %add3A_390 = arith.constant 96 : i32
      %add3A_391 = arith.addi %add3A_389, %add3A_390 : i32
      %get3A_392 = arith.index_cast %add3A_391 : i32 to index
      %get3A_393 = tpu.vector_load %arg6[%get3A_392] {strides = array<i32>} : memref<16384xi32, #tpu.memory_space<vmem>>, vector<16xi32>,
      %mul3A_394 = arith.constant 128 : i32
      %mul3A_395 = arith.muli %scan3A_337, %mul3A_394 : i32
      %add3A_396 = arith.constant 0 : i32
      %add3A_397 = arith.addi %add3A_396, %mul3A_395 : i32
      %add3A_398 = arith.constant 112 : i32
      %add3A_399 = arith.addi %add3A_397, %add3A_398 : i32
      %get3A_400 = arith.index_cast %add3A_399 : i32 to index
      %get3A_401 = tpu.vector_load %arg6[%get3A_400] {strides = array<i32>} : memref<16384xi32, #tpu.memory_space<vmem>>, vector<16xi32>,
      %gather3A_402 = tpu.vector_load_idx %arg5[%get3A_345] : memref<100001xf32, #tpu.memory_space<vmem>>[vector<16xi32>], vector<16xf32>,
      %gather3A_403 = tpu.vector_load_idx %arg5[%get3A_353] : memref<100001xf32, #tpu.memory_space<vmem>>[vector<16xi32>], vector<16xf32>,
      %gather3A_404 = tpu.vector_load_idx %arg5[%get3A_361] : memref<100001xf32, #tpu.memory_space<vmem>>[vector<16xi32>], vector<16xf32>,
      %gather3A_405 = tpu.vector_load_idx %arg5[%get3A_369] : memref<100001xf32, #tpu.memory_space<vmem>>[vector<16xi32>], vector<16xf32>,
      %gather3A_406 = tpu.vector_load_idx %arg5[%get3A_377] : memref<100001xf32, #tpu.memory_space<vmem>>[vector<16xi32>], vector<16xf32>,
      %gather3A_407 = tpu.vector_load_idx %arg5[%get3A_385] : memref<100001xf32, #tpu.memory_space<vmem>>[vector<16xi32>], vector<16xf32>,
      %gather3A_408 = tpu.vector_load_idx %arg5[%get3A_393] : memref<100001xf32, #tpu.memory_space<vmem>>[vector<16xi32>], vector<16xf32>,
      %gather3A_409 = tpu.vector_load_idx %arg5[%get3A_401] : memref<100001xf32, #tpu.memory_space<vmem>>[vector<16xi32>], vector<16xf32>,
      %mul3A_410 = arith.constant 128 : i32
      %mul3A_411 = arith.muli %scan3A_337, %mul3A_410 : i32
      %add3A_412 = arith.constant 0 : i32
      %add3A_413 = arith.addi %mul3A_411, %add3A_412 : i32
      %swap3A_414 = arith.constant 0 : i32
      %swap3A_415 = arith.index_cast %swap3A_414 : i32 to index
      %swap3A_416 = arith.index_cast %add3A_413 : i32 to index
      %swap3A_417 = tpu.vector_load %arg7[%swap3A_415, %swap3A_416] {strides = array<i32>} : memref<2x4096xf32, #tpu.memory_space<vmem>>, vector<16xf32>,
      tpu.vector_store %arg7[%swap3A_415, %swap3A_416], %gather3A_402 {strides = array<i32>} : memref<2x4096xf32, #tpu.memory_space<vmem>>, vector<16xf32>,
      %mul3A_418 = arith.constant 128 : i32
      %mul3A_419 = arith.muli %scan3A_337, %mul3A_418 : i32
      %add3A_420 = arith.constant 16 : i32
      %add3A_421 = arith.addi %mul3A_419, %add3A_420 : i32
      %swap3A_422 = arith.constant 0 : i32
      %swap3A_423 = arith.index_cast %swap3A_422 : i32 to index
      %swap3A_424 = arith.index_cast %add3A_421 : i32 to index
      %swap3A_425 = tpu.vector_load %arg7[%swap3A_423, %swap3A_424] {strides = array<i32>} : memref<2x4096xf32, #tpu.memory_space<vmem>>, vector<16xf32>,
      tpu.vector_store %arg7[%swap3A_423, %swap3A_424], %gather3A_403 {strides = array<i32>} : memref<2x4096xf32, #tpu.memory_space<vmem>>, vector<16xf32>,
      %mul3A_426 = arith.constant 128 : i32
      %mul3A_427 = arith.muli %scan3A_337, %mul3A_426 : i32
      %add3A_428 = arith.constant 32 : i32
      %add3A_429 = arith.addi %mul3A_427, %add3A_428 : i32
      %swap3A_430 = arith.constant 0 : i32
      %swap3A_431 = arith.index_cast %swap3A_430 : i32 to index
      %swap3A_432 = arith.index_cast %add3A_429 : i32 to index
      %swap3A_433 = tpu.vector_load %arg7[%swap3A_431, %swap3A_432] {strides = array<i32>} : memref<2x4096xf32, #tpu.memory_space<vmem>>, vector<16xf32>,
      tpu.vector_store %arg7[%swap3A_431, %swap3A_432], %gather3A_404 {strides = array<i32>} : memref<2x4096xf32, #tpu.memory_space<vmem>>, vector<16xf32>,
      %mul3A_434 = arith.constant 128 : i32
      %mul3A_435 = arith.muli %scan3A_337, %mul3A_434 : i32
      %add3A_436 = arith.constant 48 : i32
      %add3A_437 = arith.addi %mul3A_435, %add3A_436 : i32
      %swap3A_438 = arith.constant 0 : i32
      %swap3A_439 = arith.index_cast %swap3A_438 : i32 to index
      %swap3A_440 = arith.index_cast %add3A_437 : i32 to index
      %swap3A_441 = tpu.vector_load %arg7[%swap3A_439, %swap3A_440] {strides = array<i32>} : memref<2x4096xf32, #tpu.memory_space<vmem>>, vector<16xf32>,
      tpu.vector_store %arg7[%swap3A_439, %swap3A_440], %gather3A_405 {strides = array<i32>} : memref<2x4096xf32, #tpu.memory_space<vmem>>, vector<16xf32>,
      %mul3A_442 = arith.constant 128 : i32
      %mul3A_443 = arith.muli %scan3A_337, %mul3A_442 : i32
      %add3A_444 = arith.constant 64 : i32
      %add3A_445 = arith.addi %mul3A_443, %add3A_444 : i32
      %swap3A_446 = arith.constant 0 : i32
      %swap3A_447 = arith.index_cast %swap3A_446 : i32 to index
      %swap3A_448 = arith.index_cast %add3A_445 : i32 to index
      %swap3A_449 = tpu.vector_load %arg7[%swap3A_447, %swap3A_448] {strides = array<i32>} : memref<2x4096xf32, #tpu.memory_space<vmem>>, vector<16xf32>,
      tpu.vector_store %arg7[%swap3A_447, %swap3A_448], %gather3A_406 {strides = array<i32>} : memref<2x4096xf32, #tpu.memory_space<vmem>>, vector<16xf32>,
      %mul3A_450 = arith.constant 128 : i32
      %mul3A_451 = arith.muli %scan3A_337, %mul3A_450 : i32
      %add3A_452 = arith.constant 80 : i32
      %add3A_453 = arith.addi %mul3A_451, %add3A_452 : i32
      %swap3A_454 = arith.constant 0 : i32
      %swap3A_455 = arith.index_cast %swap3A_454 : i32 to index
      %swap3A_456 = arith.index_cast %add3A_453 : i32 to index
      %swap3A_457 = tpu.vector_load %arg7[%swap3A_455, %swap3A_456] {strides = array<i32>} : memref<2x4096xf32, #tpu.memory_space<vmem>>, vector<16xf32>,
      tpu.vector_store %arg7[%swap3A_455, %swap3A_456], %gather3A_407 {strides = array<i32>} : memref<2x4096xf32, #tpu.memory_space<vmem>>, vector<16xf32>,
      %mul3A_458 = arith.constant 128 : i32
      %mul3A_459 = arith.muli %scan3A_337, %mul3A_458 : i32
      %add3A_460 = arith.constant 96 : i32
      %add3A_461 = arith.addi %mul3A_459, %add3A_460 : i32
      %swap3A_462 = arith.constant 0 : i32
      %swap3A_463 = arith.index_cast %swap3A_462 : i32 to index
      %swap3A_464 = arith.index_cast %add3A_461 : i32 to index
      %swap3A_465 = tpu.vector_load %arg7[%swap3A_463, %swap3A_464] {strides = array<i32>} : memref<2x4096xf32, #tpu.memory_space<vmem>>, vector<16xf32>,
      tpu.vector_store %arg7[%swap3A_463, %swap3A_464], %gather3A_408 {strides = array<i32>} : memref<2x4096xf32, #tpu.memory_space<vmem>>, vector<16xf32>,
      %mul3A_466 = arith.constant 128 : i32
      %mul3A_467 = arith.muli %scan3A_337, %mul3A_466 : i32
      %add3A_468 = arith.constant 112 : i32
      %add3A_469 = arith.addi %mul3A_467, %add3A_468 : i32
      %swap3A_470 = arith.constant 0 : i32
      %swap3A_471 = arith.index_cast %swap3A_470 : i32 to index
      %swap3A_472 = arith.index_cast %add3A_469 : i32 to index
      %swap3A_473 = tpu.vector_load %arg7[%swap3A_471, %swap3A_472] {strides = array<i32>} : memref<2x4096xf32, #tpu.memory_space<vmem>>, vector<16xf32>,
      tpu.vector_store %arg7[%swap3A_471, %swap3A_472], %gather3A_409 {strides = array<i32>} : memref<2x4096xf32, #tpu.memory_space<vmem>>, vector<16xf32>,
      %scan3A_474 = arith.constant 2 : i32
      %scan3A_475 = arith.addi %scan3A_202, %scan3A_474 : i32
      %mul3A_476 = arith.constant 128 : i32
      %mul3A_477 = arith.muli %scan3A_475, %mul3A_476 : i32
      %add3A_478 = arith.constant 0 : i32
      %add3A_479 = arith.addi %add3A_478, %mul3A_477 : i32
      %add3A_480 = arith.constant 0 : i32
      %add3A_481 = arith.addi %add3A_479, %add3A_480 : i32
      %get3A_482 = arith.index_cast %add3A_481 : i32 to index
      %get3A_483 = tpu.vector_load %arg6[%get3A_482] {strides = array<i32>} : memref<16384xi32, #tpu.memory_space<vmem>>, vector<16xi32>,
      %mul3A_484 = arith.constant 128 : i32
      %mul3A_485 = arith.muli %scan3A_475, %mul3A_484 : i32
      %add3A_486 = arith.constant 0 : i32
      %add3A_487 = arith.addi %add3A_486, %mul3A_485 : i32
      %add3A_488 = arith.constant 16 : i32
      %add3A_489 = arith.addi %add3A_487, %add3A_488 : i32
      %get3A_490 = arith.index_cast %add3A_489 : i32 to index
      %get3A_491 = tpu.vector_load %arg6[%get3A_490] {strides = array<i32>} : memref<16384xi32, #tpu.memory_space<vmem>>, vector<16xi32>,
      %mul3A_492 = arith.constant 128 : i32
      %mul3A_493 = arith.muli %scan3A_475, %mul3A_492 : i32
      %add3A_494 = arith.constant 0 : i32
      %add3A_495 = arith.addi %add3A_494, %mul3A_493 : i32
      %add3A_496 = arith.constant 32 : i32
      %add3A_497 = arith.addi %add3A_495, %add3A_496 : i32
      %get3A_498 = arith.index_cast %add3A_497 : i32 to index
      %get3A_499 = tpu.vector_load %arg6[%get3A_498] {strides = array<i32>} : memref<16384xi32, #tpu.memory_space<vmem>>, vector<16xi32>,
      %mul3A_500 = arith.constant 128 : i32
      %mul3A_501 = arith.muli %scan3A_475, %mul3A_500 : i32
      %add3A_502 = arith.constant 0 : i32
      %add3A_503 = arith.addi %add3A_502, %mul3A_501 : i32
      %add3A_504 = arith.constant 48 : i32
      %add3A_505 = arith.addi %add3A_503, %add3A_504 : i32
      %get3A_506 = arith.index_cast %add3A_505 : i32 to index
      %get3A_507 = tpu.vector_load %arg6[%get3A_506] {strides = array<i32>} : memref<16384xi32, #tpu.memory_space<vmem>>, vector<16xi32>,
      %mul3A_508 = arith.constant 128 : i32
      %mul3A_509 = arith.muli %scan3A_475, %mul3A_508 : i32
      %add3A_510 = arith.constant 0 : i32
      %add3A_511 = arith.addi %add3A_510, %mul3A_509 : i32
      %add3A_512 = arith.constant 64 : i32
      %add3A_513 = arith.addi %add3A_511, %add3A_512 : i32
      %get3A_514 = arith.index_cast %add3A_513 : i32 to index
      %get3A_515 = tpu.vector_load %arg6[%get3A_514] {strides = array<i32>} : memref<16384xi32, #tpu.memory_space<vmem>>, vector<16xi32>,
      %mul3A_516 = arith.constant 128 : i32
      %mul3A_517 = arith.muli %scan3A_475, %mul3A_516 : i32
      %add3A_518 = arith.constant 0 : i32
      %add3A_519 = arith.addi %add3A_518, %mul3A_517 : i32
      %add3A_520 = arith.constant 80 : i32
      %add3A_521 = arith.addi %add3A_519, %add3A_520 : i32
      %get3A_522 = arith.index_cast %add3A_521 : i32 to index
      %get3A_523 = tpu.vector_load %arg6[%get3A_522] {strides = array<i32>} : memref<16384xi32, #tpu.memory_space<vmem>>, vector<16xi32>,
      %mul3A_524 = arith.constant 128 : i32
      %mul3A_525 = arith.muli %scan3A_475, %mul3A_524 : i32
      %add3A_526 = arith.constant 0 : i32
      %add3A_527 = arith.addi %add3A_526, %mul3A_525 : i32
      %add3A_528 = arith.constant 96 : i32
      %add3A_529 = arith.addi %add3A_527, %add3A_528 : i32
      %get3A_530 = arith.index_cast %add3A_529 : i32 to index
      %get3A_531 = tpu.vector_load %arg6[%get3A_530] {strides = array<i32>} : memref<16384xi32, #tpu.memory_space<vmem>>, vector<16xi32>,
      %mul3A_532 = arith.constant 128 : i32
      %mul3A_533 = arith.muli %scan3A_475, %mul3A_532 : i32
      %add3A_534 = arith.constant 0 : i32
      %add3A_535 = arith.addi %add3A_534, %mul3A_533 : i32
      %add3A_536 = arith.constant 112 : i32
      %add3A_537 = arith.addi %add3A_535, %add3A_536 : i32
      %get3A_538 = arith.index_cast %add3A_537 : i32 to index
      %get3A_539 = tpu.vector_load %arg6[%get3A_538] {strides = array<i32>} : memref<16384xi32, #tpu.memory_space<vmem>>, vector<16xi32>,
      %gather3A_540 = tpu.vector_load_idx %arg5[%get3A_483] : memref<100001xf32, #tpu.memory_space<vmem>>[vector<16xi32>], vector<16xf32>,
      %gather3A_541 = tpu.vector_load_idx %arg5[%get3A_491] : memref<100001xf32, #tpu.memory_space<vmem>>[vector<16xi32>], vector<16xf32>,
      %gather3A_542 = tpu.vector_load_idx %arg5[%get3A_499] : memref<100001xf32, #tpu.memory_space<vmem>>[vector<16xi32>], vector<16xf32>,
      %gather3A_543 = tpu.vector_load_idx %arg5[%get3A_507] : memref<100001xf32, #tpu.memory_space<vmem>>[vector<16xi32>], vector<16xf32>,
      %gather3A_544 = tpu.vector_load_idx %arg5[%get3A_515] : memref<100001xf32, #tpu.memory_space<vmem>>[vector<16xi32>], vector<16xf32>,
      %gather3A_545 = tpu.vector_load_idx %arg5[%get3A_523] : memref<100001xf32, #tpu.memory_space<vmem>>[vector<16xi32>], vector<16xf32>,
      %gather3A_546 = tpu.vector_load_idx %arg5[%get3A_531] : memref<100001xf32, #tpu.memory_space<vmem>>[vector<16xi32>], vector<16xf32>,
      %gather3A_547 = tpu.vector_load_idx %arg5[%get3A_539] : memref<100001xf32, #tpu.memory_space<vmem>>[vector<16xi32>], vector<16xf32>,
      %mul3A_548 = arith.constant 128 : i32
      %mul3A_549 = arith.muli %scan3A_475, %mul3A_548 : i32
      %add3A_550 = arith.constant 0 : i32
      %add3A_551 = arith.addi %mul3A_549, %add3A_550 : i32
      %swap3A_552 = arith.constant 0 : i32
      %swap3A_553 = arith.index_cast %swap3A_552 : i32 to index
      %swap3A_554 = arith.index_cast %add3A_551 : i32 to index
      %swap3A_555 = tpu.vector_load %arg7[%swap3A_553, %swap3A_554] {strides = array<i32>} : memref<2x4096xf32, #tpu.memory_space<vmem>>, vector<16xf32>,
      tpu.vector_store %arg7[%swap3A_553, %swap3A_554], %gather3A_540 {strides = array<i32>} : memref<2x4096xf32, #tpu.memory_space<vmem>>, vector<16xf32>,
      %mul3A_556 = arith.constant 128 : i32
      %mul3A_557 = arith.muli %scan3A_475, %mul3A_556 : i32
      %add3A_558 = arith.constant 16 : i32
      %add3A_559 = arith.addi %mul3A_557, %add3A_558 : i32
      %swap3A_560 = arith.constant 0 : i32
      %swap3A_561 = arith.index_cast %swap3A_560 : i32 to index
      %swap3A_562 = arith.index_cast %add3A_559 : i32 to index
      %swap3A_563 = tpu.vector_load %arg7[%swap3A_561, %swap3A_562] {strides = array<i32>} : memref<2x4096xf32, #tpu.memory_space<vmem>>, vector<16xf32>,
      tpu.vector_store %arg7[%swap3A_561, %swap3A_562], %gather3A_541 {strides = array<i32>} : memref<2x4096xf32, #tpu.memory_space<vmem>>, vector<16xf32>,
      %mul3A_564 = arith.constant 128 : i32
      %mul3A_565 = arith.muli %scan3A_475, %mul3A_564 : i32
      %add3A_566 = arith.constant 32 : i32
      %add3A_567 = arith.addi %mul3A_565, %add3A_566 : i32
      %swap3A_568 = arith.constant 0 : i32
      %swap3A_569 = arith.index_cast %swap3A_568 : i32 to index
      %swap3A_570 = arith.index_cast %add3A_567 : i32 to index
      %swap3A_571 = tpu.vector_load %arg7[%swap3A_569, %swap3A_570] {strides = array<i32>} : memref<2x4096xf32, #tpu.memory_space<vmem>>, vector<16xf32>,
      tpu.vector_store %arg7[%swap3A_569, %swap3A_570], %gather3A_542 {strides = array<i32>} : memref<2x4096xf32, #tpu.memory_space<vmem>>, vector<16xf32>,
      %mul3A_572 = arith.constant 128 : i32
      %mul3A_573 = arith.muli %scan3A_475, %mul3A_572 : i32
      %add3A_574 = arith.constant 48 : i32
      %add3A_575 = arith.addi %mul3A_573, %add3A_574 : i32
      %swap3A_576 = arith.constant 0 : i32
      %swap3A_577 = arith.index_cast %swap3A_576 : i32 to index
      %swap3A_578 = arith.index_cast %add3A_575 : i32 to index
      %swap3A_579 = tpu.vector_load %arg7[%swap3A_577, %swap3A_578] {strides = array<i32>} : memref<2x4096xf32, #tpu.memory_space<vmem>>, vector<16xf32>,
      tpu.vector_store %arg7[%swap3A_577, %swap3A_578], %gather3A_543 {strides = array<i32>} : memref<2x4096xf32, #tpu.memory_space<vmem>>, vector<16xf32>,
      %mul3A_580 = arith.constant 128 : i32
      %mul3A_581 = arith.muli %scan3A_475, %mul3A_580 : i32
      %add3A_582 = arith.constant 64 : i32
      %add3A_583 = arith.addi %mul3A_581, %add3A_582 : i32
      %swap3A_584 = arith.constant 0 : i32
      %swap3A_585 = arith.index_cast %swap3A_584 : i32 to index
      %swap3A_586 = arith.index_cast %add3A_583 : i32 to index
      %swap3A_587 = tpu.vector_load %arg7[%swap3A_585, %swap3A_586] {strides = array<i32>} : memref<2x4096xf32, #tpu.memory_space<vmem>>, vector<16xf32>,
      tpu.vector_store %arg7[%swap3A_585, %swap3A_586], %gather3A_544 {strides = array<i32>} : memref<2x4096xf32, #tpu.memory_space<vmem>>, vector<16xf32>,
      %mul3A_588 = arith.constant 128 : i32
      %mul3A_589 = arith.muli %scan3A_475, %mul3A_588 : i32
      %add3A_590 = arith.constant 80 : i32
      %add3A_591 = arith.addi %mul3A_589, %add3A_590 : i32
      %swap3A_592 = arith.constant 0 : i32
      %swap3A_593 = arith.index_cast %swap3A_592 : i32 to index
      %swap3A_594 = arith.index_cast %add3A_591 : i32 to index
      %swap3A_595 = tpu.vector_load %arg7[%swap3A_593, %swap3A_594] {strides = array<i32>} : memref<2x4096xf32, #tpu.memory_space<vmem>>, vector<16xf32>,
      tpu.vector_store %arg7[%swap3A_593, %swap3A_594], %gather3A_545 {strides = array<i32>} : memref<2x4096xf32, #tpu.memory_space<vmem>>, vector<16xf32>,
      %mul3A_596 = arith.constant 128 : i32
      %mul3A_597 = arith.muli %scan3A_475, %mul3A_596 : i32
      %add3A_598 = arith.constant 96 : i32
      %add3A_599 = arith.addi %mul3A_597, %add3A_598 : i32
      %swap3A_600 = arith.constant 0 : i32
      %swap3A_601 = arith.index_cast %swap3A_600 : i32 to index
      %swap3A_602 = arith.index_cast %add3A_599 : i32 to index
      %swap3A_603 = tpu.vector_load %arg7[%swap3A_601, %swap3A_602] {strides = array<i32>} : memref<2x4096xf32, #tpu.memory_space<vmem>>, vector<16xf32>,
      tpu.vector_store %arg7[%swap3A_601, %swap3A_602], %gather3A_546 {strides = array<i32>} : memref<2x4096xf32, #tpu.memory_space<vmem>>, vector<16xf32>,
      %mul3A_604 = arith.constant 128 : i32
      %mul3A_605 = arith.muli %scan3A_475, %mul3A_604 : i32
      %add3A_606 = arith.constant 112 : i32
      %add3A_607 = arith.addi %mul3A_605, %add3A_606 : i32
      %swap3A_608 = arith.constant 0 : i32
      %swap3A_609 = arith.index_cast %swap3A_608 : i32 to index
      %swap3A_610 = arith.index_cast %add3A_607 : i32 to index
      %swap3A_611 = tpu.vector_load %arg7[%swap3A_609, %swap3A_610] {strides = array<i32>} : memref<2x4096xf32, #tpu.memory_space<vmem>>, vector<16xf32>,
      tpu.vector_store %arg7[%swap3A_609, %swap3A_610], %gather3A_547 {strides = array<i32>} : memref<2x4096xf32, #tpu.memory_space<vmem>>, vector<16xf32>,
      %scan3A_612 = arith.constant 3 : i32
      %scan3A_613 = arith.addi %scan3A_202, %scan3A_612 : i32
      %mul3A_614 = arith.constant 128 : i32
      %mul3A_615 = arith.muli %scan3A_613, %mul3A_614 : i32
      %add3A_616 = arith.constant 0 : i32
      %add3A_617 = arith.addi %add3A_616, %mul3A_615 : i32
      %add3A_618 = arith.constant 0 : i32
      %add3A_619 = arith.addi %add3A_617, %add3A_618 : i32
      %get3A_620 = arith.index_cast %add3A_619 : i32 to index
      %get3A_621 = tpu.vector_load %arg6[%get3A_620] {strides = array<i32>} : memref<16384xi32, #tpu.memory_space<vmem>>, vector<16xi32>,
      %mul3A_622 = arith.constant 128 : i32
      %mul3A_623 = arith.muli %scan3A_613, %mul3A_622 : i32
      %add3A_624 = arith.constant 0 : i32
      %add3A_625 = arith.addi %add3A_624, %mul3A_623 : i32
      %add3A_626 = arith.constant 16 : i32
      %add3A_627 = arith.addi %add3A_625, %add3A_626 : i32
      %get3A_628 = arith.index_cast %add3A_627 : i32 to index
      %get3A_629 = tpu.vector_load %arg6[%get3A_628] {strides = array<i32>} : memref<16384xi32, #tpu.memory_space<vmem>>, vector<16xi32>,
      %mul3A_630 = arith.constant 128 : i32
      %mul3A_631 = arith.muli %scan3A_613, %mul3A_630 : i32
      %add3A_632 = arith.constant 0 : i32
      %add3A_633 = arith.addi %add3A_632, %mul3A_631 : i32
      %add3A_634 = arith.constant 32 : i32
      %add3A_635 = arith.addi %add3A_633, %add3A_634 : i32
      %get3A_636 = arith.index_cast %add3A_635 : i32 to index
      %get3A_637 = tpu.vector_load %arg6[%get3A_636] {strides = array<i32>} : memref<16384xi32, #tpu.memory_space<vmem>>, vector<16xi32>,
      %mul3A_638 = arith.constant 128 : i32
      %mul3A_639 = arith.muli %scan3A_613, %mul3A_638 : i32
      %add3A_640 = arith.constant 0 : i32
      %add3A_641 = arith.addi %add3A_640, %mul3A_639 : i32
      %add3A_642 = arith.constant 48 : i32
      %add3A_643 = arith.addi %add3A_641, %add3A_642 : i32
      %get3A_644 = arith.index_cast %add3A_643 : i32 to index
      %get3A_645 = tpu.vector_load %arg6[%get3A_644] {strides = array<i32>} : memref<16384xi32, #tpu.memory_space<vmem>>, vector<16xi32>,
      %mul3A_646 = arith.constant 128 : i32
      %mul3A_647 = arith.muli %scan3A_613, %mul3A_646 : i32
      %add3A_648 = arith.constant 0 : i32
      %add3A_649 = arith.addi %add3A_648, %mul3A_647 : i32
      %add3A_650 = arith.constant 64 : i32
      %add3A_651 = arith.addi %add3A_649, %add3A_650 : i32
      %get3A_652 = arith.index_cast %add3A_651 : i32 to index
      %get3A_653 = tpu.vector_load %arg6[%get3A_652] {strides = array<i32>} : memref<16384xi32, #tpu.memory_space<vmem>>, vector<16xi32>,
      %mul3A_654 = arith.constant 128 : i32
      %mul3A_655 = arith.muli %scan3A_613, %mul3A_654 : i32
      %add3A_656 = arith.constant 0 : i32
      %add3A_657 = arith.addi %add3A_656, %mul3A_655 : i32
      %add3A_658 = arith.constant 80 : i32
      %add3A_659 = arith.addi %add3A_657, %add3A_658 : i32
      %get3A_660 = arith.index_cast %add3A_659 : i32 to index
      %get3A_661 = tpu.vector_load %arg6[%get3A_660] {strides = array<i32>} : memref<16384xi32, #tpu.memory_space<vmem>>, vector<16xi32>,
      %mul3A_662 = arith.constant 128 : i32
      %mul3A_663 = arith.muli %scan3A_613, %mul3A_662 : i32
      %add3A_664 = arith.constant 0 : i32
      %add3A_665 = arith.addi %add3A_664, %mul3A_663 : i32
      %add3A_666 = arith.constant 96 : i32
      %add3A_667 = arith.addi %add3A_665, %add3A_666 : i32
      %get3A_668 = arith.index_cast %add3A_667 : i32 to index
      %get3A_669 = tpu.vector_load %arg6[%get3A_668] {strides = array<i32>} : memref<16384xi32, #tpu.memory_space<vmem>>, vector<16xi32>,
      %mul3A_670 = arith.constant 128 : i32
      %mul3A_671 = arith.muli %scan3A_613, %mul3A_670 : i32
      %add3A_672 = arith.constant 0 : i32
      %add3A_673 = arith.addi %add3A_672, %mul3A_671 : i32
      %add3A_674 = arith.constant 112 : i32
      %add3A_675 = arith.addi %add3A_673, %add3A_674 : i32
      %get3A_676 = arith.index_cast %add3A_675 : i32 to index
      %get3A_677 = tpu.vector_load %arg6[%get3A_676] {strides = array<i32>} : memref<16384xi32, #tpu.memory_space<vmem>>, vector<16xi32>,
      %gather3A_678 = tpu.vector_load_idx %arg5[%get3A_621] : memref<100001xf32, #tpu.memory_space<vmem>>[vector<16xi32>], vector<16xf32>,
      %gather3A_679 = tpu.vector_load_idx %arg5[%get3A_629] : memref<100001xf32, #tpu.memory_space<vmem>>[vector<16xi32>], vector<16xf32>,
      %gather3A_680 = tpu.vector_load_idx %arg5[%get3A_637] : memref<100001xf32, #tpu.memory_space<vmem>>[vector<16xi32>], vector<16xf32>,
      %gather3A_681 = tpu.vector_load_idx %arg5[%get3A_645] : memref<100001xf32, #tpu.memory_space<vmem>>[vector<16xi32>], vector<16xf32>,
      %gather3A_682 = tpu.vector_load_idx %arg5[%get3A_653] : memref<100001xf32, #tpu.memory_space<vmem>>[vector<16xi32>], vector<16xf32>,
      %gather3A_683 = tpu.vector_load_idx %arg5[%get3A_661] : memref<100001xf32, #tpu.memory_space<vmem>>[vector<16xi32>], vector<16xf32>,
      %gather3A_684 = tpu.vector_load_idx %arg5[%get3A_669] : memref<100001xf32, #tpu.memory_space<vmem>>[vector<16xi32>], vector<16xf32>,
      %gather3A_685 = tpu.vector_load_idx %arg5[%get3A_677] : memref<100001xf32, #tpu.memory_space<vmem>>[vector<16xi32>], vector<16xf32>,
      %mul3A_686 = arith.constant 128 : i32
      %mul3A_687 = arith.muli %scan3A_613, %mul3A_686 : i32
      %add3A_688 = arith.constant 0 : i32
      %add3A_689 = arith.addi %mul3A_687, %add3A_688 : i32
      %swap3A_690 = arith.constant 0 : i32
      %swap3A_691 = arith.index_cast %swap3A_690 : i32 to index
      %swap3A_692 = arith.index_cast %add3A_689 : i32 to index
      %swap3A_693 = tpu.vector_load %arg7[%swap3A_691, %swap3A_692] {strides = array<i32>} : memref<2x4096xf32, #tpu.memory_space<vmem>>, vector<16xf32>,
      tpu.vector_store %arg7[%swap3A_691, %swap3A_692], %gather3A_678 {strides = array<i32>} : memref<2x4096xf32, #tpu.memory_space<vmem>>, vector<16xf32>,
      %mul3A_694 = arith.constant 128 : i32
      %mul3A_695 = arith.muli %scan3A_613, %mul3A_694 : i32
      %add3A_696 = arith.constant 16 : i32
      %add3A_697 = arith.addi %mul3A_695, %add3A_696 : i32
      %swap3A_698 = arith.constant 0 : i32
      %swap3A_699 = arith.index_cast %swap3A_698 : i32 to index
      %swap3A_700 = arith.index_cast %add3A_697 : i32 to index
      %swap3A_701 = tpu.vector_load %arg7[%swap3A_699, %swap3A_700] {strides = array<i32>} : memref<2x4096xf32, #tpu.memory_space<vmem>>, vector<16xf32>,
      tpu.vector_store %arg7[%swap3A_699, %swap3A_700], %gather3A_679 {strides = array<i32>} : memref<2x4096xf32, #tpu.memory_space<vmem>>, vector<16xf32>,
      %mul3A_702 = arith.constant 128 : i32
      %mul3A_703 = arith.muli %scan3A_613, %mul3A_702 : i32
      %add3A_704 = arith.constant 32 : i32
      %add3A_705 = arith.addi %mul3A_703, %add3A_704 : i32
      %swap3A_706 = arith.constant 0 : i32
      %swap3A_707 = arith.index_cast %swap3A_706 : i32 to index
      %swap3A_708 = arith.index_cast %add3A_705 : i32 to index
      %swap3A_709 = tpu.vector_load %arg7[%swap3A_707, %swap3A_708] {strides = array<i32>} : memref<2x4096xf32, #tpu.memory_space<vmem>>, vector<16xf32>,
      tpu.vector_store %arg7[%swap3A_707, %swap3A_708], %gather3A_680 {strides = array<i32>} : memref<2x4096xf32, #tpu.memory_space<vmem>>, vector<16xf32>,
      %mul3A_710 = arith.constant 128 : i32
      %mul3A_711 = arith.muli %scan3A_613, %mul3A_710 : i32
      %add3A_712 = arith.constant 48 : i32
      %add3A_713 = arith.addi %mul3A_711, %add3A_712 : i32
      %swap3A_714 = arith.constant 0 : i32
      %swap3A_715 = arith.index_cast %swap3A_714 : i32 to index
      %swap3A_716 = arith.index_cast %add3A_713 : i32 to index
      %swap3A_717 = tpu.vector_load %arg7[%swap3A_715, %swap3A_716] {strides = array<i32>} : memref<2x4096xf32, #tpu.memory_space<vmem>>, vector<16xf32>,
      tpu.vector_store %arg7[%swap3A_715, %swap3A_716], %gather3A_681 {strides = array<i32>} : memref<2x4096xf32, #tpu.memory_space<vmem>>, vector<16xf32>,
      %mul3A_718 = arith.constant 128 : i32
      %mul3A_719 = arith.muli %scan3A_613, %mul3A_718 : i32
      %add3A_720 = arith.constant 64 : i32
      %add3A_721 = arith.addi %mul3A_719, %add3A_720 : i32
      %swap3A_722 = arith.constant 0 : i32
      %swap3A_723 = arith.index_cast %swap3A_722 : i32 to index
      %swap3A_724 = arith.index_cast %add3A_721 : i32 to index
      %swap3A_725 = tpu.vector_load %arg7[%swap3A_723, %swap3A_724] {strides = array<i32>} : memref<2x4096xf32, #tpu.memory_space<vmem>>, vector<16xf32>,
      tpu.vector_store %arg7[%swap3A_723, %swap3A_724], %gather3A_682 {strides = array<i32>} : memref<2x4096xf32, #tpu.memory_space<vmem>>, vector<16xf32>,
      %mul3A_726 = arith.constant 128 : i32
      %mul3A_727 = arith.muli %scan3A_613, %mul3A_726 : i32
      %add3A_728 = arith.constant 80 : i32
      %add3A_729 = arith.addi %mul3A_727, %add3A_728 : i32
      %swap3A_730 = arith.constant 0 : i32
      %swap3A_731 = arith.index_cast %swap3A_730 : i32 to index
      %swap3A_732 = arith.index_cast %add3A_729 : i32 to index
      %swap3A_733 = tpu.vector_load %arg7[%swap3A_731, %swap3A_732] {strides = array<i32>} : memref<2x4096xf32, #tpu.memory_space<vmem>>, vector<16xf32>,
      tpu.vector_store %arg7[%swap3A_731, %swap3A_732], %gather3A_683 {strides = array<i32>} : memref<2x4096xf32, #tpu.memory_space<vmem>>, vector<16xf32>,
      %mul3A_734 = arith.constant 128 : i32
      %mul3A_735 = arith.muli %scan3A_613, %mul3A_734 : i32
      %add3A_736 = arith.constant 96 : i32
      %add3A_737 = arith.addi %mul3A_735, %add3A_736 : i32
      %swap3A_738 = arith.constant 0 : i32
      %swap3A_739 = arith.index_cast %swap3A_738 : i32 to index
      %swap3A_740 = arith.index_cast %add3A_737 : i32 to index
      %swap3A_741 = tpu.vector_load %arg7[%swap3A_739, %swap3A_740] {strides = array<i32>} : memref<2x4096xf32, #tpu.memory_space<vmem>>, vector<16xf32>,
      tpu.vector_store %arg7[%swap3A_739, %swap3A_740], %gather3A_684 {strides = array<i32>} : memref<2x4096xf32, #tpu.memory_space<vmem>>, vector<16xf32>,
      %mul3A_742 = arith.constant 128 : i32
      %mul3A_743 = arith.muli %scan3A_613, %mul3A_742 : i32
      %add3A_744 = arith.constant 112 : i32
      %add3A_745 = arith.addi %mul3A_743, %add3A_744 : i32
      %swap3A_746 = arith.constant 0 : i32
      %swap3A_747 = arith.index_cast %swap3A_746 : i32 to index
      %swap3A_748 = arith.index_cast %add3A_745 : i32 to index
      %swap3A_749 = tpu.vector_load %arg7[%swap3A_747, %swap3A_748] {strides = array<i32>} : memref<2x4096xf32, #tpu.memory_space<vmem>>, vector<16xf32>,
      tpu.vector_store %arg7[%swap3A_747, %swap3A_748], %gather3A_685 {strides = array<i32>} : memref<2x4096xf32, #tpu.memory_space<vmem>>, vector<16xf32>,
      %scan3A_750 = arith.constant 4 : i32
      %scan3A_751 = arith.addi %scan3A_202, %scan3A_750 : i32
      %mul3A_752 = arith.constant 128 : i32
      %mul3A_753 = arith.muli %scan3A_751, %mul3A_752 : i32
      %add3A_754 = arith.constant 0 : i32
      %add3A_755 = arith.addi %add3A_754, %mul3A_753 : i32
      %add3A_756 = arith.constant 0 : i32
      %add3A_757 = arith.addi %add3A_755, %add3A_756 : i32
      %get3A_758 = arith.index_cast %add3A_757 : i32 to index
      %get3A_759 = tpu.vector_load %arg6[%get3A_758] {strides = array<i32>} : memref<16384xi32, #tpu.memory_space<vmem>>, vector<16xi32>,
      %mul3A_760 = arith.constant 128 : i32
      %mul3A_761 = arith.muli %scan3A_751, %mul3A_760 : i32
      %add3A_762 = arith.constant 0 : i32
      %add3A_763 = arith.addi %add3A_762, %mul3A_761 : i32
      %add3A_764 = arith.constant 16 : i32
      %add3A_765 = arith.addi %add3A_763, %add3A_764 : i32
      %get3A_766 = arith.index_cast %add3A_765 : i32 to index
      %get3A_767 = tpu.vector_load %arg6[%get3A_766] {strides = array<i32>} : memref<16384xi32, #tpu.memory_space<vmem>>, vector<16xi32>,
      %mul3A_768 = arith.constant 128 : i32
      %mul3A_769 = arith.muli %scan3A_751, %mul3A_768 : i32
      %add3A_770 = arith.constant 0 : i32
      %add3A_771 = arith.addi %add3A_770, %mul3A_769 : i32
      %add3A_772 = arith.constant 32 : i32
      %add3A_773 = arith.addi %add3A_771, %add3A_772 : i32
      %get3A_774 = arith.index_cast %add3A_773 : i32 to index
      %get3A_775 = tpu.vector_load %arg6[%get3A_774] {strides = array<i32>} : memref<16384xi32, #tpu.memory_space<vmem>>, vector<16xi32>,
      %mul3A_776 = arith.constant 128 : i32
      %mul3A_777 = arith.muli %scan3A_751, %mul3A_776 : i32
      %add3A_778 = arith.constant 0 : i32
      %add3A_779 = arith.addi %add3A_778, %mul3A_777 : i32
      %add3A_780 = arith.constant 48 : i32
      %add3A_781 = arith.addi %add3A_779, %add3A_780 : i32
      %get3A_782 = arith.index_cast %add3A_781 : i32 to index
      %get3A_783 = tpu.vector_load %arg6[%get3A_782] {strides = array<i32>} : memref<16384xi32, #tpu.memory_space<vmem>>, vector<16xi32>,
      %mul3A_784 = arith.constant 128 : i32
      %mul3A_785 = arith.muli %scan3A_751, %mul3A_784 : i32
      %add3A_786 = arith.constant 0 : i32
      %add3A_787 = arith.addi %add3A_786, %mul3A_785 : i32
      %add3A_788 = arith.constant 64 : i32
      %add3A_789 = arith.addi %add3A_787, %add3A_788 : i32
      %get3A_790 = arith.index_cast %add3A_789 : i32 to index
      %get3A_791 = tpu.vector_load %arg6[%get3A_790] {strides = array<i32>} : memref<16384xi32, #tpu.memory_space<vmem>>, vector<16xi32>,
      %mul3A_792 = arith.constant 128 : i32
      %mul3A_793 = arith.muli %scan3A_751, %mul3A_792 : i32
      %add3A_794 = arith.constant 0 : i32
      %add3A_795 = arith.addi %add3A_794, %mul3A_793 : i32
      %add3A_796 = arith.constant 80 : i32
      %add3A_797 = arith.addi %add3A_795, %add3A_796 : i32
      %get3A_798 = arith.index_cast %add3A_797 : i32 to index
      %get3A_799 = tpu.vector_load %arg6[%get3A_798] {strides = array<i32>} : memref<16384xi32, #tpu.memory_space<vmem>>, vector<16xi32>,
      %mul3A_800 = arith.constant 128 : i32
      %mul3A_801 = arith.muli %scan3A_751, %mul3A_800 : i32
      %add3A_802 = arith.constant 0 : i32
      %add3A_803 = arith.addi %add3A_802, %mul3A_801 : i32
      %add3A_804 = arith.constant 96 : i32
      %add3A_805 = arith.addi %add3A_803, %add3A_804 : i32
      %get3A_806 = arith.index_cast %add3A_805 : i32 to index
      %get3A_807 = tpu.vector_load %arg6[%get3A_806] {strides = array<i32>} : memref<16384xi32, #tpu.memory_space<vmem>>, vector<16xi32>,
      %mul3A_808 = arith.constant 128 : i32
      %mul3A_809 = arith.muli %scan3A_751, %mul3A_808 : i32
      %add3A_810 = arith.constant 0 : i32
      %add3A_811 = arith.addi %add3A_810, %mul3A_809 : i32
      %add3A_812 = arith.constant 112 : i32
      %add3A_813 = arith.addi %add3A_811, %add3A_812 : i32
      %get3A_814 = arith.index_cast %add3A_813 : i32 to index
      %get3A_815 = tpu.vector_load %arg6[%get3A_814] {strides = array<i32>} : memref<16384xi32, #tpu.memory_space<vmem>>, vector<16xi32>,
      %gather3A_816 = tpu.vector_load_idx %arg5[%get3A_759] : memref<100001xf32, #tpu.memory_space<vmem>>[vector<16xi32>], vector<16xf32>,
      %gather3A_817 = tpu.vector_load_idx %arg5[%get3A_767] : memref<100001xf32, #tpu.memory_space<vmem>>[vector<16xi32>], vector<16xf32>,
      %gather3A_818 = tpu.vector_load_idx %arg5[%get3A_775] : memref<100001xf32, #tpu.memory_space<vmem>>[vector<16xi32>], vector<16xf32>,
      %gather3A_819 = tpu.vector_load_idx %arg5[%get3A_783] : memref<100001xf32, #tpu.memory_space<vmem>>[vector<16xi32>], vector<16xf32>,
      %gather3A_820 = tpu.vector_load_idx %arg5[%get3A_791] : memref<100001xf32, #tpu.memory_space<vmem>>[vector<16xi32>], vector<16xf32>,
      %gather3A_821 = tpu.vector_load_idx %arg5[%get3A_799] : memref<100001xf32, #tpu.memory_space<vmem>>[vector<16xi32>], vector<16xf32>,
      %gather3A_822 = tpu.vector_load_idx %arg5[%get3A_807] : memref<100001xf32, #tpu.memory_space<vmem>>[vector<16xi32>], vector<16xf32>,
      %gather3A_823 = tpu.vector_load_idx %arg5[%get3A_815] : memref<100001xf32, #tpu.memory_space<vmem>>[vector<16xi32>], vector<16xf32>,
      %mul3A_824 = arith.constant 128 : i32
      %mul3A_825 = arith.muli %scan3A_751, %mul3A_824 : i32
      %add3A_826 = arith.constant 0 : i32
      %add3A_827 = arith.addi %mul3A_825, %add3A_826 : i32
      %swap3A_828 = arith.constant 0 : i32
      %swap3A_829 = arith.index_cast %swap3A_828 : i32 to index
      %swap3A_830 = arith.index_cast %add3A_827 : i32 to index
      %swap3A_831 = tpu.vector_load %arg7[%swap3A_829, %swap3A_830] {strides = array<i32>} : memref<2x4096xf32, #tpu.memory_space<vmem>>, vector<16xf32>,
      tpu.vector_store %arg7[%swap3A_829, %swap3A_830], %gather3A_816 {strides = array<i32>} : memref<2x4096xf32, #tpu.memory_space<vmem>>, vector<16xf32>,
      %mul3A_832 = arith.constant 128 : i32
      %mul3A_833 = arith.muli %scan3A_751, %mul3A_832 : i32
      %add3A_834 = arith.constant 16 : i32
      %add3A_835 = arith.addi %mul3A_833, %add3A_834 : i32
      %swap3A_836 = arith.constant 0 : i32
      %swap3A_837 = arith.index_cast %swap3A_836 : i32 to index
      %swap3A_838 = arith.index_cast %add3A_835 : i32 to index
      %swap3A_839 = tpu.vector_load %arg7[%swap3A_837, %swap3A_838] {strides = array<i32>} : memref<2x4096xf32, #tpu.memory_space<vmem>>, vector<16xf32>,
      tpu.vector_store %arg7[%swap3A_837, %swap3A_838], %gather3A_817 {strides = array<i32>} : memref<2x4096xf32, #tpu.memory_space<vmem>>, vector<16xf32>,
      %mul3A_840 = arith.constant 128 : i32
      %mul3A_841 = arith.muli %scan3A_751, %mul3A_840 : i32
      %add3A_842 = arith.constant 32 : i32
      %add3A_843 = arith.addi %mul3A_841, %add3A_842 : i32
      %swap3A_844 = arith.constant 0 : i32
      %swap3A_845 = arith.index_cast %swap3A_844 : i32 to index
      %swap3A_846 = arith.index_cast %add3A_843 : i32 to index
      %swap3A_847 = tpu.vector_load %arg7[%swap3A_845, %swap3A_846] {strides = array<i32>} : memref<2x4096xf32, #tpu.memory_space<vmem>>, vector<16xf32>,
      tpu.vector_store %arg7[%swap3A_845, %swap3A_846], %gather3A_818 {strides = array<i32>} : memref<2x4096xf32, #tpu.memory_space<vmem>>, vector<16xf32>,
      %mul3A_848 = arith.constant 128 : i32
      %mul3A_849 = arith.muli %scan3A_751, %mul3A_848 : i32
      %add3A_850 = arith.constant 48 : i32
      %add3A_851 = arith.addi %mul3A_849, %add3A_850 : i32
      %swap3A_852 = arith.constant 0 : i32
      %swap3A_853 = arith.index_cast %swap3A_852 : i32 to index
      %swap3A_854 = arith.index_cast %add3A_851 : i32 to index
      %swap3A_855 = tpu.vector_load %arg7[%swap3A_853, %swap3A_854] {strides = array<i32>} : memref<2x4096xf32, #tpu.memory_space<vmem>>, vector<16xf32>,
      tpu.vector_store %arg7[%swap3A_853, %swap3A_854], %gather3A_819 {strides = array<i32>} : memref<2x4096xf32, #tpu.memory_space<vmem>>, vector<16xf32>,
      %mul3A_856 = arith.constant 128 : i32
      %mul3A_857 = arith.muli %scan3A_751, %mul3A_856 : i32
      %add3A_858 = arith.constant 64 : i32
      %add3A_859 = arith.addi %mul3A_857, %add3A_858 : i32
      %swap3A_860 = arith.constant 0 : i32
      %swap3A_861 = arith.index_cast %swap3A_860 : i32 to index
      %swap3A_862 = arith.index_cast %add3A_859 : i32 to index
      %swap3A_863 = tpu.vector_load %arg7[%swap3A_861, %swap3A_862] {strides = array<i32>} : memref<2x4096xf32, #tpu.memory_space<vmem>>, vector<16xf32>,
      tpu.vector_store %arg7[%swap3A_861, %swap3A_862], %gather3A_820 {strides = array<i32>} : memref<2x4096xf32, #tpu.memory_space<vmem>>, vector<16xf32>,
      %mul3A_864 = arith.constant 128 : i32
      %mul3A_865 = arith.muli %scan3A_751, %mul3A_864 : i32
      %add3A_866 = arith.constant 80 : i32
      %add3A_867 = arith.addi %mul3A_865, %add3A_866 : i32
      %swap3A_868 = arith.constant 0 : i32
      %swap3A_869 = arith.index_cast %swap3A_868 : i32 to index
      %swap3A_870 = arith.index_cast %add3A_867 : i32 to index
      %swap3A_871 = tpu.vector_load %arg7[%swap3A_869, %swap3A_870] {strides = array<i32>} : memref<2x4096xf32, #tpu.memory_space<vmem>>, vector<16xf32>,
      tpu.vector_store %arg7[%swap3A_869, %swap3A_870], %gather3A_821 {strides = array<i32>} : memref<2x4096xf32, #tpu.memory_space<vmem>>, vector<16xf32>,
      %mul3A_872 = arith.constant 128 : i32
      %mul3A_873 = arith.muli %scan3A_751, %mul3A_872 : i32
      %add3A_874 = arith.constant 96 : i32
      %add3A_875 = arith.addi %mul3A_873, %add3A_874 : i32
      %swap3A_876 = arith.constant 0 : i32
      %swap3A_877 = arith.index_cast %swap3A_876 : i32 to index
      %swap3A_878 = arith.index_cast %add3A_875 : i32 to index
      %swap3A_879 = tpu.vector_load %arg7[%swap3A_877, %swap3A_878] {strides = array<i32>} : memref<2x4096xf32, #tpu.memory_space<vmem>>, vector<16xf32>,
      tpu.vector_store %arg7[%swap3A_877, %swap3A_878], %gather3A_822 {strides = array<i32>} : memref<2x4096xf32, #tpu.memory_space<vmem>>, vector<16xf32>,
      %mul3A_880 = arith.constant 128 : i32
      %mul3A_881 = arith.muli %scan3A_751, %mul3A_880 : i32
      %add3A_882 = arith.constant 112 : i32
      %add3A_883 = arith.addi %mul3A_881, %add3A_882 : i32
      %swap3A_884 = arith.constant 0 : i32
      %swap3A_885 = arith.index_cast %swap3A_884 : i32 to index
      %swap3A_886 = arith.index_cast %add3A_883 : i32 to index
      %swap3A_887 = tpu.vector_load %arg7[%swap3A_885, %swap3A_886] {strides = array<i32>} : memref<2x4096xf32, #tpu.memory_space<vmem>>, vector<16xf32>,
      tpu.vector_store %arg7[%swap3A_885, %swap3A_886], %gather3A_823 {strides = array<i32>} : memref<2x4096xf32, #tpu.memory_space<vmem>>, vector<16xf32>,
      %scan3A_888 = arith.constant 5 : i32
      %scan3A_889 = arith.addi %scan3A_202, %scan3A_888 : i32
      %mul3A_890 = arith.constant 128 : i32
      %mul3A_891 = arith.muli %scan3A_889, %mul3A_890 : i32
      %add3A_892 = arith.constant 0 : i32
      %add3A_893 = arith.addi %add3A_892, %mul3A_891 : i32
      %add3A_894 = arith.constant 0 : i32
      %add3A_895 = arith.addi %add3A_893, %add3A_894 : i32
      %get3A_896 = arith.index_cast %add3A_895 : i32 to index
      %get3A_897 = tpu.vector_load %arg6[%get3A_896] {strides = array<i32>} : memref<16384xi32, #tpu.memory_space<vmem>>, vector<16xi32>,
      %mul3A_898 = arith.constant 128 : i32
      %mul3A_899 = arith.muli %scan3A_889, %mul3A_898 : i32
      %add3A_900 = arith.constant 0 : i32
      %add3A_901 = arith.addi %add3A_900, %mul3A_899 : i32
      %add3A_902 = arith.constant 16 : i32
      %add3A_903 = arith.addi %add3A_901, %add3A_902 : i32
      %get3A_904 = arith.index_cast %add3A_903 : i32 to index
      %get3A_905 = tpu.vector_load %arg6[%get3A_904] {strides = array<i32>} : memref<16384xi32, #tpu.memory_space<vmem>>, vector<16xi32>,
      %mul3A_906 = arith.constant 128 : i32
      %mul3A_907 = arith.muli %scan3A_889, %mul3A_906 : i32
      %add3A_908 = arith.constant 0 : i32
      %add3A_909 = arith.addi %add3A_908, %mul3A_907 : i32
      %add3A_910 = arith.constant 32 : i32
      %add3A_911 = arith.addi %add3A_909, %add3A_910 : i32
      %get3A_912 = arith.index_cast %add3A_911 : i32 to index
      %get3A_913 = tpu.vector_load %arg6[%get3A_912] {strides = array<i32>} : memref<16384xi32, #tpu.memory_space<vmem>>, vector<16xi32>,
      %mul3A_914 = arith.constant 128 : i32
      %mul3A_915 = arith.muli %scan3A_889, %mul3A_914 : i32
      %add3A_916 = arith.constant 0 : i32
      %add3A_917 = arith.addi %add3A_916, %mul3A_915 : i32
      %add3A_918 = arith.constant 48 : i32
      %add3A_919 = arith.addi %add3A_917, %add3A_918 : i32
      %get3A_920 = arith.index_cast %add3A_919 : i32 to index
      %get3A_921 = tpu.vector_load %arg6[%get3A_920] {strides = array<i32>} : memref<16384xi32, #tpu.memory_space<vmem>>, vector<16xi32>,
      %mul3A_922 = arith.constant 128 : i32
      %mul3A_923 = arith.muli %scan3A_889, %mul3A_922 : i32
      %add3A_924 = arith.constant 0 : i32
      %add3A_925 = arith.addi %add3A_924, %mul3A_923 : i32
      %add3A_926 = arith.constant 64 : i32
      %add3A_927 = arith.addi %add3A_925, %add3A_926 : i32
      %get3A_928 = arith.index_cast %add3A_927 : i32 to index
      %get3A_929 = tpu.vector_load %arg6[%get3A_928] {strides = array<i32>} : memref<16384xi32, #tpu.memory_space<vmem>>, vector<16xi32>,
      %mul3A_930 = arith.constant 128 : i32
      %mul3A_931 = arith.muli %scan3A_889, %mul3A_930 : i32
      %add3A_932 = arith.constant 0 : i32
      %add3A_933 = arith.addi %add3A_932, %mul3A_931 : i32
      %add3A_934 = arith.constant 80 : i32
      %add3A_935 = arith.addi %add3A_933, %add3A_934 : i32
      %get3A_936 = arith.index_cast %add3A_935 : i32 to index
      %get3A_937 = tpu.vector_load %arg6[%get3A_936] {strides = array<i32>} : memref<16384xi32, #tpu.memory_space<vmem>>, vector<16xi32>,
      %mul3A_938 = arith.constant 128 : i32
      %mul3A_939 = arith.muli %scan3A_889, %mul3A_938 : i32
      %add3A_940 = arith.constant 0 : i32
      %add3A_941 = arith.addi %add3A_940, %mul3A_939 : i32
      %add3A_942 = arith.constant 96 : i32
      %add3A_943 = arith.addi %add3A_941, %add3A_942 : i32
      %get3A_944 = arith.index_cast %add3A_943 : i32 to index
      %get3A_945 = tpu.vector_load %arg6[%get3A_944] {strides = array<i32>} : memref<16384xi32, #tpu.memory_space<vmem>>, vector<16xi32>,
      %mul3A_946 = arith.constant 128 : i32
      %mul3A_947 = arith.muli %scan3A_889, %mul3A_946 : i32
      %add3A_948 = arith.constant 0 : i32
      %add3A_949 = arith.addi %add3A_948, %mul3A_947 : i32
      %add3A_950 = arith.constant 112 : i32
      %add3A_951 = arith.addi %add3A_949, %add3A_950 : i32
      %get3A_952 = arith.index_cast %add3A_951 : i32 to index
      %get3A_953 = tpu.vector_load %arg6[%get3A_952] {strides = array<i32>} : memref<16384xi32, #tpu.memory_space<vmem>>, vector<16xi32>,
      %gather3A_954 = tpu.vector_load_idx %arg5[%get3A_897] : memref<100001xf32, #tpu.memory_space<vmem>>[vector<16xi32>], vector<16xf32>,
      %gather3A_955 = tpu.vector_load_idx %arg5[%get3A_905] : memref<100001xf32, #tpu.memory_space<vmem>>[vector<16xi32>], vector<16xf32>,
      %gather3A_956 = tpu.vector_load_idx %arg5[%get3A_913] : memref<100001xf32, #tpu.memory_space<vmem>>[vector<16xi32>], vector<16xf32>,
      %gather3A_957 = tpu.vector_load_idx %arg5[%get3A_921] : memref<100001xf32, #tpu.memory_space<vmem>>[vector<16xi32>], vector<16xf32>,
      %gather3A_958 = tpu.vector_load_idx %arg5[%get3A_929] : memref<100001xf32, #tpu.memory_space<vmem>>[vector<16xi32>], vector<16xf32>,
      %gather3A_959 = tpu.vector_load_idx %arg5[%get3A_937] : memref<100001xf32, #tpu.memory_space<vmem>>[vector<16xi32>], vector<16xf32>,
      %gather3A_960 = tpu.vector_load_idx %arg5[%get3A_945] : memref<100001xf32, #tpu.memory_space<vmem>>[vector<16xi32>], vector<16xf32>,
      %gather3A_961 = tpu.vector_load_idx %arg5[%get3A_953] : memref<100001xf32, #tpu.memory_space<vmem>>[vector<16xi32>], vector<16xf32>,
      %mul3A_962 = arith.constant 128 : i32
      %mul3A_963 = arith.muli %scan3A_889, %mul3A_962 : i32
      %add3A_964 = arith.constant 0 : i32
      %add3A_965 = arith.addi %mul3A_963, %add3A_964 : i32
      %swap3A_966 = arith.constant 0 : i32
      %swap3A_967 = arith.index_cast %swap3A_966 : i32 to index
      %swap3A_968 = arith.index_cast %add3A_965 : i32 to index
      %swap3A_969 = tpu.vector_load %arg7[%swap3A_967, %swap3A_968] {strides = array<i32>} : memref<2x4096xf32, #tpu.memory_space<vmem>>, vector<16xf32>,
      tpu.vector_store %arg7[%swap3A_967, %swap3A_968], %gather3A_954 {strides = array<i32>} : memref<2x4096xf32, #tpu.memory_space<vmem>>, vector<16xf32>,
      %mul3A_970 = arith.constant 128 : i32
      %mul3A_971 = arith.muli %scan3A_889, %mul3A_970 : i32
      %add3A_972 = arith.constant 16 : i32
      %add3A_973 = arith.addi %mul3A_971, %add3A_972 : i32
      %swap3A_974 = arith.constant 0 : i32
      %swap3A_975 = arith.index_cast %swap3A_974 : i32 to index
      %swap3A_976 = arith.index_cast %add3A_973 : i32 to index
      %swap3A_977 = tpu.vector_load %arg7[%swap3A_975, %swap3A_976] {strides = array<i32>} : memref<2x4096xf32, #tpu.memory_space<vmem>>, vector<16xf32>,
      tpu.vector_store %arg7[%swap3A_975, %swap3A_976], %gather3A_955 {strides = array<i32>} : memref<2x4096xf32, #tpu.memory_space<vmem>>, vector<16xf32>,
      %mul3A_978 = arith.constant 128 : i32
      %mul3A_979 = arith.muli %scan3A_889, %mul3A_978 : i32
      %add3A_980 = arith.constant 32 : i32
      %add3A_981 = arith.addi %mul3A_979, %add3A_980 : i32
      %swap3A_982 = arith.constant 0 : i32
      %swap3A_983 = arith.index_cast %swap3A_982 : i32 to index
      %swap3A_984 = arith.index_cast %add3A_981 : i32 to index
      %swap3A_985 = tpu.vector_load %arg7[%swap3A_983, %swap3A_984] {strides = array<i32>} : memref<2x4096xf32, #tpu.memory_space<vmem>>, vector<16xf32>,
      tpu.vector_store %arg7[%swap3A_983, %swap3A_984], %gather3A_956 {strides = array<i32>} : memref<2x4096xf32, #tpu.memory_space<vmem>>, vector<16xf32>,
      %mul3A_986 = arith.constant 128 : i32
      %mul3A_987 = arith.muli %scan3A_889, %mul3A_986 : i32
      %add3A_988 = arith.constant 48 : i32
      %add3A_989 = arith.addi %mul3A_987, %add3A_988 : i32
      %swap3A_990 = arith.constant 0 : i32
      %swap3A_991 = arith.index_cast %swap3A_990 : i32 to index
      %swap3A_992 = arith.index_cast %add3A_989 : i32 to index
      %swap3A_993 = tpu.vector_load %arg7[%swap3A_991, %swap3A_992] {strides = array<i32>} : memref<2x4096xf32, #tpu.memory_space<vmem>>, vector<16xf32>,
      tpu.vector_store %arg7[%swap3A_991, %swap3A_992], %gather3A_957 {strides = array<i32>} : memref<2x4096xf32, #tpu.memory_space<vmem>>, vector<16xf32>,
      %mul3A_994 = arith.constant 128 : i32
      %mul3A_995 = arith.muli %scan3A_889, %mul3A_994 : i32
      %add3A_996 = arith.constant 64 : i32
      %add3A_997 = arith.addi %mul3A_995, %add3A_996 : i32
      %swap3A_998 = arith.constant 0 : i32
      %swap3A_999 = arith.index_cast %swap3A_998 : i32 to index
      %swap3A_1000 = arith.index_cast %add3A_997 : i32 to index
      %swap3A_1001 = tpu.vector_load %arg7[%swap3A_999, %swap3A_1000] {strides = array<i32>} : memref<2x4096xf32, #tpu.memory_space<vmem>>, vector<16xf32>,
      tpu.vector_store %arg7[%swap3A_999, %swap3A_1000], %gather3A_958 {strides = array<i32>} : memref<2x4096xf32, #tpu.memory_space<vmem>>, vector<16xf32>,
      %mul3A_1002 = arith.constant 128 : i32
      %mul3A_1003 = arith.muli %scan3A_889, %mul3A_1002 : i32
      %add3A_1004 = arith.constant 80 : i32
      %add3A_1005 = arith.addi %mul3A_1003, %add3A_1004 : i32
      %swap3A_1006 = arith.constant 0 : i32
      %swap3A_1007 = arith.index_cast %swap3A_1006 : i32 to index
      %swap3A_1008 = arith.index_cast %add3A_1005 : i32 to index
      %swap3A_1009 = tpu.vector_load %arg7[%swap3A_1007, %swap3A_1008] {strides = array<i32>} : memref<2x4096xf32, #tpu.memory_space<vmem>>, vector<16xf32>,
      tpu.vector_store %arg7[%swap3A_1007, %swap3A_1008], %gather3A_959 {strides = array<i32>} : memref<2x4096xf32, #tpu.memory_space<vmem>>, vector<16xf32>,
      %mul3A_1010 = arith.constant 128 : i32
      %mul3A_1011 = arith.muli %scan3A_889, %mul3A_1010 : i32
      %add3A_1012 = arith.constant 96 : i32
      %add3A_1013 = arith.addi %mul3A_1011, %add3A_1012 : i32
      %swap3A_1014 = arith.constant 0 : i32
      %swap3A_1015 = arith.index_cast %swap3A_1014 : i32 to index
      %swap3A_1016 = arith.index_cast %add3A_1013 : i32 to index
      %swap3A_1017 = tpu.vector_load %arg7[%swap3A_1015, %swap3A_1016] {strides = array<i32>} : memref<2x4096xf32, #tpu.memory_space<vmem>>, vector<16xf32>,
      tpu.vector_store %arg7[%swap3A_1015, %swap3A_1016], %gather3A_960 {strides = array<i32>} : memref<2x4096xf32, #tpu.memory_space<vmem>>, vector<16xf32>,
      %mul3A_1018 = arith.constant 128 : i32
      %mul3A_1019 = arith.muli %scan3A_889, %mul3A_1018 : i32
      %add3A_1020 = arith.constant 112 : i32
      %add3A_1021 = arith.addi %mul3A_1019, %add3A_1020 : i32
      %swap3A_1022 = arith.constant 0 : i32
      %swap3A_1023 = arith.index_cast %swap3A_1022 : i32 to index
      %swap3A_1024 = arith.index_cast %add3A_1021 : i32 to index
      %swap3A_1025 = tpu.vector_load %arg7[%swap3A_1023, %swap3A_1024] {strides = array<i32>} : memref<2x4096xf32, #tpu.memory_space<vmem>>, vector<16xf32>,
      tpu.vector_store %arg7[%swap3A_1023, %swap3A_1024], %gather3A_961 {strides = array<i32>} : memref<2x4096xf32, #tpu.memory_space<vmem>>, vector<16xf32>,
      %scan3A_1026 = arith.constant 6 : i32
      %scan3A_1027 = arith.addi %scan3A_202, %scan3A_1026 : i32
      %mul3A_1028 = arith.constant 128 : i32
      %mul3A_1029 = arith.muli %scan3A_1027, %mul3A_1028 : i32
      %add3A_1030 = arith.constant 0 : i32
      %add3A_1031 = arith.addi %add3A_1030, %mul3A_1029 : i32
      %add3A_1032 = arith.constant 0 : i32
      %add3A_1033 = arith.addi %add3A_1031, %add3A_1032 : i32
      %get3A_1034 = arith.index_cast %add3A_1033 : i32 to index
      %get3A_1035 = tpu.vector_load %arg6[%get3A_1034] {strides = array<i32>} : memref<16384xi32, #tpu.memory_space<vmem>>, vector<16xi32>,
      %mul3A_1036 = arith.constant 128 : i32
      %mul3A_1037 = arith.muli %scan3A_1027, %mul3A_1036 : i32
      %add3A_1038 = arith.constant 0 : i32
      %add3A_1039 = arith.addi %add3A_1038, %mul3A_1037 : i32
      %add3A_1040 = arith.constant 16 : i32
      %add3A_1041 = arith.addi %add3A_1039, %add3A_1040 : i32
      %get3A_1042 = arith.index_cast %add3A_1041 : i32 to index
      %get3A_1043 = tpu.vector_load %arg6[%get3A_1042] {strides = array<i32>} : memref<16384xi32, #tpu.memory_space<vmem>>, vector<16xi32>,
      %mul3A_1044 = arith.constant 128 : i32
      %mul3A_1045 = arith.muli %scan3A_1027, %mul3A_1044 : i32
      %add3A_1046 = arith.constant 0 : i32
      %add3A_1047 = arith.addi %add3A_1046, %mul3A_1045 : i32
      %add3A_1048 = arith.constant 32 : i32
      %add3A_1049 = arith.addi %add3A_1047, %add3A_1048 : i32
      %get3A_1050 = arith.index_cast %add3A_1049 : i32 to index
      %get3A_1051 = tpu.vector_load %arg6[%get3A_1050] {strides = array<i32>} : memref<16384xi32, #tpu.memory_space<vmem>>, vector<16xi32>,
      %mul3A_1052 = arith.constant 128 : i32
      %mul3A_1053 = arith.muli %scan3A_1027, %mul3A_1052 : i32
      %add3A_1054 = arith.constant 0 : i32
      %add3A_1055 = arith.addi %add3A_1054, %mul3A_1053 : i32
      %add3A_1056 = arith.constant 48 : i32
      %add3A_1057 = arith.addi %add3A_1055, %add3A_1056 : i32
      %get3A_1058 = arith.index_cast %add3A_1057 : i32 to index
      %get3A_1059 = tpu.vector_load %arg6[%get3A_1058] {strides = array<i32>} : memref<16384xi32, #tpu.memory_space<vmem>>, vector<16xi32>,
      %mul3A_1060 = arith.constant 128 : i32
      %mul3A_1061 = arith.muli %scan3A_1027, %mul3A_1060 : i32
      %add3A_1062 = arith.constant 0 : i32
      %add3A_1063 = arith.addi %add3A_1062, %mul3A_1061 : i32
      %add3A_1064 = arith.constant 64 : i32
      %add3A_1065 = arith.addi %add3A_1063, %add3A_1064 : i32
      %get3A_1066 = arith.index_cast %add3A_1065 : i32 to index
      %get3A_1067 = tpu.vector_load %arg6[%get3A_1066] {strides = array<i32>} : memref<16384xi32, #tpu.memory_space<vmem>>, vector<16xi32>,
      %mul3A_1068 = arith.constant 128 : i32
      %mul3A_1069 = arith.muli %scan3A_1027, %mul3A_1068 : i32
      %add3A_1070 = arith.constant 0 : i32
      %add3A_1071 = arith.addi %add3A_1070, %mul3A_1069 : i32
      %add3A_1072 = arith.constant 80 : i32
      %add3A_1073 = arith.addi %add3A_1071, %add3A_1072 : i32
      %get3A_1074 = arith.index_cast %add3A_1073 : i32 to index
      %get3A_1075 = tpu.vector_load %arg6[%get3A_1074] {strides = array<i32>} : memref<16384xi32, #tpu.memory_space<vmem>>, vector<16xi32>,
      %mul3A_1076 = arith.constant 128 : i32
      %mul3A_1077 = arith.muli %scan3A_1027, %mul3A_1076 : i32
      %add3A_1078 = arith.constant 0 : i32
      %add3A_1079 = arith.addi %add3A_1078, %mul3A_1077 : i32
      %add3A_1080 = arith.constant 96 : i32
      %add3A_1081 = arith.addi %add3A_1079, %add3A_1080 : i32
      %get3A_1082 = arith.index_cast %add3A_1081 : i32 to index
      %get3A_1083 = tpu.vector_load %arg6[%get3A_1082] {strides = array<i32>} : memref<16384xi32, #tpu.memory_space<vmem>>, vector<16xi32>,
      %mul3A_1084 = arith.constant 128 : i32
      %mul3A_1085 = arith.muli %scan3A_1027, %mul3A_1084 : i32
      %add3A_1086 = arith.constant 0 : i32
      %add3A_1087 = arith.addi %add3A_1086, %mul3A_1085 : i32
      %add3A_1088 = arith.constant 112 : i32
      %add3A_1089 = arith.addi %add3A_1087, %add3A_1088 : i32
      %get3A_1090 = arith.index_cast %add3A_1089 : i32 to index
      %get3A_1091 = tpu.vector_load %arg6[%get3A_1090] {strides = array<i32>} : memref<16384xi32, #tpu.memory_space<vmem>>, vector<16xi32>,
      %gather3A_1092 = tpu.vector_load_idx %arg5[%get3A_1035] : memref<100001xf32, #tpu.memory_space<vmem>>[vector<16xi32>], vector<16xf32>,
      %gather3A_1093 = tpu.vector_load_idx %arg5[%get3A_1043] : memref<100001xf32, #tpu.memory_space<vmem>>[vector<16xi32>], vector<16xf32>,
      %gather3A_1094 = tpu.vector_load_idx %arg5[%get3A_1051] : memref<100001xf32, #tpu.memory_space<vmem>>[vector<16xi32>], vector<16xf32>,
      %gather3A_1095 = tpu.vector_load_idx %arg5[%get3A_1059] : memref<100001xf32, #tpu.memory_space<vmem>>[vector<16xi32>], vector<16xf32>,
      %gather3A_1096 = tpu.vector_load_idx %arg5[%get3A_1067] : memref<100001xf32, #tpu.memory_space<vmem>>[vector<16xi32>], vector<16xf32>,
      %gather3A_1097 = tpu.vector_load_idx %arg5[%get3A_1075] : memref<100001xf32, #tpu.memory_space<vmem>>[vector<16xi32>], vector<16xf32>,
      %gather3A_1098 = tpu.vector_load_idx %arg5[%get3A_1083] : memref<100001xf32, #tpu.memory_space<vmem>>[vector<16xi32>], vector<16xf32>,
      %gather3A_1099 = tpu.vector_load_idx %arg5[%get3A_1091] : memref<100001xf32, #tpu.memory_space<vmem>>[vector<16xi32>], vector<16xf32>,
      %mul3A_1100 = arith.constant 128 : i32
      %mul3A_1101 = arith.muli %scan3A_1027, %mul3A_1100 : i32
      %add3A_1102 = arith.constant 0 : i32
      %add3A_1103 = arith.addi %mul3A_1101, %add3A_1102 : i32
      %swap3A_1104 = arith.constant 0 : i32
      %swap3A_1105 = arith.index_cast %swap3A_1104 : i32 to index
      %swap3A_1106 = arith.index_cast %add3A_1103 : i32 to index
      %swap3A_1107 = tpu.vector_load %arg7[%swap3A_1105, %swap3A_1106] {strides = array<i32>} : memref<2x4096xf32, #tpu.memory_space<vmem>>, vector<16xf32>,
      tpu.vector_store %arg7[%swap3A_1105, %swap3A_1106], %gather3A_1092 {strides = array<i32>} : memref<2x4096xf32, #tpu.memory_space<vmem>>, vector<16xf32>,
      %mul3A_1108 = arith.constant 128 : i32
      %mul3A_1109 = arith.muli %scan3A_1027, %mul3A_1108 : i32
      %add3A_1110 = arith.constant 16 : i32
      %add3A_1111 = arith.addi %mul3A_1109, %add3A_1110 : i32
      %swap3A_1112 = arith.constant 0 : i32
      %swap3A_1113 = arith.index_cast %swap3A_1112 : i32 to index
      %swap3A_1114 = arith.index_cast %add3A_1111 : i32 to index
      %swap3A_1115 = tpu.vector_load %arg7[%swap3A_1113, %swap3A_1114] {strides = array<i32>} : memref<2x4096xf32, #tpu.memory_space<vmem>>, vector<16xf32>,
      tpu.vector_store %arg7[%swap3A_1113, %swap3A_1114], %gather3A_1093 {strides = array<i32>} : memref<2x4096xf32, #tpu.memory_space<vmem>>, vector<16xf32>,
      %mul3A_1116 = arith.constant 128 : i32
      %mul3A_1117 = arith.muli %scan3A_1027, %mul3A_1116 : i32
      %add3A_1118 = arith.constant 32 : i32
      %add3A_1119 = arith.addi %mul3A_1117, %add3A_1118 : i32
      %swap3A_1120 = arith.constant 0 : i32
      %swap3A_1121 = arith.index_cast %swap3A_1120 : i32 to index
      %swap3A_1122 = arith.index_cast %add3A_1119 : i32 to index
      %swap3A_1123 = tpu.vector_load %arg7[%swap3A_1121, %swap3A_1122] {strides = array<i32>} : memref<2x4096xf32, #tpu.memory_space<vmem>>, vector<16xf32>,
      tpu.vector_store %arg7[%swap3A_1121, %swap3A_1122], %gather3A_1094 {strides = array<i32>} : memref<2x4096xf32, #tpu.memory_space<vmem>>, vector<16xf32>,
      %mul3A_1124 = arith.constant 128 : i32
      %mul3A_1125 = arith.muli %scan3A_1027, %mul3A_1124 : i32
      %add3A_1126 = arith.constant 48 : i32
      %add3A_1127 = arith.addi %mul3A_1125, %add3A_1126 : i32
      %swap3A_1128 = arith.constant 0 : i32
      %swap3A_1129 = arith.index_cast %swap3A_1128 : i32 to index
      %swap3A_1130 = arith.index_cast %add3A_1127 : i32 to index
      %swap3A_1131 = tpu.vector_load %arg7[%swap3A_1129, %swap3A_1130] {strides = array<i32>} : memref<2x4096xf32, #tpu.memory_space<vmem>>, vector<16xf32>,
      tpu.vector_store %arg7[%swap3A_1129, %swap3A_1130], %gather3A_1095 {strides = array<i32>} : memref<2x4096xf32, #tpu.memory_space<vmem>>, vector<16xf32>,
      %mul3A_1132 = arith.constant 128 : i32
      %mul3A_1133 = arith.muli %scan3A_1027, %mul3A_1132 : i32
      %add3A_1134 = arith.constant 64 : i32
      %add3A_1135 = arith.addi %mul3A_1133, %add3A_1134 : i32
      %swap3A_1136 = arith.constant 0 : i32
      %swap3A_1137 = arith.index_cast %swap3A_1136 : i32 to index
      %swap3A_1138 = arith.index_cast %add3A_1135 : i32 to index
      %swap3A_1139 = tpu.vector_load %arg7[%swap3A_1137, %swap3A_1138] {strides = array<i32>} : memref<2x4096xf32, #tpu.memory_space<vmem>>, vector<16xf32>,
      tpu.vector_store %arg7[%swap3A_1137, %swap3A_1138], %gather3A_1096 {strides = array<i32>} : memref<2x4096xf32, #tpu.memory_space<vmem>>, vector<16xf32>,
      %mul3A_1140 = arith.constant 128 : i32
      %mul3A_1141 = arith.muli %scan3A_1027, %mul3A_1140 : i32
      %add3A_1142 = arith.constant 80 : i32
      %add3A_1143 = arith.addi %mul3A_1141, %add3A_1142 : i32
      %swap3A_1144 = arith.constant 0 : i32
      %swap3A_1145 = arith.index_cast %swap3A_1144 : i32 to index
      %swap3A_1146 = arith.index_cast %add3A_1143 : i32 to index
      %swap3A_1147 = tpu.vector_load %arg7[%swap3A_1145, %swap3A_1146] {strides = array<i32>} : memref<2x4096xf32, #tpu.memory_space<vmem>>, vector<16xf32>,
      tpu.vector_store %arg7[%swap3A_1145, %swap3A_1146], %gather3A_1097 {strides = array<i32>} : memref<2x4096xf32, #tpu.memory_space<vmem>>, vector<16xf32>,
      %mul3A_1148 = arith.constant 128 : i32
      %mul3A_1149 = arith.muli %scan3A_1027, %mul3A_1148 : i32
      %add3A_1150 = arith.constant 96 : i32
      %add3A_1151 = arith.addi %mul3A_1149, %add3A_1150 : i32
      %swap3A_1152 = arith.constant 0 : i32
      %swap3A_1153 = arith.index_cast %swap3A_1152 : i32 to index
      %swap3A_1154 = arith.index_cast %add3A_1151 : i32 to index
      %swap3A_1155 = tpu.vector_load %arg7[%swap3A_1153, %swap3A_1154] {strides = array<i32>} : memref<2x4096xf32, #tpu.memory_space<vmem>>, vector<16xf32>,
      tpu.vector_store %arg7[%swap3A_1153, %swap3A_1154], %gather3A_1098 {strides = array<i32>} : memref<2x4096xf32, #tpu.memory_space<vmem>>, vector<16xf32>,
      %mul3A_1156 = arith.constant 128 : i32
      %mul3A_1157 = arith.muli %scan3A_1027, %mul3A_1156 : i32
      %add3A_1158 = arith.constant 112 : i32
      %add3A_1159 = arith.addi %mul3A_1157, %add3A_1158 : i32
      %swap3A_1160 = arith.constant 0 : i32
      %swap3A_1161 = arith.index_cast %swap3A_1160 : i32 to index
      %swap3A_1162 = arith.index_cast %add3A_1159 : i32 to index
      %swap3A_1163 = tpu.vector_load %arg7[%swap3A_1161, %swap3A_1162] {strides = array<i32>} : memref<2x4096xf32, #tpu.memory_space<vmem>>, vector<16xf32>,
      tpu.vector_store %arg7[%swap3A_1161, %swap3A_1162], %gather3A_1099 {strides = array<i32>} : memref<2x4096xf32, #tpu.memory_space<vmem>>, vector<16xf32>,
      %scan3A_1164 = arith.constant 7 : i32
      %scan3A_1165 = arith.addi %scan3A_202, %scan3A_1164 : i32
      %mul3A_1166 = arith.constant 128 : i32
      %mul3A_1167 = arith.muli %scan3A_1165, %mul3A_1166 : i32
      %add3A_1168 = arith.constant 0 : i32
      %add3A_1169 = arith.addi %add3A_1168, %mul3A_1167 : i32
      %add3A_1170 = arith.constant 0 : i32
      %add3A_1171 = arith.addi %add3A_1169, %add3A_1170 : i32
      %get3A_1172 = arith.index_cast %add3A_1171 : i32 to index
      %get3A_1173 = tpu.vector_load %arg6[%get3A_1172] {strides = array<i32>} : memref<16384xi32, #tpu.memory_space<vmem>>, vector<16xi32>,
      %mul3A_1174 = arith.constant 128 : i32
      %mul3A_1175 = arith.muli %scan3A_1165, %mul3A_1174 : i32
      %add3A_1176 = arith.constant 0 : i32
      %add3A_1177 = arith.addi %add3A_1176, %mul3A_1175 : i32
      %add3A_1178 = arith.constant 16 : i32
      %add3A_1179 = arith.addi %add3A_1177, %add3A_1178 : i32
      %get3A_1180 = arith.index_cast %add3A_1179 : i32 to index
      %get3A_1181 = tpu.vector_load %arg6[%get3A_1180] {strides = array<i32>} : memref<16384xi32, #tpu.memory_space<vmem>>, vector<16xi32>,
      %mul3A_1182 = arith.constant 128 : i32
      %mul3A_1183 = arith.muli %scan3A_1165, %mul3A_1182 : i32
      %add3A_1184 = arith.constant 0 : i32
      %add3A_1185 = arith.addi %add3A_1184, %mul3A_1183 : i32
      %add3A_1186 = arith.constant 32 : i32
      %add3A_1187 = arith.addi %add3A_1185, %add3A_1186 : i32
      %get3A_1188 = arith.index_cast %add3A_1187 : i32 to index
      %get3A_1189 = tpu.vector_load %arg6[%get3A_1188] {strides = array<i32>} : memref<16384xi32, #tpu.memory_space<vmem>>, vector<16xi32>,
      %mul3A_1190 = arith.constant 128 : i32
      %mul3A_1191 = arith.muli %scan3A_1165, %mul3A_1190 : i32
      %add3A_1192 = arith.constant 0 : i32
      %add3A_1193 = arith.addi %add3A_1192, %mul3A_1191 : i32
      %add3A_1194 = arith.constant 48 : i32
      %add3A_1195 = arith.addi %add3A_1193, %add3A_1194 : i32
      %get3A_1196 = arith.index_cast %add3A_1195 : i32 to index
      %get3A_1197 = tpu.vector_load %arg6[%get3A_1196] {strides = array<i32>} : memref<16384xi32, #tpu.memory_space<vmem>>, vector<16xi32>,
      %mul3A_1198 = arith.constant 128 : i32
      %mul3A_1199 = arith.muli %scan3A_1165, %mul3A_1198 : i32
      %add3A_1200 = arith.constant 0 : i32
      %add3A_1201 = arith.addi %add3A_1200, %mul3A_1199 : i32
      %add3A_1202 = arith.constant 64 : i32
      %add3A_1203 = arith.addi %add3A_1201, %add3A_1202 : i32
      %get3A_1204 = arith.index_cast %add3A_1203 : i32 to index
      %get3A_1205 = tpu.vector_load %arg6[%get3A_1204] {strides = array<i32>} : memref<16384xi32, #tpu.memory_space<vmem>>, vector<16xi32>,
      %mul3A_1206 = arith.constant 128 : i32
      %mul3A_1207 = arith.muli %scan3A_1165, %mul3A_1206 : i32
      %add3A_1208 = arith.constant 0 : i32
      %add3A_1209 = arith.addi %add3A_1208, %mul3A_1207 : i32
      %add3A_1210 = arith.constant 80 : i32
      %add3A_1211 = arith.addi %add3A_1209, %add3A_1210 : i32
      %get3A_1212 = arith.index_cast %add3A_1211 : i32 to index
      %get3A_1213 = tpu.vector_load %arg6[%get3A_1212] {strides = array<i32>} : memref<16384xi32, #tpu.memory_space<vmem>>, vector<16xi32>,
      %mul3A_1214 = arith.constant 128 : i32
      %mul3A_1215 = arith.muli %scan3A_1165, %mul3A_1214 : i32
      %add3A_1216 = arith.constant 0 : i32
      %add3A_1217 = arith.addi %add3A_1216, %mul3A_1215 : i32
      %add3A_1218 = arith.constant 96 : i32
      %add3A_1219 = arith.addi %add3A_1217, %add3A_1218 : i32
      %get3A_1220 = arith.index_cast %add3A_1219 : i32 to index
      %get3A_1221 = tpu.vector_load %arg6[%get3A_1220] {strides = array<i32>} : memref<16384xi32, #tpu.memory_space<vmem>>, vector<16xi32>,
      %mul3A_1222 = arith.constant 128 : i32
      %mul3A_1223 = arith.muli %scan3A_1165, %mul3A_1222 : i32
      %add3A_1224 = arith.constant 0 : i32
      %add3A_1225 = arith.addi %add3A_1224, %mul3A_1223 : i32
      %add3A_1226 = arith.constant 112 : i32
      %add3A_1227 = arith.addi %add3A_1225, %add3A_1226 : i32
      %get3A_1228 = arith.index_cast %add3A_1227 : i32 to index
      %get3A_1229 = tpu.vector_load %arg6[%get3A_1228] {strides = array<i32>} : memref<16384xi32, #tpu.memory_space<vmem>>, vector<16xi32>,
      %gather3A_1230 = tpu.vector_load_idx %arg5[%get3A_1173] : memref<100001xf32, #tpu.memory_space<vmem>>[vector<16xi32>], vector<16xf32>,
      %gather3A_1231 = tpu.vector_load_idx %arg5[%get3A_1181] : memref<100001xf32, #tpu.memory_space<vmem>>[vector<16xi32>], vector<16xf32>,
      %gather3A_1232 = tpu.vector_load_idx %arg5[%get3A_1189] : memref<100001xf32, #tpu.memory_space<vmem>>[vector<16xi32>], vector<16xf32>,
      %gather3A_1233 = tpu.vector_load_idx %arg5[%get3A_1197] : memref<100001xf32, #tpu.memory_space<vmem>>[vector<16xi32>], vector<16xf32>,
      %gather3A_1234 = tpu.vector_load_idx %arg5[%get3A_1205] : memref<100001xf32, #tpu.memory_space<vmem>>[vector<16xi32>], vector<16xf32>,
      %gather3A_1235 = tpu.vector_load_idx %arg5[%get3A_1213] : memref<100001xf32, #tpu.memory_space<vmem>>[vector<16xi32>], vector<16xf32>,
      %gather3A_1236 = tpu.vector_load_idx %arg5[%get3A_1221] : memref<100001xf32, #tpu.memory_space<vmem>>[vector<16xi32>], vector<16xf32>,
      %gather3A_1237 = tpu.vector_load_idx %arg5[%get3A_1229] : memref<100001xf32, #tpu.memory_space<vmem>>[vector<16xi32>], vector<16xf32>,
      %mul3A_1238 = arith.constant 128 : i32
      %mul3A_1239 = arith.muli %scan3A_1165, %mul3A_1238 : i32
      %add3A_1240 = arith.constant 0 : i32
      %add3A_1241 = arith.addi %mul3A_1239, %add3A_1240 : i32
      %swap3A_1242 = arith.constant 0 : i32
      %swap3A_1243 = arith.index_cast %swap3A_1242 : i32 to index
      %swap3A_1244 = arith.index_cast %add3A_1241 : i32 to index
      %swap3A_1245 = tpu.vector_load %arg7[%swap3A_1243, %swap3A_1244] {strides = array<i32>} : memref<2x4096xf32, #tpu.memory_space<vmem>>, vector<16xf32>,
      tpu.vector_store %arg7[%swap3A_1243, %swap3A_1244], %gather3A_1230 {strides = array<i32>} : memref<2x4096xf32, #tpu.memory_space<vmem>>, vector<16xf32>,
      %mul3A_1246 = arith.constant 128 : i32
      %mul3A_1247 = arith.muli %scan3A_1165, %mul3A_1246 : i32
      %add3A_1248 = arith.constant 16 : i32
      %add3A_1249 = arith.addi %mul3A_1247, %add3A_1248 : i32
      %swap3A_1250 = arith.constant 0 : i32
      %swap3A_1251 = arith.index_cast %swap3A_1250 : i32 to index
      %swap3A_1252 = arith.index_cast %add3A_1249 : i32 to index
      %swap3A_1253 = tpu.vector_load %arg7[%swap3A_1251, %swap3A_1252] {strides = array<i32>} : memref<2x4096xf32, #tpu.memory_space<vmem>>, vector<16xf32>,
      tpu.vector_store %arg7[%swap3A_1251, %swap3A_1252], %gather3A_1231 {strides = array<i32>} : memref<2x4096xf32, #tpu.memory_space<vmem>>, vector<16xf32>,
      %mul3A_1254 = arith.constant 128 : i32
      %mul3A_1255 = arith.muli %scan3A_1165, %mul3A_1254 : i32
      %add3A_1256 = arith.constant 32 : i32
      %add3A_1257 = arith.addi %mul3A_1255, %add3A_1256 : i32
      %swap3A_1258 = arith.constant 0 : i32
      %swap3A_1259 = arith.index_cast %swap3A_1258 : i32 to index
      %swap3A_1260 = arith.index_cast %add3A_1257 : i32 to index
      %swap3A_1261 = tpu.vector_load %arg7[%swap3A_1259, %swap3A_1260] {strides = array<i32>} : memref<2x4096xf32, #tpu.memory_space<vmem>>, vector<16xf32>,
      tpu.vector_store %arg7[%swap3A_1259, %swap3A_1260], %gather3A_1232 {strides = array<i32>} : memref<2x4096xf32, #tpu.memory_space<vmem>>, vector<16xf32>,
      %mul3A_1262 = arith.constant 128 : i32
      %mul3A_1263 = arith.muli %scan3A_1165, %mul3A_1262 : i32
      %add3A_1264 = arith.constant 48 : i32
      %add3A_1265 = arith.addi %mul3A_1263, %add3A_1264 : i32
      %swap3A_1266 = arith.constant 0 : i32
      %swap3A_1267 = arith.index_cast %swap3A_1266 : i32 to index
      %swap3A_1268 = arith.index_cast %add3A_1265 : i32 to index
      %swap3A_1269 = tpu.vector_load %arg7[%swap3A_1267, %swap3A_1268] {strides = array<i32>} : memref<2x4096xf32, #tpu.memory_space<vmem>>, vector<16xf32>,
      tpu.vector_store %arg7[%swap3A_1267, %swap3A_1268], %gather3A_1233 {strides = array<i32>} : memref<2x4096xf32, #tpu.memory_space<vmem>>, vector<16xf32>,
      %mul3A_1270 = arith.constant 128 : i32
      %mul3A_1271 = arith.muli %scan3A_1165, %mul3A_1270 : i32
      %add3A_1272 = arith.constant 64 : i32
      %add3A_1273 = arith.addi %mul3A_1271, %add3A_1272 : i32
      %swap3A_1274 = arith.constant 0 : i32
      %swap3A_1275 = arith.index_cast %swap3A_1274 : i32 to index
      %swap3A_1276 = arith.index_cast %add3A_1273 : i32 to index
      %swap3A_1277 = tpu.vector_load %arg7[%swap3A_1275, %swap3A_1276] {strides = array<i32>} : memref<2x4096xf32, #tpu.memory_space<vmem>>, vector<16xf32>,
      tpu.vector_store %arg7[%swap3A_1275, %swap3A_1276], %gather3A_1234 {strides = array<i32>} : memref<2x4096xf32, #tpu.memory_space<vmem>>, vector<16xf32>,
      %mul3A_1278 = arith.constant 128 : i32
      %mul3A_1279 = arith.muli %scan3A_1165, %mul3A_1278 : i32
      %add3A_1280 = arith.constant 80 : i32
      %add3A_1281 = arith.addi %mul3A_1279, %add3A_1280 : i32
      %swap3A_1282 = arith.constant 0 : i32
      %swap3A_1283 = arith.index_cast %swap3A_1282 : i32 to index
      %swap3A_1284 = arith.index_cast %add3A_1281 : i32 to index
      %swap3A_1285 = tpu.vector_load %arg7[%swap3A_1283, %swap3A_1284] {strides = array<i32>} : memref<2x4096xf32, #tpu.memory_space<vmem>>, vector<16xf32>,
      tpu.vector_store %arg7[%swap3A_1283, %swap3A_1284], %gather3A_1235 {strides = array<i32>} : memref<2x4096xf32, #tpu.memory_space<vmem>>, vector<16xf32>,
      %mul3A_1286 = arith.constant 128 : i32
      %mul3A_1287 = arith.muli %scan3A_1165, %mul3A_1286 : i32
      %add3A_1288 = arith.constant 96 : i32
      %add3A_1289 = arith.addi %mul3A_1287, %add3A_1288 : i32
      %swap3A_1290 = arith.constant 0 : i32
      %swap3A_1291 = arith.index_cast %swap3A_1290 : i32 to index
      %swap3A_1292 = arith.index_cast %add3A_1289 : i32 to index
      %swap3A_1293 = tpu.vector_load %arg7[%swap3A_1291, %swap3A_1292] {strides = array<i32>} : memref<2x4096xf32, #tpu.memory_space<vmem>>, vector<16xf32>,
      tpu.vector_store %arg7[%swap3A_1291, %swap3A_1292], %gather3A_1236 {strides = array<i32>} : memref<2x4096xf32, #tpu.memory_space<vmem>>, vector<16xf32>,
      %mul3A_1294 = arith.constant 128 : i32
      %mul3A_1295 = arith.muli %scan3A_1165, %mul3A_1294 : i32
      %add3A_1296 = arith.constant 112 : i32
      %add3A_1297 = arith.addi %mul3A_1295, %add3A_1296 : i32
      %swap3A_1298 = arith.constant 0 : i32
      %swap3A_1299 = arith.index_cast %swap3A_1298 : i32 to index
      %swap3A_1300 = arith.index_cast %add3A_1297 : i32 to index
      %swap3A_1301 = tpu.vector_load %arg7[%swap3A_1299, %swap3A_1300] {strides = array<i32>} : memref<2x4096xf32, #tpu.memory_space<vmem>>, vector<16xf32>,
      tpu.vector_store %arg7[%swap3A_1299, %swap3A_1300], %gather3A_1237 {strides = array<i32>} : memref<2x4096xf32, #tpu.memory_space<vmem>>, vector<16xf32>,
    }
    %scan3A_55 = arith.constant 32 : i32
    %dma_start3A_56 = arith.constant 0 : i32
    %dma_start3A_57 = arith.constant 0 : i32
    %dma_start3A_58 = tpu.memref_slice %arg7[%dma_start3A_56, %dma_start3A_57] : memref<2x4096xf32, #tpu.memory_space<vmem>> -> memref<1x4096xf32, #tpu.memory_space<vmem>>
    %dma_start3A_59 = tpu.memref_squeeze %dma_start3A_58 : memref<1x4096xf32, #tpu.memory_space<vmem>> -> memref<4096xf32, #tpu.memory_space<vmem>>
    %dma_start3A_60 = arith.constant 0 : i32
    %dma_start3A_61 = tpu.memref_slice %arg4[%add3A, %dma_start3A_60] : memref<32x16384xf32, #tpu.memory_space<hbm>> -> memref<1x4096xf32, #tpu.memory_space<hbm>>
    %dma_start3A_62 = tpu.memref_squeeze %dma_start3A_61 : memref<1x4096xf32, #tpu.memory_space<hbm>> -> memref<4096xf32, #tpu.memory_space<hbm>>
    %dma_start3A_63 = arith.constant 0 : i32
    %dma_start3A_64 = tpu.memref_slice %arg4[%add3A, %dma_start3A_63] : memref<32x16384xf32, #tpu.memory_space<hbm>> -> memref<1x4096xf32, #tpu.memory_space<hbm>>
    %dma_start3A_65 = tpu.memref_squeeze %dma_start3A_64 : memref<1x4096xf32, #tpu.memory_space<hbm>> -> memref<4096xf32, #tpu.memory_space<hbm>>
    %dma_start3A_66 = arith.constant 0 : i32
    %dma_start3A_67 = tpu.memref_slice %arg7[%dma_start3A_56, %dma_start3A_66] : memref<2x4096xf32, #tpu.memory_space<vmem>> -> memref<1x4096xf32, #tpu.memory_space<vmem>>
    %dma_start3A_68 = tpu.memref_squeeze %dma_start3A_67 : memref<1x4096xf32, #tpu.memory_space<vmem>> -> memref<4096xf32, #tpu.memory_space<vmem>>
    tpu.enqueue_dma source(%dma_start3A_68 : memref<4096xf32, #tpu.memory_space<vmem>>) target(%dma_start3A_65 : memref<4096xf32, #tpu.memory_space<hbm>>) target_semaphore(%arg13 : memref<!tpu.dma_semaphore, #tpu.memory_space<semaphore_mem>>)
    %dma_wait3A_69 = arith.constant 4096 : i32
    %dma_wait3A_70 = tpu.memref_slice %arg6[%dma_wait3A_69] : memref<16384xi32, #tpu.memory_space<vmem>> -> memref<4096xi32, #tpu.memory_space<vmem>>
    %dma_wait3A_71 = arith.constant 4096 : i32
    %dma_wait3A_72 = tpu.memref_slice %arg2[%dma_wait3A_71] : memref<16384xi32, #tpu.memory_space<hbm>> -> memref<4096xi32, #tpu.memory_space<hbm>>
    %dma_wait3A_73 = arith.constant 4096 : i32
    %dma_wait3A_74 = tpu.memref_slice %arg6[%dma_wait3A_73] : memref<16384xi32, #tpu.memory_space<vmem>> -> memref<4096xi32, #tpu.memory_space<vmem>>
    %dma_wait3A_75 = arith.constant 4096 : i32
    %dma_wait3A_76 = tpu.memref_slice %arg2[%dma_wait3A_75] : memref<16384xi32, #tpu.memory_space<hbm>> -> memref<4096xi32, #tpu.memory_space<hbm>>
    tpu.wait_dma2 semaphore(%arg10 : memref<!tpu.dma_semaphore, #tpu.memory_space<semaphore_mem>>) src(%dma_wait3A_76 : memref<4096xi32, #tpu.memory_space<hbm>>) dst(%dma_wait3A_74 : memref<4096xi32, #tpu.memory_space<vmem>>)
    %scan3A_77 = arith.constant 0 : i32
    %scan3A_78 = arith.constant 0 : i32
    %scan3A_79 = arith.constant 32 : i32
    %scan3A_80 = arith.addi %scan3A_78, %scan3A_79 : i32
    %scan3A_81 = arith.constant 8 : i32
    scf.for %scan3A_202 = %scan3A_78 to %scan3A_80 step %scan3A_81  : i32 {
      %mul3A_203 = arith.constant 128 : i32
      %mul3A_204 = arith.muli %scan3A_202, %mul3A_203 : i32
      %add3A_205 = arith.constant 4096 : i32
      %add3A_206 = arith.addi %add3A_205, %mul3A_204 : i32
      %add3A_207 = arith.constant 0 : i32
      %add3A_208 = arith.addi %add3A_206, %add3A_207 : i32
      %get3A = arith.index_cast %add3A_208 : i32 to index
      %get3A_209 = tpu.vector_load %arg6[%get3A] {strides = array<i32>} : memref<16384xi32, #tpu.memory_space<vmem>>, vector<16xi32>,
      %mul3A_210 = arith.constant 128 : i32
      %mul3A_211 = arith.muli %scan3A_202, %mul3A_210 : i32
      %add3A_212 = arith.constant 4096 : i32
      %add3A_213 = arith.addi %add3A_212, %mul3A_211 : i32
      %add3A_214 = arith.constant 16 : i32
      %add3A_215 = arith.addi %add3A_213, %add3A_214 : i32
      %get3A_216 = arith.index_cast %add3A_215 : i32 to index
      %get3A_217 = tpu.vector_load %arg6[%get3A_216] {strides = array<i32>} : memref<16384xi32, #tpu.memory_space<vmem>>, vector<16xi32>,
      %mul3A_218 = arith.constant 128 : i32
      %mul3A_219 = arith.muli %scan3A_202, %mul3A_218 : i32
      %add3A_220 = arith.constant 4096 : i32
      %add3A_221 = arith.addi %add3A_220, %mul3A_219 : i32
      %add3A_222 = arith.constant 32 : i32
      %add3A_223 = arith.addi %add3A_221, %add3A_222 : i32
      %get3A_224 = arith.index_cast %add3A_223 : i32 to index
      %get3A_225 = tpu.vector_load %arg6[%get3A_224] {strides = array<i32>} : memref<16384xi32, #tpu.memory_space<vmem>>, vector<16xi32>,
      %mul3A_226 = arith.constant 128 : i32
      %mul3A_227 = arith.muli %scan3A_202, %mul3A_226 : i32
      %add3A_228 = arith.constant 4096 : i32
      %add3A_229 = arith.addi %add3A_228, %mul3A_227 : i32
      %add3A_230 = arith.constant 48 : i32
      %add3A_231 = arith.addi %add3A_229, %add3A_230 : i32
      %get3A_232 = arith.index_cast %add3A_231 : i32 to index
      %get3A_233 = tpu.vector_load %arg6[%get3A_232] {strides = array<i32>} : memref<16384xi32, #tpu.memory_space<vmem>>, vector<16xi32>,
      %mul3A_234 = arith.constant 128 : i32
      %mul3A_235 = arith.muli %scan3A_202, %mul3A_234 : i32
      %add3A_236 = arith.constant 4096 : i32
      %add3A_237 = arith.addi %add3A_236, %mul3A_235 : i32
      %add3A_238 = arith.constant 64 : i32
      %add3A_239 = arith.addi %add3A_237, %add3A_238 : i32
      %get3A_240 = arith.index_cast %add3A_239 : i32 to index
      %get3A_241 = tpu.vector_load %arg6[%get3A_240] {strides = array<i32>} : memref<16384xi32, #tpu.memory_space<vmem>>, vector<16xi32>,
      %mul3A_242 = arith.constant 128 : i32
      %mul3A_243 = arith.muli %scan3A_202, %mul3A_242 : i32
      %add3A_244 = arith.constant 4096 : i32
      %add3A_245 = arith.addi %add3A_244, %mul3A_243 : i32
      %add3A_246 = arith.constant 80 : i32
      %add3A_247 = arith.addi %add3A_245, %add3A_246 : i32
      %get3A_248 = arith.index_cast %add3A_247 : i32 to index
      %get3A_249 = tpu.vector_load %arg6[%get3A_248] {strides = array<i32>} : memref<16384xi32, #tpu.memory_space<vmem>>, vector<16xi32>,
      %mul3A_250 = arith.constant 128 : i32
      %mul3A_251 = arith.muli %scan3A_202, %mul3A_250 : i32
      %add3A_252 = arith.constant 4096 : i32
      %add3A_253 = arith.addi %add3A_252, %mul3A_251 : i32
      %add3A_254 = arith.constant 96 : i32
      %add3A_255 = arith.addi %add3A_253, %add3A_254 : i32
      %get3A_256 = arith.index_cast %add3A_255 : i32 to index
      %get3A_257 = tpu.vector_load %arg6[%get3A_256] {strides = array<i32>} : memref<16384xi32, #tpu.memory_space<vmem>>, vector<16xi32>,
      %mul3A_258 = arith.constant 128 : i32
      %mul3A_259 = arith.muli %scan3A_202, %mul3A_258 : i32
      %add3A_260 = arith.constant 4096 : i32
      %add3A_261 = arith.addi %add3A_260, %mul3A_259 : i32
      %add3A_262 = arith.constant 112 : i32
      %add3A_263 = arith.addi %add3A_261, %add3A_262 : i32
      %get3A_264 = arith.index_cast %add3A_263 : i32 to index
      %get3A_265 = tpu.vector_load %arg6[%get3A_264] {strides = array<i32>} : memref<16384xi32, #tpu.memory_space<vmem>>, vector<16xi32>,
      %gather3A = tpu.vector_load_idx %arg5[%get3A_209] : memref<100001xf32, #tpu.memory_space<vmem>>[vector<16xi32>], vector<16xf32>,
      %gather3A_266 = tpu.vector_load_idx %arg5[%get3A_217] : memref<100001xf32, #tpu.memory_space<vmem>>[vector<16xi32>], vector<16xf32>,
      %gather3A_267 = tpu.vector_load_idx %arg5[%get3A_225] : memref<100001xf32, #tpu.memory_space<vmem>>[vector<16xi32>], vector<16xf32>,
      %gather3A_268 = tpu.vector_load_idx %arg5[%get3A_233] : memref<100001xf32, #tpu.memory_space<vmem>>[vector<16xi32>], vector<16xf32>,
      %gather3A_269 = tpu.vector_load_idx %arg5[%get3A_241] : memref<100001xf32, #tpu.memory_space<vmem>>[vector<16xi32>], vector<16xf32>,
      %gather3A_270 = tpu.vector_load_idx %arg5[%get3A_249] : memref<100001xf32, #tpu.memory_space<vmem>>[vector<16xi32>], vector<16xf32>,
      %gather3A_271 = tpu.vector_load_idx %arg5[%get3A_257] : memref<100001xf32, #tpu.memory_space<vmem>>[vector<16xi32>], vector<16xf32>,
      %gather3A_272 = tpu.vector_load_idx %arg5[%get3A_265] : memref<100001xf32, #tpu.memory_space<vmem>>[vector<16xi32>], vector<16xf32>,
      %mul3A_273 = arith.constant 128 : i32
      %mul3A_274 = arith.muli %scan3A_202, %mul3A_273 : i32
      %add3A_275 = arith.constant 0 : i32
      %add3A_276 = arith.addi %mul3A_274, %add3A_275 : i32
      %swap3A = arith.constant 1 : i32
      %swap3A_277 = arith.index_cast %swap3A : i32 to index
      %swap3A_278 = arith.index_cast %add3A_276 : i32 to index
      %swap3A_279 = tpu.vector_load %arg7[%swap3A_277, %swap3A_278] {strides = array<i32>} : memref<2x4096xf32, #tpu.memory_space<vmem>>, vector<16xf32>,
      tpu.vector_store %arg7[%swap3A_277, %swap3A_278], %gather3A {strides = array<i32>} : memref<2x4096xf32, #tpu.memory_space<vmem>>, vector<16xf32>,
      %mul3A_280 = arith.constant 128 : i32
      %mul3A_281 = arith.muli %scan3A_202, %mul3A_280 : i32
      %add3A_282 = arith.constant 16 : i32
      %add3A_283 = arith.addi %mul3A_281, %add3A_282 : i32
      %swap3A_284 = arith.constant 1 : i32
      %swap3A_285 = arith.index_cast %swap3A_284 : i32 to index
      %swap3A_286 = arith.index_cast %add3A_283 : i32 to index
      %swap3A_287 = tpu.vector_load %arg7[%swap3A_285, %swap3A_286] {strides = array<i32>} : memref<2x4096xf32, #tpu.memory_space<vmem>>, vector<16xf32>,
      tpu.vector_store %arg7[%swap3A_285, %swap3A_286], %gather3A_266 {strides = array<i32>} : memref<2x4096xf32, #tpu.memory_space<vmem>>, vector<16xf32>,
      %mul3A_288 = arith.constant 128 : i32
      %mul3A_289 = arith.muli %scan3A_202, %mul3A_288 : i32
      %add3A_290 = arith.constant 32 : i32
      %add3A_291 = arith.addi %mul3A_289, %add3A_290 : i32
      %swap3A_292 = arith.constant 1 : i32
      %swap3A_293 = arith.index_cast %swap3A_292 : i32 to index
      %swap3A_294 = arith.index_cast %add3A_291 : i32 to index
      %swap3A_295 = tpu.vector_load %arg7[%swap3A_293, %swap3A_294] {strides = array<i32>} : memref<2x4096xf32, #tpu.memory_space<vmem>>, vector<16xf32>,
      tpu.vector_store %arg7[%swap3A_293, %swap3A_294], %gather3A_267 {strides = array<i32>} : memref<2x4096xf32, #tpu.memory_space<vmem>>, vector<16xf32>,
      %mul3A_296 = arith.constant 128 : i32
      %mul3A_297 = arith.muli %scan3A_202, %mul3A_296 : i32
      %add3A_298 = arith.constant 48 : i32
      %add3A_299 = arith.addi %mul3A_297, %add3A_298 : i32
      %swap3A_300 = arith.constant 1 : i32
      %swap3A_301 = arith.index_cast %swap3A_300 : i32 to index
      %swap3A_302 = arith.index_cast %add3A_299 : i32 to index
      %swap3A_303 = tpu.vector_load %arg7[%swap3A_301, %swap3A_302] {strides = array<i32>} : memref<2x4096xf32, #tpu.memory_space<vmem>>, vector<16xf32>,
      tpu.vector_store %arg7[%swap3A_301, %swap3A_302], %gather3A_268 {strides = array<i32>} : memref<2x4096xf32, #tpu.memory_space<vmem>>, vector<16xf32>,
      %mul3A_304 = arith.constant 128 : i32
      %mul3A_305 = arith.muli %scan3A_202, %mul3A_304 : i32
      %add3A_306 = arith.constant 64 : i32
      %add3A_307 = arith.addi %mul3A_305, %add3A_306 : i32
      %swap3A_308 = arith.constant 1 : i32
      %swap3A_309 = arith.index_cast %swap3A_308 : i32 to index
      %swap3A_310 = arith.index_cast %add3A_307 : i32 to index
      %swap3A_311 = tpu.vector_load %arg7[%swap3A_309, %swap3A_310] {strides = array<i32>} : memref<2x4096xf32, #tpu.memory_space<vmem>>, vector<16xf32>,
      tpu.vector_store %arg7[%swap3A_309, %swap3A_310], %gather3A_269 {strides = array<i32>} : memref<2x4096xf32, #tpu.memory_space<vmem>>, vector<16xf32>,
      %mul3A_312 = arith.constant 128 : i32
      %mul3A_313 = arith.muli %scan3A_202, %mul3A_312 : i32
      %add3A_314 = arith.constant 80 : i32
      %add3A_315 = arith.addi %mul3A_313, %add3A_314 : i32
      %swap3A_316 = arith.constant 1 : i32
      %swap3A_317 = arith.index_cast %swap3A_316 : i32 to index
      %swap3A_318 = arith.index_cast %add3A_315 : i32 to index
      %swap3A_319 = tpu.vector_load %arg7[%swap3A_317, %swap3A_318] {strides = array<i32>} : memref<2x4096xf32, #tpu.memory_space<vmem>>, vector<16xf32>,
      tpu.vector_store %arg7[%swap3A_317, %swap3A_318], %gather3A_270 {strides = array<i32>} : memref<2x4096xf32, #tpu.memory_space<vmem>>, vector<16xf32>,
      %mul3A_320 = arith.constant 128 : i32
      %mul3A_321 = arith.muli %scan3A_202, %mul3A_320 : i32
      %add3A_322 = arith.constant 96 : i32
      %add3A_323 = arith.addi %mul3A_321, %add3A_322 : i32
      %swap3A_324 = arith.constant 1 : i32
      %swap3A_325 = arith.index_cast %swap3A_324 : i32 to index
      %swap3A_326 = arith.index_cast %add3A_323 : i32 to index
      %swap3A_327 = tpu.vector_load %arg7[%swap3A_325, %swap3A_326] {strides = array<i32>} : memref<2x4096xf32, #tpu.memory_space<vmem>>, vector<16xf32>,
      tpu.vector_store %arg7[%swap3A_325, %swap3A_326], %gather3A_271 {strides = array<i32>} : memref<2x4096xf32, #tpu.memory_space<vmem>>, vector<16xf32>,
      %mul3A_328 = arith.constant 128 : i32
      %mul3A_329 = arith.muli %scan3A_202, %mul3A_328 : i32
      %add3A_330 = arith.constant 112 : i32
      %add3A_331 = arith.addi %mul3A_329, %add3A_330 : i32
      %swap3A_332 = arith.constant 1 : i32
      %swap3A_333 = arith.index_cast %swap3A_332 : i32 to index
      %swap3A_334 = arith.index_cast %add3A_331 : i32 to index
      %swap3A_335 = tpu.vector_load %arg7[%swap3A_333, %swap3A_334] {strides = array<i32>} : memref<2x4096xf32, #tpu.memory_space<vmem>>, vector<16xf32>,
      tpu.vector_store %arg7[%swap3A_333, %swap3A_334], %gather3A_272 {strides = array<i32>} : memref<2x4096xf32, #tpu.memory_space<vmem>>, vector<16xf32>,
      %scan3A_336 = arith.constant 1 : i32
      %scan3A_337 = arith.addi %scan3A_202, %scan3A_336 : i32
      %mul3A_338 = arith.constant 128 : i32
      %mul3A_339 = arith.muli %scan3A_337, %mul3A_338 : i32
      %add3A_340 = arith.constant 4096 : i32
      %add3A_341 = arith.addi %add3A_340, %mul3A_339 : i32
      %add3A_342 = arith.constant 0 : i32
      %add3A_343 = arith.addi %add3A_341, %add3A_342 : i32
      %get3A_344 = arith.index_cast %add3A_343 : i32 to index
      %get3A_345 = tpu.vector_load %arg6[%get3A_344] {strides = array<i32>} : memref<16384xi32, #tpu.memory_space<vmem>>, vector<16xi32>,
      %mul3A_346 = arith.constant 128 : i32
      %mul3A_347 = arith.muli %scan3A_337, %mul3A_346 : i32
      %add3A_348 = arith.constant 4096 : i32
      %add3A_349 = arith.addi %add3A_348, %mul3A_347 : i32
      %add3A_350 = arith.constant 16 : i32
      %add3A_351 = arith.addi %add3A_349, %add3A_350 : i32
      %get3A_352 = arith.index_cast %add3A_351 : i32 to index
      %get3A_353 = tpu.vector_load %arg6[%get3A_352] {strides = array<i32>} : memref<16384xi32, #tpu.memory_space<vmem>>, vector<16xi32>,
      %mul3A_354 = arith.constant 128 : i32
      %mul3A_355 = arith.muli %scan3A_337, %mul3A_354 : i32
      %add3A_356 = arith.constant 4096 : i32
      %add3A_357 = arith.addi %add3A_356, %mul3A_355 : i32
      %add3A_358 = arith.constant 32 : i32
      %add3A_359 = arith.addi %add3A_357, %add3A_358 : i32
      %get3A_360 = arith.index_cast %add3A_359 : i32 to index
      %get3A_361 = tpu.vector_load %arg6[%get3A_360] {strides = array<i32>} : memref<16384xi32, #tpu.memory_space<vmem>>, vector<16xi32>,
      %mul3A_362 = arith.constant 128 : i32
      %mul3A_363 = arith.muli %scan3A_337, %mul3A_362 : i32
      %add3A_364 = arith.constant 4096 : i32
      %add3A_365 = arith.addi %add3A_364, %mul3A_363 : i32
      %add3A_366 = arith.constant 48 : i32
      %add3A_367 = arith.addi %add3A_365, %add3A_366 : i32
      %get3A_368 = arith.index_cast %add3A_367 : i32 to index
      %get3A_369 = tpu.vector_load %arg6[%get3A_368] {strides = array<i32>} : memref<16384xi32, #tpu.memory_space<vmem>>, vector<16xi32>,
      %mul3A_370 = arith.constant 128 : i32
      %mul3A_371 = arith.muli %scan3A_337, %mul3A_370 : i32
      %add3A_372 = arith.constant 4096 : i32
      %add3A_373 = arith.addi %add3A_372, %mul3A_371 : i32
      %add3A_374 = arith.constant 64 : i32
      %add3A_375 = arith.addi %add3A_373, %add3A_374 : i32
      %get3A_376 = arith.index_cast %add3A_375 : i32 to index
      %get3A_377 = tpu.vector_load %arg6[%get3A_376] {strides = array<i32>} : memref<16384xi32, #tpu.memory_space<vmem>>, vector<16xi32>,
      %mul3A_378 = arith.constant 128 : i32
      %mul3A_379 = arith.muli %scan3A_337, %mul3A_378 : i32
      %add3A_380 = arith.constant 4096 : i32
      %add3A_381 = arith.addi %add3A_380, %mul3A_379 : i32
      %add3A_382 = arith.constant 80 : i32
      %add3A_383 = arith.addi %add3A_381, %add3A_382 : i32
      %get3A_384 = arith.index_cast %add3A_383 : i32 to index
      %get3A_385 = tpu.vector_load %arg6[%get3A_384] {strides = array<i32>} : memref<16384xi32, #tpu.memory_space<vmem>>, vector<16xi32>,
      %mul3A_386 = arith.constant 128 : i32
      %mul3A_387 = arith.muli %scan3A_337, %mul3A_386 : i32
      %add3A_388 = arith.constant 4096 : i32
      %add3A_389 = arith.addi %add3A_388, %mul3A_387 : i32
      %add3A_390 = arith.constant 96 : i32
      %add3A_391 = arith.addi %add3A_389, %add3A_390 : i32
      %get3A_392 = arith.index_cast %add3A_391 : i32 to index
      %get3A_393 = tpu.vector_load %arg6[%get3A_392] {strides = array<i32>} : memref<16384xi32, #tpu.memory_space<vmem>>, vector<16xi32>,
      %mul3A_394 = arith.constant 128 : i32
      %mul3A_395 = arith.muli %scan3A_337, %mul3A_394 : i32
      %add3A_396 = arith.constant 4096 : i32
      %add3A_397 = arith.addi %add3A_396, %mul3A_395 : i32
      %add3A_398 = arith.constant 112 : i32
      %add3A_399 = arith.addi %add3A_397, %add3A_398 : i32
      %get3A_400 = arith.index_cast %add3A_399 : i32 to index
      %get3A_401 = tpu.vector_load %arg6[%get3A_400] {strides = array<i32>} : memref<16384xi32, #tpu.memory_space<vmem>>, vector<16xi32>,
      %gather3A_402 = tpu.vector_load_idx %arg5[%get3A_345] : memref<100001xf32, #tpu.memory_space<vmem>>[vector<16xi32>], vector<16xf32>,
      %gather3A_403 = tpu.vector_load_idx %arg5[%get3A_353] : memref<100001xf32, #tpu.memory_space<vmem>>[vector<16xi32>], vector<16xf32>,
      %gather3A_404 = tpu.vector_load_idx %arg5[%get3A_361] : memref<100001xf32, #tpu.memory_space<vmem>>[vector<16xi32>], vector<16xf32>,
      %gather3A_405 = tpu.vector_load_idx %arg5[%get3A_369] : memref<100001xf32, #tpu.memory_space<vmem>>[vector<16xi32>], vector<16xf32>,
      %gather3A_406 = tpu.vector_load_idx %arg5[%get3A_377] : memref<100001xf32, #tpu.memory_space<vmem>>[vector<16xi32>], vector<16xf32>,
      %gather3A_407 = tpu.vector_load_idx %arg5[%get3A_385] : memref<100001xf32, #tpu.memory_space<vmem>>[vector<16xi32>], vector<16xf32>,
      %gather3A_408 = tpu.vector_load_idx %arg5[%get3A_393] : memref<100001xf32, #tpu.memory_space<vmem>>[vector<16xi32>], vector<16xf32>,
      %gather3A_409 = tpu.vector_load_idx %arg5[%get3A_401] : memref<100001xf32, #tpu.memory_space<vmem>>[vector<16xi32>], vector<16xf32>,
      %mul3A_410 = arith.constant 128 : i32
      %mul3A_411 = arith.muli %scan3A_337, %mul3A_410 : i32
      %add3A_412 = arith.constant 0 : i32
      %add3A_413 = arith.addi %mul3A_411, %add3A_412 : i32
      %swap3A_414 = arith.constant 1 : i32
      %swap3A_415 = arith.index_cast %swap3A_414 : i32 to index
      %swap3A_416 = arith.index_cast %add3A_413 : i32 to index
      %swap3A_417 = tpu.vector_load %arg7[%swap3A_415, %swap3A_416] {strides = array<i32>} : memref<2x4096xf32, #tpu.memory_space<vmem>>, vector<16xf32>,
      tpu.vector_store %arg7[%swap3A_415, %swap3A_416], %gather3A_402 {strides = array<i32>} : memref<2x4096xf32, #tpu.memory_space<vmem>>, vector<16xf32>,
      %mul3A_418 = arith.constant 128 : i32
      %mul3A_419 = arith.muli %scan3A_337, %mul3A_418 : i32
      %add3A_420 = arith.constant 16 : i32
      %add3A_421 = arith.addi %mul3A_419, %add3A_420 : i32
      %swap3A_422 = arith.constant 1 : i32
      %swap3A_423 = arith.index_cast %swap3A_422 : i32 to index
      %swap3A_424 = arith.index_cast %add3A_421 : i32 to index
      %swap3A_425 = tpu.vector_load %arg7[%swap3A_423, %swap3A_424] {strides = array<i32>} : memref<2x4096xf32, #tpu.memory_space<vmem>>, vector<16xf32>,
      tpu.vector_store %arg7[%swap3A_423, %swap3A_424], %gather3A_403 {strides = array<i32>} : memref<2x4096xf32, #tpu.memory_space<vmem>>, vector<16xf32>,
      %mul3A_426 = arith.constant 128 : i32
      %mul3A_427 = arith.muli %scan3A_337, %mul3A_426 : i32
      %add3A_428 = arith.constant 32 : i32
      %add3A_429 = arith.addi %mul3A_427, %add3A_428 : i32
      %swap3A_430 = arith.constant 1 : i32
      %swap3A_431 = arith.index_cast %swap3A_430 : i32 to index
      %swap3A_432 = arith.index_cast %add3A_429 : i32 to index
      %swap3A_433 = tpu.vector_load %arg7[%swap3A_431, %swap3A_432] {strides = array<i32>} : memref<2x4096xf32, #tpu.memory_space<vmem>>, vector<16xf32>,
      tpu.vector_store %arg7[%swap3A_431, %swap3A_432], %gather3A_404 {strides = array<i32>} : memref<2x4096xf32, #tpu.memory_space<vmem>>, vector<16xf32>,
      %mul3A_434 = arith.constant 128 : i32
      %mul3A_435 = arith.muli %scan3A_337, %mul3A_434 : i32
      %add3A_436 = arith.constant 48 : i32
      %add3A_437 = arith.addi %mul3A_435, %add3A_436 : i32
      %swap3A_438 = arith.constant 1 : i32
      %swap3A_439 = arith.index_cast %swap3A_438 : i32 to index
      %swap3A_440 = arith.index_cast %add3A_437 : i32 to index
      %swap3A_441 = tpu.vector_load %arg7[%swap3A_439, %swap3A_440] {strides = array<i32>} : memref<2x4096xf32, #tpu.memory_space<vmem>>, vector<16xf32>,
      tpu.vector_store %arg7[%swap3A_439, %swap3A_440], %gather3A_405 {strides = array<i32>} : memref<2x4096xf32, #tpu.memory_space<vmem>>, vector<16xf32>,
      %mul3A_442 = arith.constant 128 : i32
      %mul3A_443 = arith.muli %scan3A_337, %mul3A_442 : i32
      %add3A_444 = arith.constant 64 : i32
      %add3A_445 = arith.addi %mul3A_443, %add3A_444 : i32
      %swap3A_446 = arith.constant 1 : i32
      %swap3A_447 = arith.index_cast %swap3A_446 : i32 to index
      %swap3A_448 = arith.index_cast %add3A_445 : i32 to index
      %swap3A_449 = tpu.vector_load %arg7[%swap3A_447, %swap3A_448] {strides = array<i32>} : memref<2x4096xf32, #tpu.memory_space<vmem>>, vector<16xf32>,
      tpu.vector_store %arg7[%swap3A_447, %swap3A_448], %gather3A_406 {strides = array<i32>} : memref<2x4096xf32, #tpu.memory_space<vmem>>, vector<16xf32>,
      %mul3A_450 = arith.constant 128 : i32
      %mul3A_451 = arith.muli %scan3A_337, %mul3A_450 : i32
      %add3A_452 = arith.constant 80 : i32
      %add3A_453 = arith.addi %mul3A_451, %add3A_452 : i32
      %swap3A_454 = arith.constant 1 : i32
      %swap3A_455 = arith.index_cast %swap3A_454 : i32 to index
      %swap3A_456 = arith.index_cast %add3A_453 : i32 to index
      %swap3A_457 = tpu.vector_load %arg7[%swap3A_455, %swap3A_456] {strides = array<i32>} : memref<2x4096xf32, #tpu.memory_space<vmem>>, vector<16xf32>,
      tpu.vector_store %arg7[%swap3A_455, %swap3A_456], %gather3A_407 {strides = array<i32>} : memref<2x4096xf32, #tpu.memory_space<vmem>>, vector<16xf32>,
      %mul3A_458 = arith.constant 128 : i32
      %mul3A_459 = arith.muli %scan3A_337, %mul3A_458 : i32
      %add3A_460 = arith.constant 96 : i32
      %add3A_461 = arith.addi %mul3A_459, %add3A_460 : i32
      %swap3A_462 = arith.constant 1 : i32
      %swap3A_463 = arith.index_cast %swap3A_462 : i32 to index
      %swap3A_464 = arith.index_cast %add3A_461 : i32 to index
      %swap3A_465 = tpu.vector_load %arg7[%swap3A_463, %swap3A_464] {strides = array<i32>} : memref<2x4096xf32, #tpu.memory_space<vmem>>, vector<16xf32>,
      tpu.vector_store %arg7[%swap3A_463, %swap3A_464], %gather3A_408 {strides = array<i32>} : memref<2x4096xf32, #tpu.memory_space<vmem>>, vector<16xf32>,
      %mul3A_466 = arith.constant 128 : i32
      %mul3A_467 = arith.muli %scan3A_337, %mul3A_466 : i32
      %add3A_468 = arith.constant 112 : i32
      %add3A_469 = arith.addi %mul3A_467, %add3A_468 : i32
      %swap3A_470 = arith.constant 1 : i32
      %swap3A_471 = arith.index_cast %swap3A_470 : i32 to index
      %swap3A_472 = arith.index_cast %add3A_469 : i32 to index
      %swap3A_473 = tpu.vector_load %arg7[%swap3A_471, %swap3A_472] {strides = array<i32>} : memref<2x4096xf32, #tpu.memory_space<vmem>>, vector<16xf32>,
      tpu.vector_store %arg7[%swap3A_471, %swap3A_472], %gather3A_409 {strides = array<i32>} : memref<2x4096xf32, #tpu.memory_space<vmem>>, vector<16xf32>,
      %scan3A_474 = arith.constant 2 : i32
      %scan3A_475 = arith.addi %scan3A_202, %scan3A_474 : i32
      %mul3A_476 = arith.constant 128 : i32
      %mul3A_477 = arith.muli %scan3A_475, %mul3A_476 : i32
      %add3A_478 = arith.constant 4096 : i32
      %add3A_479 = arith.addi %add3A_478, %mul3A_477 : i32
      %add3A_480 = arith.constant 0 : i32
      %add3A_481 = arith.addi %add3A_479, %add3A_480 : i32
      %get3A_482 = arith.index_cast %add3A_481 : i32 to index
      %get3A_483 = tpu.vector_load %arg6[%get3A_482] {strides = array<i32>} : memref<16384xi32, #tpu.memory_space<vmem>>, vector<16xi32>,
      %mul3A_484 = arith.constant 128 : i32
      %mul3A_485 = arith.muli %scan3A_475, %mul3A_484 : i32
      %add3A_486 = arith.constant 4096 : i32
      %add3A_487 = arith.addi %add3A_486, %mul3A_485 : i32
      %add3A_488 = arith.constant 16 : i32
      %add3A_489 = arith.addi %add3A_487, %add3A_488 : i32
      %get3A_490 = arith.index_cast %add3A_489 : i32 to index
      %get3A_491 = tpu.vector_load %arg6[%get3A_490] {strides = array<i32>} : memref<16384xi32, #tpu.memory_space<vmem>>, vector<16xi32>,
      %mul3A_492 = arith.constant 128 : i32
      %mul3A_493 = arith.muli %scan3A_475, %mul3A_492 : i32
      %add3A_494 = arith.constant 4096 : i32
      %add3A_495 = arith.addi %add3A_494, %mul3A_493 : i32
      %add3A_496 = arith.constant 32 : i32
      %add3A_497 = arith.addi %add3A_495, %add3A_496 : i32
      %get3A_498 = arith.index_cast %add3A_497 : i32 to index
      %get3A_499 = tpu.vector_load %arg6[%get3A_498] {strides = array<i32>} : memref<16384xi32, #tpu.memory_space<vmem>>, vector<16xi32>,
      %mul3A_500 = arith.constant 128 : i32
      %mul3A_501 = arith.muli %scan3A_475, %mul3A_500 : i32
      %add3A_502 = arith.constant 4096 : i32
      %add3A_503 = arith.addi %add3A_502, %mul3A_501 : i32
      %add3A_504 = arith.constant 48 : i32
      %add3A_505 = arith.addi %add3A_503, %add3A_504 : i32
      %get3A_506 = arith.index_cast %add3A_505 : i32 to index
      %get3A_507 = tpu.vector_load %arg6[%get3A_506] {strides = array<i32>} : memref<16384xi32, #tpu.memory_space<vmem>>, vector<16xi32>,
      %mul3A_508 = arith.constant 128 : i32
      %mul3A_509 = arith.muli %scan3A_475, %mul3A_508 : i32
      %add3A_510 = arith.constant 4096 : i32
      %add3A_511 = arith.addi %add3A_510, %mul3A_509 : i32
      %add3A_512 = arith.constant 64 : i32
      %add3A_513 = arith.addi %add3A_511, %add3A_512 : i32
      %get3A_514 = arith.index_cast %add3A_513 : i32 to index
      %get3A_515 = tpu.vector_load %arg6[%get3A_514] {strides = array<i32>} : memref<16384xi32, #tpu.memory_space<vmem>>, vector<16xi32>,
      %mul3A_516 = arith.constant 128 : i32
      %mul3A_517 = arith.muli %scan3A_475, %mul3A_516 : i32
      %add3A_518 = arith.constant 4096 : i32
      %add3A_519 = arith.addi %add3A_518, %mul3A_517 : i32
      %add3A_520 = arith.constant 80 : i32
      %add3A_521 = arith.addi %add3A_519, %add3A_520 : i32
      %get3A_522 = arith.index_cast %add3A_521 : i32 to index
      %get3A_523 = tpu.vector_load %arg6[%get3A_522] {strides = array<i32>} : memref<16384xi32, #tpu.memory_space<vmem>>, vector<16xi32>,
      %mul3A_524 = arith.constant 128 : i32
      %mul3A_525 = arith.muli %scan3A_475, %mul3A_524 : i32
      %add3A_526 = arith.constant 4096 : i32
      %add3A_527 = arith.addi %add3A_526, %mul3A_525 : i32
      %add3A_528 = arith.constant 96 : i32
      %add3A_529 = arith.addi %add3A_527, %add3A_528 : i32
      %get3A_530 = arith.index_cast %add3A_529 : i32 to index
      %get3A_531 = tpu.vector_load %arg6[%get3A_530] {strides = array<i32>} : memref<16384xi32, #tpu.memory_space<vmem>>, vector<16xi32>,
      %mul3A_532 = arith.constant 128 : i32
      %mul3A_533 = arith.muli %scan3A_475, %mul3A_532 : i32
      %add3A_534 = arith.constant 4096 : i32
      %add3A_535 = arith.addi %add3A_534, %mul3A_533 : i32
      %add3A_536 = arith.constant 112 : i32
      %add3A_537 = arith.addi %add3A_535, %add3A_536 : i32
      %get3A_538 = arith.index_cast %add3A_537 : i32 to index
      %get3A_539 = tpu.vector_load %arg6[%get3A_538] {strides = array<i32>} : memref<16384xi32, #tpu.memory_space<vmem>>, vector<16xi32>,
      %gather3A_540 = tpu.vector_load_idx %arg5[%get3A_483] : memref<100001xf32, #tpu.memory_space<vmem>>[vector<16xi32>], vector<16xf32>,
      %gather3A_541 = tpu.vector_load_idx %arg5[%get3A_491] : memref<100001xf32, #tpu.memory_space<vmem>>[vector<16xi32>], vector<16xf32>,
      %gather3A_542 = tpu.vector_load_idx %arg5[%get3A_499] : memref<100001xf32, #tpu.memory_space<vmem>>[vector<16xi32>], vector<16xf32>,
      %gather3A_543 = tpu.vector_load_idx %arg5[%get3A_507] : memref<100001xf32, #tpu.memory_space<vmem>>[vector<16xi32>], vector<16xf32>,
      %gather3A_544 = tpu.vector_load_idx %arg5[%get3A_515] : memref<100001xf32, #tpu.memory_space<vmem>>[vector<16xi32>], vector<16xf32>,
      %gather3A_545 = tpu.vector_load_idx %arg5[%get3A_523] : memref<100001xf32, #tpu.memory_space<vmem>>[vector<16xi32>], vector<16xf32>,
      %gather3A_546 = tpu.vector_load_idx %arg5[%get3A_531] : memref<100001xf32, #tpu.memory_space<vmem>>[vector<16xi32>], vector<16xf32>,
      %gather3A_547 = tpu.vector_load_idx %arg5[%get3A_539] : memref<100001xf32, #tpu.memory_space<vmem>>[vector<16xi32>], vector<16xf32>,
      %mul3A_548 = arith.constant 128 : i32
      %mul3A_549 = arith.muli %scan3A_475, %mul3A_548 : i32
      %add3A_550 = arith.constant 0 : i32
      %add3A_551 = arith.addi %mul3A_549, %add3A_550 : i32
      %swap3A_552 = arith.constant 1 : i32
      %swap3A_553 = arith.index_cast %swap3A_552 : i32 to index
      %swap3A_554 = arith.index_cast %add3A_551 : i32 to index
      %swap3A_555 = tpu.vector_load %arg7[%swap3A_553, %swap3A_554] {strides = array<i32>} : memref<2x4096xf32, #tpu.memory_space<vmem>>, vector<16xf32>,
      tpu.vector_store %arg7[%swap3A_553, %swap3A_554], %gather3A_540 {strides = array<i32>} : memref<2x4096xf32, #tpu.memory_space<vmem>>, vector<16xf32>,
      %mul3A_556 = arith.constant 128 : i32
      %mul3A_557 = arith.muli %scan3A_475, %mul3A_556 : i32
      %add3A_558 = arith.constant 16 : i32
      %add3A_559 = arith.addi %mul3A_557, %add3A_558 : i32
      %swap3A_560 = arith.constant 1 : i32
      %swap3A_561 = arith.index_cast %swap3A_560 : i32 to index
      %swap3A_562 = arith.index_cast %add3A_559 : i32 to index
      %swap3A_563 = tpu.vector_load %arg7[%swap3A_561, %swap3A_562] {strides = array<i32>} : memref<2x4096xf32, #tpu.memory_space<vmem>>, vector<16xf32>,
      tpu.vector_store %arg7[%swap3A_561, %swap3A_562], %gather3A_541 {strides = array<i32>} : memref<2x4096xf32, #tpu.memory_space<vmem>>, vector<16xf32>,
      %mul3A_564 = arith.constant 128 : i32
      %mul3A_565 = arith.muli %scan3A_475, %mul3A_564 : i32
      %add3A_566 = arith.constant 32 : i32
      %add3A_567 = arith.addi %mul3A_565, %add3A_566 : i32
      %swap3A_568 = arith.constant 1 : i32
      %swap3A_569 = arith.index_cast %swap3A_568 : i32 to index
      %swap3A_570 = arith.index_cast %add3A_567 : i32 to index
      %swap3A_571 = tpu.vector_load %arg7[%swap3A_569, %swap3A_570] {strides = array<i32>} : memref<2x4096xf32, #tpu.memory_space<vmem>>, vector<16xf32>,
      tpu.vector_store %arg7[%swap3A_569, %swap3A_570], %gather3A_542 {strides = array<i32>} : memref<2x4096xf32, #tpu.memory_space<vmem>>, vector<16xf32>,
      %mul3A_572 = arith.constant 128 : i32
      %mul3A_573 = arith.muli %scan3A_475, %mul3A_572 : i32
      %add3A_574 = arith.constant 48 : i32
      %add3A_575 = arith.addi %mul3A_573, %add3A_574 : i32
      %swap3A_576 = arith.constant 1 : i32
      %swap3A_577 = arith.index_cast %swap3A_576 : i32 to index
      %swap3A_578 = arith.index_cast %add3A_575 : i32 to index
      %swap3A_579 = tpu.vector_load %arg7[%swap3A_577, %swap3A_578] {strides = array<i32>} : memref<2x4096xf32, #tpu.memory_space<vmem>>, vector<16xf32>,
      tpu.vector_store %arg7[%swap3A_577, %swap3A_578], %gather3A_543 {strides = array<i32>} : memref<2x4096xf32, #tpu.memory_space<vmem>>, vector<16xf32>,
      %mul3A_580 = arith.constant 128 : i32
      %mul3A_581 = arith.muli %scan3A_475, %mul3A_580 : i32
      %add3A_582 = arith.constant 64 : i32
      %add3A_583 = arith.addi %mul3A_581, %add3A_582 : i32
      %swap3A_584 = arith.constant 1 : i32
      %swap3A_585 = arith.index_cast %swap3A_584 : i32 to index
      %swap3A_586 = arith.index_cast %add3A_583 : i32 to index
      %swap3A_587 = tpu.vector_load %arg7[%swap3A_585, %swap3A_586] {strides = array<i32>} : memref<2x4096xf32, #tpu.memory_space<vmem>>, vector<16xf32>,
      tpu.vector_store %arg7[%swap3A_585, %swap3A_586], %gather3A_544 {strides = array<i32>} : memref<2x4096xf32, #tpu.memory_space<vmem>>, vector<16xf32>,
      %mul3A_588 = arith.constant 128 : i32
      %mul3A_589 = arith.muli %scan3A_475, %mul3A_588 : i32
      %add3A_590 = arith.constant 80 : i32
      %add3A_591 = arith.addi %mul3A_589, %add3A_590 : i32
      %swap3A_592 = arith.constant 1 : i32
      %swap3A_593 = arith.index_cast %swap3A_592 : i32 to index
      %swap3A_594 = arith.index_cast %add3A_591 : i32 to index
      %swap3A_595 = tpu.vector_load %arg7[%swap3A_593, %swap3A_594] {strides = array<i32>} : memref<2x4096xf32, #tpu.memory_space<vmem>>, vector<16xf32>,
      tpu.vector_store %arg7[%swap3A_593, %swap3A_594], %gather3A_545 {strides = array<i32>} : memref<2x4096xf32, #tpu.memory_space<vmem>>, vector<16xf32>,
      %mul3A_596 = arith.constant 128 : i32
      %mul3A_597 = arith.muli %scan3A_475, %mul3A_596 : i32
      %add3A_598 = arith.constant 96 : i32
      %add3A_599 = arith.addi %mul3A_597, %add3A_598 : i32
      %swap3A_600 = arith.constant 1 : i32
      %swap3A_601 = arith.index_cast %swap3A_600 : i32 to index
      %swap3A_602 = arith.index_cast %add3A_599 : i32 to index
      %swap3A_603 = tpu.vector_load %arg7[%swap3A_601, %swap3A_602] {strides = array<i32>} : memref<2x4096xf32, #tpu.memory_space<vmem>>, vector<16xf32>,
      tpu.vector_store %arg7[%swap3A_601, %swap3A_602], %gather3A_546 {strides = array<i32>} : memref<2x4096xf32, #tpu.memory_space<vmem>>, vector<16xf32>,
      %mul3A_604 = arith.constant 128 : i32
      %mul3A_605 = arith.muli %scan3A_475, %mul3A_604 : i32
      %add3A_606 = arith.constant 112 : i32
      %add3A_607 = arith.addi %mul3A_605, %add3A_606 : i32
      %swap3A_608 = arith.constant 1 : i32
      %swap3A_609 = arith.index_cast %swap3A_608 : i32 to index
      %swap3A_610 = arith.index_cast %add3A_607 : i32 to index
      %swap3A_611 = tpu.vector_load %arg7[%swap3A_609, %swap3A_610] {strides = array<i32>} : memref<2x4096xf32, #tpu.memory_space<vmem>>, vector<16xf32>,
      tpu.vector_store %arg7[%swap3A_609, %swap3A_610], %gather3A_547 {strides = array<i32>} : memref<2x4096xf32, #tpu.memory_space<vmem>>, vector<16xf32>,
      %scan3A_612 = arith.constant 3 : i32
      %scan3A_613 = arith.addi %scan3A_202, %scan3A_612 : i32
      %mul3A_614 = arith.constant 128 : i32
      %mul3A_615 = arith.muli %scan3A_613, %mul3A_614 : i32
      %add3A_616 = arith.constant 4096 : i32
      %add3A_617 = arith.addi %add3A_616, %mul3A_615 : i32
      %add3A_618 = arith.constant 0 : i32
      %add3A_619 = arith.addi %add3A_617, %add3A_618 : i32
      %get3A_620 = arith.index_cast %add3A_619 : i32 to index
      %get3A_621 = tpu.vector_load %arg6[%get3A_620] {strides = array<i32>} : memref<16384xi32, #tpu.memory_space<vmem>>, vector<16xi32>,
      %mul3A_622 = arith.constant 128 : i32
      %mul3A_623 = arith.muli %scan3A_613, %mul3A_622 : i32
      %add3A_624 = arith.constant 4096 : i32
      %add3A_625 = arith.addi %add3A_624, %mul3A_623 : i32
      %add3A_626 = arith.constant 16 : i32
      %add3A_627 = arith.addi %add3A_625, %add3A_626 : i32
      %get3A_628 = arith.index_cast %add3A_627 : i32 to index
      %get3A_629 = tpu.vector_load %arg6[%get3A_628] {strides = array<i32>} : memref<16384xi32, #tpu.memory_space<vmem>>, vector<16xi32>,
      %mul3A_630 = arith.constant 128 : i32
      %mul3A_631 = arith.muli %scan3A_613, %mul3A_630 : i32
      %add3A_632 = arith.constant 4096 : i32
      %add3A_633 = arith.addi %add3A_632, %mul3A_631 : i32
      %add3A_634 = arith.constant 32 : i32
      %add3A_635 = arith.addi %add3A_633, %add3A_634 : i32
      %get3A_636 = arith.index_cast %add3A_635 : i32 to index
      %get3A_637 = tpu.vector_load %arg6[%get3A_636] {strides = array<i32>} : memref<16384xi32, #tpu.memory_space<vmem>>, vector<16xi32>,
      %mul3A_638 = arith.constant 128 : i32
      %mul3A_639 = arith.muli %scan3A_613, %mul3A_638 : i32
      %add3A_640 = arith.constant 4096 : i32
      %add3A_641 = arith.addi %add3A_640, %mul3A_639 : i32
      %add3A_642 = arith.constant 48 : i32
      %add3A_643 = arith.addi %add3A_641, %add3A_642 : i32
      %get3A_644 = arith.index_cast %add3A_643 : i32 to index
      %get3A_645 = tpu.vector_load %arg6[%get3A_644] {strides = array<i32>} : memref<16384xi32, #tpu.memory_space<vmem>>, vector<16xi32>,
      %mul3A_646 = arith.constant 128 : i32
      %mul3A_647 = arith.muli %scan3A_613, %mul3A_646 : i32
      %add3A_648 = arith.constant 4096 : i32
      %add3A_649 = arith.addi %add3A_648, %mul3A_647 : i32
      %add3A_650 = arith.constant 64 : i32
      %add3A_651 = arith.addi %add3A_649, %add3A_650 : i32
      %get3A_652 = arith.index_cast %add3A_651 : i32 to index
      %get3A_653 = tpu.vector_load %arg6[%get3A_652] {strides = array<i32>} : memref<16384xi32, #tpu.memory_space<vmem>>, vector<16xi32>,
      %mul3A_654 = arith.constant 128 : i32
      %mul3A_655 = arith.muli %scan3A_613, %mul3A_654 : i32
      %add3A_656 = arith.constant 4096 : i32
      %add3A_657 = arith.addi %add3A_656, %mul3A_655 : i32
      %add3A_658 = arith.constant 80 : i32
      %add3A_659 = arith.addi %add3A_657, %add3A_658 : i32
      %get3A_660 = arith.index_cast %add3A_659 : i32 to index
      %get3A_661 = tpu.vector_load %arg6[%get3A_660] {strides = array<i32>} : memref<16384xi32, #tpu.memory_space<vmem>>, vector<16xi32>,
      %mul3A_662 = arith.constant 128 : i32
      %mul3A_663 = arith.muli %scan3A_613, %mul3A_662 : i32
      %add3A_664 = arith.constant 4096 : i32
      %add3A_665 = arith.addi %add3A_664, %mul3A_663 : i32
      %add3A_666 = arith.constant 96 : i32
      %add3A_667 = arith.addi %add3A_665, %add3A_666 : i32
      %get3A_668 = arith.index_cast %add3A_667 : i32 to index
      %get3A_669 = tpu.vector_load %arg6[%get3A_668] {strides = array<i32>} : memref<16384xi32, #tpu.memory_space<vmem>>, vector<16xi32>,
      %mul3A_670 = arith.constant 128 : i32
      %mul3A_671 = arith.muli %scan3A_613, %mul3A_670 : i32
      %add3A_672 = arith.constant 4096 : i32
      %add3A_673 = arith.addi %add3A_672, %mul3A_671 : i32
      %add3A_674 = arith.constant 112 : i32
      %add3A_675 = arith.addi %add3A_673, %add3A_674 : i32
      %get3A_676 = arith.index_cast %add3A_675 : i32 to index
      %get3A_677 = tpu.vector_load %arg6[%get3A_676] {strides = array<i32>} : memref<16384xi32, #tpu.memory_space<vmem>>, vector<16xi32>,
      %gather3A_678 = tpu.vector_load_idx %arg5[%get3A_621] : memref<100001xf32, #tpu.memory_space<vmem>>[vector<16xi32>], vector<16xf32>,
      %gather3A_679 = tpu.vector_load_idx %arg5[%get3A_629] : memref<100001xf32, #tpu.memory_space<vmem>>[vector<16xi32>], vector<16xf32>,
      %gather3A_680 = tpu.vector_load_idx %arg5[%get3A_637] : memref<100001xf32, #tpu.memory_space<vmem>>[vector<16xi32>], vector<16xf32>,
      %gather3A_681 = tpu.vector_load_idx %arg5[%get3A_645] : memref<100001xf32, #tpu.memory_space<vmem>>[vector<16xi32>], vector<16xf32>,
      %gather3A_682 = tpu.vector_load_idx %arg5[%get3A_653] : memref<100001xf32, #tpu.memory_space<vmem>>[vector<16xi32>], vector<16xf32>,
      %gather3A_683 = tpu.vector_load_idx %arg5[%get3A_661] : memref<100001xf32, #tpu.memory_space<vmem>>[vector<16xi32>], vector<16xf32>,
      %gather3A_684 = tpu.vector_load_idx %arg5[%get3A_669] : memref<100001xf32, #tpu.memory_space<vmem>>[vector<16xi32>], vector<16xf32>,
      %gather3A_685 = tpu.vector_load_idx %arg5[%get3A_677] : memref<100001xf32, #tpu.memory_space<vmem>>[vector<16xi32>], vector<16xf32>,
      %mul3A_686 = arith.constant 128 : i32
      %mul3A_687 = arith.muli %scan3A_613, %mul3A_686 : i32
      %add3A_688 = arith.constant 0 : i32
      %add3A_689 = arith.addi %mul3A_687, %add3A_688 : i32
      %swap3A_690 = arith.constant 1 : i32
      %swap3A_691 = arith.index_cast %swap3A_690 : i32 to index
      %swap3A_692 = arith.index_cast %add3A_689 : i32 to index
      %swap3A_693 = tpu.vector_load %arg7[%swap3A_691, %swap3A_692] {strides = array<i32>} : memref<2x4096xf32, #tpu.memory_space<vmem>>, vector<16xf32>,
      tpu.vector_store %arg7[%swap3A_691, %swap3A_692], %gather3A_678 {strides = array<i32>} : memref<2x4096xf32, #tpu.memory_space<vmem>>, vector<16xf32>,
      %mul3A_694 = arith.constant 128 : i32
      %mul3A_695 = arith.muli %scan3A_613, %mul3A_694 : i32
      %add3A_696 = arith.constant 16 : i32
      %add3A_697 = arith.addi %mul3A_695, %add3A_696 : i32
      %swap3A_698 = arith.constant 1 : i32
      %swap3A_699 = arith.index_cast %swap3A_698 : i32 to index
      %swap3A_700 = arith.index_cast %add3A_697 : i32 to index
      %swap3A_701 = tpu.vector_load %arg7[%swap3A_699, %swap3A_700] {strides = array<i32>} : memref<2x4096xf32, #tpu.memory_space<vmem>>, vector<16xf32>,
      tpu.vector_store %arg7[%swap3A_699, %swap3A_700], %gather3A_679 {strides = array<i32>} : memref<2x4096xf32, #tpu.memory_space<vmem>>, vector<16xf32>,
      %mul3A_702 = arith.constant 128 : i32
      %mul3A_703 = arith.muli %scan3A_613, %mul3A_702 : i32
      %add3A_704 = arith.constant 32 : i32
      %add3A_705 = arith.addi %mul3A_703, %add3A_704 : i32
      %swap3A_706 = arith.constant 1 : i32
      %swap3A_707 = arith.index_cast %swap3A_706 : i32 to index
      %swap3A_708 = arith.index_cast %add3A_705 : i32 to index
      %swap3A_709 = tpu.vector_load %arg7[%swap3A_707, %swap3A_708] {strides = array<i32>} : memref<2x4096xf32, #tpu.memory_space<vmem>>, vector<16xf32>,
      tpu.vector_store %arg7[%swap3A_707, %swap3A_708], %gather3A_680 {strides = array<i32>} : memref<2x4096xf32, #tpu.memory_space<vmem>>, vector<16xf32>,
      %mul3A_710 = arith.constant 128 : i32
      %mul3A_711 = arith.muli %scan3A_613, %mul3A_710 : i32
      %add3A_712 = arith.constant 48 : i32
      %add3A_713 = arith.addi %mul3A_711, %add3A_712 : i32
      %swap3A_714 = arith.constant 1 : i32
      %swap3A_715 = arith.index_cast %swap3A_714 : i32 to index
      %swap3A_716 = arith.index_cast %add3A_713 : i32 to index
      %swap3A_717 = tpu.vector_load %arg7[%swap3A_715, %swap3A_716] {strides = array<i32>} : memref<2x4096xf32, #tpu.memory_space<vmem>>, vector<16xf32>,
      tpu.vector_store %arg7[%swap3A_715, %swap3A_716], %gather3A_681 {strides = array<i32>} : memref<2x4096xf32, #tpu.memory_space<vmem>>, vector<16xf32>,
      %mul3A_718 = arith.constant 128 : i32
      %mul3A_719 = arith.muli %scan3A_613, %mul3A_718 : i32
      %add3A_720 = arith.constant 64 : i32
      %add3A_721 = arith.addi %mul3A_719, %add3A_720 : i32
      %swap3A_722 = arith.constant 1 : i32
      %swap3A_723 = arith.index_cast %swap3A_722 : i32 to index
      %swap3A_724 = arith.index_cast %add3A_721 : i32 to index
      %swap3A_725 = tpu.vector_load %arg7[%swap3A_723, %swap3A_724] {strides = array<i32>} : memref<2x4096xf32, #tpu.memory_space<vmem>>, vector<16xf32>,
      tpu.vector_store %arg7[%swap3A_723, %swap3A_724], %gather3A_682 {strides = array<i32>} : memref<2x4096xf32, #tpu.memory_space<vmem>>, vector<16xf32>,
      %mul3A_726 = arith.constant 128 : i32
      %mul3A_727 = arith.muli %scan3A_613, %mul3A_726 : i32
      %add3A_728 = arith.constant 80 : i32
      %add3A_729 = arith.addi %mul3A_727, %add3A_728 : i32
      %swap3A_730 = arith.constant 1 : i32
      %swap3A_731 = arith.index_cast %swap3A_730 : i32 to index
      %swap3A_732 = arith.index_cast %add3A_729 : i32 to index
      %swap3A_733 = tpu.vector_load %arg7[%swap3A_731, %swap3A_732] {strides = array<i32>} : memref<2x4096xf32, #tpu.memory_space<vmem>>, vector<16xf32>,
      tpu.vector_store %arg7[%swap3A_731, %swap3A_732], %gather3A_683 {strides = array<i32>} : memref<2x4096xf32, #tpu.memory_space<vmem>>, vector<16xf32>,
      %mul3A_734 = arith.constant 128 : i32
      %mul3A_735 = arith.muli %scan3A_613, %mul3A_734 : i32
      %add3A_736 = arith.constant 96 : i32
      %add3A_737 = arith.addi %mul3A_735, %add3A_736 : i32
      %swap3A_738 = arith.constant 1 : i32
      %swap3A_739 = arith.index_cast %swap3A_738 : i32 to index
      %swap3A_740 = arith.index_cast %add3A_737 : i32 to index
      %swap3A_741 = tpu.vector_load %arg7[%swap3A_739, %swap3A_740] {strides = array<i32>} : memref<2x4096xf32, #tpu.memory_space<vmem>>, vector<16xf32>,
      tpu.vector_store %arg7[%swap3A_739, %swap3A_740], %gather3A_684 {strides = array<i32>} : memref<2x4096xf32, #tpu.memory_space<vmem>>, vector<16xf32>,
      %mul3A_742 = arith.constant 128 : i32
      %mul3A_743 = arith.muli %scan3A_613, %mul3A_742 : i32
      %add3A_744 = arith.constant 112 : i32
      %add3A_745 = arith.addi %mul3A_743, %add3A_744 : i32
      %swap3A_746 = arith.constant 1 : i32
      %swap3A_747 = arith.index_cast %swap3A_746 : i32 to index
      %swap3A_748 = arith.index_cast %add3A_745 : i32 to index
      %swap3A_749 = tpu.vector_load %arg7[%swap3A_747, %swap3A_748] {strides = array<i32>} : memref<2x4096xf32, #tpu.memory_space<vmem>>, vector<16xf32>,
      tpu.vector_store %arg7[%swap3A_747, %swap3A_748], %gather3A_685 {strides = array<i32>} : memref<2x4096xf32, #tpu.memory_space<vmem>>, vector<16xf32>,
      %scan3A_750 = arith.constant 4 : i32
      %scan3A_751 = arith.addi %scan3A_202, %scan3A_750 : i32
      %mul3A_752 = arith.constant 128 : i32
      %mul3A_753 = arith.muli %scan3A_751, %mul3A_752 : i32
      %add3A_754 = arith.constant 4096 : i32
      %add3A_755 = arith.addi %add3A_754, %mul3A_753 : i32
      %add3A_756 = arith.constant 0 : i32
      %add3A_757 = arith.addi %add3A_755, %add3A_756 : i32
      %get3A_758 = arith.index_cast %add3A_757 : i32 to index
      %get3A_759 = tpu.vector_load %arg6[%get3A_758] {strides = array<i32>} : memref<16384xi32, #tpu.memory_space<vmem>>, vector<16xi32>,
      %mul3A_760 = arith.constant 128 : i32
      %mul3A_761 = arith.muli %scan3A_751, %mul3A_760 : i32
      %add3A_762 = arith.constant 4096 : i32
      %add3A_763 = arith.addi %add3A_762, %mul3A_761 : i32
      %add3A_764 = arith.constant 16 : i32
      %add3A_765 = arith.addi %add3A_763, %add3A_764 : i32
      %get3A_766 = arith.index_cast %add3A_765 : i32 to index
      %get3A_767 = tpu.vector_load %arg6[%get3A_766] {strides = array<i32>} : memref<16384xi32, #tpu.memory_space<vmem>>, vector<16xi32>,
      %mul3A_768 = arith.constant 128 : i32
      %mul3A_769 = arith.muli %scan3A_751, %mul3A_768 : i32
      %add3A_770 = arith.constant 4096 : i32
      %add3A_771 = arith.addi %add3A_770, %mul3A_769 : i32
      %add3A_772 = arith.constant 32 : i32
      %add3A_773 = arith.addi %add3A_771, %add3A_772 : i32
      %get3A_774 = arith.index_cast %add3A_773 : i32 to index
      %get3A_775 = tpu.vector_load %arg6[%get3A_774] {strides = array<i32>} : memref<16384xi32, #tpu.memory_space<vmem>>, vector<16xi32>,
      %mul3A_776 = arith.constant 128 : i32
      %mul3A_777 = arith.muli %scan3A_751, %mul3A_776 : i32
      %add3A_778 = arith.constant 4096 : i32
      %add3A_779 = arith.addi %add3A_778, %mul3A_777 : i32
      %add3A_780 = arith.constant 48 : i32
      %add3A_781 = arith.addi %add3A_779, %add3A_780 : i32
      %get3A_782 = arith.index_cast %add3A_781 : i32 to index
      %get3A_783 = tpu.vector_load %arg6[%get3A_782] {strides = array<i32>} : memref<16384xi32, #tpu.memory_space<vmem>>, vector<16xi32>,
      %mul3A_784 = arith.constant 128 : i32
      %mul3A_785 = arith.muli %scan3A_751, %mul3A_784 : i32
      %add3A_786 = arith.constant 4096 : i32
      %add3A_787 = arith.addi %add3A_786, %mul3A_785 : i32
      %add3A_788 = arith.constant 64 : i32
      %add3A_789 = arith.addi %add3A_787, %add3A_788 : i32
      %get3A_790 = arith.index_cast %add3A_789 : i32 to index
      %get3A_791 = tpu.vector_load %arg6[%get3A_790] {strides = array<i32>} : memref<16384xi32, #tpu.memory_space<vmem>>, vector<16xi32>,
      %mul3A_792 = arith.constant 128 : i32
      %mul3A_793 = arith.muli %scan3A_751, %mul3A_792 : i32
      %add3A_794 = arith.constant 4096 : i32
      %add3A_795 = arith.addi %add3A_794, %mul3A_793 : i32
      %add3A_796 = arith.constant 80 : i32
      %add3A_797 = arith.addi %add3A_795, %add3A_796 : i32
      %get3A_798 = arith.index_cast %add3A_797 : i32 to index
      %get3A_799 = tpu.vector_load %arg6[%get3A_798] {strides = array<i32>} : memref<16384xi32, #tpu.memory_space<vmem>>, vector<16xi32>,
      %mul3A_800 = arith.constant 128 : i32
      %mul3A_801 = arith.muli %scan3A_751, %mul3A_800 : i32
      %add3A_802 = arith.constant 4096 : i32
      %add3A_803 = arith.addi %add3A_802, %mul3A_801 : i32
      %add3A_804 = arith.constant 96 : i32
      %add3A_805 = arith.addi %add3A_803, %add3A_804 : i32
      %get3A_806 = arith.index_cast %add3A_805 : i32 to index
      %get3A_807 = tpu.vector_load %arg6[%get3A_806] {strides = array<i32>} : memref<16384xi32, #tpu.memory_space<vmem>>, vector<16xi32>,
      %mul3A_808 = arith.constant 128 : i32
      %mul3A_809 = arith.muli %scan3A_751, %mul3A_808 : i32
      %add3A_810 = arith.constant 4096 : i32
      %add3A_811 = arith.addi %add3A_810, %mul3A_809 : i32
      %add3A_812 = arith.constant 112 : i32
      %add3A_813 = arith.addi %add3A_811, %add3A_812 : i32
      %get3A_814 = arith.index_cast %add3A_813 : i32 to index
      %get3A_815 = tpu.vector_load %arg6[%get3A_814] {strides = array<i32>} : memref<16384xi32, #tpu.memory_space<vmem>>, vector<16xi32>,
      %gather3A_816 = tpu.vector_load_idx %arg5[%get3A_759] : memref<100001xf32, #tpu.memory_space<vmem>>[vector<16xi32>], vector<16xf32>,
      %gather3A_817 = tpu.vector_load_idx %arg5[%get3A_767] : memref<100001xf32, #tpu.memory_space<vmem>>[vector<16xi32>], vector<16xf32>,
      %gather3A_818 = tpu.vector_load_idx %arg5[%get3A_775] : memref<100001xf32, #tpu.memory_space<vmem>>[vector<16xi32>], vector<16xf32>,
      %gather3A_819 = tpu.vector_load_idx %arg5[%get3A_783] : memref<100001xf32, #tpu.memory_space<vmem>>[vector<16xi32>], vector<16xf32>,
      %gather3A_820 = tpu.vector_load_idx %arg5[%get3A_791] : memref<100001xf32, #tpu.memory_space<vmem>>[vector<16xi32>], vector<16xf32>,
      %gather3A_821 = tpu.vector_load_idx %arg5[%get3A_799] : memref<100001xf32, #tpu.memory_space<vmem>>[vector<16xi32>], vector<16xf32>,
      %gather3A_822 = tpu.vector_load_idx %arg5[%get3A_807] : memref<100001xf32, #tpu.memory_space<vmem>>[vector<16xi32>], vector<16xf32>,
      %gather3A_823 = tpu.vector_load_idx %arg5[%get3A_815] : memref<100001xf32, #tpu.memory_space<vmem>>[vector<16xi32>], vector<16xf32>,
      %mul3A_824 = arith.constant 128 : i32
      %mul3A_825 = arith.muli %scan3A_751, %mul3A_824 : i32
      %add3A_826 = arith.constant 0 : i32
      %add3A_827 = arith.addi %mul3A_825, %add3A_826 : i32
      %swap3A_828 = arith.constant 1 : i32
      %swap3A_829 = arith.index_cast %swap3A_828 : i32 to index
      %swap3A_830 = arith.index_cast %add3A_827 : i32 to index
      %swap3A_831 = tpu.vector_load %arg7[%swap3A_829, %swap3A_830] {strides = array<i32>} : memref<2x4096xf32, #tpu.memory_space<vmem>>, vector<16xf32>,
      tpu.vector_store %arg7[%swap3A_829, %swap3A_830], %gather3A_816 {strides = array<i32>} : memref<2x4096xf32, #tpu.memory_space<vmem>>, vector<16xf32>,
      %mul3A_832 = arith.constant 128 : i32
      %mul3A_833 = arith.muli %scan3A_751, %mul3A_832 : i32
      %add3A_834 = arith.constant 16 : i32
      %add3A_835 = arith.addi %mul3A_833, %add3A_834 : i32
      %swap3A_836 = arith.constant 1 : i32
      %swap3A_837 = arith.index_cast %swap3A_836 : i32 to index
      %swap3A_838 = arith.index_cast %add3A_835 : i32 to index
      %swap3A_839 = tpu.vector_load %arg7[%swap3A_837, %swap3A_838] {strides = array<i32>} : memref<2x4096xf32, #tpu.memory_space<vmem>>, vector<16xf32>,
      tpu.vector_store %arg7[%swap3A_837, %swap3A_838], %gather3A_817 {strides = array<i32>} : memref<2x4096xf32, #tpu.memory_space<vmem>>, vector<16xf32>,
      %mul3A_840 = arith.constant 128 : i32
      %mul3A_841 = arith.muli %scan3A_751, %mul3A_840 : i32
      %add3A_842 = arith.constant 32 : i32
      %add3A_843 = arith.addi %mul3A_841, %add3A_842 : i32
      %swap3A_844 = arith.constant 1 : i32
      %swap3A_845 = arith.index_cast %swap3A_844 : i32 to index
      %swap3A_846 = arith.index_cast %add3A_843 : i32 to index
      %swap3A_847 = tpu.vector_load %arg7[%swap3A_845, %swap3A_846] {strides = array<i32>} : memref<2x4096xf32, #tpu.memory_space<vmem>>, vector<16xf32>,
      tpu.vector_store %arg7[%swap3A_845, %swap3A_846], %gather3A_818 {strides = array<i32>} : memref<2x4096xf32, #tpu.memory_space<vmem>>, vector<16xf32>,
      %mul3A_848 = arith.constant 128 : i32
      %mul3A_849 = arith.muli %scan3A_751, %mul3A_848 : i32
      %add3A_850 = arith.constant 48 : i32
      %add3A_851 = arith.addi %mul3A_849, %add3A_850 : i32
      %swap3A_852 = arith.constant 1 : i32
      %swap3A_853 = arith.index_cast %swap3A_852 : i32 to index
      %swap3A_854 = arith.index_cast %add3A_851 : i32 to index
      %swap3A_855 = tpu.vector_load %arg7[%swap3A_853, %swap3A_854] {strides = array<i32>} : memref<2x4096xf32, #tpu.memory_space<vmem>>, vector<16xf32>,
      tpu.vector_store %arg7[%swap3A_853, %swap3A_854], %gather3A_819 {strides = array<i32>} : memref<2x4096xf32, #tpu.memory_space<vmem>>, vector<16xf32>,
      %mul3A_856 = arith.constant 128 : i32
      %mul3A_857 = arith.muli %scan3A_751, %mul3A_856 : i32
      %add3A_858 = arith.constant 64 : i32
      %add3A_859 = arith.addi %mul3A_857, %add3A_858 : i32
      %swap3A_860 = arith.constant 1 : i32
      %swap3A_861 = arith.index_cast %swap3A_860 : i32 to index
      %swap3A_862 = arith.index_cast %add3A_859 : i32 to index
      %swap3A_863 = tpu.vector_load %arg7[%swap3A_861, %swap3A_862] {strides = array<i32>} : memref<2x4096xf32, #tpu.memory_space<vmem>>, vector<16xf32>,
      tpu.vector_store %arg7[%swap3A_861, %swap3A_862], %gather3A_820 {strides = array<i32>} : memref<2x4096xf32, #tpu.memory_space<vmem>>, vector<16xf32>,
      %mul3A_864 = arith.constant 128 : i32
      %mul3A_865 = arith.muli %scan3A_751, %mul3A_864 : i32
      %add3A_866 = arith.constant 80 : i32
      %add3A_867 = arith.addi %mul3A_865, %add3A_866 : i32
      %swap3A_868 = arith.constant 1 : i32
      %swap3A_869 = arith.index_cast %swap3A_868 : i32 to index
      %swap3A_870 = arith.index_cast %add3A_867 : i32 to index
      %swap3A_871 = tpu.vector_load %arg7[%swap3A_869, %swap3A_870] {strides = array<i32>} : memref<2x4096xf32, #tpu.memory_space<vmem>>, vector<16xf32>,
      tpu.vector_store %arg7[%swap3A_869, %swap3A_870], %gather3A_821 {strides = array<i32>} : memref<2x4096xf32, #tpu.memory_space<vmem>>, vector<16xf32>,
      %mul3A_872 = arith.constant 128 : i32
      %mul3A_873 = arith.muli %scan3A_751, %mul3A_872 : i32
      %add3A_874 = arith.constant 96 : i32
      %add3A_875 = arith.addi %mul3A_873, %add3A_874 : i32
      %swap3A_876 = arith.constant 1 : i32
      %swap3A_877 = arith.index_cast %swap3A_876 : i32 to index
      %swap3A_878 = arith.index_cast %add3A_875 : i32 to index
      %swap3A_879 = tpu.vector_load %arg7[%swap3A_877, %swap3A_878] {strides = array<i32>} : memref<2x4096xf32, #tpu.memory_space<vmem>>, vector<16xf32>,
      tpu.vector_store %arg7[%swap3A_877, %swap3A_878], %gather3A_822 {strides = array<i32>} : memref<2x4096xf32, #tpu.memory_space<vmem>>, vector<16xf32>,
      %mul3A_880 = arith.constant 128 : i32
      %mul3A_881 = arith.muli %scan3A_751, %mul3A_880 : i32
      %add3A_882 = arith.constant 112 : i32
      %add3A_883 = arith.addi %mul3A_881, %add3A_882 : i32
      %swap3A_884 = arith.constant 1 : i32
      %swap3A_885 = arith.index_cast %swap3A_884 : i32 to index
      %swap3A_886 = arith.index_cast %add3A_883 : i32 to index
      %swap3A_887 = tpu.vector_load %arg7[%swap3A_885, %swap3A_886] {strides = array<i32>} : memref<2x4096xf32, #tpu.memory_space<vmem>>, vector<16xf32>,
      tpu.vector_store %arg7[%swap3A_885, %swap3A_886], %gather3A_823 {strides = array<i32>} : memref<2x4096xf32, #tpu.memory_space<vmem>>, vector<16xf32>,
      %scan3A_888 = arith.constant 5 : i32
      %scan3A_889 = arith.addi %scan3A_202, %scan3A_888 : i32
      %mul3A_890 = arith.constant 128 : i32
      %mul3A_891 = arith.muli %scan3A_889, %mul3A_890 : i32
      %add3A_892 = arith.constant 4096 : i32
      %add3A_893 = arith.addi %add3A_892, %mul3A_891 : i32
      %add3A_894 = arith.constant 0 : i32
      %add3A_895 = arith.addi %add3A_893, %add3A_894 : i32
      %get3A_896 = arith.index_cast %add3A_895 : i32 to index
      %get3A_897 = tpu.vector_load %arg6[%get3A_896] {strides = array<i32>} : memref<16384xi32, #tpu.memory_space<vmem>>, vector<16xi32>,
      %mul3A_898 = arith.constant 128 : i32
      %mul3A_899 = arith.muli %scan3A_889, %mul3A_898 : i32
      %add3A_900 = arith.constant 4096 : i32
      %add3A_901 = arith.addi %add3A_900, %mul3A_899 : i32
      %add3A_902 = arith.constant 16 : i32
      %add3A_903 = arith.addi %add3A_901, %add3A_902 : i32
      %get3A_904 = arith.index_cast %add3A_903 : i32 to index
      %get3A_905 = tpu.vector_load %arg6[%get3A_904] {strides = array<i32>} : memref<16384xi32, #tpu.memory_space<vmem>>, vector<16xi32>,
      %mul3A_906 = arith.constant 128 : i32
      %mul3A_907 = arith.muli %scan3A_889, %mul3A_906 : i32
      %add3A_908 = arith.constant 4096 : i32
      %add3A_909 = arith.addi %add3A_908, %mul3A_907 : i32
      %add3A_910 = arith.constant 32 : i32
      %add3A_911 = arith.addi %add3A_909, %add3A_910 : i32
      %get3A_912 = arith.index_cast %add3A_911 : i32 to index
      %get3A_913 = tpu.vector_load %arg6[%get3A_912] {strides = array<i32>} : memref<16384xi32, #tpu.memory_space<vmem>>, vector<16xi32>,
      %mul3A_914 = arith.constant 128 : i32
      %mul3A_915 = arith.muli %scan3A_889, %mul3A_914 : i32
      %add3A_916 = arith.constant 4096 : i32
      %add3A_917 = arith.addi %add3A_916, %mul3A_915 : i32
      %add3A_918 = arith.constant 48 : i32
      %add3A_919 = arith.addi %add3A_917, %add3A_918 : i32
      %get3A_920 = arith.index_cast %add3A_919 : i32 to index
      %get3A_921 = tpu.vector_load %arg6[%get3A_920] {strides = array<i32>} : memref<16384xi32, #tpu.memory_space<vmem>>, vector<16xi32>,
      %mul3A_922 = arith.constant 128 : i32
      %mul3A_923 = arith.muli %scan3A_889, %mul3A_922 : i32
      %add3A_924 = arith.constant 4096 : i32
      %add3A_925 = arith.addi %add3A_924, %mul3A_923 : i32
      %add3A_926 = arith.constant 64 : i32
      %add3A_927 = arith.addi %add3A_925, %add3A_926 : i32
      %get3A_928 = arith.index_cast %add3A_927 : i32 to index
      %get3A_929 = tpu.vector_load %arg6[%get3A_928] {strides = array<i32>} : memref<16384xi32, #tpu.memory_space<vmem>>, vector<16xi32>,
      %mul3A_930 = arith.constant 128 : i32
      %mul3A_931 = arith.muli %scan3A_889, %mul3A_930 : i32
      %add3A_932 = arith.constant 4096 : i32
      %add3A_933 = arith.addi %add3A_932, %mul3A_931 : i32
      %add3A_934 = arith.constant 80 : i32
      %add3A_935 = arith.addi %add3A_933, %add3A_934 : i32
      %get3A_936 = arith.index_cast %add3A_935 : i32 to index
      %get3A_937 = tpu.vector_load %arg6[%get3A_936] {strides = array<i32>} : memref<16384xi32, #tpu.memory_space<vmem>>, vector<16xi32>,
      %mul3A_938 = arith.constant 128 : i32
      %mul3A_939 = arith.muli %scan3A_889, %mul3A_938 : i32
      %add3A_940 = arith.constant 4096 : i32
      %add3A_941 = arith.addi %add3A_940, %mul3A_939 : i32
      %add3A_942 = arith.constant 96 : i32
      %add3A_943 = arith.addi %add3A_941, %add3A_942 : i32
      %get3A_944 = arith.index_cast %add3A_943 : i32 to index
      %get3A_945 = tpu.vector_load %arg6[%get3A_944] {strides = array<i32>} : memref<16384xi32, #tpu.memory_space<vmem>>, vector<16xi32>,
      %mul3A_946 = arith.constant 128 : i32
      %mul3A_947 = arith.muli %scan3A_889, %mul3A_946 : i32
      %add3A_948 = arith.constant 4096 : i32
      %add3A_949 = arith.addi %add3A_948, %mul3A_947 : i32
      %add3A_950 = arith.constant 112 : i32
      %add3A_951 = arith.addi %add3A_949, %add3A_950 : i32
      %get3A_952 = arith.index_cast %add3A_951 : i32 to index
      %get3A_953 = tpu.vector_load %arg6[%get3A_952] {strides = array<i32>} : memref<16384xi32, #tpu.memory_space<vmem>>, vector<16xi32>,
      %gather3A_954 = tpu.vector_load_idx %arg5[%get3A_897] : memref<100001xf32, #tpu.memory_space<vmem>>[vector<16xi32>], vector<16xf32>,
      %gather3A_955 = tpu.vector_load_idx %arg5[%get3A_905] : memref<100001xf32, #tpu.memory_space<vmem>>[vector<16xi32>], vector<16xf32>,
      %gather3A_956 = tpu.vector_load_idx %arg5[%get3A_913] : memref<100001xf32, #tpu.memory_space<vmem>>[vector<16xi32>], vector<16xf32>,
      %gather3A_957 = tpu.vector_load_idx %arg5[%get3A_921] : memref<100001xf32, #tpu.memory_space<vmem>>[vector<16xi32>], vector<16xf32>,
      %gather3A_958 = tpu.vector_load_idx %arg5[%get3A_929] : memref<100001xf32, #tpu.memory_space<vmem>>[vector<16xi32>], vector<16xf32>,
      %gather3A_959 = tpu.vector_load_idx %arg5[%get3A_937] : memref<100001xf32, #tpu.memory_space<vmem>>[vector<16xi32>], vector<16xf32>,
      %gather3A_960 = tpu.vector_load_idx %arg5[%get3A_945] : memref<100001xf32, #tpu.memory_space<vmem>>[vector<16xi32>], vector<16xf32>,
      %gather3A_961 = tpu.vector_load_idx %arg5[%get3A_953] : memref<100001xf32, #tpu.memory_space<vmem>>[vector<16xi32>], vector<16xf32>,
      %mul3A_962 = arith.constant 128 : i32
      %mul3A_963 = arith.muli %scan3A_889, %mul3A_962 : i32
      %add3A_964 = arith.constant 0 : i32
      %add3A_965 = arith.addi %mul3A_963, %add3A_964 : i32
      %swap3A_966 = arith.constant 1 : i32
      %swap3A_967 = arith.index_cast %swap3A_966 : i32 to index
      %swap3A_968 = arith.index_cast %add3A_965 : i32 to index
      %swap3A_969 = tpu.vector_load %arg7[%swap3A_967, %swap3A_968] {strides = array<i32>} : memref<2x4096xf32, #tpu.memory_space<vmem>>, vector<16xf32>,
      tpu.vector_store %arg7[%swap3A_967, %swap3A_968], %gather3A_954 {strides = array<i32>} : memref<2x4096xf32, #tpu.memory_space<vmem>>, vector<16xf32>,
      %mul3A_970 = arith.constant 128 : i32
      %mul3A_971 = arith.muli %scan3A_889, %mul3A_970 : i32
      %add3A_972 = arith.constant 16 : i32
      %add3A_973 = arith.addi %mul3A_971, %add3A_972 : i32
      %swap3A_974 = arith.constant 1 : i32
      %swap3A_975 = arith.index_cast %swap3A_974 : i32 to index
      %swap3A_976 = arith.index_cast %add3A_973 : i32 to index
      %swap3A_977 = tpu.vector_load %arg7[%swap3A_975, %swap3A_976] {strides = array<i32>} : memref<2x4096xf32, #tpu.memory_space<vmem>>, vector<16xf32>,
      tpu.vector_store %arg7[%swap3A_975, %swap3A_976], %gather3A_955 {strides = array<i32>} : memref<2x4096xf32, #tpu.memory_space<vmem>>, vector<16xf32>,
      %mul3A_978 = arith.constant 128 : i32
      %mul3A_979 = arith.muli %scan3A_889, %mul3A_978 : i32
      %add3A_980 = arith.constant 32 : i32
      %add3A_981 = arith.addi %mul3A_979, %add3A_980 : i32
      %swap3A_982 = arith.constant 1 : i32
      %swap3A_983 = arith.index_cast %swap3A_982 : i32 to index
      %swap3A_984 = arith.index_cast %add3A_981 : i32 to index
      %swap3A_985 = tpu.vector_load %arg7[%swap3A_983, %swap3A_984] {strides = array<i32>} : memref<2x4096xf32, #tpu.memory_space<vmem>>, vector<16xf32>,
      tpu.vector_store %arg7[%swap3A_983, %swap3A_984], %gather3A_956 {strides = array<i32>} : memref<2x4096xf32, #tpu.memory_space<vmem>>, vector<16xf32>,
      %mul3A_986 = arith.constant 128 : i32
      %mul3A_987 = arith.muli %scan3A_889, %mul3A_986 : i32
      %add3A_988 = arith.constant 48 : i32
      %add3A_989 = arith.addi %mul3A_987, %add3A_988 : i32
      %swap3A_990 = arith.constant 1 : i32
      %swap3A_991 = arith.index_cast %swap3A_990 : i32 to index
      %swap3A_992 = arith.index_cast %add3A_989 : i32 to index
      %swap3A_993 = tpu.vector_load %arg7[%swap3A_991, %swap3A_992] {strides = array<i32>} : memref<2x4096xf32, #tpu.memory_space<vmem>>, vector<16xf32>,
      tpu.vector_store %arg7[%swap3A_991, %swap3A_992], %gather3A_957 {strides = array<i32>} : memref<2x4096xf32, #tpu.memory_space<vmem>>, vector<16xf32>,
      %mul3A_994 = arith.constant 128 : i32
      %mul3A_995 = arith.muli %scan3A_889, %mul3A_994 : i32
      %add3A_996 = arith.constant 64 : i32
      %add3A_997 = arith.addi %mul3A_995, %add3A_996 : i32
      %swap3A_998 = arith.constant 1 : i32
      %swap3A_999 = arith.index_cast %swap3A_998 : i32 to index
      %swap3A_1000 = arith.index_cast %add3A_997 : i32 to index
      %swap3A_1001 = tpu.vector_load %arg7[%swap3A_999, %swap3A_1000] {strides = array<i32>} : memref<2x4096xf32, #tpu.memory_space<vmem>>, vector<16xf32>,
      tpu.vector_store %arg7[%swap3A_999, %swap3A_1000], %gather3A_958 {strides = array<i32>} : memref<2x4096xf32, #tpu.memory_space<vmem>>, vector<16xf32>,
      %mul3A_1002 = arith.constant 128 : i32
      %mul3A_1003 = arith.muli %scan3A_889, %mul3A_1002 : i32
      %add3A_1004 = arith.constant 80 : i32
      %add3A_1005 = arith.addi %mul3A_1003, %add3A_1004 : i32
      %swap3A_1006 = arith.constant 1 : i32
      %swap3A_1007 = arith.index_cast %swap3A_1006 : i32 to index
      %swap3A_1008 = arith.index_cast %add3A_1005 : i32 to index
      %swap3A_1009 = tpu.vector_load %arg7[%swap3A_1007, %swap3A_1008] {strides = array<i32>} : memref<2x4096xf32, #tpu.memory_space<vmem>>, vector<16xf32>,
      tpu.vector_store %arg7[%swap3A_1007, %swap3A_1008], %gather3A_959 {strides = array<i32>} : memref<2x4096xf32, #tpu.memory_space<vmem>>, vector<16xf32>,
      %mul3A_1010 = arith.constant 128 : i32
      %mul3A_1011 = arith.muli %scan3A_889, %mul3A_1010 : i32
      %add3A_1012 = arith.constant 96 : i32
      %add3A_1013 = arith.addi %mul3A_1011, %add3A_1012 : i32
      %swap3A_1014 = arith.constant 1 : i32
      %swap3A_1015 = arith.index_cast %swap3A_1014 : i32 to index
      %swap3A_1016 = arith.index_cast %add3A_1013 : i32 to index
      %swap3A_1017 = tpu.vector_load %arg7[%swap3A_1015, %swap3A_1016] {strides = array<i32>} : memref<2x4096xf32, #tpu.memory_space<vmem>>, vector<16xf32>,
      tpu.vector_store %arg7[%swap3A_1015, %swap3A_1016], %gather3A_960 {strides = array<i32>} : memref<2x4096xf32, #tpu.memory_space<vmem>>, vector<16xf32>,
      %mul3A_1018 = arith.constant 128 : i32
      %mul3A_1019 = arith.muli %scan3A_889, %mul3A_1018 : i32
      %add3A_1020 = arith.constant 112 : i32
      %add3A_1021 = arith.addi %mul3A_1019, %add3A_1020 : i32
      %swap3A_1022 = arith.constant 1 : i32
      %swap3A_1023 = arith.index_cast %swap3A_1022 : i32 to index
      %swap3A_1024 = arith.index_cast %add3A_1021 : i32 to index
      %swap3A_1025 = tpu.vector_load %arg7[%swap3A_1023, %swap3A_1024] {strides = array<i32>} : memref<2x4096xf32, #tpu.memory_space<vmem>>, vector<16xf32>,
      tpu.vector_store %arg7[%swap3A_1023, %swap3A_1024], %gather3A_961 {strides = array<i32>} : memref<2x4096xf32, #tpu.memory_space<vmem>>, vector<16xf32>,
      %scan3A_1026 = arith.constant 6 : i32
      %scan3A_1027 = arith.addi %scan3A_202, %scan3A_1026 : i32
      %mul3A_1028 = arith.constant 128 : i32
      %mul3A_1029 = arith.muli %scan3A_1027, %mul3A_1028 : i32
      %add3A_1030 = arith.constant 4096 : i32
      %add3A_1031 = arith.addi %add3A_1030, %mul3A_1029 : i32
      %add3A_1032 = arith.constant 0 : i32
      %add3A_1033 = arith.addi %add3A_1031, %add3A_1032 : i32
      %get3A_1034 = arith.index_cast %add3A_1033 : i32 to index
      %get3A_1035 = tpu.vector_load %arg6[%get3A_1034] {strides = array<i32>} : memref<16384xi32, #tpu.memory_space<vmem>>, vector<16xi32>,
      %mul3A_1036 = arith.constant 128 : i32
      %mul3A_1037 = arith.muli %scan3A_1027, %mul3A_1036 : i32
      %add3A_1038 = arith.constant 4096 : i32
      %add3A_1039 = arith.addi %add3A_1038, %mul3A_1037 : i32
      %add3A_1040 = arith.constant 16 : i32
      %add3A_1041 = arith.addi %add3A_1039, %add3A_1040 : i32
      %get3A_1042 = arith.index_cast %add3A_1041 : i32 to index
      %get3A_1043 = tpu.vector_load %arg6[%get3A_1042] {strides = array<i32>} : memref<16384xi32, #tpu.memory_space<vmem>>, vector<16xi32>,
      %mul3A_1044 = arith.constant 128 : i32
      %mul3A_1045 = arith.muli %scan3A_1027, %mul3A_1044 : i32
      %add3A_1046 = arith.constant 4096 : i32
      %add3A_1047 = arith.addi %add3A_1046, %mul3A_1045 : i32
      %add3A_1048 = arith.constant 32 : i32
      %add3A_1049 = arith.addi %add3A_1047, %add3A_1048 : i32
      %get3A_1050 = arith.index_cast %add3A_1049 : i32 to index
      %get3A_1051 = tpu.vector_load %arg6[%get3A_1050] {strides = array<i32>} : memref<16384xi32, #tpu.memory_space<vmem>>, vector<16xi32>,
      %mul3A_1052 = arith.constant 128 : i32
      %mul3A_1053 = arith.muli %scan3A_1027, %mul3A_1052 : i32
      %add3A_1054 = arith.constant 4096 : i32
      %add3A_1055 = arith.addi %add3A_1054, %mul3A_1053 : i32
      %add3A_1056 = arith.constant 48 : i32
      %add3A_1057 = arith.addi %add3A_1055, %add3A_1056 : i32
      %get3A_1058 = arith.index_cast %add3A_1057 : i32 to index
      %get3A_1059 = tpu.vector_load %arg6[%get3A_1058] {strides = array<i32>} : memref<16384xi32, #tpu.memory_space<vmem>>, vector<16xi32>,
      %mul3A_1060 = arith.constant 128 : i32
      %mul3A_1061 = arith.muli %scan3A_1027, %mul3A_1060 : i32
      %add3A_1062 = arith.constant 4096 : i32
      %add3A_1063 = arith.addi %add3A_1062, %mul3A_1061 : i32
      %add3A_1064 = arith.constant 64 : i32
      %add3A_1065 = arith.addi %add3A_1063, %add3A_1064 : i32
      %get3A_1066 = arith.index_cast %add3A_1065 : i32 to index
      %get3A_1067 = tpu.vector_load %arg6[%get3A_1066] {strides = array<i32>} : memref<16384xi32, #tpu.memory_space<vmem>>, vector<16xi32>,
      %mul3A_1068 = arith.constant 128 : i32
      %mul3A_1069 = arith.muli %scan3A_1027, %mul3A_1068 : i32
      %add3A_1070 = arith.constant 4096 : i32
      %add3A_1071 = arith.addi %add3A_1070, %mul3A_1069 : i32
      %add3A_1072 = arith.constant 80 : i32
      %add3A_1073 = arith.addi %add3A_1071, %add3A_1072 : i32
      %get3A_1074 = arith.index_cast %add3A_1073 : i32 to index
      %get3A_1075 = tpu.vector_load %arg6[%get3A_1074] {strides = array<i32>} : memref<16384xi32, #tpu.memory_space<vmem>>, vector<16xi32>,
      %mul3A_1076 = arith.constant 128 : i32
      %mul3A_1077 = arith.muli %scan3A_1027, %mul3A_1076 : i32
      %add3A_1078 = arith.constant 4096 : i32
      %add3A_1079 = arith.addi %add3A_1078, %mul3A_1077 : i32
      %add3A_1080 = arith.constant 96 : i32
      %add3A_1081 = arith.addi %add3A_1079, %add3A_1080 : i32
      %get3A_1082 = arith.index_cast %add3A_1081 : i32 to index
      %get3A_1083 = tpu.vector_load %arg6[%get3A_1082] {strides = array<i32>} : memref<16384xi32, #tpu.memory_space<vmem>>, vector<16xi32>,
      %mul3A_1084 = arith.constant 128 : i32
      %mul3A_1085 = arith.muli %scan3A_1027, %mul3A_1084 : i32
      %add3A_1086 = arith.constant 4096 : i32
      %add3A_1087 = arith.addi %add3A_1086, %mul3A_1085 : i32
      %add3A_1088 = arith.constant 112 : i32
      %add3A_1089 = arith.addi %add3A_1087, %add3A_1088 : i32
      %get3A_1090 = arith.index_cast %add3A_1089 : i32 to index
      %get3A_1091 = tpu.vector_load %arg6[%get3A_1090] {strides = array<i32>} : memref<16384xi32, #tpu.memory_space<vmem>>, vector<16xi32>,
      %gather3A_1092 = tpu.vector_load_idx %arg5[%get3A_1035] : memref<100001xf32, #tpu.memory_space<vmem>>[vector<16xi32>], vector<16xf32>,
      %gather3A_1093 = tpu.vector_load_idx %arg5[%get3A_1043] : memref<100001xf32, #tpu.memory_space<vmem>>[vector<16xi32>], vector<16xf32>,
      %gather3A_1094 = tpu.vector_load_idx %arg5[%get3A_1051] : memref<100001xf32, #tpu.memory_space<vmem>>[vector<16xi32>], vector<16xf32>,
      %gather3A_1095 = tpu.vector_load_idx %arg5[%get3A_1059] : memref<100001xf32, #tpu.memory_space<vmem>>[vector<16xi32>], vector<16xf32>,
      %gather3A_1096 = tpu.vector_load_idx %arg5[%get3A_1067] : memref<100001xf32, #tpu.memory_space<vmem>>[vector<16xi32>], vector<16xf32>,
      %gather3A_1097 = tpu.vector_load_idx %arg5[%get3A_1075] : memref<100001xf32, #tpu.memory_space<vmem>>[vector<16xi32>], vector<16xf32>,
      %gather3A_1098 = tpu.vector_load_idx %arg5[%get3A_1083] : memref<100001xf32, #tpu.memory_space<vmem>>[vector<16xi32>], vector<16xf32>,
      %gather3A_1099 = tpu.vector_load_idx %arg5[%get3A_1091] : memref<100001xf32, #tpu.memory_space<vmem>>[vector<16xi32>], vector<16xf32>,
      %mul3A_1100 = arith.constant 128 : i32
      %mul3A_1101 = arith.muli %scan3A_1027, %mul3A_1100 : i32
      %add3A_1102 = arith.constant 0 : i32
      %add3A_1103 = arith.addi %mul3A_1101, %add3A_1102 : i32
      %swap3A_1104 = arith.constant 1 : i32
      %swap3A_1105 = arith.index_cast %swap3A_1104 : i32 to index
      %swap3A_1106 = arith.index_cast %add3A_1103 : i32 to index
      %swap3A_1107 = tpu.vector_load %arg7[%swap3A_1105, %swap3A_1106] {strides = array<i32>} : memref<2x4096xf32, #tpu.memory_space<vmem>>, vector<16xf32>,
      tpu.vector_store %arg7[%swap3A_1105, %swap3A_1106], %gather3A_1092 {strides = array<i32>} : memref<2x4096xf32, #tpu.memory_space<vmem>>, vector<16xf32>,
      %mul3A_1108 = arith.constant 128 : i32
      %mul3A_1109 = arith.muli %scan3A_1027, %mul3A_1108 : i32
      %add3A_1110 = arith.constant 16 : i32
      %add3A_1111 = arith.addi %mul3A_1109, %add3A_1110 : i32
      %swap3A_1112 = arith.constant 1 : i32
      %swap3A_1113 = arith.index_cast %swap3A_1112 : i32 to index
      %swap3A_1114 = arith.index_cast %add3A_1111 : i32 to index
      %swap3A_1115 = tpu.vector_load %arg7[%swap3A_1113, %swap3A_1114] {strides = array<i32>} : memref<2x4096xf32, #tpu.memory_space<vmem>>, vector<16xf32>,
      tpu.vector_store %arg7[%swap3A_1113, %swap3A_1114], %gather3A_1093 {strides = array<i32>} : memref<2x4096xf32, #tpu.memory_space<vmem>>, vector<16xf32>,
      %mul3A_1116 = arith.constant 128 : i32
      %mul3A_1117 = arith.muli %scan3A_1027, %mul3A_1116 : i32
      %add3A_1118 = arith.constant 32 : i32
      %add3A_1119 = arith.addi %mul3A_1117, %add3A_1118 : i32
      %swap3A_1120 = arith.constant 1 : i32
      %swap3A_1121 = arith.index_cast %swap3A_1120 : i32 to index
      %swap3A_1122 = arith.index_cast %add3A_1119 : i32 to index
      %swap3A_1123 = tpu.vector_load %arg7[%swap3A_1121, %swap3A_1122] {strides = array<i32>} : memref<2x4096xf32, #tpu.memory_space<vmem>>, vector<16xf32>,
      tpu.vector_store %arg7[%swap3A_1121, %swap3A_1122], %gather3A_1094 {strides = array<i32>} : memref<2x4096xf32, #tpu.memory_space<vmem>>, vector<16xf32>,
      %mul3A_1124 = arith.constant 128 : i32
      %mul3A_1125 = arith.muli %scan3A_1027, %mul3A_1124 : i32
      %add3A_1126 = arith.constant 48 : i32
      %add3A_1127 = arith.addi %mul3A_1125, %add3A_1126 : i32
      %swap3A_1128 = arith.constant 1 : i32
      %swap3A_1129 = arith.index_cast %swap3A_1128 : i32 to index
      %swap3A_1130 = arith.index_cast %add3A_1127 : i32 to index
      %swap3A_1131 = tpu.vector_load %arg7[%swap3A_1129, %swap3A_1130] {strides = array<i32>} : memref<2x4096xf32, #tpu.memory_space<vmem>>, vector<16xf32>,
      tpu.vector_store %arg7[%swap3A_1129, %swap3A_1130], %gather3A_1095 {strides = array<i32>} : memref<2x4096xf32, #tpu.memory_space<vmem>>, vector<16xf32>,
      %mul3A_1132 = arith.constant 128 : i32
      %mul3A_1133 = arith.muli %scan3A_1027, %mul3A_1132 : i32
      %add3A_1134 = arith.constant 64 : i32
      %add3A_1135 = arith.addi %mul3A_1133, %add3A_1134 : i32
      %swap3A_1136 = arith.constant 1 : i32
      %swap3A_1137 = arith.index_cast %swap3A_1136 : i32 to index
      %swap3A_1138 = arith.index_cast %add3A_1135 : i32 to index
      %swap3A_1139 = tpu.vector_load %arg7[%swap3A_1137, %swap3A_1138] {strides = array<i32>} : memref<2x4096xf32, #tpu.memory_space<vmem>>, vector<16xf32>,
      tpu.vector_store %arg7[%swap3A_1137, %swap3A_1138], %gather3A_1096 {strides = array<i32>} : memref<2x4096xf32, #tpu.memory_space<vmem>>, vector<16xf32>,
      %mul3A_1140 = arith.constant 128 : i32
      %mul3A_1141 = arith.muli %scan3A_1027, %mul3A_1140 : i32
      %add3A_1142 = arith.constant 80 : i32
      %add3A_1143 = arith.addi %mul3A_1141, %add3A_1142 : i32
      %swap3A_1144 = arith.constant 1 : i32
      %swap3A_1145 = arith.index_cast %swap3A_1144 : i32 to index
      %swap3A_1146 = arith.index_cast %add3A_1143 : i32 to index
      %swap3A_1147 = tpu.vector_load %arg7[%swap3A_1145, %swap3A_1146] {strides = array<i32>} : memref<2x4096xf32, #tpu.memory_space<vmem>>, vector<16xf32>,
      tpu.vector_store %arg7[%swap3A_1145, %swap3A_1146], %gather3A_1097 {strides = array<i32>} : memref<2x4096xf32, #tpu.memory_space<vmem>>, vector<16xf32>,
      %mul3A_1148 = arith.constant 128 : i32
      %mul3A_1149 = arith.muli %scan3A_1027, %mul3A_1148 : i32
      %add3A_1150 = arith.constant 96 : i32
      %add3A_1151 = arith.addi %mul3A_1149, %add3A_1150 : i32
      %swap3A_1152 = arith.constant 1 : i32
      %swap3A_1153 = arith.index_cast %swap3A_1152 : i32 to index
      %swap3A_1154 = arith.index_cast %add3A_1151 : i32 to index
      %swap3A_1155 = tpu.vector_load %arg7[%swap3A_1153, %swap3A_1154] {strides = array<i32>} : memref<2x4096xf32, #tpu.memory_space<vmem>>, vector<16xf32>,
      tpu.vector_store %arg7[%swap3A_1153, %swap3A_1154], %gather3A_1098 {strides = array<i32>} : memref<2x4096xf32, #tpu.memory_space<vmem>>, vector<16xf32>,
      %mul3A_1156 = arith.constant 128 : i32
      %mul3A_1157 = arith.muli %scan3A_1027, %mul3A_1156 : i32
      %add3A_1158 = arith.constant 112 : i32
      %add3A_1159 = arith.addi %mul3A_1157, %add3A_1158 : i32
      %swap3A_1160 = arith.constant 1 : i32
      %swap3A_1161 = arith.index_cast %swap3A_1160 : i32 to index
      %swap3A_1162 = arith.index_cast %add3A_1159 : i32 to index
      %swap3A_1163 = tpu.vector_load %arg7[%swap3A_1161, %swap3A_1162] {strides = array<i32>} : memref<2x4096xf32, #tpu.memory_space<vmem>>, vector<16xf32>,
      tpu.vector_store %arg7[%swap3A_1161, %swap3A_1162], %gather3A_1099 {strides = array<i32>} : memref<2x4096xf32, #tpu.memory_space<vmem>>, vector<16xf32>,
      %scan3A_1164 = arith.constant 7 : i32
      %scan3A_1165 = arith.addi %scan3A_202, %scan3A_1164 : i32
      %mul3A_1166 = arith.constant 128 : i32
      %mul3A_1167 = arith.muli %scan3A_1165, %mul3A_1166 : i32
      %add3A_1168 = arith.constant 4096 : i32
      %add3A_1169 = arith.addi %add3A_1168, %mul3A_1167 : i32
      %add3A_1170 = arith.constant 0 : i32
      %add3A_1171 = arith.addi %add3A_1169, %add3A_1170 : i32
      %get3A_1172 = arith.index_cast %add3A_1171 : i32 to index
      %get3A_1173 = tpu.vector_load %arg6[%get3A_1172] {strides = array<i32>} : memref<16384xi32, #tpu.memory_space<vmem>>, vector<16xi32>,
      %mul3A_1174 = arith.constant 128 : i32
      %mul3A_1175 = arith.muli %scan3A_1165, %mul3A_1174 : i32
      %add3A_1176 = arith.constant 4096 : i32
      %add3A_1177 = arith.addi %add3A_1176, %mul3A_1175 : i32
      %add3A_1178 = arith.constant 16 : i32
      %add3A_1179 = arith.addi %add3A_1177, %add3A_1178 : i32
      %get3A_1180 = arith.index_cast %add3A_1179 : i32 to index
      %get3A_1181 = tpu.vector_load %arg6[%get3A_1180] {strides = array<i32>} : memref<16384xi32, #tpu.memory_space<vmem>>, vector<16xi32>,
      %mul3A_1182 = arith.constant 128 : i32
      %mul3A_1183 = arith.muli %scan3A_1165, %mul3A_1182 : i32
      %add3A_1184 = arith.constant 4096 : i32
      %add3A_1185 = arith.addi %add3A_1184, %mul3A_1183 : i32
      %add3A_1186 = arith.constant 32 : i32
      %add3A_1187 = arith.addi %add3A_1185, %add3A_1186 : i32
      %get3A_1188 = arith.index_cast %add3A_1187 : i32 to index
      %get3A_1189 = tpu.vector_load %arg6[%get3A_1188] {strides = array<i32>} : memref<16384xi32, #tpu.memory_space<vmem>>, vector<16xi32>,
      %mul3A_1190 = arith.constant 128 : i32
      %mul3A_1191 = arith.muli %scan3A_1165, %mul3A_1190 : i32
      %add3A_1192 = arith.constant 4096 : i32
      %add3A_1193 = arith.addi %add3A_1192, %mul3A_1191 : i32
      %add3A_1194 = arith.constant 48 : i32
      %add3A_1195 = arith.addi %add3A_1193, %add3A_1194 : i32
      %get3A_1196 = arith.index_cast %add3A_1195 : i32 to index
      %get3A_1197 = tpu.vector_load %arg6[%get3A_1196] {strides = array<i32>} : memref<16384xi32, #tpu.memory_space<vmem>>, vector<16xi32>,
      %mul3A_1198 = arith.constant 128 : i32
      %mul3A_1199 = arith.muli %scan3A_1165, %mul3A_1198 : i32
      %add3A_1200 = arith.constant 4096 : i32
      %add3A_1201 = arith.addi %add3A_1200, %mul3A_1199 : i32
      %add3A_1202 = arith.constant 64 : i32
      %add3A_1203 = arith.addi %add3A_1201, %add3A_1202 : i32
      %get3A_1204 = arith.index_cast %add3A_1203 : i32 to index
      %get3A_1205 = tpu.vector_load %arg6[%get3A_1204] {strides = array<i32>} : memref<16384xi32, #tpu.memory_space<vmem>>, vector<16xi32>,
      %mul3A_1206 = arith.constant 128 : i32
      %mul3A_1207 = arith.muli %scan3A_1165, %mul3A_1206 : i32
      %add3A_1208 = arith.constant 4096 : i32
      %add3A_1209 = arith.addi %add3A_1208, %mul3A_1207 : i32
      %add3A_1210 = arith.constant 80 : i32
      %add3A_1211 = arith.addi %add3A_1209, %add3A_1210 : i32
      %get3A_1212 = arith.index_cast %add3A_1211 : i32 to index
      %get3A_1213 = tpu.vector_load %arg6[%get3A_1212] {strides = array<i32>} : memref<16384xi32, #tpu.memory_space<vmem>>, vector<16xi32>,
      %mul3A_1214 = arith.constant 128 : i32
      %mul3A_1215 = arith.muli %scan3A_1165, %mul3A_1214 : i32
      %add3A_1216 = arith.constant 4096 : i32
      %add3A_1217 = arith.addi %add3A_1216, %mul3A_1215 : i32
      %add3A_1218 = arith.constant 96 : i32
      %add3A_1219 = arith.addi %add3A_1217, %add3A_1218 : i32
      %get3A_1220 = arith.index_cast %add3A_1219 : i32 to index
      %get3A_1221 = tpu.vector_load %arg6[%get3A_1220] {strides = array<i32>} : memref<16384xi32, #tpu.memory_space<vmem>>, vector<16xi32>,
      %mul3A_1222 = arith.constant 128 : i32
      %mul3A_1223 = arith.muli %scan3A_1165, %mul3A_1222 : i32
      %add3A_1224 = arith.constant 4096 : i32
      %add3A_1225 = arith.addi %add3A_1224, %mul3A_1223 : i32
      %add3A_1226 = arith.constant 112 : i32
      %add3A_1227 = arith.addi %add3A_1225, %add3A_1226 : i32
      %get3A_1228 = arith.index_cast %add3A_1227 : i32 to index
      %get3A_1229 = tpu.vector_load %arg6[%get3A_1228] {strides = array<i32>} : memref<16384xi32, #tpu.memory_space<vmem>>, vector<16xi32>,
      %gather3A_1230 = tpu.vector_load_idx %arg5[%get3A_1173] : memref<100001xf32, #tpu.memory_space<vmem>>[vector<16xi32>], vector<16xf32>,
      %gather3A_1231 = tpu.vector_load_idx %arg5[%get3A_1181] : memref<100001xf32, #tpu.memory_space<vmem>>[vector<16xi32>], vector<16xf32>,
      %gather3A_1232 = tpu.vector_load_idx %arg5[%get3A_1189] : memref<100001xf32, #tpu.memory_space<vmem>>[vector<16xi32>], vector<16xf32>,
      %gather3A_1233 = tpu.vector_load_idx %arg5[%get3A_1197] : memref<100001xf32, #tpu.memory_space<vmem>>[vector<16xi32>], vector<16xf32>,
      %gather3A_1234 = tpu.vector_load_idx %arg5[%get3A_1205] : memref<100001xf32, #tpu.memory_space<vmem>>[vector<16xi32>], vector<16xf32>,
      %gather3A_1235 = tpu.vector_load_idx %arg5[%get3A_1213] : memref<100001xf32, #tpu.memory_space<vmem>>[vector<16xi32>], vector<16xf32>,
      %gather3A_1236 = tpu.vector_load_idx %arg5[%get3A_1221] : memref<100001xf32, #tpu.memory_space<vmem>>[vector<16xi32>], vector<16xf32>,
      %gather3A_1237 = tpu.vector_load_idx %arg5[%get3A_1229] : memref<100001xf32, #tpu.memory_space<vmem>>[vector<16xi32>], vector<16xf32>,
      %mul3A_1238 = arith.constant 128 : i32
      %mul3A_1239 = arith.muli %scan3A_1165, %mul3A_1238 : i32
      %add3A_1240 = arith.constant 0 : i32
      %add3A_1241 = arith.addi %mul3A_1239, %add3A_1240 : i32
      %swap3A_1242 = arith.constant 1 : i32
      %swap3A_1243 = arith.index_cast %swap3A_1242 : i32 to index
      %swap3A_1244 = arith.index_cast %add3A_1241 : i32 to index
      %swap3A_1245 = tpu.vector_load %arg7[%swap3A_1243, %swap3A_1244] {strides = array<i32>} : memref<2x4096xf32, #tpu.memory_space<vmem>>, vector<16xf32>,
      tpu.vector_store %arg7[%swap3A_1243, %swap3A_1244], %gather3A_1230 {strides = array<i32>} : memref<2x4096xf32, #tpu.memory_space<vmem>>, vector<16xf32>,
      %mul3A_1246 = arith.constant 128 : i32
      %mul3A_1247 = arith.muli %scan3A_1165, %mul3A_1246 : i32
      %add3A_1248 = arith.constant 16 : i32
      %add3A_1249 = arith.addi %mul3A_1247, %add3A_1248 : i32
      %swap3A_1250 = arith.constant 1 : i32
      %swap3A_1251 = arith.index_cast %swap3A_1250 : i32 to index
      %swap3A_1252 = arith.index_cast %add3A_1249 : i32 to index
      %swap3A_1253 = tpu.vector_load %arg7[%swap3A_1251, %swap3A_1252] {strides = array<i32>} : memref<2x4096xf32, #tpu.memory_space<vmem>>, vector<16xf32>,
      tpu.vector_store %arg7[%swap3A_1251, %swap3A_1252], %gather3A_1231 {strides = array<i32>} : memref<2x4096xf32, #tpu.memory_space<vmem>>, vector<16xf32>,
      %mul3A_1254 = arith.constant 128 : i32
      %mul3A_1255 = arith.muli %scan3A_1165, %mul3A_1254 : i32
      %add3A_1256 = arith.constant 32 : i32
      %add3A_1257 = arith.addi %mul3A_1255, %add3A_1256 : i32
      %swap3A_1258 = arith.constant 1 : i32
      %swap3A_1259 = arith.index_cast %swap3A_1258 : i32 to index
      %swap3A_1260 = arith.index_cast %add3A_1257 : i32 to index
      %swap3A_1261 = tpu.vector_load %arg7[%swap3A_1259, %swap3A_1260] {strides = array<i32>} : memref<2x4096xf32, #tpu.memory_space<vmem>>, vector<16xf32>,
      tpu.vector_store %arg7[%swap3A_1259, %swap3A_1260], %gather3A_1232 {strides = array<i32>} : memref<2x4096xf32, #tpu.memory_space<vmem>>, vector<16xf32>,
      %mul3A_1262 = arith.constant 128 : i32
      %mul3A_1263 = arith.muli %scan3A_1165, %mul3A_1262 : i32
      %add3A_1264 = arith.constant 48 : i32
      %add3A_1265 = arith.addi %mul3A_1263, %add3A_1264 : i32
      %swap3A_1266 = arith.constant 1 : i32
      %swap3A_1267 = arith.index_cast %swap3A_1266 : i32 to index
      %swap3A_1268 = arith.index_cast %add3A_1265 : i32 to index
      %swap3A_1269 = tpu.vector_load %arg7[%swap3A_1267, %swap3A_1268] {strides = array<i32>} : memref<2x4096xf32, #tpu.memory_space<vmem>>, vector<16xf32>,
      tpu.vector_store %arg7[%swap3A_1267, %swap3A_1268], %gather3A_1233 {strides = array<i32>} : memref<2x4096xf32, #tpu.memory_space<vmem>>, vector<16xf32>,
      %mul3A_1270 = arith.constant 128 : i32
      %mul3A_1271 = arith.muli %scan3A_1165, %mul3A_1270 : i32
      %add3A_1272 = arith.constant 64 : i32
      %add3A_1273 = arith.addi %mul3A_1271, %add3A_1272 : i32
      %swap3A_1274 = arith.constant 1 : i32
      %swap3A_1275 = arith.index_cast %swap3A_1274 : i32 to index
      %swap3A_1276 = arith.index_cast %add3A_1273 : i32 to index
      %swap3A_1277 = tpu.vector_load %arg7[%swap3A_1275, %swap3A_1276] {strides = array<i32>} : memref<2x4096xf32, #tpu.memory_space<vmem>>, vector<16xf32>,
      tpu.vector_store %arg7[%swap3A_1275, %swap3A_1276], %gather3A_1234 {strides = array<i32>} : memref<2x4096xf32, #tpu.memory_space<vmem>>, vector<16xf32>,
      %mul3A_1278 = arith.constant 128 : i32
      %mul3A_1279 = arith.muli %scan3A_1165, %mul3A_1278 : i32
      %add3A_1280 = arith.constant 80 : i32
      %add3A_1281 = arith.addi %mul3A_1279, %add3A_1280 : i32
      %swap3A_1282 = arith.constant 1 : i32
      %swap3A_1283 = arith.index_cast %swap3A_1282 : i32 to index
      %swap3A_1284 = arith.index_cast %add3A_1281 : i32 to index
      %swap3A_1285 = tpu.vector_load %arg7[%swap3A_1283, %swap3A_1284] {strides = array<i32>} : memref<2x4096xf32, #tpu.memory_space<vmem>>, vector<16xf32>,
      tpu.vector_store %arg7[%swap3A_1283, %swap3A_1284], %gather3A_1235 {strides = array<i32>} : memref<2x4096xf32, #tpu.memory_space<vmem>>, vector<16xf32>,
      %mul3A_1286 = arith.constant 128 : i32
      %mul3A_1287 = arith.muli %scan3A_1165, %mul3A_1286 : i32
      %add3A_1288 = arith.constant 96 : i32
      %add3A_1289 = arith.addi %mul3A_1287, %add3A_1288 : i32
      %swap3A_1290 = arith.constant 1 : i32
      %swap3A_1291 = arith.index_cast %swap3A_1290 : i32 to index
      %swap3A_1292 = arith.index_cast %add3A_1289 : i32 to index
      %swap3A_1293 = tpu.vector_load %arg7[%swap3A_1291, %swap3A_1292] {strides = array<i32>} : memref<2x4096xf32, #tpu.memory_space<vmem>>, vector<16xf32>,
      tpu.vector_store %arg7[%swap3A_1291, %swap3A_1292], %gather3A_1236 {strides = array<i32>} : memref<2x4096xf32, #tpu.memory_space<vmem>>, vector<16xf32>,
      %mul3A_1294 = arith.constant 128 : i32
      %mul3A_1295 = arith.muli %scan3A_1165, %mul3A_1294 : i32
      %add3A_1296 = arith.constant 112 : i32
      %add3A_1297 = arith.addi %mul3A_1295, %add3A_1296 : i32
      %swap3A_1298 = arith.constant 1 : i32
      %swap3A_1299 = arith.index_cast %swap3A_1298 : i32 to index
      %swap3A_1300 = arith.index_cast %add3A_1297 : i32 to index
      %swap3A_1301 = tpu.vector_load %arg7[%swap3A_1299, %swap3A_1300] {strides = array<i32>} : memref<2x4096xf32, #tpu.memory_space<vmem>>, vector<16xf32>,
      tpu.vector_store %arg7[%swap3A_1299, %swap3A_1300], %gather3A_1237 {strides = array<i32>} : memref<2x4096xf32, #tpu.memory_space<vmem>>, vector<16xf32>,
    }
    %scan3A_82 = arith.constant 32 : i32
    %dma_start3A_83 = arith.constant 1 : i32
    %dma_start3A_84 = arith.constant 0 : i32
    %dma_start3A_85 = tpu.memref_slice %arg7[%dma_start3A_83, %dma_start3A_84] : memref<2x4096xf32, #tpu.memory_space<vmem>> -> memref<1x4096xf32, #tpu.memory_space<vmem>>
    %dma_start3A_86 = tpu.memref_squeeze %dma_start3A_85 : memref<1x4096xf32, #tpu.memory_space<vmem>> -> memref<4096xf32, #tpu.memory_space<vmem>>
    %dma_start3A_87 = arith.constant 4096 : i32
    %dma_start3A_88 = tpu.memref_slice %arg4[%add3A, %dma_start3A_87] : memref<32x16384xf32, #tpu.memory_space<hbm>> -> memref<1x4096xf32, #tpu.memory_space<hbm>>
    %dma_start3A_89 = tpu.memref_squeeze %dma_start3A_88 : memref<1x4096xf32, #tpu.memory_space<hbm>> -> memref<4096xf32, #tpu.memory_space<hbm>>
    %dma_start3A_90 = arith.constant 4096 : i32
    %dma_start3A_91 = tpu.memref_slice %arg4[%add3A, %dma_start3A_90] : memref<32x16384xf32, #tpu.memory_space<hbm>> -> memref<1x4096xf32, #tpu.memory_space<hbm>>
    %dma_start3A_92 = tpu.memref_squeeze %dma_start3A_91 : memref<1x4096xf32, #tpu.memory_space<hbm>> -> memref<4096xf32, #tpu.memory_space<hbm>>
    %dma_start3A_93 = arith.constant 0 : i32
    %dma_start3A_94 = tpu.memref_slice %arg7[%dma_start3A_83, %dma_start3A_93] : memref<2x4096xf32, #tpu.memory_space<vmem>> -> memref<1x4096xf32, #tpu.memory_space<vmem>>
    %dma_start3A_95 = tpu.memref_squeeze %dma_start3A_94 : memref<1x4096xf32, #tpu.memory_space<vmem>> -> memref<4096xf32, #tpu.memory_space<vmem>>
    tpu.enqueue_dma source(%dma_start3A_95 : memref<4096xf32, #tpu.memory_space<vmem>>) target(%dma_start3A_92 : memref<4096xf32, #tpu.memory_space<hbm>>) target_semaphore(%arg13 : memref<!tpu.dma_semaphore, #tpu.memory_space<semaphore_mem>>)
    %dma_wait3A_96 = arith.constant 8192 : i32
    %dma_wait3A_97 = tpu.memref_slice %arg6[%dma_wait3A_96] : memref<16384xi32, #tpu.memory_space<vmem>> -> memref<4096xi32, #tpu.memory_space<vmem>>
    %dma_wait3A_98 = arith.constant 8192 : i32
    %dma_wait3A_99 = tpu.memref_slice %arg2[%dma_wait3A_98] : memref<16384xi32, #tpu.memory_space<hbm>> -> memref<4096xi32, #tpu.memory_space<hbm>>
    %dma_wait3A_100 = arith.constant 8192 : i32
    %dma_wait3A_101 = tpu.memref_slice %arg6[%dma_wait3A_100] : memref<16384xi32, #tpu.memory_space<vmem>> -> memref<4096xi32, #tpu.memory_space<vmem>>
    %dma_wait3A_102 = arith.constant 8192 : i32
    %dma_wait3A_103 = tpu.memref_slice %arg2[%dma_wait3A_102] : memref<16384xi32, #tpu.memory_space<hbm>> -> memref<4096xi32, #tpu.memory_space<hbm>>
    tpu.wait_dma2 semaphore(%arg11 : memref<!tpu.dma_semaphore, #tpu.memory_space<semaphore_mem>>) src(%dma_wait3A_103 : memref<4096xi32, #tpu.memory_space<hbm>>) dst(%dma_wait3A_101 : memref<4096xi32, #tpu.memory_space<vmem>>)
    %dma_wait3A_104 = arith.constant 0 : i32
    %dma_wait3A_105 = arith.constant 0 : i32
    %dma_wait3A_106 = tpu.memref_slice %arg7[%dma_wait3A_104, %dma_wait3A_105] : memref<2x4096xf32, #tpu.memory_space<vmem>> -> memref<1x4096xf32, #tpu.memory_space<vmem>>
    %dma_wait3A_107 = tpu.memref_squeeze %dma_wait3A_106 : memref<1x4096xf32, #tpu.memory_space<vmem>> -> memref<4096xf32, #tpu.memory_space<vmem>>
    %dma_wait3A_108 = arith.constant 0 : i32
    %dma_wait3A_109 = tpu.memref_slice %arg4[%add3A, %dma_wait3A_108] : memref<32x16384xf32, #tpu.memory_space<hbm>> -> memref<1x4096xf32, #tpu.memory_space<hbm>>
    %dma_wait3A_110 = tpu.memref_squeeze %dma_wait3A_109 : memref<1x4096xf32, #tpu.memory_space<hbm>> -> memref<4096xf32, #tpu.memory_space<hbm>>
    %dma_wait3A_111 = arith.constant 0 : i32
    %dma_wait3A_112 = tpu.memref_slice %arg4[%add3A, %dma_wait3A_111] : memref<32x16384xf32, #tpu.memory_space<hbm>> -> memref<1x4096xf32, #tpu.memory_space<hbm>>
    %dma_wait3A_113 = tpu.memref_squeeze %dma_wait3A_112 : memref<1x4096xf32, #tpu.memory_space<hbm>> -> memref<4096xf32, #tpu.memory_space<hbm>>
    %dma_wait3A_114 = arith.constant 0 : i32
    %dma_wait3A_115 = tpu.memref_slice %arg7[%dma_wait3A_104, %dma_wait3A_114] : memref<2x4096xf32, #tpu.memory_space<vmem>> -> memref<1x4096xf32, #tpu.memory_space<vmem>>
    %dma_wait3A_116 = tpu.memref_squeeze %dma_wait3A_115 : memref<1x4096xf32, #tpu.memory_space<vmem>> -> memref<4096xf32, #tpu.memory_space<vmem>>
    tpu.wait_dma2 semaphore(%arg13 : memref<!tpu.dma_semaphore, #tpu.memory_space<semaphore_mem>>) src(%dma_wait3A_116 : memref<4096xf32, #tpu.memory_space<vmem>>) dst(%dma_wait3A_113 : memref<4096xf32, #tpu.memory_space<hbm>>)
    %scan3A_117 = arith.constant 0 : i32
    %scan3A_118 = arith.constant 0 : i32
    %scan3A_119 = arith.constant 32 : i32
    %scan3A_120 = arith.addi %scan3A_118, %scan3A_119 : i32
    %scan3A_121 = arith.constant 8 : i32
    scf.for %scan3A_202 = %scan3A_118 to %scan3A_120 step %scan3A_121  : i32 {
      %mul3A_203 = arith.constant 128 : i32
      %mul3A_204 = arith.muli %scan3A_202, %mul3A_203 : i32
      %add3A_205 = arith.constant 8192 : i32
      %add3A_206 = arith.addi %add3A_205, %mul3A_204 : i32
      %add3A_207 = arith.constant 0 : i32
      %add3A_208 = arith.addi %add3A_206, %add3A_207 : i32
      %get3A = arith.index_cast %add3A_208 : i32 to index
      %get3A_209 = tpu.vector_load %arg6[%get3A] {strides = array<i32>} : memref<16384xi32, #tpu.memory_space<vmem>>, vector<16xi32>,
      %mul3A_210 = arith.constant 128 : i32
      %mul3A_211 = arith.muli %scan3A_202, %mul3A_210 : i32
      %add3A_212 = arith.constant 8192 : i32
      %add3A_213 = arith.addi %add3A_212, %mul3A_211 : i32
      %add3A_214 = arith.constant 16 : i32
      %add3A_215 = arith.addi %add3A_213, %add3A_214 : i32
      %get3A_216 = arith.index_cast %add3A_215 : i32 to index
      %get3A_217 = tpu.vector_load %arg6[%get3A_216] {strides = array<i32>} : memref<16384xi32, #tpu.memory_space<vmem>>, vector<16xi32>,
      %mul3A_218 = arith.constant 128 : i32
      %mul3A_219 = arith.muli %scan3A_202, %mul3A_218 : i32
      %add3A_220 = arith.constant 8192 : i32
      %add3A_221 = arith.addi %add3A_220, %mul3A_219 : i32
      %add3A_222 = arith.constant 32 : i32
      %add3A_223 = arith.addi %add3A_221, %add3A_222 : i32
      %get3A_224 = arith.index_cast %add3A_223 : i32 to index
      %get3A_225 = tpu.vector_load %arg6[%get3A_224] {strides = array<i32>} : memref<16384xi32, #tpu.memory_space<vmem>>, vector<16xi32>,
      %mul3A_226 = arith.constant 128 : i32
      %mul3A_227 = arith.muli %scan3A_202, %mul3A_226 : i32
      %add3A_228 = arith.constant 8192 : i32
      %add3A_229 = arith.addi %add3A_228, %mul3A_227 : i32
      %add3A_230 = arith.constant 48 : i32
      %add3A_231 = arith.addi %add3A_229, %add3A_230 : i32
      %get3A_232 = arith.index_cast %add3A_231 : i32 to index
      %get3A_233 = tpu.vector_load %arg6[%get3A_232] {strides = array<i32>} : memref<16384xi32, #tpu.memory_space<vmem>>, vector<16xi32>,
      %mul3A_234 = arith.constant 128 : i32
      %mul3A_235 = arith.muli %scan3A_202, %mul3A_234 : i32
      %add3A_236 = arith.constant 8192 : i32
      %add3A_237 = arith.addi %add3A_236, %mul3A_235 : i32
      %add3A_238 = arith.constant 64 : i32
      %add3A_239 = arith.addi %add3A_237, %add3A_238 : i32
      %get3A_240 = arith.index_cast %add3A_239 : i32 to index
      %get3A_241 = tpu.vector_load %arg6[%get3A_240] {strides = array<i32>} : memref<16384xi32, #tpu.memory_space<vmem>>, vector<16xi32>,
      %mul3A_242 = arith.constant 128 : i32
      %mul3A_243 = arith.muli %scan3A_202, %mul3A_242 : i32
      %add3A_244 = arith.constant 8192 : i32
      %add3A_245 = arith.addi %add3A_244, %mul3A_243 : i32
      %add3A_246 = arith.constant 80 : i32
      %add3A_247 = arith.addi %add3A_245, %add3A_246 : i32
      %get3A_248 = arith.index_cast %add3A_247 : i32 to index
      %get3A_249 = tpu.vector_load %arg6[%get3A_248] {strides = array<i32>} : memref<16384xi32, #tpu.memory_space<vmem>>, vector<16xi32>,
      %mul3A_250 = arith.constant 128 : i32
      %mul3A_251 = arith.muli %scan3A_202, %mul3A_250 : i32
      %add3A_252 = arith.constant 8192 : i32
      %add3A_253 = arith.addi %add3A_252, %mul3A_251 : i32
      %add3A_254 = arith.constant 96 : i32
      %add3A_255 = arith.addi %add3A_253, %add3A_254 : i32
      %get3A_256 = arith.index_cast %add3A_255 : i32 to index
      %get3A_257 = tpu.vector_load %arg6[%get3A_256] {strides = array<i32>} : memref<16384xi32, #tpu.memory_space<vmem>>, vector<16xi32>,
      %mul3A_258 = arith.constant 128 : i32
      %mul3A_259 = arith.muli %scan3A_202, %mul3A_258 : i32
      %add3A_260 = arith.constant 8192 : i32
      %add3A_261 = arith.addi %add3A_260, %mul3A_259 : i32
      %add3A_262 = arith.constant 112 : i32
      %add3A_263 = arith.addi %add3A_261, %add3A_262 : i32
      %get3A_264 = arith.index_cast %add3A_263 : i32 to index
      %get3A_265 = tpu.vector_load %arg6[%get3A_264] {strides = array<i32>} : memref<16384xi32, #tpu.memory_space<vmem>>, vector<16xi32>,
      %gather3A = tpu.vector_load_idx %arg5[%get3A_209] : memref<100001xf32, #tpu.memory_space<vmem>>[vector<16xi32>], vector<16xf32>,
      %gather3A_266 = tpu.vector_load_idx %arg5[%get3A_217] : memref<100001xf32, #tpu.memory_space<vmem>>[vector<16xi32>], vector<16xf32>,
      %gather3A_267 = tpu.vector_load_idx %arg5[%get3A_225] : memref<100001xf32, #tpu.memory_space<vmem>>[vector<16xi32>], vector<16xf32>,
      %gather3A_268 = tpu.vector_load_idx %arg5[%get3A_233] : memref<100001xf32, #tpu.memory_space<vmem>>[vector<16xi32>], vector<16xf32>,
      %gather3A_269 = tpu.vector_load_idx %arg5[%get3A_241] : memref<100001xf32, #tpu.memory_space<vmem>>[vector<16xi32>], vector<16xf32>,
      %gather3A_270 = tpu.vector_load_idx %arg5[%get3A_249] : memref<100001xf32, #tpu.memory_space<vmem>>[vector<16xi32>], vector<16xf32>,
      %gather3A_271 = tpu.vector_load_idx %arg5[%get3A_257] : memref<100001xf32, #tpu.memory_space<vmem>>[vector<16xi32>], vector<16xf32>,
      %gather3A_272 = tpu.vector_load_idx %arg5[%get3A_265] : memref<100001xf32, #tpu.memory_space<vmem>>[vector<16xi32>], vector<16xf32>,
      %mul3A_273 = arith.constant 128 : i32
      %mul3A_274 = arith.muli %scan3A_202, %mul3A_273 : i32
      %add3A_275 = arith.constant 0 : i32
      %add3A_276 = arith.addi %mul3A_274, %add3A_275 : i32
      %swap3A = arith.constant 0 : i32
      %swap3A_277 = arith.index_cast %swap3A : i32 to index
      %swap3A_278 = arith.index_cast %add3A_276 : i32 to index
      %swap3A_279 = tpu.vector_load %arg7[%swap3A_277, %swap3A_278] {strides = array<i32>} : memref<2x4096xf32, #tpu.memory_space<vmem>>, vector<16xf32>,
      tpu.vector_store %arg7[%swap3A_277, %swap3A_278], %gather3A {strides = array<i32>} : memref<2x4096xf32, #tpu.memory_space<vmem>>, vector<16xf32>,
      %mul3A_280 = arith.constant 128 : i32
      %mul3A_281 = arith.muli %scan3A_202, %mul3A_280 : i32
      %add3A_282 = arith.constant 16 : i32
      %add3A_283 = arith.addi %mul3A_281, %add3A_282 : i32
      %swap3A_284 = arith.constant 0 : i32
      %swap3A_285 = arith.index_cast %swap3A_284 : i32 to index
      %swap3A_286 = arith.index_cast %add3A_283 : i32 to index
      %swap3A_287 = tpu.vector_load %arg7[%swap3A_285, %swap3A_286] {strides = array<i32>} : memref<2x4096xf32, #tpu.memory_space<vmem>>, vector<16xf32>,
      tpu.vector_store %arg7[%swap3A_285, %swap3A_286], %gather3A_266 {strides = array<i32>} : memref<2x4096xf32, #tpu.memory_space<vmem>>, vector<16xf32>,
      %mul3A_288 = arith.constant 128 : i32
      %mul3A_289 = arith.muli %scan3A_202, %mul3A_288 : i32
      %add3A_290 = arith.constant 32 : i32
      %add3A_291 = arith.addi %mul3A_289, %add3A_290 : i32
      %swap3A_292 = arith.constant 0 : i32
      %swap3A_293 = arith.index_cast %swap3A_292 : i32 to index
      %swap3A_294 = arith.index_cast %add3A_291 : i32 to index
      %swap3A_295 = tpu.vector_load %arg7[%swap3A_293, %swap3A_294] {strides = array<i32>} : memref<2x4096xf32, #tpu.memory_space<vmem>>, vector<16xf32>,
      tpu.vector_store %arg7[%swap3A_293, %swap3A_294], %gather3A_267 {strides = array<i32>} : memref<2x4096xf32, #tpu.memory_space<vmem>>, vector<16xf32>,
      %mul3A_296 = arith.constant 128 : i32
      %mul3A_297 = arith.muli %scan3A_202, %mul3A_296 : i32
      %add3A_298 = arith.constant 48 : i32
      %add3A_299 = arith.addi %mul3A_297, %add3A_298 : i32
      %swap3A_300 = arith.constant 0 : i32
      %swap3A_301 = arith.index_cast %swap3A_300 : i32 to index
      %swap3A_302 = arith.index_cast %add3A_299 : i32 to index
      %swap3A_303 = tpu.vector_load %arg7[%swap3A_301, %swap3A_302] {strides = array<i32>} : memref<2x4096xf32, #tpu.memory_space<vmem>>, vector<16xf32>,
      tpu.vector_store %arg7[%swap3A_301, %swap3A_302], %gather3A_268 {strides = array<i32>} : memref<2x4096xf32, #tpu.memory_space<vmem>>, vector<16xf32>,
      %mul3A_304 = arith.constant 128 : i32
      %mul3A_305 = arith.muli %scan3A_202, %mul3A_304 : i32
      %add3A_306 = arith.constant 64 : i32
      %add3A_307 = arith.addi %mul3A_305, %add3A_306 : i32
      %swap3A_308 = arith.constant 0 : i32
      %swap3A_309 = arith.index_cast %swap3A_308 : i32 to index
      %swap3A_310 = arith.index_cast %add3A_307 : i32 to index
      %swap3A_311 = tpu.vector_load %arg7[%swap3A_309, %swap3A_310] {strides = array<i32>} : memref<2x4096xf32, #tpu.memory_space<vmem>>, vector<16xf32>,
      tpu.vector_store %arg7[%swap3A_309, %swap3A_310], %gather3A_269 {strides = array<i32>} : memref<2x4096xf32, #tpu.memory_space<vmem>>, vector<16xf32>,
      %mul3A_312 = arith.constant 128 : i32
      %mul3A_313 = arith.muli %scan3A_202, %mul3A_312 : i32
      %add3A_314 = arith.constant 80 : i32
      %add3A_315 = arith.addi %mul3A_313, %add3A_314 : i32
      %swap3A_316 = arith.constant 0 : i32
      %swap3A_317 = arith.index_cast %swap3A_316 : i32 to index
      %swap3A_318 = arith.index_cast %add3A_315 : i32 to index
      %swap3A_319 = tpu.vector_load %arg7[%swap3A_317, %swap3A_318] {strides = array<i32>} : memref<2x4096xf32, #tpu.memory_space<vmem>>, vector<16xf32>,
      tpu.vector_store %arg7[%swap3A_317, %swap3A_318], %gather3A_270 {strides = array<i32>} : memref<2x4096xf32, #tpu.memory_space<vmem>>, vector<16xf32>,
      %mul3A_320 = arith.constant 128 : i32
      %mul3A_321 = arith.muli %scan3A_202, %mul3A_320 : i32
      %add3A_322 = arith.constant 96 : i32
      %add3A_323 = arith.addi %mul3A_321, %add3A_322 : i32
      %swap3A_324 = arith.constant 0 : i32
      %swap3A_325 = arith.index_cast %swap3A_324 : i32 to index
      %swap3A_326 = arith.index_cast %add3A_323 : i32 to index
      %swap3A_327 = tpu.vector_load %arg7[%swap3A_325, %swap3A_326] {strides = array<i32>} : memref<2x4096xf32, #tpu.memory_space<vmem>>, vector<16xf32>,
      tpu.vector_store %arg7[%swap3A_325, %swap3A_326], %gather3A_271 {strides = array<i32>} : memref<2x4096xf32, #tpu.memory_space<vmem>>, vector<16xf32>,
      %mul3A_328 = arith.constant 128 : i32
      %mul3A_329 = arith.muli %scan3A_202, %mul3A_328 : i32
      %add3A_330 = arith.constant 112 : i32
      %add3A_331 = arith.addi %mul3A_329, %add3A_330 : i32
      %swap3A_332 = arith.constant 0 : i32
      %swap3A_333 = arith.index_cast %swap3A_332 : i32 to index
      %swap3A_334 = arith.index_cast %add3A_331 : i32 to index
      %swap3A_335 = tpu.vector_load %arg7[%swap3A_333, %swap3A_334] {strides = array<i32>} : memref<2x4096xf32, #tpu.memory_space<vmem>>, vector<16xf32>,
      tpu.vector_store %arg7[%swap3A_333, %swap3A_334], %gather3A_272 {strides = array<i32>} : memref<2x4096xf32, #tpu.memory_space<vmem>>, vector<16xf32>,
      %scan3A_336 = arith.constant 1 : i32
      %scan3A_337 = arith.addi %scan3A_202, %scan3A_336 : i32
      %mul3A_338 = arith.constant 128 : i32
      %mul3A_339 = arith.muli %scan3A_337, %mul3A_338 : i32
      %add3A_340 = arith.constant 8192 : i32
      %add3A_341 = arith.addi %add3A_340, %mul3A_339 : i32
      %add3A_342 = arith.constant 0 : i32
      %add3A_343 = arith.addi %add3A_341, %add3A_342 : i32
      %get3A_344 = arith.index_cast %add3A_343 : i32 to index
      %get3A_345 = tpu.vector_load %arg6[%get3A_344] {strides = array<i32>} : memref<16384xi32, #tpu.memory_space<vmem>>, vector<16xi32>,
      %mul3A_346 = arith.constant 128 : i32
      %mul3A_347 = arith.muli %scan3A_337, %mul3A_346 : i32
      %add3A_348 = arith.constant 8192 : i32
      %add3A_349 = arith.addi %add3A_348, %mul3A_347 : i32
      %add3A_350 = arith.constant 16 : i32
      %add3A_351 = arith.addi %add3A_349, %add3A_350 : i32
      %get3A_352 = arith.index_cast %add3A_351 : i32 to index
      %get3A_353 = tpu.vector_load %arg6[%get3A_352] {strides = array<i32>} : memref<16384xi32, #tpu.memory_space<vmem>>, vector<16xi32>,
      %mul3A_354 = arith.constant 128 : i32
      %mul3A_355 = arith.muli %scan3A_337, %mul3A_354 : i32
      %add3A_356 = arith.constant 8192 : i32
      %add3A_357 = arith.addi %add3A_356, %mul3A_355 : i32
      %add3A_358 = arith.constant 32 : i32
      %add3A_359 = arith.addi %add3A_357, %add3A_358 : i32
      %get3A_360 = arith.index_cast %add3A_359 : i32 to index
      %get3A_361 = tpu.vector_load %arg6[%get3A_360] {strides = array<i32>} : memref<16384xi32, #tpu.memory_space<vmem>>, vector<16xi32>,
      %mul3A_362 = arith.constant 128 : i32
      %mul3A_363 = arith.muli %scan3A_337, %mul3A_362 : i32
      %add3A_364 = arith.constant 8192 : i32
      %add3A_365 = arith.addi %add3A_364, %mul3A_363 : i32
      %add3A_366 = arith.constant 48 : i32
      %add3A_367 = arith.addi %add3A_365, %add3A_366 : i32
      %get3A_368 = arith.index_cast %add3A_367 : i32 to index
      %get3A_369 = tpu.vector_load %arg6[%get3A_368] {strides = array<i32>} : memref<16384xi32, #tpu.memory_space<vmem>>, vector<16xi32>,
      %mul3A_370 = arith.constant 128 : i32
      %mul3A_371 = arith.muli %scan3A_337, %mul3A_370 : i32
      %add3A_372 = arith.constant 8192 : i32
      %add3A_373 = arith.addi %add3A_372, %mul3A_371 : i32
      %add3A_374 = arith.constant 64 : i32
      %add3A_375 = arith.addi %add3A_373, %add3A_374 : i32
      %get3A_376 = arith.index_cast %add3A_375 : i32 to index
      %get3A_377 = tpu.vector_load %arg6[%get3A_376] {strides = array<i32>} : memref<16384xi32, #tpu.memory_space<vmem>>, vector<16xi32>,
      %mul3A_378 = arith.constant 128 : i32
      %mul3A_379 = arith.muli %scan3A_337, %mul3A_378 : i32
      %add3A_380 = arith.constant 8192 : i32
      %add3A_381 = arith.addi %add3A_380, %mul3A_379 : i32
      %add3A_382 = arith.constant 80 : i32
      %add3A_383 = arith.addi %add3A_381, %add3A_382 : i32
      %get3A_384 = arith.index_cast %add3A_383 : i32 to index
      %get3A_385 = tpu.vector_load %arg6[%get3A_384] {strides = array<i32>} : memref<16384xi32, #tpu.memory_space<vmem>>, vector<16xi32>,
      %mul3A_386 = arith.constant 128 : i32
      %mul3A_387 = arith.muli %scan3A_337, %mul3A_386 : i32
      %add3A_388 = arith.constant 8192 : i32
      %add3A_389 = arith.addi %add3A_388, %mul3A_387 : i32
      %add3A_390 = arith.constant 96 : i32
      %add3A_391 = arith.addi %add3A_389, %add3A_390 : i32
      %get3A_392 = arith.index_cast %add3A_391 : i32 to index
      %get3A_393 = tpu.vector_load %arg6[%get3A_392] {strides = array<i32>} : memref<16384xi32, #tpu.memory_space<vmem>>, vector<16xi32>,
      %mul3A_394 = arith.constant 128 : i32
      %mul3A_395 = arith.muli %scan3A_337, %mul3A_394 : i32
      %add3A_396 = arith.constant 8192 : i32
      %add3A_397 = arith.addi %add3A_396, %mul3A_395 : i32
      %add3A_398 = arith.constant 112 : i32
      %add3A_399 = arith.addi %add3A_397, %add3A_398 : i32
      %get3A_400 = arith.index_cast %add3A_399 : i32 to index
      %get3A_401 = tpu.vector_load %arg6[%get3A_400] {strides = array<i32>} : memref<16384xi32, #tpu.memory_space<vmem>>, vector<16xi32>,
      %gather3A_402 = tpu.vector_load_idx %arg5[%get3A_345] : memref<100001xf32, #tpu.memory_space<vmem>>[vector<16xi32>], vector<16xf32>,
      %gather3A_403 = tpu.vector_load_idx %arg5[%get3A_353] : memref<100001xf32, #tpu.memory_space<vmem>>[vector<16xi32>], vector<16xf32>,
      %gather3A_404 = tpu.vector_load_idx %arg5[%get3A_361] : memref<100001xf32, #tpu.memory_space<vmem>>[vector<16xi32>], vector<16xf32>,
      %gather3A_405 = tpu.vector_load_idx %arg5[%get3A_369] : memref<100001xf32, #tpu.memory_space<vmem>>[vector<16xi32>], vector<16xf32>,
      %gather3A_406 = tpu.vector_load_idx %arg5[%get3A_377] : memref<100001xf32, #tpu.memory_space<vmem>>[vector<16xi32>], vector<16xf32>,
      %gather3A_407 = tpu.vector_load_idx %arg5[%get3A_385] : memref<100001xf32, #tpu.memory_space<vmem>>[vector<16xi32>], vector<16xf32>,
      %gather3A_408 = tpu.vector_load_idx %arg5[%get3A_393] : memref<100001xf32, #tpu.memory_space<vmem>>[vector<16xi32>], vector<16xf32>,
      %gather3A_409 = tpu.vector_load_idx %arg5[%get3A_401] : memref<100001xf32, #tpu.memory_space<vmem>>[vector<16xi32>], vector<16xf32>,
      %mul3A_410 = arith.constant 128 : i32
      %mul3A_411 = arith.muli %scan3A_337, %mul3A_410 : i32
      %add3A_412 = arith.constant 0 : i32
      %add3A_413 = arith.addi %mul3A_411, %add3A_412 : i32
      %swap3A_414 = arith.constant 0 : i32
      %swap3A_415 = arith.index_cast %swap3A_414 : i32 to index
      %swap3A_416 = arith.index_cast %add3A_413 : i32 to index
      %swap3A_417 = tpu.vector_load %arg7[%swap3A_415, %swap3A_416] {strides = array<i32>} : memref<2x4096xf32, #tpu.memory_space<vmem>>, vector<16xf32>,
      tpu.vector_store %arg7[%swap3A_415, %swap3A_416], %gather3A_402 {strides = array<i32>} : memref<2x4096xf32, #tpu.memory_space<vmem>>, vector<16xf32>,
      %mul3A_418 = arith.constant 128 : i32
      %mul3A_419 = arith.muli %scan3A_337, %mul3A_418 : i32
      %add3A_420 = arith.constant 16 : i32
      %add3A_421 = arith.addi %mul3A_419, %add3A_420 : i32
      %swap3A_422 = arith.constant 0 : i32
      %swap3A_423 = arith.index_cast %swap3A_422 : i32 to index
      %swap3A_424 = arith.index_cast %add3A_421 : i32 to index
      %swap3A_425 = tpu.vector_load %arg7[%swap3A_423, %swap3A_424] {strides = array<i32>} : memref<2x4096xf32, #tpu.memory_space<vmem>>, vector<16xf32>,
      tpu.vector_store %arg7[%swap3A_423, %swap3A_424], %gather3A_403 {strides = array<i32>} : memref<2x4096xf32, #tpu.memory_space<vmem>>, vector<16xf32>,
      %mul3A_426 = arith.constant 128 : i32
      %mul3A_427 = arith.muli %scan3A_337, %mul3A_426 : i32
      %add3A_428 = arith.constant 32 : i32
      %add3A_429 = arith.addi %mul3A_427, %add3A_428 : i32
      %swap3A_430 = arith.constant 0 : i32
      %swap3A_431 = arith.index_cast %swap3A_430 : i32 to index
      %swap3A_432 = arith.index_cast %add3A_429 : i32 to index
      %swap3A_433 = tpu.vector_load %arg7[%swap3A_431, %swap3A_432] {strides = array<i32>} : memref<2x4096xf32, #tpu.memory_space<vmem>>, vector<16xf32>,
      tpu.vector_store %arg7[%swap3A_431, %swap3A_432], %gather3A_404 {strides = array<i32>} : memref<2x4096xf32, #tpu.memory_space<vmem>>, vector<16xf32>,
      %mul3A_434 = arith.constant 128 : i32
      %mul3A_435 = arith.muli %scan3A_337, %mul3A_434 : i32
      %add3A_436 = arith.constant 48 : i32
      %add3A_437 = arith.addi %mul3A_435, %add3A_436 : i32
      %swap3A_438 = arith.constant 0 : i32
      %swap3A_439 = arith.index_cast %swap3A_438 : i32 to index
      %swap3A_440 = arith.index_cast %add3A_437 : i32 to index
      %swap3A_441 = tpu.vector_load %arg7[%swap3A_439, %swap3A_440] {strides = array<i32>} : memref<2x4096xf32, #tpu.memory_space<vmem>>, vector<16xf32>,
      tpu.vector_store %arg7[%swap3A_439, %swap3A_440], %gather3A_405 {strides = array<i32>} : memref<2x4096xf32, #tpu.memory_space<vmem>>, vector<16xf32>,
      %mul3A_442 = arith.constant 128 : i32
      %mul3A_443 = arith.muli %scan3A_337, %mul3A_442 : i32
      %add3A_444 = arith.constant 64 : i32
      %add3A_445 = arith.addi %mul3A_443, %add3A_444 : i32
      %swap3A_446 = arith.constant 0 : i32
      %swap3A_447 = arith.index_cast %swap3A_446 : i32 to index
      %swap3A_448 = arith.index_cast %add3A_445 : i32 to index
      %swap3A_449 = tpu.vector_load %arg7[%swap3A_447, %swap3A_448] {strides = array<i32>} : memref<2x4096xf32, #tpu.memory_space<vmem>>, vector<16xf32>,
      tpu.vector_store %arg7[%swap3A_447, %swap3A_448], %gather3A_406 {strides = array<i32>} : memref<2x4096xf32, #tpu.memory_space<vmem>>, vector<16xf32>,
      %mul3A_450 = arith.constant 128 : i32
      %mul3A_451 = arith.muli %scan3A_337, %mul3A_450 : i32
      %add3A_452 = arith.constant 80 : i32
      %add3A_453 = arith.addi %mul3A_451, %add3A_452 : i32
      %swap3A_454 = arith.constant 0 : i32
      %swap3A_455 = arith.index_cast %swap3A_454 : i32 to index
      %swap3A_456 = arith.index_cast %add3A_453 : i32 to index
      %swap3A_457 = tpu.vector_load %arg7[%swap3A_455, %swap3A_456] {strides = array<i32>} : memref<2x4096xf32, #tpu.memory_space<vmem>>, vector<16xf32>,
      tpu.vector_store %arg7[%swap3A_455, %swap3A_456], %gather3A_407 {strides = array<i32>} : memref<2x4096xf32, #tpu.memory_space<vmem>>, vector<16xf32>,
      %mul3A_458 = arith.constant 128 : i32
      %mul3A_459 = arith.muli %scan3A_337, %mul3A_458 : i32
      %add3A_460 = arith.constant 96 : i32
      %add3A_461 = arith.addi %mul3A_459, %add3A_460 : i32
      %swap3A_462 = arith.constant 0 : i32
      %swap3A_463 = arith.index_cast %swap3A_462 : i32 to index
      %swap3A_464 = arith.index_cast %add3A_461 : i32 to index
      %swap3A_465 = tpu.vector_load %arg7[%swap3A_463, %swap3A_464] {strides = array<i32>} : memref<2x4096xf32, #tpu.memory_space<vmem>>, vector<16xf32>,
      tpu.vector_store %arg7[%swap3A_463, %swap3A_464], %gather3A_408 {strides = array<i32>} : memref<2x4096xf32, #tpu.memory_space<vmem>>, vector<16xf32>,
      %mul3A_466 = arith.constant 128 : i32
      %mul3A_467 = arith.muli %scan3A_337, %mul3A_466 : i32
      %add3A_468 = arith.constant 112 : i32
      %add3A_469 = arith.addi %mul3A_467, %add3A_468 : i32
      %swap3A_470 = arith.constant 0 : i32
      %swap3A_471 = arith.index_cast %swap3A_470 : i32 to index
      %swap3A_472 = arith.index_cast %add3A_469 : i32 to index
      %swap3A_473 = tpu.vector_load %arg7[%swap3A_471, %swap3A_472] {strides = array<i32>} : memref<2x4096xf32, #tpu.memory_space<vmem>>, vector<16xf32>,
      tpu.vector_store %arg7[%swap3A_471, %swap3A_472], %gather3A_409 {strides = array<i32>} : memref<2x4096xf32, #tpu.memory_space<vmem>>, vector<16xf32>,
      %scan3A_474 = arith.constant 2 : i32
      %scan3A_475 = arith.addi %scan3A_202, %scan3A_474 : i32
      %mul3A_476 = arith.constant 128 : i32
      %mul3A_477 = arith.muli %scan3A_475, %mul3A_476 : i32
      %add3A_478 = arith.constant 8192 : i32
      %add3A_479 = arith.addi %add3A_478, %mul3A_477 : i32
      %add3A_480 = arith.constant 0 : i32
      %add3A_481 = arith.addi %add3A_479, %add3A_480 : i32
      %get3A_482 = arith.index_cast %add3A_481 : i32 to index
      %get3A_483 = tpu.vector_load %arg6[%get3A_482] {strides = array<i32>} : memref<16384xi32, #tpu.memory_space<vmem>>, vector<16xi32>,
      %mul3A_484 = arith.constant 128 : i32
      %mul3A_485 = arith.muli %scan3A_475, %mul3A_484 : i32
      %add3A_486 = arith.constant 8192 : i32
      %add3A_487 = arith.addi %add3A_486, %mul3A_485 : i32
      %add3A_488 = arith.constant 16 : i32
      %add3A_489 = arith.addi %add3A_487, %add3A_488 : i32
      %get3A_490 = arith.index_cast %add3A_489 : i32 to index
      %get3A_491 = tpu.vector_load %arg6[%get3A_490] {strides = array<i32>} : memref<16384xi32, #tpu.memory_space<vmem>>, vector<16xi32>,
      %mul3A_492 = arith.constant 128 : i32
      %mul3A_493 = arith.muli %scan3A_475, %mul3A_492 : i32
      %add3A_494 = arith.constant 8192 : i32
      %add3A_495 = arith.addi %add3A_494, %mul3A_493 : i32
      %add3A_496 = arith.constant 32 : i32
      %add3A_497 = arith.addi %add3A_495, %add3A_496 : i32
      %get3A_498 = arith.index_cast %add3A_497 : i32 to index
      %get3A_499 = tpu.vector_load %arg6[%get3A_498] {strides = array<i32>} : memref<16384xi32, #tpu.memory_space<vmem>>, vector<16xi32>,
      %mul3A_500 = arith.constant 128 : i32
      %mul3A_501 = arith.muli %scan3A_475, %mul3A_500 : i32
      %add3A_502 = arith.constant 8192 : i32
      %add3A_503 = arith.addi %add3A_502, %mul3A_501 : i32
      %add3A_504 = arith.constant 48 : i32
      %add3A_505 = arith.addi %add3A_503, %add3A_504 : i32
      %get3A_506 = arith.index_cast %add3A_505 : i32 to index
      %get3A_507 = tpu.vector_load %arg6[%get3A_506] {strides = array<i32>} : memref<16384xi32, #tpu.memory_space<vmem>>, vector<16xi32>,
      %mul3A_508 = arith.constant 128 : i32
      %mul3A_509 = arith.muli %scan3A_475, %mul3A_508 : i32
      %add3A_510 = arith.constant 8192 : i32
      %add3A_511 = arith.addi %add3A_510, %mul3A_509 : i32
      %add3A_512 = arith.constant 64 : i32
      %add3A_513 = arith.addi %add3A_511, %add3A_512 : i32
      %get3A_514 = arith.index_cast %add3A_513 : i32 to index
      %get3A_515 = tpu.vector_load %arg6[%get3A_514] {strides = array<i32>} : memref<16384xi32, #tpu.memory_space<vmem>>, vector<16xi32>,
      %mul3A_516 = arith.constant 128 : i32
      %mul3A_517 = arith.muli %scan3A_475, %mul3A_516 : i32
      %add3A_518 = arith.constant 8192 : i32
      %add3A_519 = arith.addi %add3A_518, %mul3A_517 : i32
      %add3A_520 = arith.constant 80 : i32
      %add3A_521 = arith.addi %add3A_519, %add3A_520 : i32
      %get3A_522 = arith.index_cast %add3A_521 : i32 to index
      %get3A_523 = tpu.vector_load %arg6[%get3A_522] {strides = array<i32>} : memref<16384xi32, #tpu.memory_space<vmem>>, vector<16xi32>,
      %mul3A_524 = arith.constant 128 : i32
      %mul3A_525 = arith.muli %scan3A_475, %mul3A_524 : i32
      %add3A_526 = arith.constant 8192 : i32
      %add3A_527 = arith.addi %add3A_526, %mul3A_525 : i32
      %add3A_528 = arith.constant 96 : i32
      %add3A_529 = arith.addi %add3A_527, %add3A_528 : i32
      %get3A_530 = arith.index_cast %add3A_529 : i32 to index
      %get3A_531 = tpu.vector_load %arg6[%get3A_530] {strides = array<i32>} : memref<16384xi32, #tpu.memory_space<vmem>>, vector<16xi32>,
      %mul3A_532 = arith.constant 128 : i32
      %mul3A_533 = arith.muli %scan3A_475, %mul3A_532 : i32
      %add3A_534 = arith.constant 8192 : i32
      %add3A_535 = arith.addi %add3A_534, %mul3A_533 : i32
      %add3A_536 = arith.constant 112 : i32
      %add3A_537 = arith.addi %add3A_535, %add3A_536 : i32
      %get3A_538 = arith.index_cast %add3A_537 : i32 to index
      %get3A_539 = tpu.vector_load %arg6[%get3A_538] {strides = array<i32>} : memref<16384xi32, #tpu.memory_space<vmem>>, vector<16xi32>,
      %gather3A_540 = tpu.vector_load_idx %arg5[%get3A_483] : memref<100001xf32, #tpu.memory_space<vmem>>[vector<16xi32>], vector<16xf32>,
      %gather3A_541 = tpu.vector_load_idx %arg5[%get3A_491] : memref<100001xf32, #tpu.memory_space<vmem>>[vector<16xi32>], vector<16xf32>,
      %gather3A_542 = tpu.vector_load_idx %arg5[%get3A_499] : memref<100001xf32, #tpu.memory_space<vmem>>[vector<16xi32>], vector<16xf32>,
      %gather3A_543 = tpu.vector_load_idx %arg5[%get3A_507] : memref<100001xf32, #tpu.memory_space<vmem>>[vector<16xi32>], vector<16xf32>,
      %gather3A_544 = tpu.vector_load_idx %arg5[%get3A_515] : memref<100001xf32, #tpu.memory_space<vmem>>[vector<16xi32>], vector<16xf32>,
      %gather3A_545 = tpu.vector_load_idx %arg5[%get3A_523] : memref<100001xf32, #tpu.memory_space<vmem>>[vector<16xi32>], vector<16xf32>,
      %gather3A_546 = tpu.vector_load_idx %arg5[%get3A_531] : memref<100001xf32, #tpu.memory_space<vmem>>[vector<16xi32>], vector<16xf32>,
      %gather3A_547 = tpu.vector_load_idx %arg5[%get3A_539] : memref<100001xf32, #tpu.memory_space<vmem>>[vector<16xi32>], vector<16xf32>,
      %mul3A_548 = arith.constant 128 : i32
      %mul3A_549 = arith.muli %scan3A_475, %mul3A_548 : i32
      %add3A_550 = arith.constant 0 : i32
      %add3A_551 = arith.addi %mul3A_549, %add3A_550 : i32
      %swap3A_552 = arith.constant 0 : i32
      %swap3A_553 = arith.index_cast %swap3A_552 : i32 to index
      %swap3A_554 = arith.index_cast %add3A_551 : i32 to index
      %swap3A_555 = tpu.vector_load %arg7[%swap3A_553, %swap3A_554] {strides = array<i32>} : memref<2x4096xf32, #tpu.memory_space<vmem>>, vector<16xf32>,
      tpu.vector_store %arg7[%swap3A_553, %swap3A_554], %gather3A_540 {strides = array<i32>} : memref<2x4096xf32, #tpu.memory_space<vmem>>, vector<16xf32>,
      %mul3A_556 = arith.constant 128 : i32
      %mul3A_557 = arith.muli %scan3A_475, %mul3A_556 : i32
      %add3A_558 = arith.constant 16 : i32
      %add3A_559 = arith.addi %mul3A_557, %add3A_558 : i32
      %swap3A_560 = arith.constant 0 : i32
      %swap3A_561 = arith.index_cast %swap3A_560 : i32 to index
      %swap3A_562 = arith.index_cast %add3A_559 : i32 to index
      %swap3A_563 = tpu.vector_load %arg7[%swap3A_561, %swap3A_562] {strides = array<i32>} : memref<2x4096xf32, #tpu.memory_space<vmem>>, vector<16xf32>,
      tpu.vector_store %arg7[%swap3A_561, %swap3A_562], %gather3A_541 {strides = array<i32>} : memref<2x4096xf32, #tpu.memory_space<vmem>>, vector<16xf32>,
      %mul3A_564 = arith.constant 128 : i32
      %mul3A_565 = arith.muli %scan3A_475, %mul3A_564 : i32
      %add3A_566 = arith.constant 32 : i32
      %add3A_567 = arith.addi %mul3A_565, %add3A_566 : i32
      %swap3A_568 = arith.constant 0 : i32
      %swap3A_569 = arith.index_cast %swap3A_568 : i32 to index
      %swap3A_570 = arith.index_cast %add3A_567 : i32 to index
      %swap3A_571 = tpu.vector_load %arg7[%swap3A_569, %swap3A_570] {strides = array<i32>} : memref<2x4096xf32, #tpu.memory_space<vmem>>, vector<16xf32>,
      tpu.vector_store %arg7[%swap3A_569, %swap3A_570], %gather3A_542 {strides = array<i32>} : memref<2x4096xf32, #tpu.memory_space<vmem>>, vector<16xf32>,
      %mul3A_572 = arith.constant 128 : i32
      %mul3A_573 = arith.muli %scan3A_475, %mul3A_572 : i32
      %add3A_574 = arith.constant 48 : i32
      %add3A_575 = arith.addi %mul3A_573, %add3A_574 : i32
      %swap3A_576 = arith.constant 0 : i32
      %swap3A_577 = arith.index_cast %swap3A_576 : i32 to index
      %swap3A_578 = arith.index_cast %add3A_575 : i32 to index
      %swap3A_579 = tpu.vector_load %arg7[%swap3A_577, %swap3A_578] {strides = array<i32>} : memref<2x4096xf32, #tpu.memory_space<vmem>>, vector<16xf32>,
      tpu.vector_store %arg7[%swap3A_577, %swap3A_578], %gather3A_543 {strides = array<i32>} : memref<2x4096xf32, #tpu.memory_space<vmem>>, vector<16xf32>,
      %mul3A_580 = arith.constant 128 : i32
      %mul3A_581 = arith.muli %scan3A_475, %mul3A_580 : i32
      %add3A_582 = arith.constant 64 : i32
      %add3A_583 = arith.addi %mul3A_581, %add3A_582 : i32
      %swap3A_584 = arith.constant 0 : i32
      %swap3A_585 = arith.index_cast %swap3A_584 : i32 to index
      %swap3A_586 = arith.index_cast %add3A_583 : i32 to index
      %swap3A_587 = tpu.vector_load %arg7[%swap3A_585, %swap3A_586] {strides = array<i32>} : memref<2x4096xf32, #tpu.memory_space<vmem>>, vector<16xf32>,
      tpu.vector_store %arg7[%swap3A_585, %swap3A_586], %gather3A_544 {strides = array<i32>} : memref<2x4096xf32, #tpu.memory_space<vmem>>, vector<16xf32>,
      %mul3A_588 = arith.constant 128 : i32
      %mul3A_589 = arith.muli %scan3A_475, %mul3A_588 : i32
      %add3A_590 = arith.constant 80 : i32
      %add3A_591 = arith.addi %mul3A_589, %add3A_590 : i32
      %swap3A_592 = arith.constant 0 : i32
      %swap3A_593 = arith.index_cast %swap3A_592 : i32 to index
      %swap3A_594 = arith.index_cast %add3A_591 : i32 to index
      %swap3A_595 = tpu.vector_load %arg7[%swap3A_593, %swap3A_594] {strides = array<i32>} : memref<2x4096xf32, #tpu.memory_space<vmem>>, vector<16xf32>,
      tpu.vector_store %arg7[%swap3A_593, %swap3A_594], %gather3A_545 {strides = array<i32>} : memref<2x4096xf32, #tpu.memory_space<vmem>>, vector<16xf32>,
      %mul3A_596 = arith.constant 128 : i32
      %mul3A_597 = arith.muli %scan3A_475, %mul3A_596 : i32
      %add3A_598 = arith.constant 96 : i32
      %add3A_599 = arith.addi %mul3A_597, %add3A_598 : i32
      %swap3A_600 = arith.constant 0 : i32
      %swap3A_601 = arith.index_cast %swap3A_600 : i32 to index
      %swap3A_602 = arith.index_cast %add3A_599 : i32 to index
      %swap3A_603 = tpu.vector_load %arg7[%swap3A_601, %swap3A_602] {strides = array<i32>} : memref<2x4096xf32, #tpu.memory_space<vmem>>, vector<16xf32>,
      tpu.vector_store %arg7[%swap3A_601, %swap3A_602], %gather3A_546 {strides = array<i32>} : memref<2x4096xf32, #tpu.memory_space<vmem>>, vector<16xf32>,
      %mul3A_604 = arith.constant 128 : i32
      %mul3A_605 = arith.muli %scan3A_475, %mul3A_604 : i32
      %add3A_606 = arith.constant 112 : i32
      %add3A_607 = arith.addi %mul3A_605, %add3A_606 : i32
      %swap3A_608 = arith.constant 0 : i32
      %swap3A_609 = arith.index_cast %swap3A_608 : i32 to index
      %swap3A_610 = arith.index_cast %add3A_607 : i32 to index
      %swap3A_611 = tpu.vector_load %arg7[%swap3A_609, %swap3A_610] {strides = array<i32>} : memref<2x4096xf32, #tpu.memory_space<vmem>>, vector<16xf32>,
      tpu.vector_store %arg7[%swap3A_609, %swap3A_610], %gather3A_547 {strides = array<i32>} : memref<2x4096xf32, #tpu.memory_space<vmem>>, vector<16xf32>,
      %scan3A_612 = arith.constant 3 : i32
      %scan3A_613 = arith.addi %scan3A_202, %scan3A_612 : i32
      %mul3A_614 = arith.constant 128 : i32
      %mul3A_615 = arith.muli %scan3A_613, %mul3A_614 : i32
      %add3A_616 = arith.constant 8192 : i32
      %add3A_617 = arith.addi %add3A_616, %mul3A_615 : i32
      %add3A_618 = arith.constant 0 : i32
      %add3A_619 = arith.addi %add3A_617, %add3A_618 : i32
      %get3A_620 = arith.index_cast %add3A_619 : i32 to index
      %get3A_621 = tpu.vector_load %arg6[%get3A_620] {strides = array<i32>} : memref<16384xi32, #tpu.memory_space<vmem>>, vector<16xi32>,
      %mul3A_622 = arith.constant 128 : i32
      %mul3A_623 = arith.muli %scan3A_613, %mul3A_622 : i32
      %add3A_624 = arith.constant 8192 : i32
      %add3A_625 = arith.addi %add3A_624, %mul3A_623 : i32
      %add3A_626 = arith.constant 16 : i32
      %add3A_627 = arith.addi %add3A_625, %add3A_626 : i32
      %get3A_628 = arith.index_cast %add3A_627 : i32 to index
      %get3A_629 = tpu.vector_load %arg6[%get3A_628] {strides = array<i32>} : memref<16384xi32, #tpu.memory_space<vmem>>, vector<16xi32>,
      %mul3A_630 = arith.constant 128 : i32
      %mul3A_631 = arith.muli %scan3A_613, %mul3A_630 : i32
      %add3A_632 = arith.constant 8192 : i32
      %add3A_633 = arith.addi %add3A_632, %mul3A_631 : i32
      %add3A_634 = arith.constant 32 : i32
      %add3A_635 = arith.addi %add3A_633, %add3A_634 : i32
      %get3A_636 = arith.index_cast %add3A_635 : i32 to index
      %get3A_637 = tpu.vector_load %arg6[%get3A_636] {strides = array<i32>} : memref<16384xi32, #tpu.memory_space<vmem>>, vector<16xi32>,
      %mul3A_638 = arith.constant 128 : i32
      %mul3A_639 = arith.muli %scan3A_613, %mul3A_638 : i32
      %add3A_640 = arith.constant 8192 : i32
      %add3A_641 = arith.addi %add3A_640, %mul3A_639 : i32
      %add3A_642 = arith.constant 48 : i32
      %add3A_643 = arith.addi %add3A_641, %add3A_642 : i32
      %get3A_644 = arith.index_cast %add3A_643 : i32 to index
      %get3A_645 = tpu.vector_load %arg6[%get3A_644] {strides = array<i32>} : memref<16384xi32, #tpu.memory_space<vmem>>, vector<16xi32>,
      %mul3A_646 = arith.constant 128 : i32
      %mul3A_647 = arith.muli %scan3A_613, %mul3A_646 : i32
      %add3A_648 = arith.constant 8192 : i32
      %add3A_649 = arith.addi %add3A_648, %mul3A_647 : i32
      %add3A_650 = arith.constant 64 : i32
      %add3A_651 = arith.addi %add3A_649, %add3A_650 : i32
      %get3A_652 = arith.index_cast %add3A_651 : i32 to index
      %get3A_653 = tpu.vector_load %arg6[%get3A_652] {strides = array<i32>} : memref<16384xi32, #tpu.memory_space<vmem>>, vector<16xi32>,
      %mul3A_654 = arith.constant 128 : i32
      %mul3A_655 = arith.muli %scan3A_613, %mul3A_654 : i32
      %add3A_656 = arith.constant 8192 : i32
      %add3A_657 = arith.addi %add3A_656, %mul3A_655 : i32
      %add3A_658 = arith.constant 80 : i32
      %add3A_659 = arith.addi %add3A_657, %add3A_658 : i32
      %get3A_660 = arith.index_cast %add3A_659 : i32 to index
      %get3A_661 = tpu.vector_load %arg6[%get3A_660] {strides = array<i32>} : memref<16384xi32, #tpu.memory_space<vmem>>, vector<16xi32>,
      %mul3A_662 = arith.constant 128 : i32
      %mul3A_663 = arith.muli %scan3A_613, %mul3A_662 : i32
      %add3A_664 = arith.constant 8192 : i32
      %add3A_665 = arith.addi %add3A_664, %mul3A_663 : i32
      %add3A_666 = arith.constant 96 : i32
      %add3A_667 = arith.addi %add3A_665, %add3A_666 : i32
      %get3A_668 = arith.index_cast %add3A_667 : i32 to index
      %get3A_669 = tpu.vector_load %arg6[%get3A_668] {strides = array<i32>} : memref<16384xi32, #tpu.memory_space<vmem>>, vector<16xi32>,
      %mul3A_670 = arith.constant 128 : i32
      %mul3A_671 = arith.muli %scan3A_613, %mul3A_670 : i32
      %add3A_672 = arith.constant 8192 : i32
      %add3A_673 = arith.addi %add3A_672, %mul3A_671 : i32
      %add3A_674 = arith.constant 112 : i32
      %add3A_675 = arith.addi %add3A_673, %add3A_674 : i32
      %get3A_676 = arith.index_cast %add3A_675 : i32 to index
      %get3A_677 = tpu.vector_load %arg6[%get3A_676] {strides = array<i32>} : memref<16384xi32, #tpu.memory_space<vmem>>, vector<16xi32>,
      %gather3A_678 = tpu.vector_load_idx %arg5[%get3A_621] : memref<100001xf32, #tpu.memory_space<vmem>>[vector<16xi32>], vector<16xf32>,
      %gather3A_679 = tpu.vector_load_idx %arg5[%get3A_629] : memref<100001xf32, #tpu.memory_space<vmem>>[vector<16xi32>], vector<16xf32>,
      %gather3A_680 = tpu.vector_load_idx %arg5[%get3A_637] : memref<100001xf32, #tpu.memory_space<vmem>>[vector<16xi32>], vector<16xf32>,
      %gather3A_681 = tpu.vector_load_idx %arg5[%get3A_645] : memref<100001xf32, #tpu.memory_space<vmem>>[vector<16xi32>], vector<16xf32>,
      %gather3A_682 = tpu.vector_load_idx %arg5[%get3A_653] : memref<100001xf32, #tpu.memory_space<vmem>>[vector<16xi32>], vector<16xf32>,
      %gather3A_683 = tpu.vector_load_idx %arg5[%get3A_661] : memref<100001xf32, #tpu.memory_space<vmem>>[vector<16xi32>], vector<16xf32>,
      %gather3A_684 = tpu.vector_load_idx %arg5[%get3A_669] : memref<100001xf32, #tpu.memory_space<vmem>>[vector<16xi32>], vector<16xf32>,
      %gather3A_685 = tpu.vector_load_idx %arg5[%get3A_677] : memref<100001xf32, #tpu.memory_space<vmem>>[vector<16xi32>], vector<16xf32>,
      %mul3A_686 = arith.constant 128 : i32
      %mul3A_687 = arith.muli %scan3A_613, %mul3A_686 : i32
      %add3A_688 = arith.constant 0 : i32
      %add3A_689 = arith.addi %mul3A_687, %add3A_688 : i32
      %swap3A_690 = arith.constant 0 : i32
      %swap3A_691 = arith.index_cast %swap3A_690 : i32 to index
      %swap3A_692 = arith.index_cast %add3A_689 : i32 to index
      %swap3A_693 = tpu.vector_load %arg7[%swap3A_691, %swap3A_692] {strides = array<i32>} : memref<2x4096xf32, #tpu.memory_space<vmem>>, vector<16xf32>,
      tpu.vector_store %arg7[%swap3A_691, %swap3A_692], %gather3A_678 {strides = array<i32>} : memref<2x4096xf32, #tpu.memory_space<vmem>>, vector<16xf32>,
      %mul3A_694 = arith.constant 128 : i32
      %mul3A_695 = arith.muli %scan3A_613, %mul3A_694 : i32
      %add3A_696 = arith.constant 16 : i32
      %add3A_697 = arith.addi %mul3A_695, %add3A_696 : i32
      %swap3A_698 = arith.constant 0 : i32
      %swap3A_699 = arith.index_cast %swap3A_698 : i32 to index
      %swap3A_700 = arith.index_cast %add3A_697 : i32 to index
      %swap3A_701 = tpu.vector_load %arg7[%swap3A_699, %swap3A_700] {strides = array<i32>} : memref<2x4096xf32, #tpu.memory_space<vmem>>, vector<16xf32>,
      tpu.vector_store %arg7[%swap3A_699, %swap3A_700], %gather3A_679 {strides = array<i32>} : memref<2x4096xf32, #tpu.memory_space<vmem>>, vector<16xf32>,
      %mul3A_702 = arith.constant 128 : i32
      %mul3A_703 = arith.muli %scan3A_613, %mul3A_702 : i32
      %add3A_704 = arith.constant 32 : i32
      %add3A_705 = arith.addi %mul3A_703, %add3A_704 : i32
      %swap3A_706 = arith.constant 0 : i32
      %swap3A_707 = arith.index_cast %swap3A_706 : i32 to index
      %swap3A_708 = arith.index_cast %add3A_705 : i32 to index
      %swap3A_709 = tpu.vector_load %arg7[%swap3A_707, %swap3A_708] {strides = array<i32>} : memref<2x4096xf32, #tpu.memory_space<vmem>>, vector<16xf32>,
      tpu.vector_store %arg7[%swap3A_707, %swap3A_708], %gather3A_680 {strides = array<i32>} : memref<2x4096xf32, #tpu.memory_space<vmem>>, vector<16xf32>,
      %mul3A_710 = arith.constant 128 : i32
      %mul3A_711 = arith.muli %scan3A_613, %mul3A_710 : i32
      %add3A_712 = arith.constant 48 : i32
      %add3A_713 = arith.addi %mul3A_711, %add3A_712 : i32
      %swap3A_714 = arith.constant 0 : i32
      %swap3A_715 = arith.index_cast %swap3A_714 : i32 to index
      %swap3A_716 = arith.index_cast %add3A_713 : i32 to index
      %swap3A_717 = tpu.vector_load %arg7[%swap3A_715, %swap3A_716] {strides = array<i32>} : memref<2x4096xf32, #tpu.memory_space<vmem>>, vector<16xf32>,
      tpu.vector_store %arg7[%swap3A_715, %swap3A_716], %gather3A_681 {strides = array<i32>} : memref<2x4096xf32, #tpu.memory_space<vmem>>, vector<16xf32>,
      %mul3A_718 = arith.constant 128 : i32
      %mul3A_719 = arith.muli %scan3A_613, %mul3A_718 : i32
      %add3A_720 = arith.constant 64 : i32
      %add3A_721 = arith.addi %mul3A_719, %add3A_720 : i32
      %swap3A_722 = arith.constant 0 : i32
      %swap3A_723 = arith.index_cast %swap3A_722 : i32 to index
      %swap3A_724 = arith.index_cast %add3A_721 : i32 to index
      %swap3A_725 = tpu.vector_load %arg7[%swap3A_723, %swap3A_724] {strides = array<i32>} : memref<2x4096xf32, #tpu.memory_space<vmem>>, vector<16xf32>,
      tpu.vector_store %arg7[%swap3A_723, %swap3A_724], %gather3A_682 {strides = array<i32>} : memref<2x4096xf32, #tpu.memory_space<vmem>>, vector<16xf32>,
      %mul3A_726 = arith.constant 128 : i32
      %mul3A_727 = arith.muli %scan3A_613, %mul3A_726 : i32
      %add3A_728 = arith.constant 80 : i32
      %add3A_729 = arith.addi %mul3A_727, %add3A_728 : i32
      %swap3A_730 = arith.constant 0 : i32
      %swap3A_731 = arith.index_cast %swap3A_730 : i32 to index
      %swap3A_732 = arith.index_cast %add3A_729 : i32 to index
      %swap3A_733 = tpu.vector_load %arg7[%swap3A_731, %swap3A_732] {strides = array<i32>} : memref<2x4096xf32, #tpu.memory_space<vmem>>, vector<16xf32>,
      tpu.vector_store %arg7[%swap3A_731, %swap3A_732], %gather3A_683 {strides = array<i32>} : memref<2x4096xf32, #tpu.memory_space<vmem>>, vector<16xf32>,
      %mul3A_734 = arith.constant 128 : i32
      %mul3A_735 = arith.muli %scan3A_613, %mul3A_734 : i32
      %add3A_736 = arith.constant 96 : i32
      %add3A_737 = arith.addi %mul3A_735, %add3A_736 : i32
      %swap3A_738 = arith.constant 0 : i32
      %swap3A_739 = arith.index_cast %swap3A_738 : i32 to index
      %swap3A_740 = arith.index_cast %add3A_737 : i32 to index
      %swap3A_741 = tpu.vector_load %arg7[%swap3A_739, %swap3A_740] {strides = array<i32>} : memref<2x4096xf32, #tpu.memory_space<vmem>>, vector<16xf32>,
      tpu.vector_store %arg7[%swap3A_739, %swap3A_740], %gather3A_684 {strides = array<i32>} : memref<2x4096xf32, #tpu.memory_space<vmem>>, vector<16xf32>,
      %mul3A_742 = arith.constant 128 : i32
      %mul3A_743 = arith.muli %scan3A_613, %mul3A_742 : i32
      %add3A_744 = arith.constant 112 : i32
      %add3A_745 = arith.addi %mul3A_743, %add3A_744 : i32
      %swap3A_746 = arith.constant 0 : i32
      %swap3A_747 = arith.index_cast %swap3A_746 : i32 to index
      %swap3A_748 = arith.index_cast %add3A_745 : i32 to index
      %swap3A_749 = tpu.vector_load %arg7[%swap3A_747, %swap3A_748] {strides = array<i32>} : memref<2x4096xf32, #tpu.memory_space<vmem>>, vector<16xf32>,
      tpu.vector_store %arg7[%swap3A_747, %swap3A_748], %gather3A_685 {strides = array<i32>} : memref<2x4096xf32, #tpu.memory_space<vmem>>, vector<16xf32>,
      %scan3A_750 = arith.constant 4 : i32
      %scan3A_751 = arith.addi %scan3A_202, %scan3A_750 : i32
      %mul3A_752 = arith.constant 128 : i32
      %mul3A_753 = arith.muli %scan3A_751, %mul3A_752 : i32
      %add3A_754 = arith.constant 8192 : i32
      %add3A_755 = arith.addi %add3A_754, %mul3A_753 : i32
      %add3A_756 = arith.constant 0 : i32
      %add3A_757 = arith.addi %add3A_755, %add3A_756 : i32
      %get3A_758 = arith.index_cast %add3A_757 : i32 to index
      %get3A_759 = tpu.vector_load %arg6[%get3A_758] {strides = array<i32>} : memref<16384xi32, #tpu.memory_space<vmem>>, vector<16xi32>,
      %mul3A_760 = arith.constant 128 : i32
      %mul3A_761 = arith.muli %scan3A_751, %mul3A_760 : i32
      %add3A_762 = arith.constant 8192 : i32
      %add3A_763 = arith.addi %add3A_762, %mul3A_761 : i32
      %add3A_764 = arith.constant 16 : i32
      %add3A_765 = arith.addi %add3A_763, %add3A_764 : i32
      %get3A_766 = arith.index_cast %add3A_765 : i32 to index
      %get3A_767 = tpu.vector_load %arg6[%get3A_766] {strides = array<i32>} : memref<16384xi32, #tpu.memory_space<vmem>>, vector<16xi32>,
      %mul3A_768 = arith.constant 128 : i32
      %mul3A_769 = arith.muli %scan3A_751, %mul3A_768 : i32
      %add3A_770 = arith.constant 8192 : i32
      %add3A_771 = arith.addi %add3A_770, %mul3A_769 : i32
      %add3A_772 = arith.constant 32 : i32
      %add3A_773 = arith.addi %add3A_771, %add3A_772 : i32
      %get3A_774 = arith.index_cast %add3A_773 : i32 to index
      %get3A_775 = tpu.vector_load %arg6[%get3A_774] {strides = array<i32>} : memref<16384xi32, #tpu.memory_space<vmem>>, vector<16xi32>,
      %mul3A_776 = arith.constant 128 : i32
      %mul3A_777 = arith.muli %scan3A_751, %mul3A_776 : i32
      %add3A_778 = arith.constant 8192 : i32
      %add3A_779 = arith.addi %add3A_778, %mul3A_777 : i32
      %add3A_780 = arith.constant 48 : i32
      %add3A_781 = arith.addi %add3A_779, %add3A_780 : i32
      %get3A_782 = arith.index_cast %add3A_781 : i32 to index
      %get3A_783 = tpu.vector_load %arg6[%get3A_782] {strides = array<i32>} : memref<16384xi32, #tpu.memory_space<vmem>>, vector<16xi32>,
      %mul3A_784 = arith.constant 128 : i32
      %mul3A_785 = arith.muli %scan3A_751, %mul3A_784 : i32
      %add3A_786 = arith.constant 8192 : i32
      %add3A_787 = arith.addi %add3A_786, %mul3A_785 : i32
      %add3A_788 = arith.constant 64 : i32
      %add3A_789 = arith.addi %add3A_787, %add3A_788 : i32
      %get3A_790 = arith.index_cast %add3A_789 : i32 to index
      %get3A_791 = tpu.vector_load %arg6[%get3A_790] {strides = array<i32>} : memref<16384xi32, #tpu.memory_space<vmem>>, vector<16xi32>,
      %mul3A_792 = arith.constant 128 : i32
      %mul3A_793 = arith.muli %scan3A_751, %mul3A_792 : i32
      %add3A_794 = arith.constant 8192 : i32
      %add3A_795 = arith.addi %add3A_794, %mul3A_793 : i32
      %add3A_796 = arith.constant 80 : i32
      %add3A_797 = arith.addi %add3A_795, %add3A_796 : i32
      %get3A_798 = arith.index_cast %add3A_797 : i32 to index
      %get3A_799 = tpu.vector_load %arg6[%get3A_798] {strides = array<i32>} : memref<16384xi32, #tpu.memory_space<vmem>>, vector<16xi32>,
      %mul3A_800 = arith.constant 128 : i32
      %mul3A_801 = arith.muli %scan3A_751, %mul3A_800 : i32
      %add3A_802 = arith.constant 8192 : i32
      %add3A_803 = arith.addi %add3A_802, %mul3A_801 : i32
      %add3A_804 = arith.constant 96 : i32
      %add3A_805 = arith.addi %add3A_803, %add3A_804 : i32
      %get3A_806 = arith.index_cast %add3A_805 : i32 to index
      %get3A_807 = tpu.vector_load %arg6[%get3A_806] {strides = array<i32>} : memref<16384xi32, #tpu.memory_space<vmem>>, vector<16xi32>,
      %mul3A_808 = arith.constant 128 : i32
      %mul3A_809 = arith.muli %scan3A_751, %mul3A_808 : i32
      %add3A_810 = arith.constant 8192 : i32
      %add3A_811 = arith.addi %add3A_810, %mul3A_809 : i32
      %add3A_812 = arith.constant 112 : i32
      %add3A_813 = arith.addi %add3A_811, %add3A_812 : i32
      %get3A_814 = arith.index_cast %add3A_813 : i32 to index
      %get3A_815 = tpu.vector_load %arg6[%get3A_814] {strides = array<i32>} : memref<16384xi32, #tpu.memory_space<vmem>>, vector<16xi32>,
      %gather3A_816 = tpu.vector_load_idx %arg5[%get3A_759] : memref<100001xf32, #tpu.memory_space<vmem>>[vector<16xi32>], vector<16xf32>,
      %gather3A_817 = tpu.vector_load_idx %arg5[%get3A_767] : memref<100001xf32, #tpu.memory_space<vmem>>[vector<16xi32>], vector<16xf32>,
      %gather3A_818 = tpu.vector_load_idx %arg5[%get3A_775] : memref<100001xf32, #tpu.memory_space<vmem>>[vector<16xi32>], vector<16xf32>,
      %gather3A_819 = tpu.vector_load_idx %arg5[%get3A_783] : memref<100001xf32, #tpu.memory_space<vmem>>[vector<16xi32>], vector<16xf32>,
      %gather3A_820 = tpu.vector_load_idx %arg5[%get3A_791] : memref<100001xf32, #tpu.memory_space<vmem>>[vector<16xi32>], vector<16xf32>,
      %gather3A_821 = tpu.vector_load_idx %arg5[%get3A_799] : memref<100001xf32, #tpu.memory_space<vmem>>[vector<16xi32>], vector<16xf32>,
      %gather3A_822 = tpu.vector_load_idx %arg5[%get3A_807] : memref<100001xf32, #tpu.memory_space<vmem>>[vector<16xi32>], vector<16xf32>,
      %gather3A_823 = tpu.vector_load_idx %arg5[%get3A_815] : memref<100001xf32, #tpu.memory_space<vmem>>[vector<16xi32>], vector<16xf32>,
      %mul3A_824 = arith.constant 128 : i32
      %mul3A_825 = arith.muli %scan3A_751, %mul3A_824 : i32
      %add3A_826 = arith.constant 0 : i32
      %add3A_827 = arith.addi %mul3A_825, %add3A_826 : i32
      %swap3A_828 = arith.constant 0 : i32
      %swap3A_829 = arith.index_cast %swap3A_828 : i32 to index
      %swap3A_830 = arith.index_cast %add3A_827 : i32 to index
      %swap3A_831 = tpu.vector_load %arg7[%swap3A_829, %swap3A_830] {strides = array<i32>} : memref<2x4096xf32, #tpu.memory_space<vmem>>, vector<16xf32>,
      tpu.vector_store %arg7[%swap3A_829, %swap3A_830], %gather3A_816 {strides = array<i32>} : memref<2x4096xf32, #tpu.memory_space<vmem>>, vector<16xf32>,
      %mul3A_832 = arith.constant 128 : i32
      %mul3A_833 = arith.muli %scan3A_751, %mul3A_832 : i32
      %add3A_834 = arith.constant 16 : i32
      %add3A_835 = arith.addi %mul3A_833, %add3A_834 : i32
      %swap3A_836 = arith.constant 0 : i32
      %swap3A_837 = arith.index_cast %swap3A_836 : i32 to index
      %swap3A_838 = arith.index_cast %add3A_835 : i32 to index
      %swap3A_839 = tpu.vector_load %arg7[%swap3A_837, %swap3A_838] {strides = array<i32>} : memref<2x4096xf32, #tpu.memory_space<vmem>>, vector<16xf32>,
      tpu.vector_store %arg7[%swap3A_837, %swap3A_838], %gather3A_817 {strides = array<i32>} : memref<2x4096xf32, #tpu.memory_space<vmem>>, vector<16xf32>,
      %mul3A_840 = arith.constant 128 : i32
      %mul3A_841 = arith.muli %scan3A_751, %mul3A_840 : i32
      %add3A_842 = arith.constant 32 : i32
      %add3A_843 = arith.addi %mul3A_841, %add3A_842 : i32
      %swap3A_844 = arith.constant 0 : i32
      %swap3A_845 = arith.index_cast %swap3A_844 : i32 to index
      %swap3A_846 = arith.index_cast %add3A_843 : i32 to index
      %swap3A_847 = tpu.vector_load %arg7[%swap3A_845, %swap3A_846] {strides = array<i32>} : memref<2x4096xf32, #tpu.memory_space<vmem>>, vector<16xf32>,
      tpu.vector_store %arg7[%swap3A_845, %swap3A_846], %gather3A_818 {strides = array<i32>} : memref<2x4096xf32, #tpu.memory_space<vmem>>, vector<16xf32>,
      %mul3A_848 = arith.constant 128 : i32
      %mul3A_849 = arith.muli %scan3A_751, %mul3A_848 : i32
      %add3A_850 = arith.constant 48 : i32
      %add3A_851 = arith.addi %mul3A_849, %add3A_850 : i32
      %swap3A_852 = arith.constant 0 : i32
      %swap3A_853 = arith.index_cast %swap3A_852 : i32 to index
      %swap3A_854 = arith.index_cast %add3A_851 : i32 to index
      %swap3A_855 = tpu.vector_load %arg7[%swap3A_853, %swap3A_854] {strides = array<i32>} : memref<2x4096xf32, #tpu.memory_space<vmem>>, vector<16xf32>,
      tpu.vector_store %arg7[%swap3A_853, %swap3A_854], %gather3A_819 {strides = array<i32>} : memref<2x4096xf32, #tpu.memory_space<vmem>>, vector<16xf32>,
      %mul3A_856 = arith.constant 128 : i32
      %mul3A_857 = arith.muli %scan3A_751, %mul3A_856 : i32
      %add3A_858 = arith.constant 64 : i32
      %add3A_859 = arith.addi %mul3A_857, %add3A_858 : i32
      %swap3A_860 = arith.constant 0 : i32
      %swap3A_861 = arith.index_cast %swap3A_860 : i32 to index
      %swap3A_862 = arith.index_cast %add3A_859 : i32 to index
      %swap3A_863 = tpu.vector_load %arg7[%swap3A_861, %swap3A_862] {strides = array<i32>} : memref<2x4096xf32, #tpu.memory_space<vmem>>, vector<16xf32>,
      tpu.vector_store %arg7[%swap3A_861, %swap3A_862], %gather3A_820 {strides = array<i32>} : memref<2x4096xf32, #tpu.memory_space<vmem>>, vector<16xf32>,
      %mul3A_864 = arith.constant 128 : i32
      %mul3A_865 = arith.muli %scan3A_751, %mul3A_864 : i32
      %add3A_866 = arith.constant 80 : i32
      %add3A_867 = arith.addi %mul3A_865, %add3A_866 : i32
      %swap3A_868 = arith.constant 0 : i32
      %swap3A_869 = arith.index_cast %swap3A_868 : i32 to index
      %swap3A_870 = arith.index_cast %add3A_867 : i32 to index
      %swap3A_871 = tpu.vector_load %arg7[%swap3A_869, %swap3A_870] {strides = array<i32>} : memref<2x4096xf32, #tpu.memory_space<vmem>>, vector<16xf32>,
      tpu.vector_store %arg7[%swap3A_869, %swap3A_870], %gather3A_821 {strides = array<i32>} : memref<2x4096xf32, #tpu.memory_space<vmem>>, vector<16xf32>,
      %mul3A_872 = arith.constant 128 : i32
      %mul3A_873 = arith.muli %scan3A_751, %mul3A_872 : i32
      %add3A_874 = arith.constant 96 : i32
      %add3A_875 = arith.addi %mul3A_873, %add3A_874 : i32
      %swap3A_876 = arith.constant 0 : i32
      %swap3A_877 = arith.index_cast %swap3A_876 : i32 to index
      %swap3A_878 = arith.index_cast %add3A_875 : i32 to index
      %swap3A_879 = tpu.vector_load %arg7[%swap3A_877, %swap3A_878] {strides = array<i32>} : memref<2x4096xf32, #tpu.memory_space<vmem>>, vector<16xf32>,
      tpu.vector_store %arg7[%swap3A_877, %swap3A_878], %gather3A_822 {strides = array<i32>} : memref<2x4096xf32, #tpu.memory_space<vmem>>, vector<16xf32>,
      %mul3A_880 = arith.constant 128 : i32
      %mul3A_881 = arith.muli %scan3A_751, %mul3A_880 : i32
      %add3A_882 = arith.constant 112 : i32
      %add3A_883 = arith.addi %mul3A_881, %add3A_882 : i32
      %swap3A_884 = arith.constant 0 : i32
      %swap3A_885 = arith.index_cast %swap3A_884 : i32 to index
      %swap3A_886 = arith.index_cast %add3A_883 : i32 to index
      %swap3A_887 = tpu.vector_load %arg7[%swap3A_885, %swap3A_886] {strides = array<i32>} : memref<2x4096xf32, #tpu.memory_space<vmem>>, vector<16xf32>,
      tpu.vector_store %arg7[%swap3A_885, %swap3A_886], %gather3A_823 {strides = array<i32>} : memref<2x4096xf32, #tpu.memory_space<vmem>>, vector<16xf32>,
      %scan3A_888 = arith.constant 5 : i32
      %scan3A_889 = arith.addi %scan3A_202, %scan3A_888 : i32
      %mul3A_890 = arith.constant 128 : i32
      %mul3A_891 = arith.muli %scan3A_889, %mul3A_890 : i32
      %add3A_892 = arith.constant 8192 : i32
      %add3A_893 = arith.addi %add3A_892, %mul3A_891 : i32
      %add3A_894 = arith.constant 0 : i32
      %add3A_895 = arith.addi %add3A_893, %add3A_894 : i32
      %get3A_896 = arith.index_cast %add3A_895 : i32 to index
      %get3A_897 = tpu.vector_load %arg6[%get3A_896] {strides = array<i32>} : memref<16384xi32, #tpu.memory_space<vmem>>, vector<16xi32>,
      %mul3A_898 = arith.constant 128 : i32
      %mul3A_899 = arith.muli %scan3A_889, %mul3A_898 : i32
      %add3A_900 = arith.constant 8192 : i32
      %add3A_901 = arith.addi %add3A_900, %mul3A_899 : i32
      %add3A_902 = arith.constant 16 : i32
      %add3A_903 = arith.addi %add3A_901, %add3A_902 : i32
      %get3A_904 = arith.index_cast %add3A_903 : i32 to index
      %get3A_905 = tpu.vector_load %arg6[%get3A_904] {strides = array<i32>} : memref<16384xi32, #tpu.memory_space<vmem>>, vector<16xi32>,
      %mul3A_906 = arith.constant 128 : i32
      %mul3A_907 = arith.muli %scan3A_889, %mul3A_906 : i32
      %add3A_908 = arith.constant 8192 : i32
      %add3A_909 = arith.addi %add3A_908, %mul3A_907 : i32
      %add3A_910 = arith.constant 32 : i32
      %add3A_911 = arith.addi %add3A_909, %add3A_910 : i32
      %get3A_912 = arith.index_cast %add3A_911 : i32 to index
      %get3A_913 = tpu.vector_load %arg6[%get3A_912] {strides = array<i32>} : memref<16384xi32, #tpu.memory_space<vmem>>, vector<16xi32>,
      %mul3A_914 = arith.constant 128 : i32
      %mul3A_915 = arith.muli %scan3A_889, %mul3A_914 : i32
      %add3A_916 = arith.constant 8192 : i32
      %add3A_917 = arith.addi %add3A_916, %mul3A_915 : i32
      %add3A_918 = arith.constant 48 : i32
      %add3A_919 = arith.addi %add3A_917, %add3A_918 : i32
      %get3A_920 = arith.index_cast %add3A_919 : i32 to index
      %get3A_921 = tpu.vector_load %arg6[%get3A_920] {strides = array<i32>} : memref<16384xi32, #tpu.memory_space<vmem>>, vector<16xi32>,
      %mul3A_922 = arith.constant 128 : i32
      %mul3A_923 = arith.muli %scan3A_889, %mul3A_922 : i32
      %add3A_924 = arith.constant 8192 : i32
      %add3A_925 = arith.addi %add3A_924, %mul3A_923 : i32
      %add3A_926 = arith.constant 64 : i32
      %add3A_927 = arith.addi %add3A_925, %add3A_926 : i32
      %get3A_928 = arith.index_cast %add3A_927 : i32 to index
      %get3A_929 = tpu.vector_load %arg6[%get3A_928] {strides = array<i32>} : memref<16384xi32, #tpu.memory_space<vmem>>, vector<16xi32>,
      %mul3A_930 = arith.constant 128 : i32
      %mul3A_931 = arith.muli %scan3A_889, %mul3A_930 : i32
      %add3A_932 = arith.constant 8192 : i32
      %add3A_933 = arith.addi %add3A_932, %mul3A_931 : i32
      %add3A_934 = arith.constant 80 : i32
      %add3A_935 = arith.addi %add3A_933, %add3A_934 : i32
      %get3A_936 = arith.index_cast %add3A_935 : i32 to index
      %get3A_937 = tpu.vector_load %arg6[%get3A_936] {strides = array<i32>} : memref<16384xi32, #tpu.memory_space<vmem>>, vector<16xi32>,
      %mul3A_938 = arith.constant 128 : i32
      %mul3A_939 = arith.muli %scan3A_889, %mul3A_938 : i32
      %add3A_940 = arith.constant 8192 : i32
      %add3A_941 = arith.addi %add3A_940, %mul3A_939 : i32
      %add3A_942 = arith.constant 96 : i32
      %add3A_943 = arith.addi %add3A_941, %add3A_942 : i32
      %get3A_944 = arith.index_cast %add3A_943 : i32 to index
      %get3A_945 = tpu.vector_load %arg6[%get3A_944] {strides = array<i32>} : memref<16384xi32, #tpu.memory_space<vmem>>, vector<16xi32>,
      %mul3A_946 = arith.constant 128 : i32
      %mul3A_947 = arith.muli %scan3A_889, %mul3A_946 : i32
      %add3A_948 = arith.constant 8192 : i32
      %add3A_949 = arith.addi %add3A_948, %mul3A_947 : i32
      %add3A_950 = arith.constant 112 : i32
      %add3A_951 = arith.addi %add3A_949, %add3A_950 : i32
      %get3A_952 = arith.index_cast %add3A_951 : i32 to index
      %get3A_953 = tpu.vector_load %arg6[%get3A_952] {strides = array<i32>} : memref<16384xi32, #tpu.memory_space<vmem>>, vector<16xi32>,
      %gather3A_954 = tpu.vector_load_idx %arg5[%get3A_897] : memref<100001xf32, #tpu.memory_space<vmem>>[vector<16xi32>], vector<16xf32>,
      %gather3A_955 = tpu.vector_load_idx %arg5[%get3A_905] : memref<100001xf32, #tpu.memory_space<vmem>>[vector<16xi32>], vector<16xf32>,
      %gather3A_956 = tpu.vector_load_idx %arg5[%get3A_913] : memref<100001xf32, #tpu.memory_space<vmem>>[vector<16xi32>], vector<16xf32>,
      %gather3A_957 = tpu.vector_load_idx %arg5[%get3A_921] : memref<100001xf32, #tpu.memory_space<vmem>>[vector<16xi32>], vector<16xf32>,
      %gather3A_958 = tpu.vector_load_idx %arg5[%get3A_929] : memref<100001xf32, #tpu.memory_space<vmem>>[vector<16xi32>], vector<16xf32>,
      %gather3A_959 = tpu.vector_load_idx %arg5[%get3A_937] : memref<100001xf32, #tpu.memory_space<vmem>>[vector<16xi32>], vector<16xf32>,
      %gather3A_960 = tpu.vector_load_idx %arg5[%get3A_945] : memref<100001xf32, #tpu.memory_space<vmem>>[vector<16xi32>], vector<16xf32>,
      %gather3A_961 = tpu.vector_load_idx %arg5[%get3A_953] : memref<100001xf32, #tpu.memory_space<vmem>>[vector<16xi32>], vector<16xf32>,
      %mul3A_962 = arith.constant 128 : i32
      %mul3A_963 = arith.muli %scan3A_889, %mul3A_962 : i32
      %add3A_964 = arith.constant 0 : i32
      %add3A_965 = arith.addi %mul3A_963, %add3A_964 : i32
      %swap3A_966 = arith.constant 0 : i32
      %swap3A_967 = arith.index_cast %swap3A_966 : i32 to index
      %swap3A_968 = arith.index_cast %add3A_965 : i32 to index
      %swap3A_969 = tpu.vector_load %arg7[%swap3A_967, %swap3A_968] {strides = array<i32>} : memref<2x4096xf32, #tpu.memory_space<vmem>>, vector<16xf32>,
      tpu.vector_store %arg7[%swap3A_967, %swap3A_968], %gather3A_954 {strides = array<i32>} : memref<2x4096xf32, #tpu.memory_space<vmem>>, vector<16xf32>,
      %mul3A_970 = arith.constant 128 : i32
      %mul3A_971 = arith.muli %scan3A_889, %mul3A_970 : i32
      %add3A_972 = arith.constant 16 : i32
      %add3A_973 = arith.addi %mul3A_971, %add3A_972 : i32
      %swap3A_974 = arith.constant 0 : i32
      %swap3A_975 = arith.index_cast %swap3A_974 : i32 to index
      %swap3A_976 = arith.index_cast %add3A_973 : i32 to index
      %swap3A_977 = tpu.vector_load %arg7[%swap3A_975, %swap3A_976] {strides = array<i32>} : memref<2x4096xf32, #tpu.memory_space<vmem>>, vector<16xf32>,
      tpu.vector_store %arg7[%swap3A_975, %swap3A_976], %gather3A_955 {strides = array<i32>} : memref<2x4096xf32, #tpu.memory_space<vmem>>, vector<16xf32>,
      %mul3A_978 = arith.constant 128 : i32
      %mul3A_979 = arith.muli %scan3A_889, %mul3A_978 : i32
      %add3A_980 = arith.constant 32 : i32
      %add3A_981 = arith.addi %mul3A_979, %add3A_980 : i32
      %swap3A_982 = arith.constant 0 : i32
      %swap3A_983 = arith.index_cast %swap3A_982 : i32 to index
      %swap3A_984 = arith.index_cast %add3A_981 : i32 to index
      %swap3A_985 = tpu.vector_load %arg7[%swap3A_983, %swap3A_984] {strides = array<i32>} : memref<2x4096xf32, #tpu.memory_space<vmem>>, vector<16xf32>,
      tpu.vector_store %arg7[%swap3A_983, %swap3A_984], %gather3A_956 {strides = array<i32>} : memref<2x4096xf32, #tpu.memory_space<vmem>>, vector<16xf32>,
      %mul3A_986 = arith.constant 128 : i32
      %mul3A_987 = arith.muli %scan3A_889, %mul3A_986 : i32
      %add3A_988 = arith.constant 48 : i32
      %add3A_989 = arith.addi %mul3A_987, %add3A_988 : i32
      %swap3A_990 = arith.constant 0 : i32
      %swap3A_991 = arith.index_cast %swap3A_990 : i32 to index
      %swap3A_992 = arith.index_cast %add3A_989 : i32 to index
      %swap3A_993 = tpu.vector_load %arg7[%swap3A_991, %swap3A_992] {strides = array<i32>} : memref<2x4096xf32, #tpu.memory_space<vmem>>, vector<16xf32>,
      tpu.vector_store %arg7[%swap3A_991, %swap3A_992], %gather3A_957 {strides = array<i32>} : memref<2x4096xf32, #tpu.memory_space<vmem>>, vector<16xf32>,
      %mul3A_994 = arith.constant 128 : i32
      %mul3A_995 = arith.muli %scan3A_889, %mul3A_994 : i32
      %add3A_996 = arith.constant 64 : i32
      %add3A_997 = arith.addi %mul3A_995, %add3A_996 : i32
      %swap3A_998 = arith.constant 0 : i32
      %swap3A_999 = arith.index_cast %swap3A_998 : i32 to index
      %swap3A_1000 = arith.index_cast %add3A_997 : i32 to index
      %swap3A_1001 = tpu.vector_load %arg7[%swap3A_999, %swap3A_1000] {strides = array<i32>} : memref<2x4096xf32, #tpu.memory_space<vmem>>, vector<16xf32>,
      tpu.vector_store %arg7[%swap3A_999, %swap3A_1000], %gather3A_958 {strides = array<i32>} : memref<2x4096xf32, #tpu.memory_space<vmem>>, vector<16xf32>,
      %mul3A_1002 = arith.constant 128 : i32
      %mul3A_1003 = arith.muli %scan3A_889, %mul3A_1002 : i32
      %add3A_1004 = arith.constant 80 : i32
      %add3A_1005 = arith.addi %mul3A_1003, %add3A_1004 : i32
      %swap3A_1006 = arith.constant 0 : i32
      %swap3A_1007 = arith.index_cast %swap3A_1006 : i32 to index
      %swap3A_1008 = arith.index_cast %add3A_1005 : i32 to index
      %swap3A_1009 = tpu.vector_load %arg7[%swap3A_1007, %swap3A_1008] {strides = array<i32>} : memref<2x4096xf32, #tpu.memory_space<vmem>>, vector<16xf32>,
      tpu.vector_store %arg7[%swap3A_1007, %swap3A_1008], %gather3A_959 {strides = array<i32>} : memref<2x4096xf32, #tpu.memory_space<vmem>>, vector<16xf32>,
      %mul3A_1010 = arith.constant 128 : i32
      %mul3A_1011 = arith.muli %scan3A_889, %mul3A_1010 : i32
      %add3A_1012 = arith.constant 96 : i32
      %add3A_1013 = arith.addi %mul3A_1011, %add3A_1012 : i32
      %swap3A_1014 = arith.constant 0 : i32
      %swap3A_1015 = arith.index_cast %swap3A_1014 : i32 to index
      %swap3A_1016 = arith.index_cast %add3A_1013 : i32 to index
      %swap3A_1017 = tpu.vector_load %arg7[%swap3A_1015, %swap3A_1016] {strides = array<i32>} : memref<2x4096xf32, #tpu.memory_space<vmem>>, vector<16xf32>,
      tpu.vector_store %arg7[%swap3A_1015, %swap3A_1016], %gather3A_960 {strides = array<i32>} : memref<2x4096xf32, #tpu.memory_space<vmem>>, vector<16xf32>,
      %mul3A_1018 = arith.constant 128 : i32
      %mul3A_1019 = arith.muli %scan3A_889, %mul3A_1018 : i32
      %add3A_1020 = arith.constant 112 : i32
      %add3A_1021 = arith.addi %mul3A_1019, %add3A_1020 : i32
      %swap3A_1022 = arith.constant 0 : i32
      %swap3A_1023 = arith.index_cast %swap3A_1022 : i32 to index
      %swap3A_1024 = arith.index_cast %add3A_1021 : i32 to index
      %swap3A_1025 = tpu.vector_load %arg7[%swap3A_1023, %swap3A_1024] {strides = array<i32>} : memref<2x4096xf32, #tpu.memory_space<vmem>>, vector<16xf32>,
      tpu.vector_store %arg7[%swap3A_1023, %swap3A_1024], %gather3A_961 {strides = array<i32>} : memref<2x4096xf32, #tpu.memory_space<vmem>>, vector<16xf32>,
      %scan3A_1026 = arith.constant 6 : i32
      %scan3A_1027 = arith.addi %scan3A_202, %scan3A_1026 : i32
      %mul3A_1028 = arith.constant 128 : i32
      %mul3A_1029 = arith.muli %scan3A_1027, %mul3A_1028 : i32
      %add3A_1030 = arith.constant 8192 : i32
      %add3A_1031 = arith.addi %add3A_1030, %mul3A_1029 : i32
      %add3A_1032 = arith.constant 0 : i32
      %add3A_1033 = arith.addi %add3A_1031, %add3A_1032 : i32
      %get3A_1034 = arith.index_cast %add3A_1033 : i32 to index
      %get3A_1035 = tpu.vector_load %arg6[%get3A_1034] {strides = array<i32>} : memref<16384xi32, #tpu.memory_space<vmem>>, vector<16xi32>,
      %mul3A_1036 = arith.constant 128 : i32
      %mul3A_1037 = arith.muli %scan3A_1027, %mul3A_1036 : i32
      %add3A_1038 = arith.constant 8192 : i32
      %add3A_1039 = arith.addi %add3A_1038, %mul3A_1037 : i32
      %add3A_1040 = arith.constant 16 : i32
      %add3A_1041 = arith.addi %add3A_1039, %add3A_1040 : i32
      %get3A_1042 = arith.index_cast %add3A_1041 : i32 to index
      %get3A_1043 = tpu.vector_load %arg6[%get3A_1042] {strides = array<i32>} : memref<16384xi32, #tpu.memory_space<vmem>>, vector<16xi32>,
      %mul3A_1044 = arith.constant 128 : i32
      %mul3A_1045 = arith.muli %scan3A_1027, %mul3A_1044 : i32
      %add3A_1046 = arith.constant 8192 : i32
      %add3A_1047 = arith.addi %add3A_1046, %mul3A_1045 : i32
      %add3A_1048 = arith.constant 32 : i32
      %add3A_1049 = arith.addi %add3A_1047, %add3A_1048 : i32
      %get3A_1050 = arith.index_cast %add3A_1049 : i32 to index
      %get3A_1051 = tpu.vector_load %arg6[%get3A_1050] {strides = array<i32>} : memref<16384xi32, #tpu.memory_space<vmem>>, vector<16xi32>,
      %mul3A_1052 = arith.constant 128 : i32
      %mul3A_1053 = arith.muli %scan3A_1027, %mul3A_1052 : i32
      %add3A_1054 = arith.constant 8192 : i32
      %add3A_1055 = arith.addi %add3A_1054, %mul3A_1053 : i32
      %add3A_1056 = arith.constant 48 : i32
      %add3A_1057 = arith.addi %add3A_1055, %add3A_1056 : i32
      %get3A_1058 = arith.index_cast %add3A_1057 : i32 to index
      %get3A_1059 = tpu.vector_load %arg6[%get3A_1058] {strides = array<i32>} : memref<16384xi32, #tpu.memory_space<vmem>>, vector<16xi32>,
      %mul3A_1060 = arith.constant 128 : i32
      %mul3A_1061 = arith.muli %scan3A_1027, %mul3A_1060 : i32
      %add3A_1062 = arith.constant 8192 : i32
      %add3A_1063 = arith.addi %add3A_1062, %mul3A_1061 : i32
      %add3A_1064 = arith.constant 64 : i32
      %add3A_1065 = arith.addi %add3A_1063, %add3A_1064 : i32
      %get3A_1066 = arith.index_cast %add3A_1065 : i32 to index
      %get3A_1067 = tpu.vector_load %arg6[%get3A_1066] {strides = array<i32>} : memref<16384xi32, #tpu.memory_space<vmem>>, vector<16xi32>,
      %mul3A_1068 = arith.constant 128 : i32
      %mul3A_1069 = arith.muli %scan3A_1027, %mul3A_1068 : i32
      %add3A_1070 = arith.constant 8192 : i32
      %add3A_1071 = arith.addi %add3A_1070, %mul3A_1069 : i32
      %add3A_1072 = arith.constant 80 : i32
      %add3A_1073 = arith.addi %add3A_1071, %add3A_1072 : i32
      %get3A_1074 = arith.index_cast %add3A_1073 : i32 to index
      %get3A_1075 = tpu.vector_load %arg6[%get3A_1074] {strides = array<i32>} : memref<16384xi32, #tpu.memory_space<vmem>>, vector<16xi32>,
      %mul3A_1076 = arith.constant 128 : i32
      %mul3A_1077 = arith.muli %scan3A_1027, %mul3A_1076 : i32
      %add3A_1078 = arith.constant 8192 : i32
      %add3A_1079 = arith.addi %add3A_1078, %mul3A_1077 : i32
      %add3A_1080 = arith.constant 96 : i32
      %add3A_1081 = arith.addi %add3A_1079, %add3A_1080 : i32
      %get3A_1082 = arith.index_cast %add3A_1081 : i32 to index
      %get3A_1083 = tpu.vector_load %arg6[%get3A_1082] {strides = array<i32>} : memref<16384xi32, #tpu.memory_space<vmem>>, vector<16xi32>,
      %mul3A_1084 = arith.constant 128 : i32
      %mul3A_1085 = arith.muli %scan3A_1027, %mul3A_1084 : i32
      %add3A_1086 = arith.constant 8192 : i32
      %add3A_1087 = arith.addi %add3A_1086, %mul3A_1085 : i32
      %add3A_1088 = arith.constant 112 : i32
      %add3A_1089 = arith.addi %add3A_1087, %add3A_1088 : i32
      %get3A_1090 = arith.index_cast %add3A_1089 : i32 to index
      %get3A_1091 = tpu.vector_load %arg6[%get3A_1090] {strides = array<i32>} : memref<16384xi32, #tpu.memory_space<vmem>>, vector<16xi32>,
      %gather3A_1092 = tpu.vector_load_idx %arg5[%get3A_1035] : memref<100001xf32, #tpu.memory_space<vmem>>[vector<16xi32>], vector<16xf32>,
      %gather3A_1093 = tpu.vector_load_idx %arg5[%get3A_1043] : memref<100001xf32, #tpu.memory_space<vmem>>[vector<16xi32>], vector<16xf32>,
      %gather3A_1094 = tpu.vector_load_idx %arg5[%get3A_1051] : memref<100001xf32, #tpu.memory_space<vmem>>[vector<16xi32>], vector<16xf32>,
      %gather3A_1095 = tpu.vector_load_idx %arg5[%get3A_1059] : memref<100001xf32, #tpu.memory_space<vmem>>[vector<16xi32>], vector<16xf32>,
      %gather3A_1096 = tpu.vector_load_idx %arg5[%get3A_1067] : memref<100001xf32, #tpu.memory_space<vmem>>[vector<16xi32>], vector<16xf32>,
      %gather3A_1097 = tpu.vector_load_idx %arg5[%get3A_1075] : memref<100001xf32, #tpu.memory_space<vmem>>[vector<16xi32>], vector<16xf32>,
      %gather3A_1098 = tpu.vector_load_idx %arg5[%get3A_1083] : memref<100001xf32, #tpu.memory_space<vmem>>[vector<16xi32>], vector<16xf32>,
      %gather3A_1099 = tpu.vector_load_idx %arg5[%get3A_1091] : memref<100001xf32, #tpu.memory_space<vmem>>[vector<16xi32>], vector<16xf32>,
      %mul3A_1100 = arith.constant 128 : i32
      %mul3A_1101 = arith.muli %scan3A_1027, %mul3A_1100 : i32
      %add3A_1102 = arith.constant 0 : i32
      %add3A_1103 = arith.addi %mul3A_1101, %add3A_1102 : i32
      %swap3A_1104 = arith.constant 0 : i32
      %swap3A_1105 = arith.index_cast %swap3A_1104 : i32 to index
      %swap3A_1106 = arith.index_cast %add3A_1103 : i32 to index
      %swap3A_1107 = tpu.vector_load %arg7[%swap3A_1105, %swap3A_1106] {strides = array<i32>} : memref<2x4096xf32, #tpu.memory_space<vmem>>, vector<16xf32>,
      tpu.vector_store %arg7[%swap3A_1105, %swap3A_1106], %gather3A_1092 {strides = array<i32>} : memref<2x4096xf32, #tpu.memory_space<vmem>>, vector<16xf32>,
      %mul3A_1108 = arith.constant 128 : i32
      %mul3A_1109 = arith.muli %scan3A_1027, %mul3A_1108 : i32
      %add3A_1110 = arith.constant 16 : i32
      %add3A_1111 = arith.addi %mul3A_1109, %add3A_1110 : i32
      %swap3A_1112 = arith.constant 0 : i32
      %swap3A_1113 = arith.index_cast %swap3A_1112 : i32 to index
      %swap3A_1114 = arith.index_cast %add3A_1111 : i32 to index
      %swap3A_1115 = tpu.vector_load %arg7[%swap3A_1113, %swap3A_1114] {strides = array<i32>} : memref<2x4096xf32, #tpu.memory_space<vmem>>, vector<16xf32>,
      tpu.vector_store %arg7[%swap3A_1113, %swap3A_1114], %gather3A_1093 {strides = array<i32>} : memref<2x4096xf32, #tpu.memory_space<vmem>>, vector<16xf32>,
      %mul3A_1116 = arith.constant 128 : i32
      %mul3A_1117 = arith.muli %scan3A_1027, %mul3A_1116 : i32
      %add3A_1118 = arith.constant 32 : i32
      %add3A_1119 = arith.addi %mul3A_1117, %add3A_1118 : i32
      %swap3A_1120 = arith.constant 0 : i32
      %swap3A_1121 = arith.index_cast %swap3A_1120 : i32 to index
      %swap3A_1122 = arith.index_cast %add3A_1119 : i32 to index
      %swap3A_1123 = tpu.vector_load %arg7[%swap3A_1121, %swap3A_1122] {strides = array<i32>} : memref<2x4096xf32, #tpu.memory_space<vmem>>, vector<16xf32>,
      tpu.vector_store %arg7[%swap3A_1121, %swap3A_1122], %gather3A_1094 {strides = array<i32>} : memref<2x4096xf32, #tpu.memory_space<vmem>>, vector<16xf32>,
      %mul3A_1124 = arith.constant 128 : i32
      %mul3A_1125 = arith.muli %scan3A_1027, %mul3A_1124 : i32
      %add3A_1126 = arith.constant 48 : i32
      %add3A_1127 = arith.addi %mul3A_1125, %add3A_1126 : i32
      %swap3A_1128 = arith.constant 0 : i32
      %swap3A_1129 = arith.index_cast %swap3A_1128 : i32 to index
      %swap3A_1130 = arith.index_cast %add3A_1127 : i32 to index
      %swap3A_1131 = tpu.vector_load %arg7[%swap3A_1129, %swap3A_1130] {strides = array<i32>} : memref<2x4096xf32, #tpu.memory_space<vmem>>, vector<16xf32>,
      tpu.vector_store %arg7[%swap3A_1129, %swap3A_1130], %gather3A_1095 {strides = array<i32>} : memref<2x4096xf32, #tpu.memory_space<vmem>>, vector<16xf32>,
      %mul3A_1132 = arith.constant 128 : i32
      %mul3A_1133 = arith.muli %scan3A_1027, %mul3A_1132 : i32
      %add3A_1134 = arith.constant 64 : i32
      %add3A_1135 = arith.addi %mul3A_1133, %add3A_1134 : i32
      %swap3A_1136 = arith.constant 0 : i32
      %swap3A_1137 = arith.index_cast %swap3A_1136 : i32 to index
      %swap3A_1138 = arith.index_cast %add3A_1135 : i32 to index
      %swap3A_1139 = tpu.vector_load %arg7[%swap3A_1137, %swap3A_1138] {strides = array<i32>} : memref<2x4096xf32, #tpu.memory_space<vmem>>, vector<16xf32>,
      tpu.vector_store %arg7[%swap3A_1137, %swap3A_1138], %gather3A_1096 {strides = array<i32>} : memref<2x4096xf32, #tpu.memory_space<vmem>>, vector<16xf32>,
      %mul3A_1140 = arith.constant 128 : i32
      %mul3A_1141 = arith.muli %scan3A_1027, %mul3A_1140 : i32
      %add3A_1142 = arith.constant 80 : i32
      %add3A_1143 = arith.addi %mul3A_1141, %add3A_1142 : i32
      %swap3A_1144 = arith.constant 0 : i32
      %swap3A_1145 = arith.index_cast %swap3A_1144 : i32 to index
      %swap3A_1146 = arith.index_cast %add3A_1143 : i32 to index
      %swap3A_1147 = tpu.vector_load %arg7[%swap3A_1145, %swap3A_1146] {strides = array<i32>} : memref<2x4096xf32, #tpu.memory_space<vmem>>, vector<16xf32>,
      tpu.vector_store %arg7[%swap3A_1145, %swap3A_1146], %gather3A_1097 {strides = array<i32>} : memref<2x4096xf32, #tpu.memory_space<vmem>>, vector<16xf32>,
      %mul3A_1148 = arith.constant 128 : i32
      %mul3A_1149 = arith.muli %scan3A_1027, %mul3A_1148 : i32
      %add3A_1150 = arith.constant 96 : i32
      %add3A_1151 = arith.addi %mul3A_1149, %add3A_1150 : i32
      %swap3A_1152 = arith.constant 0 : i32
      %swap3A_1153 = arith.index_cast %swap3A_1152 : i32 to index
      %swap3A_1154 = arith.index_cast %add3A_1151 : i32 to index
      %swap3A_1155 = tpu.vector_load %arg7[%swap3A_1153, %swap3A_1154] {strides = array<i32>} : memref<2x4096xf32, #tpu.memory_space<vmem>>, vector<16xf32>,
      tpu.vector_store %arg7[%swap3A_1153, %swap3A_1154], %gather3A_1098 {strides = array<i32>} : memref<2x4096xf32, #tpu.memory_space<vmem>>, vector<16xf32>,
      %mul3A_1156 = arith.constant 128 : i32
      %mul3A_1157 = arith.muli %scan3A_1027, %mul3A_1156 : i32
      %add3A_1158 = arith.constant 112 : i32
      %add3A_1159 = arith.addi %mul3A_1157, %add3A_1158 : i32
      %swap3A_1160 = arith.constant 0 : i32
      %swap3A_1161 = arith.index_cast %swap3A_1160 : i32 to index
      %swap3A_1162 = arith.index_cast %add3A_1159 : i32 to index
      %swap3A_1163 = tpu.vector_load %arg7[%swap3A_1161, %swap3A_1162] {strides = array<i32>} : memref<2x4096xf32, #tpu.memory_space<vmem>>, vector<16xf32>,
      tpu.vector_store %arg7[%swap3A_1161, %swap3A_1162], %gather3A_1099 {strides = array<i32>} : memref<2x4096xf32, #tpu.memory_space<vmem>>, vector<16xf32>,
      %scan3A_1164 = arith.constant 7 : i32
      %scan3A_1165 = arith.addi %scan3A_202, %scan3A_1164 : i32
      %mul3A_1166 = arith.constant 128 : i32
      %mul3A_1167 = arith.muli %scan3A_1165, %mul3A_1166 : i32
      %add3A_1168 = arith.constant 8192 : i32
      %add3A_1169 = arith.addi %add3A_1168, %mul3A_1167 : i32
      %add3A_1170 = arith.constant 0 : i32
      %add3A_1171 = arith.addi %add3A_1169, %add3A_1170 : i32
      %get3A_1172 = arith.index_cast %add3A_1171 : i32 to index
      %get3A_1173 = tpu.vector_load %arg6[%get3A_1172] {strides = array<i32>} : memref<16384xi32, #tpu.memory_space<vmem>>, vector<16xi32>,
      %mul3A_1174 = arith.constant 128 : i32
      %mul3A_1175 = arith.muli %scan3A_1165, %mul3A_1174 : i32
      %add3A_1176 = arith.constant 8192 : i32
      %add3A_1177 = arith.addi %add3A_1176, %mul3A_1175 : i32
      %add3A_1178 = arith.constant 16 : i32
      %add3A_1179 = arith.addi %add3A_1177, %add3A_1178 : i32
      %get3A_1180 = arith.index_cast %add3A_1179 : i32 to index
      %get3A_1181 = tpu.vector_load %arg6[%get3A_1180] {strides = array<i32>} : memref<16384xi32, #tpu.memory_space<vmem>>, vector<16xi32>,
      %mul3A_1182 = arith.constant 128 : i32
      %mul3A_1183 = arith.muli %scan3A_1165, %mul3A_1182 : i32
      %add3A_1184 = arith.constant 8192 : i32
      %add3A_1185 = arith.addi %add3A_1184, %mul3A_1183 : i32
      %add3A_1186 = arith.constant 32 : i32
      %add3A_1187 = arith.addi %add3A_1185, %add3A_1186 : i32
      %get3A_1188 = arith.index_cast %add3A_1187 : i32 to index
      %get3A_1189 = tpu.vector_load %arg6[%get3A_1188] {strides = array<i32>} : memref<16384xi32, #tpu.memory_space<vmem>>, vector<16xi32>,
      %mul3A_1190 = arith.constant 128 : i32
      %mul3A_1191 = arith.muli %scan3A_1165, %mul3A_1190 : i32
      %add3A_1192 = arith.constant 8192 : i32
      %add3A_1193 = arith.addi %add3A_1192, %mul3A_1191 : i32
      %add3A_1194 = arith.constant 48 : i32
      %add3A_1195 = arith.addi %add3A_1193, %add3A_1194 : i32
      %get3A_1196 = arith.index_cast %add3A_1195 : i32 to index
      %get3A_1197 = tpu.vector_load %arg6[%get3A_1196] {strides = array<i32>} : memref<16384xi32, #tpu.memory_space<vmem>>, vector<16xi32>,
      %mul3A_1198 = arith.constant 128 : i32
      %mul3A_1199 = arith.muli %scan3A_1165, %mul3A_1198 : i32
      %add3A_1200 = arith.constant 8192 : i32
      %add3A_1201 = arith.addi %add3A_1200, %mul3A_1199 : i32
      %add3A_1202 = arith.constant 64 : i32
      %add3A_1203 = arith.addi %add3A_1201, %add3A_1202 : i32
      %get3A_1204 = arith.index_cast %add3A_1203 : i32 to index
      %get3A_1205 = tpu.vector_load %arg6[%get3A_1204] {strides = array<i32>} : memref<16384xi32, #tpu.memory_space<vmem>>, vector<16xi32>,
      %mul3A_1206 = arith.constant 128 : i32
      %mul3A_1207 = arith.muli %scan3A_1165, %mul3A_1206 : i32
      %add3A_1208 = arith.constant 8192 : i32
      %add3A_1209 = arith.addi %add3A_1208, %mul3A_1207 : i32
      %add3A_1210 = arith.constant 80 : i32
      %add3A_1211 = arith.addi %add3A_1209, %add3A_1210 : i32
      %get3A_1212 = arith.index_cast %add3A_1211 : i32 to index
      %get3A_1213 = tpu.vector_load %arg6[%get3A_1212] {strides = array<i32>} : memref<16384xi32, #tpu.memory_space<vmem>>, vector<16xi32>,
      %mul3A_1214 = arith.constant 128 : i32
      %mul3A_1215 = arith.muli %scan3A_1165, %mul3A_1214 : i32
      %add3A_1216 = arith.constant 8192 : i32
      %add3A_1217 = arith.addi %add3A_1216, %mul3A_1215 : i32
      %add3A_1218 = arith.constant 96 : i32
      %add3A_1219 = arith.addi %add3A_1217, %add3A_1218 : i32
      %get3A_1220 = arith.index_cast %add3A_1219 : i32 to index
      %get3A_1221 = tpu.vector_load %arg6[%get3A_1220] {strides = array<i32>} : memref<16384xi32, #tpu.memory_space<vmem>>, vector<16xi32>,
      %mul3A_1222 = arith.constant 128 : i32
      %mul3A_1223 = arith.muli %scan3A_1165, %mul3A_1222 : i32
      %add3A_1224 = arith.constant 8192 : i32
      %add3A_1225 = arith.addi %add3A_1224, %mul3A_1223 : i32
      %add3A_1226 = arith.constant 112 : i32
      %add3A_1227 = arith.addi %add3A_1225, %add3A_1226 : i32
      %get3A_1228 = arith.index_cast %add3A_1227 : i32 to index
      %get3A_1229 = tpu.vector_load %arg6[%get3A_1228] {strides = array<i32>} : memref<16384xi32, #tpu.memory_space<vmem>>, vector<16xi32>,
      %gather3A_1230 = tpu.vector_load_idx %arg5[%get3A_1173] : memref<100001xf32, #tpu.memory_space<vmem>>[vector<16xi32>], vector<16xf32>,
      %gather3A_1231 = tpu.vector_load_idx %arg5[%get3A_1181] : memref<100001xf32, #tpu.memory_space<vmem>>[vector<16xi32>], vector<16xf32>,
      %gather3A_1232 = tpu.vector_load_idx %arg5[%get3A_1189] : memref<100001xf32, #tpu.memory_space<vmem>>[vector<16xi32>], vector<16xf32>,
      %gather3A_1233 = tpu.vector_load_idx %arg5[%get3A_1197] : memref<100001xf32, #tpu.memory_space<vmem>>[vector<16xi32>], vector<16xf32>,
      %gather3A_1234 = tpu.vector_load_idx %arg5[%get3A_1205] : memref<100001xf32, #tpu.memory_space<vmem>>[vector<16xi32>], vector<16xf32>,
      %gather3A_1235 = tpu.vector_load_idx %arg5[%get3A_1213] : memref<100001xf32, #tpu.memory_space<vmem>>[vector<16xi32>], vector<16xf32>,
      %gather3A_1236 = tpu.vector_load_idx %arg5[%get3A_1221] : memref<100001xf32, #tpu.memory_space<vmem>>[vector<16xi32>], vector<16xf32>,
      %gather3A_1237 = tpu.vector_load_idx %arg5[%get3A_1229] : memref<100001xf32, #tpu.memory_space<vmem>>[vector<16xi32>], vector<16xf32>,
      %mul3A_1238 = arith.constant 128 : i32
      %mul3A_1239 = arith.muli %scan3A_1165, %mul3A_1238 : i32
      %add3A_1240 = arith.constant 0 : i32
      %add3A_1241 = arith.addi %mul3A_1239, %add3A_1240 : i32
      %swap3A_1242 = arith.constant 0 : i32
      %swap3A_1243 = arith.index_cast %swap3A_1242 : i32 to index
      %swap3A_1244 = arith.index_cast %add3A_1241 : i32 to index
      %swap3A_1245 = tpu.vector_load %arg7[%swap3A_1243, %swap3A_1244] {strides = array<i32>} : memref<2x4096xf32, #tpu.memory_space<vmem>>, vector<16xf32>,
      tpu.vector_store %arg7[%swap3A_1243, %swap3A_1244], %gather3A_1230 {strides = array<i32>} : memref<2x4096xf32, #tpu.memory_space<vmem>>, vector<16xf32>,
      %mul3A_1246 = arith.constant 128 : i32
      %mul3A_1247 = arith.muli %scan3A_1165, %mul3A_1246 : i32
      %add3A_1248 = arith.constant 16 : i32
      %add3A_1249 = arith.addi %mul3A_1247, %add3A_1248 : i32
      %swap3A_1250 = arith.constant 0 : i32
      %swap3A_1251 = arith.index_cast %swap3A_1250 : i32 to index
      %swap3A_1252 = arith.index_cast %add3A_1249 : i32 to index
      %swap3A_1253 = tpu.vector_load %arg7[%swap3A_1251, %swap3A_1252] {strides = array<i32>} : memref<2x4096xf32, #tpu.memory_space<vmem>>, vector<16xf32>,
      tpu.vector_store %arg7[%swap3A_1251, %swap3A_1252], %gather3A_1231 {strides = array<i32>} : memref<2x4096xf32, #tpu.memory_space<vmem>>, vector<16xf32>,
      %mul3A_1254 = arith.constant 128 : i32
      %mul3A_1255 = arith.muli %scan3A_1165, %mul3A_1254 : i32
      %add3A_1256 = arith.constant 32 : i32
      %add3A_1257 = arith.addi %mul3A_1255, %add3A_1256 : i32
      %swap3A_1258 = arith.constant 0 : i32
      %swap3A_1259 = arith.index_cast %swap3A_1258 : i32 to index
      %swap3A_1260 = arith.index_cast %add3A_1257 : i32 to index
      %swap3A_1261 = tpu.vector_load %arg7[%swap3A_1259, %swap3A_1260] {strides = array<i32>} : memref<2x4096xf32, #tpu.memory_space<vmem>>, vector<16xf32>,
      tpu.vector_store %arg7[%swap3A_1259, %swap3A_1260], %gather3A_1232 {strides = array<i32>} : memref<2x4096xf32, #tpu.memory_space<vmem>>, vector<16xf32>,
      %mul3A_1262 = arith.constant 128 : i32
      %mul3A_1263 = arith.muli %scan3A_1165, %mul3A_1262 : i32
      %add3A_1264 = arith.constant 48 : i32
      %add3A_1265 = arith.addi %mul3A_1263, %add3A_1264 : i32
      %swap3A_1266 = arith.constant 0 : i32
      %swap3A_1267 = arith.index_cast %swap3A_1266 : i32 to index
      %swap3A_1268 = arith.index_cast %add3A_1265 : i32 to index
      %swap3A_1269 = tpu.vector_load %arg7[%swap3A_1267, %swap3A_1268] {strides = array<i32>} : memref<2x4096xf32, #tpu.memory_space<vmem>>, vector<16xf32>,
      tpu.vector_store %arg7[%swap3A_1267, %swap3A_1268], %gather3A_1233 {strides = array<i32>} : memref<2x4096xf32, #tpu.memory_space<vmem>>, vector<16xf32>,
      %mul3A_1270 = arith.constant 128 : i32
      %mul3A_1271 = arith.muli %scan3A_1165, %mul3A_1270 : i32
      %add3A_1272 = arith.constant 64 : i32
      %add3A_1273 = arith.addi %mul3A_1271, %add3A_1272 : i32
      %swap3A_1274 = arith.constant 0 : i32
      %swap3A_1275 = arith.index_cast %swap3A_1274 : i32 to index
      %swap3A_1276 = arith.index_cast %add3A_1273 : i32 to index
      %swap3A_1277 = tpu.vector_load %arg7[%swap3A_1275, %swap3A_1276] {strides = array<i32>} : memref<2x4096xf32, #tpu.memory_space<vmem>>, vector<16xf32>,
      tpu.vector_store %arg7[%swap3A_1275, %swap3A_1276], %gather3A_1234 {strides = array<i32>} : memref<2x4096xf32, #tpu.memory_space<vmem>>, vector<16xf32>,
      %mul3A_1278 = arith.constant 128 : i32
      %mul3A_1279 = arith.muli %scan3A_1165, %mul3A_1278 : i32
      %add3A_1280 = arith.constant 80 : i32
      %add3A_1281 = arith.addi %mul3A_1279, %add3A_1280 : i32
      %swap3A_1282 = arith.constant 0 : i32
      %swap3A_1283 = arith.index_cast %swap3A_1282 : i32 to index
      %swap3A_1284 = arith.index_cast %add3A_1281 : i32 to index
      %swap3A_1285 = tpu.vector_load %arg7[%swap3A_1283, %swap3A_1284] {strides = array<i32>} : memref<2x4096xf32, #tpu.memory_space<vmem>>, vector<16xf32>,
      tpu.vector_store %arg7[%swap3A_1283, %swap3A_1284], %gather3A_1235 {strides = array<i32>} : memref<2x4096xf32, #tpu.memory_space<vmem>>, vector<16xf32>,
      %mul3A_1286 = arith.constant 128 : i32
      %mul3A_1287 = arith.muli %scan3A_1165, %mul3A_1286 : i32
      %add3A_1288 = arith.constant 96 : i32
      %add3A_1289 = arith.addi %mul3A_1287, %add3A_1288 : i32
      %swap3A_1290 = arith.constant 0 : i32
      %swap3A_1291 = arith.index_cast %swap3A_1290 : i32 to index
      %swap3A_1292 = arith.index_cast %add3A_1289 : i32 to index
      %swap3A_1293 = tpu.vector_load %arg7[%swap3A_1291, %swap3A_1292] {strides = array<i32>} : memref<2x4096xf32, #tpu.memory_space<vmem>>, vector<16xf32>,
      tpu.vector_store %arg7[%swap3A_1291, %swap3A_1292], %gather3A_1236 {strides = array<i32>} : memref<2x4096xf32, #tpu.memory_space<vmem>>, vector<16xf32>,
      %mul3A_1294 = arith.constant 128 : i32
      %mul3A_1295 = arith.muli %scan3A_1165, %mul3A_1294 : i32
      %add3A_1296 = arith.constant 112 : i32
      %add3A_1297 = arith.addi %mul3A_1295, %add3A_1296 : i32
      %swap3A_1298 = arith.constant 0 : i32
      %swap3A_1299 = arith.index_cast %swap3A_1298 : i32 to index
      %swap3A_1300 = arith.index_cast %add3A_1297 : i32 to index
      %swap3A_1301 = tpu.vector_load %arg7[%swap3A_1299, %swap3A_1300] {strides = array<i32>} : memref<2x4096xf32, #tpu.memory_space<vmem>>, vector<16xf32>,
      tpu.vector_store %arg7[%swap3A_1299, %swap3A_1300], %gather3A_1237 {strides = array<i32>} : memref<2x4096xf32, #tpu.memory_space<vmem>>, vector<16xf32>,
    }
    %scan3A_122 = arith.constant 32 : i32
    %dma_start3A_123 = arith.constant 0 : i32
    %dma_start3A_124 = arith.constant 0 : i32
    %dma_start3A_125 = tpu.memref_slice %arg7[%dma_start3A_123, %dma_start3A_124] : memref<2x4096xf32, #tpu.memory_space<vmem>> -> memref<1x4096xf32, #tpu.memory_space<vmem>>
    %dma_start3A_126 = tpu.memref_squeeze %dma_start3A_125 : memref<1x4096xf32, #tpu.memory_space<vmem>> -> memref<4096xf32, #tpu.memory_space<vmem>>
    %dma_start3A_127 = arith.constant 8192 : i32
    %dma_start3A_128 = tpu.memref_slice %arg4[%add3A, %dma_start3A_127] : memref<32x16384xf32, #tpu.memory_space<hbm>> -> memref<1x4096xf32, #tpu.memory_space<hbm>>
    %dma_start3A_129 = tpu.memref_squeeze %dma_start3A_128 : memref<1x4096xf32, #tpu.memory_space<hbm>> -> memref<4096xf32, #tpu.memory_space<hbm>>
    %dma_start3A_130 = arith.constant 8192 : i32
    %dma_start3A_131 = tpu.memref_slice %arg4[%add3A, %dma_start3A_130] : memref<32x16384xf32, #tpu.memory_space<hbm>> -> memref<1x4096xf32, #tpu.memory_space<hbm>>
    %dma_start3A_132 = tpu.memref_squeeze %dma_start3A_131 : memref<1x4096xf32, #tpu.memory_space<hbm>> -> memref<4096xf32, #tpu.memory_space<hbm>>
    %dma_start3A_133 = arith.constant 0 : i32
    %dma_start3A_134 = tpu.memref_slice %arg7[%dma_start3A_123, %dma_start3A_133] : memref<2x4096xf32, #tpu.memory_space<vmem>> -> memref<1x4096xf32, #tpu.memory_space<vmem>>
    %dma_start3A_135 = tpu.memref_squeeze %dma_start3A_134 : memref<1x4096xf32, #tpu.memory_space<vmem>> -> memref<4096xf32, #tpu.memory_space<vmem>>
    tpu.enqueue_dma source(%dma_start3A_135 : memref<4096xf32, #tpu.memory_space<vmem>>) target(%dma_start3A_132 : memref<4096xf32, #tpu.memory_space<hbm>>) target_semaphore(%arg13 : memref<!tpu.dma_semaphore, #tpu.memory_space<semaphore_mem>>)
    %dma_wait3A_136 = arith.constant 12288 : i32
    %dma_wait3A_137 = tpu.memref_slice %arg6[%dma_wait3A_136] : memref<16384xi32, #tpu.memory_space<vmem>> -> memref<4096xi32, #tpu.memory_space<vmem>>
    %dma_wait3A_138 = arith.constant 12288 : i32
    %dma_wait3A_139 = tpu.memref_slice %arg2[%dma_wait3A_138] : memref<16384xi32, #tpu.memory_space<hbm>> -> memref<4096xi32, #tpu.memory_space<hbm>>
    %dma_wait3A_140 = arith.constant 12288 : i32
    %dma_wait3A_141 = tpu.memref_slice %arg6[%dma_wait3A_140] : memref<16384xi32, #tpu.memory_space<vmem>> -> memref<4096xi32, #tpu.memory_space<vmem>>
    %dma_wait3A_142 = arith.constant 12288 : i32
    %dma_wait3A_143 = tpu.memref_slice %arg2[%dma_wait3A_142] : memref<16384xi32, #tpu.memory_space<hbm>> -> memref<4096xi32, #tpu.memory_space<hbm>>
    tpu.wait_dma2 semaphore(%arg12 : memref<!tpu.dma_semaphore, #tpu.memory_space<semaphore_mem>>) src(%dma_wait3A_143 : memref<4096xi32, #tpu.memory_space<hbm>>) dst(%dma_wait3A_141 : memref<4096xi32, #tpu.memory_space<vmem>>)
    %dma_wait3A_144 = arith.constant 1 : i32
    %dma_wait3A_145 = arith.constant 0 : i32
    %dma_wait3A_146 = tpu.memref_slice %arg7[%dma_wait3A_144, %dma_wait3A_145] : memref<2x4096xf32, #tpu.memory_space<vmem>> -> memref<1x4096xf32, #tpu.memory_space<vmem>>
    %dma_wait3A_147 = tpu.memref_squeeze %dma_wait3A_146 : memref<1x4096xf32, #tpu.memory_space<vmem>> -> memref<4096xf32, #tpu.memory_space<vmem>>
    %dma_wait3A_148 = arith.constant 4096 : i32
    %dma_wait3A_149 = tpu.memref_slice %arg4[%add3A, %dma_wait3A_148] : memref<32x16384xf32, #tpu.memory_space<hbm>> -> memref<1x4096xf32, #tpu.memory_space<hbm>>
    %dma_wait3A_150 = tpu.memref_squeeze %dma_wait3A_149 : memref<1x4096xf32, #tpu.memory_space<hbm>> -> memref<4096xf32, #tpu.memory_space<hbm>>
    %dma_wait3A_151 = arith.constant 4096 : i32
    %dma_wait3A_152 = tpu.memref_slice %arg4[%add3A, %dma_wait3A_151] : memref<32x16384xf32, #tpu.memory_space<hbm>> -> memref<1x4096xf32, #tpu.memory_space<hbm>>
    %dma_wait3A_153 = tpu.memref_squeeze %dma_wait3A_152 : memref<1x4096xf32, #tpu.memory_space<hbm>> -> memref<4096xf32, #tpu.memory_space<hbm>>
    %dma_wait3A_154 = arith.constant 0 : i32
    %dma_wait3A_155 = tpu.memref_slice %arg7[%dma_wait3A_144, %dma_wait3A_154] : memref<2x4096xf32, #tpu.memory_space<vmem>> -> memref<1x4096xf32, #tpu.memory_space<vmem>>
    %dma_wait3A_156 = tpu.memref_squeeze %dma_wait3A_155 : memref<1x4096xf32, #tpu.memory_space<vmem>> -> memref<4096xf32, #tpu.memory_space<vmem>>
    tpu.wait_dma2 semaphore(%arg13 : memref<!tpu.dma_semaphore, #tpu.memory_space<semaphore_mem>>) src(%dma_wait3A_156 : memref<4096xf32, #tpu.memory_space<vmem>>) dst(%dma_wait3A_153 : memref<4096xf32, #tpu.memory_space<hbm>>)
    %scan3A_157 = arith.constant 0 : i32
    %scan3A_158 = arith.constant 0 : i32
    %scan3A_159 = arith.constant 32 : i32
    %scan3A_160 = arith.addi %scan3A_158, %scan3A_159 : i32
    %scan3A_161 = arith.constant 8 : i32
    scf.for %scan3A_202 = %scan3A_158 to %scan3A_160 step %scan3A_161  : i32 {
      %mul3A_203 = arith.constant 128 : i32
      %mul3A_204 = arith.muli %scan3A_202, %mul3A_203 : i32
      %add3A_205 = arith.constant 12288 : i32
      %add3A_206 = arith.addi %add3A_205, %mul3A_204 : i32
      %add3A_207 = arith.constant 0 : i32
      %add3A_208 = arith.addi %add3A_206, %add3A_207 : i32
      %get3A = arith.index_cast %add3A_208 : i32 to index
      %get3A_209 = tpu.vector_load %arg6[%get3A] {strides = array<i32>} : memref<16384xi32, #tpu.memory_space<vmem>>, vector<16xi32>,
      %mul3A_210 = arith.constant 128 : i32
      %mul3A_211 = arith.muli %scan3A_202, %mul3A_210 : i32
      %add3A_212 = arith.constant 12288 : i32
      %add3A_213 = arith.addi %add3A_212, %mul3A_211 : i32
      %add3A_214 = arith.constant 16 : i32
      %add3A_215 = arith.addi %add3A_213, %add3A_214 : i32
      %get3A_216 = arith.index_cast %add3A_215 : i32 to index
      %get3A_217 = tpu.vector_load %arg6[%get3A_216] {strides = array<i32>} : memref<16384xi32, #tpu.memory_space<vmem>>, vector<16xi32>,
      %mul3A_218 = arith.constant 128 : i32
      %mul3A_219 = arith.muli %scan3A_202, %mul3A_218 : i32
      %add3A_220 = arith.constant 12288 : i32
      %add3A_221 = arith.addi %add3A_220, %mul3A_219 : i32
      %add3A_222 = arith.constant 32 : i32
      %add3A_223 = arith.addi %add3A_221, %add3A_222 : i32
      %get3A_224 = arith.index_cast %add3A_223 : i32 to index
      %get3A_225 = tpu.vector_load %arg6[%get3A_224] {strides = array<i32>} : memref<16384xi32, #tpu.memory_space<vmem>>, vector<16xi32>,
      %mul3A_226 = arith.constant 128 : i32
      %mul3A_227 = arith.muli %scan3A_202, %mul3A_226 : i32
      %add3A_228 = arith.constant 12288 : i32
      %add3A_229 = arith.addi %add3A_228, %mul3A_227 : i32
      %add3A_230 = arith.constant 48 : i32
      %add3A_231 = arith.addi %add3A_229, %add3A_230 : i32
      %get3A_232 = arith.index_cast %add3A_231 : i32 to index
      %get3A_233 = tpu.vector_load %arg6[%get3A_232] {strides = array<i32>} : memref<16384xi32, #tpu.memory_space<vmem>>, vector<16xi32>,
      %mul3A_234 = arith.constant 128 : i32
      %mul3A_235 = arith.muli %scan3A_202, %mul3A_234 : i32
      %add3A_236 = arith.constant 12288 : i32
      %add3A_237 = arith.addi %add3A_236, %mul3A_235 : i32
      %add3A_238 = arith.constant 64 : i32
      %add3A_239 = arith.addi %add3A_237, %add3A_238 : i32
      %get3A_240 = arith.index_cast %add3A_239 : i32 to index
      %get3A_241 = tpu.vector_load %arg6[%get3A_240] {strides = array<i32>} : memref<16384xi32, #tpu.memory_space<vmem>>, vector<16xi32>,
      %mul3A_242 = arith.constant 128 : i32
      %mul3A_243 = arith.muli %scan3A_202, %mul3A_242 : i32
      %add3A_244 = arith.constant 12288 : i32
      %add3A_245 = arith.addi %add3A_244, %mul3A_243 : i32
      %add3A_246 = arith.constant 80 : i32
      %add3A_247 = arith.addi %add3A_245, %add3A_246 : i32
      %get3A_248 = arith.index_cast %add3A_247 : i32 to index
      %get3A_249 = tpu.vector_load %arg6[%get3A_248] {strides = array<i32>} : memref<16384xi32, #tpu.memory_space<vmem>>, vector<16xi32>,
      %mul3A_250 = arith.constant 128 : i32
      %mul3A_251 = arith.muli %scan3A_202, %mul3A_250 : i32
      %add3A_252 = arith.constant 12288 : i32
      %add3A_253 = arith.addi %add3A_252, %mul3A_251 : i32
      %add3A_254 = arith.constant 96 : i32
      %add3A_255 = arith.addi %add3A_253, %add3A_254 : i32
      %get3A_256 = arith.index_cast %add3A_255 : i32 to index
      %get3A_257 = tpu.vector_load %arg6[%get3A_256] {strides = array<i32>} : memref<16384xi32, #tpu.memory_space<vmem>>, vector<16xi32>,
      %mul3A_258 = arith.constant 128 : i32
      %mul3A_259 = arith.muli %scan3A_202, %mul3A_258 : i32
      %add3A_260 = arith.constant 12288 : i32
      %add3A_261 = arith.addi %add3A_260, %mul3A_259 : i32
      %add3A_262 = arith.constant 112 : i32
      %add3A_263 = arith.addi %add3A_261, %add3A_262 : i32
      %get3A_264 = arith.index_cast %add3A_263 : i32 to index
      %get3A_265 = tpu.vector_load %arg6[%get3A_264] {strides = array<i32>} : memref<16384xi32, #tpu.memory_space<vmem>>, vector<16xi32>,
      %gather3A = tpu.vector_load_idx %arg5[%get3A_209] : memref<100001xf32, #tpu.memory_space<vmem>>[vector<16xi32>], vector<16xf32>,
      %gather3A_266 = tpu.vector_load_idx %arg5[%get3A_217] : memref<100001xf32, #tpu.memory_space<vmem>>[vector<16xi32>], vector<16xf32>,
      %gather3A_267 = tpu.vector_load_idx %arg5[%get3A_225] : memref<100001xf32, #tpu.memory_space<vmem>>[vector<16xi32>], vector<16xf32>,
      %gather3A_268 = tpu.vector_load_idx %arg5[%get3A_233] : memref<100001xf32, #tpu.memory_space<vmem>>[vector<16xi32>], vector<16xf32>,
      %gather3A_269 = tpu.vector_load_idx %arg5[%get3A_241] : memref<100001xf32, #tpu.memory_space<vmem>>[vector<16xi32>], vector<16xf32>,
      %gather3A_270 = tpu.vector_load_idx %arg5[%get3A_249] : memref<100001xf32, #tpu.memory_space<vmem>>[vector<16xi32>], vector<16xf32>,
      %gather3A_271 = tpu.vector_load_idx %arg5[%get3A_257] : memref<100001xf32, #tpu.memory_space<vmem>>[vector<16xi32>], vector<16xf32>,
      %gather3A_272 = tpu.vector_load_idx %arg5[%get3A_265] : memref<100001xf32, #tpu.memory_space<vmem>>[vector<16xi32>], vector<16xf32>,
      %mul3A_273 = arith.constant 128 : i32
      %mul3A_274 = arith.muli %scan3A_202, %mul3A_273 : i32
      %add3A_275 = arith.constant 0 : i32
      %add3A_276 = arith.addi %mul3A_274, %add3A_275 : i32
      %swap3A = arith.constant 1 : i32
      %swap3A_277 = arith.index_cast %swap3A : i32 to index
      %swap3A_278 = arith.index_cast %add3A_276 : i32 to index
      %swap3A_279 = tpu.vector_load %arg7[%swap3A_277, %swap3A_278] {strides = array<i32>} : memref<2x4096xf32, #tpu.memory_space<vmem>>, vector<16xf32>,
      tpu.vector_store %arg7[%swap3A_277, %swap3A_278], %gather3A {strides = array<i32>} : memref<2x4096xf32, #tpu.memory_space<vmem>>, vector<16xf32>,
      %mul3A_280 = arith.constant 128 : i32
      %mul3A_281 = arith.muli %scan3A_202, %mul3A_280 : i32
      %add3A_282 = arith.constant 16 : i32
      %add3A_283 = arith.addi %mul3A_281, %add3A_282 : i32
      %swap3A_284 = arith.constant 1 : i32
      %swap3A_285 = arith.index_cast %swap3A_284 : i32 to index
      %swap3A_286 = arith.index_cast %add3A_283 : i32 to index
      %swap3A_287 = tpu.vector_load %arg7[%swap3A_285, %swap3A_286] {strides = array<i32>} : memref<2x4096xf32, #tpu.memory_space<vmem>>, vector<16xf32>,
      tpu.vector_store %arg7[%swap3A_285, %swap3A_286], %gather3A_266 {strides = array<i32>} : memref<2x4096xf32, #tpu.memory_space<vmem>>, vector<16xf32>,
      %mul3A_288 = arith.constant 128 : i32
      %mul3A_289 = arith.muli %scan3A_202, %mul3A_288 : i32
      %add3A_290 = arith.constant 32 : i32
      %add3A_291 = arith.addi %mul3A_289, %add3A_290 : i32
      %swap3A_292 = arith.constant 1 : i32
      %swap3A_293 = arith.index_cast %swap3A_292 : i32 to index
      %swap3A_294 = arith.index_cast %add3A_291 : i32 to index
      %swap3A_295 = tpu.vector_load %arg7[%swap3A_293, %swap3A_294] {strides = array<i32>} : memref<2x4096xf32, #tpu.memory_space<vmem>>, vector<16xf32>,
      tpu.vector_store %arg7[%swap3A_293, %swap3A_294], %gather3A_267 {strides = array<i32>} : memref<2x4096xf32, #tpu.memory_space<vmem>>, vector<16xf32>,
      %mul3A_296 = arith.constant 128 : i32
      %mul3A_297 = arith.muli %scan3A_202, %mul3A_296 : i32
      %add3A_298 = arith.constant 48 : i32
      %add3A_299 = arith.addi %mul3A_297, %add3A_298 : i32
      %swap3A_300 = arith.constant 1 : i32
      %swap3A_301 = arith.index_cast %swap3A_300 : i32 to index
      %swap3A_302 = arith.index_cast %add3A_299 : i32 to index
      %swap3A_303 = tpu.vector_load %arg7[%swap3A_301, %swap3A_302] {strides = array<i32>} : memref<2x4096xf32, #tpu.memory_space<vmem>>, vector<16xf32>,
      tpu.vector_store %arg7[%swap3A_301, %swap3A_302], %gather3A_268 {strides = array<i32>} : memref<2x4096xf32, #tpu.memory_space<vmem>>, vector<16xf32>,
      %mul3A_304 = arith.constant 128 : i32
      %mul3A_305 = arith.muli %scan3A_202, %mul3A_304 : i32
      %add3A_306 = arith.constant 64 : i32
      %add3A_307 = arith.addi %mul3A_305, %add3A_306 : i32
      %swap3A_308 = arith.constant 1 : i32
      %swap3A_309 = arith.index_cast %swap3A_308 : i32 to index
      %swap3A_310 = arith.index_cast %add3A_307 : i32 to index
      %swap3A_311 = tpu.vector_load %arg7[%swap3A_309, %swap3A_310] {strides = array<i32>} : memref<2x4096xf32, #tpu.memory_space<vmem>>, vector<16xf32>,
      tpu.vector_store %arg7[%swap3A_309, %swap3A_310], %gather3A_269 {strides = array<i32>} : memref<2x4096xf32, #tpu.memory_space<vmem>>, vector<16xf32>,
      %mul3A_312 = arith.constant 128 : i32
      %mul3A_313 = arith.muli %scan3A_202, %mul3A_312 : i32
      %add3A_314 = arith.constant 80 : i32
      %add3A_315 = arith.addi %mul3A_313, %add3A_314 : i32
      %swap3A_316 = arith.constant 1 : i32
      %swap3A_317 = arith.index_cast %swap3A_316 : i32 to index
      %swap3A_318 = arith.index_cast %add3A_315 : i32 to index
      %swap3A_319 = tpu.vector_load %arg7[%swap3A_317, %swap3A_318] {strides = array<i32>} : memref<2x4096xf32, #tpu.memory_space<vmem>>, vector<16xf32>,
      tpu.vector_store %arg7[%swap3A_317, %swap3A_318], %gather3A_270 {strides = array<i32>} : memref<2x4096xf32, #tpu.memory_space<vmem>>, vector<16xf32>,
      %mul3A_320 = arith.constant 128 : i32
      %mul3A_321 = arith.muli %scan3A_202, %mul3A_320 : i32
      %add3A_322 = arith.constant 96 : i32
      %add3A_323 = arith.addi %mul3A_321, %add3A_322 : i32
      %swap3A_324 = arith.constant 1 : i32
      %swap3A_325 = arith.index_cast %swap3A_324 : i32 to index
      %swap3A_326 = arith.index_cast %add3A_323 : i32 to index
      %swap3A_327 = tpu.vector_load %arg7[%swap3A_325, %swap3A_326] {strides = array<i32>} : memref<2x4096xf32, #tpu.memory_space<vmem>>, vector<16xf32>,
      tpu.vector_store %arg7[%swap3A_325, %swap3A_326], %gather3A_271 {strides = array<i32>} : memref<2x4096xf32, #tpu.memory_space<vmem>>, vector<16xf32>,
      %mul3A_328 = arith.constant 128 : i32
      %mul3A_329 = arith.muli %scan3A_202, %mul3A_328 : i32
      %add3A_330 = arith.constant 112 : i32
      %add3A_331 = arith.addi %mul3A_329, %add3A_330 : i32
      %swap3A_332 = arith.constant 1 : i32
      %swap3A_333 = arith.index_cast %swap3A_332 : i32 to index
      %swap3A_334 = arith.index_cast %add3A_331 : i32 to index
      %swap3A_335 = tpu.vector_load %arg7[%swap3A_333, %swap3A_334] {strides = array<i32>} : memref<2x4096xf32, #tpu.memory_space<vmem>>, vector<16xf32>,
      tpu.vector_store %arg7[%swap3A_333, %swap3A_334], %gather3A_272 {strides = array<i32>} : memref<2x4096xf32, #tpu.memory_space<vmem>>, vector<16xf32>,
      %scan3A_336 = arith.constant 1 : i32
      %scan3A_337 = arith.addi %scan3A_202, %scan3A_336 : i32
      %mul3A_338 = arith.constant 128 : i32
      %mul3A_339 = arith.muli %scan3A_337, %mul3A_338 : i32
      %add3A_340 = arith.constant 12288 : i32
      %add3A_341 = arith.addi %add3A_340, %mul3A_339 : i32
      %add3A_342 = arith.constant 0 : i32
      %add3A_343 = arith.addi %add3A_341, %add3A_342 : i32
      %get3A_344 = arith.index_cast %add3A_343 : i32 to index
      %get3A_345 = tpu.vector_load %arg6[%get3A_344] {strides = array<i32>} : memref<16384xi32, #tpu.memory_space<vmem>>, vector<16xi32>,
      %mul3A_346 = arith.constant 128 : i32
      %mul3A_347 = arith.muli %scan3A_337, %mul3A_346 : i32
      %add3A_348 = arith.constant 12288 : i32
      %add3A_349 = arith.addi %add3A_348, %mul3A_347 : i32
      %add3A_350 = arith.constant 16 : i32
      %add3A_351 = arith.addi %add3A_349, %add3A_350 : i32
      %get3A_352 = arith.index_cast %add3A_351 : i32 to index
      %get3A_353 = tpu.vector_load %arg6[%get3A_352] {strides = array<i32>} : memref<16384xi32, #tpu.memory_space<vmem>>, vector<16xi32>,
      %mul3A_354 = arith.constant 128 : i32
      %mul3A_355 = arith.muli %scan3A_337, %mul3A_354 : i32
      %add3A_356 = arith.constant 12288 : i32
      %add3A_357 = arith.addi %add3A_356, %mul3A_355 : i32
      %add3A_358 = arith.constant 32 : i32
      %add3A_359 = arith.addi %add3A_357, %add3A_358 : i32
      %get3A_360 = arith.index_cast %add3A_359 : i32 to index
      %get3A_361 = tpu.vector_load %arg6[%get3A_360] {strides = array<i32>} : memref<16384xi32, #tpu.memory_space<vmem>>, vector<16xi32>,
      %mul3A_362 = arith.constant 128 : i32
      %mul3A_363 = arith.muli %scan3A_337, %mul3A_362 : i32
      %add3A_364 = arith.constant 12288 : i32
      %add3A_365 = arith.addi %add3A_364, %mul3A_363 : i32
      %add3A_366 = arith.constant 48 : i32
      %add3A_367 = arith.addi %add3A_365, %add3A_366 : i32
      %get3A_368 = arith.index_cast %add3A_367 : i32 to index
      %get3A_369 = tpu.vector_load %arg6[%get3A_368] {strides = array<i32>} : memref<16384xi32, #tpu.memory_space<vmem>>, vector<16xi32>,
      %mul3A_370 = arith.constant 128 : i32
      %mul3A_371 = arith.muli %scan3A_337, %mul3A_370 : i32
      %add3A_372 = arith.constant 12288 : i32
      %add3A_373 = arith.addi %add3A_372, %mul3A_371 : i32
      %add3A_374 = arith.constant 64 : i32
      %add3A_375 = arith.addi %add3A_373, %add3A_374 : i32
      %get3A_376 = arith.index_cast %add3A_375 : i32 to index
      %get3A_377 = tpu.vector_load %arg6[%get3A_376] {strides = array<i32>} : memref<16384xi32, #tpu.memory_space<vmem>>, vector<16xi32>,
      %mul3A_378 = arith.constant 128 : i32
      %mul3A_379 = arith.muli %scan3A_337, %mul3A_378 : i32
      %add3A_380 = arith.constant 12288 : i32
      %add3A_381 = arith.addi %add3A_380, %mul3A_379 : i32
      %add3A_382 = arith.constant 80 : i32
      %add3A_383 = arith.addi %add3A_381, %add3A_382 : i32
      %get3A_384 = arith.index_cast %add3A_383 : i32 to index
      %get3A_385 = tpu.vector_load %arg6[%get3A_384] {strides = array<i32>} : memref<16384xi32, #tpu.memory_space<vmem>>, vector<16xi32>,
      %mul3A_386 = arith.constant 128 : i32
      %mul3A_387 = arith.muli %scan3A_337, %mul3A_386 : i32
      %add3A_388 = arith.constant 12288 : i32
      %add3A_389 = arith.addi %add3A_388, %mul3A_387 : i32
      %add3A_390 = arith.constant 96 : i32
      %add3A_391 = arith.addi %add3A_389, %add3A_390 : i32
      %get3A_392 = arith.index_cast %add3A_391 : i32 to index
      %get3A_393 = tpu.vector_load %arg6[%get3A_392] {strides = array<i32>} : memref<16384xi32, #tpu.memory_space<vmem>>, vector<16xi32>,
      %mul3A_394 = arith.constant 128 : i32
      %mul3A_395 = arith.muli %scan3A_337, %mul3A_394 : i32
      %add3A_396 = arith.constant 12288 : i32
      %add3A_397 = arith.addi %add3A_396, %mul3A_395 : i32
      %add3A_398 = arith.constant 112 : i32
      %add3A_399 = arith.addi %add3A_397, %add3A_398 : i32
      %get3A_400 = arith.index_cast %add3A_399 : i32 to index
      %get3A_401 = tpu.vector_load %arg6[%get3A_400] {strides = array<i32>} : memref<16384xi32, #tpu.memory_space<vmem>>, vector<16xi32>,
      %gather3A_402 = tpu.vector_load_idx %arg5[%get3A_345] : memref<100001xf32, #tpu.memory_space<vmem>>[vector<16xi32>], vector<16xf32>,
      %gather3A_403 = tpu.vector_load_idx %arg5[%get3A_353] : memref<100001xf32, #tpu.memory_space<vmem>>[vector<16xi32>], vector<16xf32>,
      %gather3A_404 = tpu.vector_load_idx %arg5[%get3A_361] : memref<100001xf32, #tpu.memory_space<vmem>>[vector<16xi32>], vector<16xf32>,
      %gather3A_405 = tpu.vector_load_idx %arg5[%get3A_369] : memref<100001xf32, #tpu.memory_space<vmem>>[vector<16xi32>], vector<16xf32>,
      %gather3A_406 = tpu.vector_load_idx %arg5[%get3A_377] : memref<100001xf32, #tpu.memory_space<vmem>>[vector<16xi32>], vector<16xf32>,
      %gather3A_407 = tpu.vector_load_idx %arg5[%get3A_385] : memref<100001xf32, #tpu.memory_space<vmem>>[vector<16xi32>], vector<16xf32>,
      %gather3A_408 = tpu.vector_load_idx %arg5[%get3A_393] : memref<100001xf32, #tpu.memory_space<vmem>>[vector<16xi32>], vector<16xf32>,
      %gather3A_409 = tpu.vector_load_idx %arg5[%get3A_401] : memref<100001xf32, #tpu.memory_space<vmem>>[vector<16xi32>], vector<16xf32>,
      %mul3A_410 = arith.constant 128 : i32
      %mul3A_411 = arith.muli %scan3A_337, %mul3A_410 : i32
      %add3A_412 = arith.constant 0 : i32
      %add3A_413 = arith.addi %mul3A_411, %add3A_412 : i32
      %swap3A_414 = arith.constant 1 : i32
      %swap3A_415 = arith.index_cast %swap3A_414 : i32 to index
      %swap3A_416 = arith.index_cast %add3A_413 : i32 to index
      %swap3A_417 = tpu.vector_load %arg7[%swap3A_415, %swap3A_416] {strides = array<i32>} : memref<2x4096xf32, #tpu.memory_space<vmem>>, vector<16xf32>,
      tpu.vector_store %arg7[%swap3A_415, %swap3A_416], %gather3A_402 {strides = array<i32>} : memref<2x4096xf32, #tpu.memory_space<vmem>>, vector<16xf32>,
      %mul3A_418 = arith.constant 128 : i32
      %mul3A_419 = arith.muli %scan3A_337, %mul3A_418 : i32
      %add3A_420 = arith.constant 16 : i32
      %add3A_421 = arith.addi %mul3A_419, %add3A_420 : i32
      %swap3A_422 = arith.constant 1 : i32
      %swap3A_423 = arith.index_cast %swap3A_422 : i32 to index
      %swap3A_424 = arith.index_cast %add3A_421 : i32 to index
      %swap3A_425 = tpu.vector_load %arg7[%swap3A_423, %swap3A_424] {strides = array<i32>} : memref<2x4096xf32, #tpu.memory_space<vmem>>, vector<16xf32>,
      tpu.vector_store %arg7[%swap3A_423, %swap3A_424], %gather3A_403 {strides = array<i32>} : memref<2x4096xf32, #tpu.memory_space<vmem>>, vector<16xf32>,
      %mul3A_426 = arith.constant 128 : i32
      %mul3A_427 = arith.muli %scan3A_337, %mul3A_426 : i32
      %add3A_428 = arith.constant 32 : i32
      %add3A_429 = arith.addi %mul3A_427, %add3A_428 : i32
      %swap3A_430 = arith.constant 1 : i32
      %swap3A_431 = arith.index_cast %swap3A_430 : i32 to index
      %swap3A_432 = arith.index_cast %add3A_429 : i32 to index
      %swap3A_433 = tpu.vector_load %arg7[%swap3A_431, %swap3A_432] {strides = array<i32>} : memref<2x4096xf32, #tpu.memory_space<vmem>>, vector<16xf32>,
      tpu.vector_store %arg7[%swap3A_431, %swap3A_432], %gather3A_404 {strides = array<i32>} : memref<2x4096xf32, #tpu.memory_space<vmem>>, vector<16xf32>,
      %mul3A_434 = arith.constant 128 : i32
      %mul3A_435 = arith.muli %scan3A_337, %mul3A_434 : i32
      %add3A_436 = arith.constant 48 : i32
      %add3A_437 = arith.addi %mul3A_435, %add3A_436 : i32
      %swap3A_438 = arith.constant 1 : i32
      %swap3A_439 = arith.index_cast %swap3A_438 : i32 to index
      %swap3A_440 = arith.index_cast %add3A_437 : i32 to index
      %swap3A_441 = tpu.vector_load %arg7[%swap3A_439, %swap3A_440] {strides = array<i32>} : memref<2x4096xf32, #tpu.memory_space<vmem>>, vector<16xf32>,
      tpu.vector_store %arg7[%swap3A_439, %swap3A_440], %gather3A_405 {strides = array<i32>} : memref<2x4096xf32, #tpu.memory_space<vmem>>, vector<16xf32>,
      %mul3A_442 = arith.constant 128 : i32
      %mul3A_443 = arith.muli %scan3A_337, %mul3A_442 : i32
      %add3A_444 = arith.constant 64 : i32
      %add3A_445 = arith.addi %mul3A_443, %add3A_444 : i32
      %swap3A_446 = arith.constant 1 : i32
      %swap3A_447 = arith.index_cast %swap3A_446 : i32 to index
      %swap3A_448 = arith.index_cast %add3A_445 : i32 to index
      %swap3A_449 = tpu.vector_load %arg7[%swap3A_447, %swap3A_448] {strides = array<i32>} : memref<2x4096xf32, #tpu.memory_space<vmem>>, vector<16xf32>,
      tpu.vector_store %arg7[%swap3A_447, %swap3A_448], %gather3A_406 {strides = array<i32>} : memref<2x4096xf32, #tpu.memory_space<vmem>>, vector<16xf32>,
      %mul3A_450 = arith.constant 128 : i32
      %mul3A_451 = arith.muli %scan3A_337, %mul3A_450 : i32
      %add3A_452 = arith.constant 80 : i32
      %add3A_453 = arith.addi %mul3A_451, %add3A_452 : i32
      %swap3A_454 = arith.constant 1 : i32
      %swap3A_455 = arith.index_cast %swap3A_454 : i32 to index
      %swap3A_456 = arith.index_cast %add3A_453 : i32 to index
      %swap3A_457 = tpu.vector_load %arg7[%swap3A_455, %swap3A_456] {strides = array<i32>} : memref<2x4096xf32, #tpu.memory_space<vmem>>, vector<16xf32>,
      tpu.vector_store %arg7[%swap3A_455, %swap3A_456], %gather3A_407 {strides = array<i32>} : memref<2x4096xf32, #tpu.memory_space<vmem>>, vector<16xf32>,
      %mul3A_458 = arith.constant 128 : i32
      %mul3A_459 = arith.muli %scan3A_337, %mul3A_458 : i32
      %add3A_460 = arith.constant 96 : i32
      %add3A_461 = arith.addi %mul3A_459, %add3A_460 : i32
      %swap3A_462 = arith.constant 1 : i32
      %swap3A_463 = arith.index_cast %swap3A_462 : i32 to index
      %swap3A_464 = arith.index_cast %add3A_461 : i32 to index
      %swap3A_465 = tpu.vector_load %arg7[%swap3A_463, %swap3A_464] {strides = array<i32>} : memref<2x4096xf32, #tpu.memory_space<vmem>>, vector<16xf32>,
      tpu.vector_store %arg7[%swap3A_463, %swap3A_464], %gather3A_408 {strides = array<i32>} : memref<2x4096xf32, #tpu.memory_space<vmem>>, vector<16xf32>,
      %mul3A_466 = arith.constant 128 : i32
      %mul3A_467 = arith.muli %scan3A_337, %mul3A_466 : i32
      %add3A_468 = arith.constant 112 : i32
      %add3A_469 = arith.addi %mul3A_467, %add3A_468 : i32
      %swap3A_470 = arith.constant 1 : i32
      %swap3A_471 = arith.index_cast %swap3A_470 : i32 to index
      %swap3A_472 = arith.index_cast %add3A_469 : i32 to index
      %swap3A_473 = tpu.vector_load %arg7[%swap3A_471, %swap3A_472] {strides = array<i32>} : memref<2x4096xf32, #tpu.memory_space<vmem>>, vector<16xf32>,
      tpu.vector_store %arg7[%swap3A_471, %swap3A_472], %gather3A_409 {strides = array<i32>} : memref<2x4096xf32, #tpu.memory_space<vmem>>, vector<16xf32>,
      %scan3A_474 = arith.constant 2 : i32
      %scan3A_475 = arith.addi %scan3A_202, %scan3A_474 : i32
      %mul3A_476 = arith.constant 128 : i32
      %mul3A_477 = arith.muli %scan3A_475, %mul3A_476 : i32
      %add3A_478 = arith.constant 12288 : i32
      %add3A_479 = arith.addi %add3A_478, %mul3A_477 : i32
      %add3A_480 = arith.constant 0 : i32
      %add3A_481 = arith.addi %add3A_479, %add3A_480 : i32
      %get3A_482 = arith.index_cast %add3A_481 : i32 to index
      %get3A_483 = tpu.vector_load %arg6[%get3A_482] {strides = array<i32>} : memref<16384xi32, #tpu.memory_space<vmem>>, vector<16xi32>,
      %mul3A_484 = arith.constant 128 : i32
      %mul3A_485 = arith.muli %scan3A_475, %mul3A_484 : i32
      %add3A_486 = arith.constant 12288 : i32
      %add3A_487 = arith.addi %add3A_486, %mul3A_485 : i32
      %add3A_488 = arith.constant 16 : i32
      %add3A_489 = arith.addi %add3A_487, %add3A_488 : i32
      %get3A_490 = arith.index_cast %add3A_489 : i32 to index
      %get3A_491 = tpu.vector_load %arg6[%get3A_490] {strides = array<i32>} : memref<16384xi32, #tpu.memory_space<vmem>>, vector<16xi32>,
      %mul3A_492 = arith.constant 128 : i32
      %mul3A_493 = arith.muli %scan3A_475, %mul3A_492 : i32
      %add3A_494 = arith.constant 12288 : i32
      %add3A_495 = arith.addi %add3A_494, %mul3A_493 : i32
      %add3A_496 = arith.constant 32 : i32
      %add3A_497 = arith.addi %add3A_495, %add3A_496 : i32
      %get3A_498 = arith.index_cast %add3A_497 : i32 to index
      %get3A_499 = tpu.vector_load %arg6[%get3A_498] {strides = array<i32>} : memref<16384xi32, #tpu.memory_space<vmem>>, vector<16xi32>,
      %mul3A_500 = arith.constant 128 : i32
      %mul3A_501 = arith.muli %scan3A_475, %mul3A_500 : i32
      %add3A_502 = arith.constant 12288 : i32
      %add3A_503 = arith.addi %add3A_502, %mul3A_501 : i32
      %add3A_504 = arith.constant 48 : i32
      %add3A_505 = arith.addi %add3A_503, %add3A_504 : i32
      %get3A_506 = arith.index_cast %add3A_505 : i32 to index
      %get3A_507 = tpu.vector_load %arg6[%get3A_506] {strides = array<i32>} : memref<16384xi32, #tpu.memory_space<vmem>>, vector<16xi32>,
      %mul3A_508 = arith.constant 128 : i32
      %mul3A_509 = arith.muli %scan3A_475, %mul3A_508 : i32
      %add3A_510 = arith.constant 12288 : i32
      %add3A_511 = arith.addi %add3A_510, %mul3A_509 : i32
      %add3A_512 = arith.constant 64 : i32
      %add3A_513 = arith.addi %add3A_511, %add3A_512 : i32
      %get3A_514 = arith.index_cast %add3A_513 : i32 to index
      %get3A_515 = tpu.vector_load %arg6[%get3A_514] {strides = array<i32>} : memref<16384xi32, #tpu.memory_space<vmem>>, vector<16xi32>,
      %mul3A_516 = arith.constant 128 : i32
      %mul3A_517 = arith.muli %scan3A_475, %mul3A_516 : i32
      %add3A_518 = arith.constant 12288 : i32
      %add3A_519 = arith.addi %add3A_518, %mul3A_517 : i32
      %add3A_520 = arith.constant 80 : i32
      %add3A_521 = arith.addi %add3A_519, %add3A_520 : i32
      %get3A_522 = arith.index_cast %add3A_521 : i32 to index
      %get3A_523 = tpu.vector_load %arg6[%get3A_522] {strides = array<i32>} : memref<16384xi32, #tpu.memory_space<vmem>>, vector<16xi32>,
      %mul3A_524 = arith.constant 128 : i32
      %mul3A_525 = arith.muli %scan3A_475, %mul3A_524 : i32
      %add3A_526 = arith.constant 12288 : i32
      %add3A_527 = arith.addi %add3A_526, %mul3A_525 : i32
      %add3A_528 = arith.constant 96 : i32
      %add3A_529 = arith.addi %add3A_527, %add3A_528 : i32
      %get3A_530 = arith.index_cast %add3A_529 : i32 to index
      %get3A_531 = tpu.vector_load %arg6[%get3A_530] {strides = array<i32>} : memref<16384xi32, #tpu.memory_space<vmem>>, vector<16xi32>,
      %mul3A_532 = arith.constant 128 : i32
      %mul3A_533 = arith.muli %scan3A_475, %mul3A_532 : i32
      %add3A_534 = arith.constant 12288 : i32
      %add3A_535 = arith.addi %add3A_534, %mul3A_533 : i32
      %add3A_536 = arith.constant 112 : i32
      %add3A_537 = arith.addi %add3A_535, %add3A_536 : i32
      %get3A_538 = arith.index_cast %add3A_537 : i32 to index
      %get3A_539 = tpu.vector_load %arg6[%get3A_538] {strides = array<i32>} : memref<16384xi32, #tpu.memory_space<vmem>>, vector<16xi32>,
      %gather3A_540 = tpu.vector_load_idx %arg5[%get3A_483] : memref<100001xf32, #tpu.memory_space<vmem>>[vector<16xi32>], vector<16xf32>,
      %gather3A_541 = tpu.vector_load_idx %arg5[%get3A_491] : memref<100001xf32, #tpu.memory_space<vmem>>[vector<16xi32>], vector<16xf32>,
      %gather3A_542 = tpu.vector_load_idx %arg5[%get3A_499] : memref<100001xf32, #tpu.memory_space<vmem>>[vector<16xi32>], vector<16xf32>,
      %gather3A_543 = tpu.vector_load_idx %arg5[%get3A_507] : memref<100001xf32, #tpu.memory_space<vmem>>[vector<16xi32>], vector<16xf32>,
      %gather3A_544 = tpu.vector_load_idx %arg5[%get3A_515] : memref<100001xf32, #tpu.memory_space<vmem>>[vector<16xi32>], vector<16xf32>,
      %gather3A_545 = tpu.vector_load_idx %arg5[%get3A_523] : memref<100001xf32, #tpu.memory_space<vmem>>[vector<16xi32>], vector<16xf32>,
      %gather3A_546 = tpu.vector_load_idx %arg5[%get3A_531] : memref<100001xf32, #tpu.memory_space<vmem>>[vector<16xi32>], vector<16xf32>,
      %gather3A_547 = tpu.vector_load_idx %arg5[%get3A_539] : memref<100001xf32, #tpu.memory_space<vmem>>[vector<16xi32>], vector<16xf32>,
      %mul3A_548 = arith.constant 128 : i32
      %mul3A_549 = arith.muli %scan3A_475, %mul3A_548 : i32
      %add3A_550 = arith.constant 0 : i32
      %add3A_551 = arith.addi %mul3A_549, %add3A_550 : i32
      %swap3A_552 = arith.constant 1 : i32
      %swap3A_553 = arith.index_cast %swap3A_552 : i32 to index
      %swap3A_554 = arith.index_cast %add3A_551 : i32 to index
      %swap3A_555 = tpu.vector_load %arg7[%swap3A_553, %swap3A_554] {strides = array<i32>} : memref<2x4096xf32, #tpu.memory_space<vmem>>, vector<16xf32>,
      tpu.vector_store %arg7[%swap3A_553, %swap3A_554], %gather3A_540 {strides = array<i32>} : memref<2x4096xf32, #tpu.memory_space<vmem>>, vector<16xf32>,
      %mul3A_556 = arith.constant 128 : i32
      %mul3A_557 = arith.muli %scan3A_475, %mul3A_556 : i32
      %add3A_558 = arith.constant 16 : i32
      %add3A_559 = arith.addi %mul3A_557, %add3A_558 : i32
      %swap3A_560 = arith.constant 1 : i32
      %swap3A_561 = arith.index_cast %swap3A_560 : i32 to index
      %swap3A_562 = arith.index_cast %add3A_559 : i32 to index
      %swap3A_563 = tpu.vector_load %arg7[%swap3A_561, %swap3A_562] {strides = array<i32>} : memref<2x4096xf32, #tpu.memory_space<vmem>>, vector<16xf32>,
      tpu.vector_store %arg7[%swap3A_561, %swap3A_562], %gather3A_541 {strides = array<i32>} : memref<2x4096xf32, #tpu.memory_space<vmem>>, vector<16xf32>,
      %mul3A_564 = arith.constant 128 : i32
      %mul3A_565 = arith.muli %scan3A_475, %mul3A_564 : i32
      %add3A_566 = arith.constant 32 : i32
      %add3A_567 = arith.addi %mul3A_565, %add3A_566 : i32
      %swap3A_568 = arith.constant 1 : i32
      %swap3A_569 = arith.index_cast %swap3A_568 : i32 to index
      %swap3A_570 = arith.index_cast %add3A_567 : i32 to index
      %swap3A_571 = tpu.vector_load %arg7[%swap3A_569, %swap3A_570] {strides = array<i32>} : memref<2x4096xf32, #tpu.memory_space<vmem>>, vector<16xf32>,
      tpu.vector_store %arg7[%swap3A_569, %swap3A_570], %gather3A_542 {strides = array<i32>} : memref<2x4096xf32, #tpu.memory_space<vmem>>, vector<16xf32>,
      %mul3A_572 = arith.constant 128 : i32
      %mul3A_573 = arith.muli %scan3A_475, %mul3A_572 : i32
      %add3A_574 = arith.constant 48 : i32
      %add3A_575 = arith.addi %mul3A_573, %add3A_574 : i32
      %swap3A_576 = arith.constant 1 : i32
      %swap3A_577 = arith.index_cast %swap3A_576 : i32 to index
      %swap3A_578 = arith.index_cast %add3A_575 : i32 to index
      %swap3A_579 = tpu.vector_load %arg7[%swap3A_577, %swap3A_578] {strides = array<i32>} : memref<2x4096xf32, #tpu.memory_space<vmem>>, vector<16xf32>,
      tpu.vector_store %arg7[%swap3A_577, %swap3A_578], %gather3A_543 {strides = array<i32>} : memref<2x4096xf32, #tpu.memory_space<vmem>>, vector<16xf32>,
      %mul3A_580 = arith.constant 128 : i32
      %mul3A_581 = arith.muli %scan3A_475, %mul3A_580 : i32
      %add3A_582 = arith.constant 64 : i32
      %add3A_583 = arith.addi %mul3A_581, %add3A_582 : i32
      %swap3A_584 = arith.constant 1 : i32
      %swap3A_585 = arith.index_cast %swap3A_584 : i32 to index
      %swap3A_586 = arith.index_cast %add3A_583 : i32 to index
      %swap3A_587 = tpu.vector_load %arg7[%swap3A_585, %swap3A_586] {strides = array<i32>} : memref<2x4096xf32, #tpu.memory_space<vmem>>, vector<16xf32>,
      tpu.vector_store %arg7[%swap3A_585, %swap3A_586], %gather3A_544 {strides = array<i32>} : memref<2x4096xf32, #tpu.memory_space<vmem>>, vector<16xf32>,
      %mul3A_588 = arith.constant 128 : i32
      %mul3A_589 = arith.muli %scan3A_475, %mul3A_588 : i32
      %add3A_590 = arith.constant 80 : i32
      %add3A_591 = arith.addi %mul3A_589, %add3A_590 : i32
      %swap3A_592 = arith.constant 1 : i32
      %swap3A_593 = arith.index_cast %swap3A_592 : i32 to index
      %swap3A_594 = arith.index_cast %add3A_591 : i32 to index
      %swap3A_595 = tpu.vector_load %arg7[%swap3A_593, %swap3A_594] {strides = array<i32>} : memref<2x4096xf32, #tpu.memory_space<vmem>>, vector<16xf32>,
      tpu.vector_store %arg7[%swap3A_593, %swap3A_594], %gather3A_545 {strides = array<i32>} : memref<2x4096xf32, #tpu.memory_space<vmem>>, vector<16xf32>,
      %mul3A_596 = arith.constant 128 : i32
      %mul3A_597 = arith.muli %scan3A_475, %mul3A_596 : i32
      %add3A_598 = arith.constant 96 : i32
      %add3A_599 = arith.addi %mul3A_597, %add3A_598 : i32
      %swap3A_600 = arith.constant 1 : i32
      %swap3A_601 = arith.index_cast %swap3A_600 : i32 to index
      %swap3A_602 = arith.index_cast %add3A_599 : i32 to index
      %swap3A_603 = tpu.vector_load %arg7[%swap3A_601, %swap3A_602] {strides = array<i32>} : memref<2x4096xf32, #tpu.memory_space<vmem>>, vector<16xf32>,
      tpu.vector_store %arg7[%swap3A_601, %swap3A_602], %gather3A_546 {strides = array<i32>} : memref<2x4096xf32, #tpu.memory_space<vmem>>, vector<16xf32>,
      %mul3A_604 = arith.constant 128 : i32
      %mul3A_605 = arith.muli %scan3A_475, %mul3A_604 : i32
      %add3A_606 = arith.constant 112 : i32
      %add3A_607 = arith.addi %mul3A_605, %add3A_606 : i32
      %swap3A_608 = arith.constant 1 : i32
      %swap3A_609 = arith.index_cast %swap3A_608 : i32 to index
      %swap3A_610 = arith.index_cast %add3A_607 : i32 to index
      %swap3A_611 = tpu.vector_load %arg7[%swap3A_609, %swap3A_610] {strides = array<i32>} : memref<2x4096xf32, #tpu.memory_space<vmem>>, vector<16xf32>,
      tpu.vector_store %arg7[%swap3A_609, %swap3A_610], %gather3A_547 {strides = array<i32>} : memref<2x4096xf32, #tpu.memory_space<vmem>>, vector<16xf32>,
      %scan3A_612 = arith.constant 3 : i32
      %scan3A_613 = arith.addi %scan3A_202, %scan3A_612 : i32
      %mul3A_614 = arith.constant 128 : i32
      %mul3A_615 = arith.muli %scan3A_613, %mul3A_614 : i32
      %add3A_616 = arith.constant 12288 : i32
      %add3A_617 = arith.addi %add3A_616, %mul3A_615 : i32
      %add3A_618 = arith.constant 0 : i32
      %add3A_619 = arith.addi %add3A_617, %add3A_618 : i32
      %get3A_620 = arith.index_cast %add3A_619 : i32 to index
      %get3A_621 = tpu.vector_load %arg6[%get3A_620] {strides = array<i32>} : memref<16384xi32, #tpu.memory_space<vmem>>, vector<16xi32>,
      %mul3A_622 = arith.constant 128 : i32
      %mul3A_623 = arith.muli %scan3A_613, %mul3A_622 : i32
      %add3A_624 = arith.constant 12288 : i32
      %add3A_625 = arith.addi %add3A_624, %mul3A_623 : i32
      %add3A_626 = arith.constant 16 : i32
      %add3A_627 = arith.addi %add3A_625, %add3A_626 : i32
      %get3A_628 = arith.index_cast %add3A_627 : i32 to index
      %get3A_629 = tpu.vector_load %arg6[%get3A_628] {strides = array<i32>} : memref<16384xi32, #tpu.memory_space<vmem>>, vector<16xi32>,
      %mul3A_630 = arith.constant 128 : i32
      %mul3A_631 = arith.muli %scan3A_613, %mul3A_630 : i32
      %add3A_632 = arith.constant 12288 : i32
      %add3A_633 = arith.addi %add3A_632, %mul3A_631 : i32
      %add3A_634 = arith.constant 32 : i32
      %add3A_635 = arith.addi %add3A_633, %add3A_634 : i32
      %get3A_636 = arith.index_cast %add3A_635 : i32 to index
      %get3A_637 = tpu.vector_load %arg6[%get3A_636] {strides = array<i32>} : memref<16384xi32, #tpu.memory_space<vmem>>, vector<16xi32>,
      %mul3A_638 = arith.constant 128 : i32
      %mul3A_639 = arith.muli %scan3A_613, %mul3A_638 : i32
      %add3A_640 = arith.constant 12288 : i32
      %add3A_641 = arith.addi %add3A_640, %mul3A_639 : i32
      %add3A_642 = arith.constant 48 : i32
      %add3A_643 = arith.addi %add3A_641, %add3A_642 : i32
      %get3A_644 = arith.index_cast %add3A_643 : i32 to index
      %get3A_645 = tpu.vector_load %arg6[%get3A_644] {strides = array<i32>} : memref<16384xi32, #tpu.memory_space<vmem>>, vector<16xi32>,
      %mul3A_646 = arith.constant 128 : i32
      %mul3A_647 = arith.muli %scan3A_613, %mul3A_646 : i32
      %add3A_648 = arith.constant 12288 : i32
      %add3A_649 = arith.addi %add3A_648, %mul3A_647 : i32
      %add3A_650 = arith.constant 64 : i32
      %add3A_651 = arith.addi %add3A_649, %add3A_650 : i32
      %get3A_652 = arith.index_cast %add3A_651 : i32 to index
      %get3A_653 = tpu.vector_load %arg6[%get3A_652] {strides = array<i32>} : memref<16384xi32, #tpu.memory_space<vmem>>, vector<16xi32>,
      %mul3A_654 = arith.constant 128 : i32
      %mul3A_655 = arith.muli %scan3A_613, %mul3A_654 : i32
      %add3A_656 = arith.constant 12288 : i32
      %add3A_657 = arith.addi %add3A_656, %mul3A_655 : i32
      %add3A_658 = arith.constant 80 : i32
      %add3A_659 = arith.addi %add3A_657, %add3A_658 : i32
      %get3A_660 = arith.index_cast %add3A_659 : i32 to index
      %get3A_661 = tpu.vector_load %arg6[%get3A_660] {strides = array<i32>} : memref<16384xi32, #tpu.memory_space<vmem>>, vector<16xi32>,
      %mul3A_662 = arith.constant 128 : i32
      %mul3A_663 = arith.muli %scan3A_613, %mul3A_662 : i32
      %add3A_664 = arith.constant 12288 : i32
      %add3A_665 = arith.addi %add3A_664, %mul3A_663 : i32
      %add3A_666 = arith.constant 96 : i32
      %add3A_667 = arith.addi %add3A_665, %add3A_666 : i32
      %get3A_668 = arith.index_cast %add3A_667 : i32 to index
      %get3A_669 = tpu.vector_load %arg6[%get3A_668] {strides = array<i32>} : memref<16384xi32, #tpu.memory_space<vmem>>, vector<16xi32>,
      %mul3A_670 = arith.constant 128 : i32
      %mul3A_671 = arith.muli %scan3A_613, %mul3A_670 : i32
      %add3A_672 = arith.constant 12288 : i32
      %add3A_673 = arith.addi %add3A_672, %mul3A_671 : i32
      %add3A_674 = arith.constant 112 : i32
      %add3A_675 = arith.addi %add3A_673, %add3A_674 : i32
      %get3A_676 = arith.index_cast %add3A_675 : i32 to index
      %get3A_677 = tpu.vector_load %arg6[%get3A_676] {strides = array<i32>} : memref<16384xi32, #tpu.memory_space<vmem>>, vector<16xi32>,
      %gather3A_678 = tpu.vector_load_idx %arg5[%get3A_621] : memref<100001xf32, #tpu.memory_space<vmem>>[vector<16xi32>], vector<16xf32>,
      %gather3A_679 = tpu.vector_load_idx %arg5[%get3A_629] : memref<100001xf32, #tpu.memory_space<vmem>>[vector<16xi32>], vector<16xf32>,
      %gather3A_680 = tpu.vector_load_idx %arg5[%get3A_637] : memref<100001xf32, #tpu.memory_space<vmem>>[vector<16xi32>], vector<16xf32>,
      %gather3A_681 = tpu.vector_load_idx %arg5[%get3A_645] : memref<100001xf32, #tpu.memory_space<vmem>>[vector<16xi32>], vector<16xf32>,
      %gather3A_682 = tpu.vector_load_idx %arg5[%get3A_653] : memref<100001xf32, #tpu.memory_space<vmem>>[vector<16xi32>], vector<16xf32>,
      %gather3A_683 = tpu.vector_load_idx %arg5[%get3A_661] : memref<100001xf32, #tpu.memory_space<vmem>>[vector<16xi32>], vector<16xf32>,
      %gather3A_684 = tpu.vector_load_idx %arg5[%get3A_669] : memref<100001xf32, #tpu.memory_space<vmem>>[vector<16xi32>], vector<16xf32>,
      %gather3A_685 = tpu.vector_load_idx %arg5[%get3A_677] : memref<100001xf32, #tpu.memory_space<vmem>>[vector<16xi32>], vector<16xf32>,
      %mul3A_686 = arith.constant 128 : i32
      %mul3A_687 = arith.muli %scan3A_613, %mul3A_686 : i32
      %add3A_688 = arith.constant 0 : i32
      %add3A_689 = arith.addi %mul3A_687, %add3A_688 : i32
      %swap3A_690 = arith.constant 1 : i32
      %swap3A_691 = arith.index_cast %swap3A_690 : i32 to index
      %swap3A_692 = arith.index_cast %add3A_689 : i32 to index
      %swap3A_693 = tpu.vector_load %arg7[%swap3A_691, %swap3A_692] {strides = array<i32>} : memref<2x4096xf32, #tpu.memory_space<vmem>>, vector<16xf32>,
      tpu.vector_store %arg7[%swap3A_691, %swap3A_692], %gather3A_678 {strides = array<i32>} : memref<2x4096xf32, #tpu.memory_space<vmem>>, vector<16xf32>,
      %mul3A_694 = arith.constant 128 : i32
      %mul3A_695 = arith.muli %scan3A_613, %mul3A_694 : i32
      %add3A_696 = arith.constant 16 : i32
      %add3A_697 = arith.addi %mul3A_695, %add3A_696 : i32
      %swap3A_698 = arith.constant 1 : i32
      %swap3A_699 = arith.index_cast %swap3A_698 : i32 to index
      %swap3A_700 = arith.index_cast %add3A_697 : i32 to index
      %swap3A_701 = tpu.vector_load %arg7[%swap3A_699, %swap3A_700] {strides = array<i32>} : memref<2x4096xf32, #tpu.memory_space<vmem>>, vector<16xf32>,
      tpu.vector_store %arg7[%swap3A_699, %swap3A_700], %gather3A_679 {strides = array<i32>} : memref<2x4096xf32, #tpu.memory_space<vmem>>, vector<16xf32>,
      %mul3A_702 = arith.constant 128 : i32
      %mul3A_703 = arith.muli %scan3A_613, %mul3A_702 : i32
      %add3A_704 = arith.constant 32 : i32
      %add3A_705 = arith.addi %mul3A_703, %add3A_704 : i32
      %swap3A_706 = arith.constant 1 : i32
      %swap3A_707 = arith.index_cast %swap3A_706 : i32 to index
      %swap3A_708 = arith.index_cast %add3A_705 : i32 to index
      %swap3A_709 = tpu.vector_load %arg7[%swap3A_707, %swap3A_708] {strides = array<i32>} : memref<2x4096xf32, #tpu.memory_space<vmem>>, vector<16xf32>,
      tpu.vector_store %arg7[%swap3A_707, %swap3A_708], %gather3A_680 {strides = array<i32>} : memref<2x4096xf32, #tpu.memory_space<vmem>>, vector<16xf32>,
      %mul3A_710 = arith.constant 128 : i32
      %mul3A_711 = arith.muli %scan3A_613, %mul3A_710 : i32
      %add3A_712 = arith.constant 48 : i32
      %add3A_713 = arith.addi %mul3A_711, %add3A_712 : i32
      %swap3A_714 = arith.constant 1 : i32
      %swap3A_715 = arith.index_cast %swap3A_714 : i32 to index
      %swap3A_716 = arith.index_cast %add3A_713 : i32 to index
      %swap3A_717 = tpu.vector_load %arg7[%swap3A_715, %swap3A_716] {strides = array<i32>} : memref<2x4096xf32, #tpu.memory_space<vmem>>, vector<16xf32>,
      tpu.vector_store %arg7[%swap3A_715, %swap3A_716], %gather3A_681 {strides = array<i32>} : memref<2x4096xf32, #tpu.memory_space<vmem>>, vector<16xf32>,
      %mul3A_718 = arith.constant 128 : i32
      %mul3A_719 = arith.muli %scan3A_613, %mul3A_718 : i32
      %add3A_720 = arith.constant 64 : i32
      %add3A_721 = arith.addi %mul3A_719, %add3A_720 : i32
      %swap3A_722 = arith.constant 1 : i32
      %swap3A_723 = arith.index_cast %swap3A_722 : i32 to index
      %swap3A_724 = arith.index_cast %add3A_721 : i32 to index
      %swap3A_725 = tpu.vector_load %arg7[%swap3A_723, %swap3A_724] {strides = array<i32>} : memref<2x4096xf32, #tpu.memory_space<vmem>>, vector<16xf32>,
      tpu.vector_store %arg7[%swap3A_723, %swap3A_724], %gather3A_682 {strides = array<i32>} : memref<2x4096xf32, #tpu.memory_space<vmem>>, vector<16xf32>,
      %mul3A_726 = arith.constant 128 : i32
      %mul3A_727 = arith.muli %scan3A_613, %mul3A_726 : i32
      %add3A_728 = arith.constant 80 : i32
      %add3A_729 = arith.addi %mul3A_727, %add3A_728 : i32
      %swap3A_730 = arith.constant 1 : i32
      %swap3A_731 = arith.index_cast %swap3A_730 : i32 to index
      %swap3A_732 = arith.index_cast %add3A_729 : i32 to index
      %swap3A_733 = tpu.vector_load %arg7[%swap3A_731, %swap3A_732] {strides = array<i32>} : memref<2x4096xf32, #tpu.memory_space<vmem>>, vector<16xf32>,
      tpu.vector_store %arg7[%swap3A_731, %swap3A_732], %gather3A_683 {strides = array<i32>} : memref<2x4096xf32, #tpu.memory_space<vmem>>, vector<16xf32>,
      %mul3A_734 = arith.constant 128 : i32
      %mul3A_735 = arith.muli %scan3A_613, %mul3A_734 : i32
      %add3A_736 = arith.constant 96 : i32
      %add3A_737 = arith.addi %mul3A_735, %add3A_736 : i32
      %swap3A_738 = arith.constant 1 : i32
      %swap3A_739 = arith.index_cast %swap3A_738 : i32 to index
      %swap3A_740 = arith.index_cast %add3A_737 : i32 to index
      %swap3A_741 = tpu.vector_load %arg7[%swap3A_739, %swap3A_740] {strides = array<i32>} : memref<2x4096xf32, #tpu.memory_space<vmem>>, vector<16xf32>,
      tpu.vector_store %arg7[%swap3A_739, %swap3A_740], %gather3A_684 {strides = array<i32>} : memref<2x4096xf32, #tpu.memory_space<vmem>>, vector<16xf32>,
      %mul3A_742 = arith.constant 128 : i32
      %mul3A_743 = arith.muli %scan3A_613, %mul3A_742 : i32
      %add3A_744 = arith.constant 112 : i32
      %add3A_745 = arith.addi %mul3A_743, %add3A_744 : i32
      %swap3A_746 = arith.constant 1 : i32
      %swap3A_747 = arith.index_cast %swap3A_746 : i32 to index
      %swap3A_748 = arith.index_cast %add3A_745 : i32 to index
      %swap3A_749 = tpu.vector_load %arg7[%swap3A_747, %swap3A_748] {strides = array<i32>} : memref<2x4096xf32, #tpu.memory_space<vmem>>, vector<16xf32>,
      tpu.vector_store %arg7[%swap3A_747, %swap3A_748], %gather3A_685 {strides = array<i32>} : memref<2x4096xf32, #tpu.memory_space<vmem>>, vector<16xf32>,
      %scan3A_750 = arith.constant 4 : i32
      %scan3A_751 = arith.addi %scan3A_202, %scan3A_750 : i32
      %mul3A_752 = arith.constant 128 : i32
      %mul3A_753 = arith.muli %scan3A_751, %mul3A_752 : i32
      %add3A_754 = arith.constant 12288 : i32
      %add3A_755 = arith.addi %add3A_754, %mul3A_753 : i32
      %add3A_756 = arith.constant 0 : i32
      %add3A_757 = arith.addi %add3A_755, %add3A_756 : i32
      %get3A_758 = arith.index_cast %add3A_757 : i32 to index
      %get3A_759 = tpu.vector_load %arg6[%get3A_758] {strides = array<i32>} : memref<16384xi32, #tpu.memory_space<vmem>>, vector<16xi32>,
      %mul3A_760 = arith.constant 128 : i32
      %mul3A_761 = arith.muli %scan3A_751, %mul3A_760 : i32
      %add3A_762 = arith.constant 12288 : i32
      %add3A_763 = arith.addi %add3A_762, %mul3A_761 : i32
      %add3A_764 = arith.constant 16 : i32
      %add3A_765 = arith.addi %add3A_763, %add3A_764 : i32
      %get3A_766 = arith.index_cast %add3A_765 : i32 to index
      %get3A_767 = tpu.vector_load %arg6[%get3A_766] {strides = array<i32>} : memref<16384xi32, #tpu.memory_space<vmem>>, vector<16xi32>,
      %mul3A_768 = arith.constant 128 : i32
      %mul3A_769 = arith.muli %scan3A_751, %mul3A_768 : i32
      %add3A_770 = arith.constant 12288 : i32
      %add3A_771 = arith.addi %add3A_770, %mul3A_769 : i32
      %add3A_772 = arith.constant 32 : i32
      %add3A_773 = arith.addi %add3A_771, %add3A_772 : i32
      %get3A_774 = arith.index_cast %add3A_773 : i32 to index
      %get3A_775 = tpu.vector_load %arg6[%get3A_774] {strides = array<i32>} : memref<16384xi32, #tpu.memory_space<vmem>>, vector<16xi32>,
      %mul3A_776 = arith.constant 128 : i32
      %mul3A_777 = arith.muli %scan3A_751, %mul3A_776 : i32
      %add3A_778 = arith.constant 12288 : i32
      %add3A_779 = arith.addi %add3A_778, %mul3A_777 : i32
      %add3A_780 = arith.constant 48 : i32
      %add3A_781 = arith.addi %add3A_779, %add3A_780 : i32
      %get3A_782 = arith.index_cast %add3A_781 : i32 to index
      %get3A_783 = tpu.vector_load %arg6[%get3A_782] {strides = array<i32>} : memref<16384xi32, #tpu.memory_space<vmem>>, vector<16xi32>,
      %mul3A_784 = arith.constant 128 : i32
      %mul3A_785 = arith.muli %scan3A_751, %mul3A_784 : i32
      %add3A_786 = arith.constant 12288 : i32
      %add3A_787 = arith.addi %add3A_786, %mul3A_785 : i32
      %add3A_788 = arith.constant 64 : i32
      %add3A_789 = arith.addi %add3A_787, %add3A_788 : i32
      %get3A_790 = arith.index_cast %add3A_789 : i32 to index
      %get3A_791 = tpu.vector_load %arg6[%get3A_790] {strides = array<i32>} : memref<16384xi32, #tpu.memory_space<vmem>>, vector<16xi32>,
      %mul3A_792 = arith.constant 128 : i32
      %mul3A_793 = arith.muli %scan3A_751, %mul3A_792 : i32
      %add3A_794 = arith.constant 12288 : i32
      %add3A_795 = arith.addi %add3A_794, %mul3A_793 : i32
      %add3A_796 = arith.constant 80 : i32
      %add3A_797 = arith.addi %add3A_795, %add3A_796 : i32
      %get3A_798 = arith.index_cast %add3A_797 : i32 to index
      %get3A_799 = tpu.vector_load %arg6[%get3A_798] {strides = array<i32>} : memref<16384xi32, #tpu.memory_space<vmem>>, vector<16xi32>,
      %mul3A_800 = arith.constant 128 : i32
      %mul3A_801 = arith.muli %scan3A_751, %mul3A_800 : i32
      %add3A_802 = arith.constant 12288 : i32
      %add3A_803 = arith.addi %add3A_802, %mul3A_801 : i32
      %add3A_804 = arith.constant 96 : i32
      %add3A_805 = arith.addi %add3A_803, %add3A_804 : i32
      %get3A_806 = arith.index_cast %add3A_805 : i32 to index
      %get3A_807 = tpu.vector_load %arg6[%get3A_806] {strides = array<i32>} : memref<16384xi32, #tpu.memory_space<vmem>>, vector<16xi32>,
      %mul3A_808 = arith.constant 128 : i32
      %mul3A_809 = arith.muli %scan3A_751, %mul3A_808 : i32
      %add3A_810 = arith.constant 12288 : i32
      %add3A_811 = arith.addi %add3A_810, %mul3A_809 : i32
      %add3A_812 = arith.constant 112 : i32
      %add3A_813 = arith.addi %add3A_811, %add3A_812 : i32
      %get3A_814 = arith.index_cast %add3A_813 : i32 to index
      %get3A_815 = tpu.vector_load %arg6[%get3A_814] {strides = array<i32>} : memref<16384xi32, #tpu.memory_space<vmem>>, vector<16xi32>,
      %gather3A_816 = tpu.vector_load_idx %arg5[%get3A_759] : memref<100001xf32, #tpu.memory_space<vmem>>[vector<16xi32>], vector<16xf32>,
      %gather3A_817 = tpu.vector_load_idx %arg5[%get3A_767] : memref<100001xf32, #tpu.memory_space<vmem>>[vector<16xi32>], vector<16xf32>,
      %gather3A_818 = tpu.vector_load_idx %arg5[%get3A_775] : memref<100001xf32, #tpu.memory_space<vmem>>[vector<16xi32>], vector<16xf32>,
      %gather3A_819 = tpu.vector_load_idx %arg5[%get3A_783] : memref<100001xf32, #tpu.memory_space<vmem>>[vector<16xi32>], vector<16xf32>,
      %gather3A_820 = tpu.vector_load_idx %arg5[%get3A_791] : memref<100001xf32, #tpu.memory_space<vmem>>[vector<16xi32>], vector<16xf32>,
      %gather3A_821 = tpu.vector_load_idx %arg5[%get3A_799] : memref<100001xf32, #tpu.memory_space<vmem>>[vector<16xi32>], vector<16xf32>,
      %gather3A_822 = tpu.vector_load_idx %arg5[%get3A_807] : memref<100001xf32, #tpu.memory_space<vmem>>[vector<16xi32>], vector<16xf32>,
      %gather3A_823 = tpu.vector_load_idx %arg5[%get3A_815] : memref<100001xf32, #tpu.memory_space<vmem>>[vector<16xi32>], vector<16xf32>,
      %mul3A_824 = arith.constant 128 : i32
      %mul3A_825 = arith.muli %scan3A_751, %mul3A_824 : i32
      %add3A_826 = arith.constant 0 : i32
      %add3A_827 = arith.addi %mul3A_825, %add3A_826 : i32
      %swap3A_828 = arith.constant 1 : i32
      %swap3A_829 = arith.index_cast %swap3A_828 : i32 to index
      %swap3A_830 = arith.index_cast %add3A_827 : i32 to index
      %swap3A_831 = tpu.vector_load %arg7[%swap3A_829, %swap3A_830] {strides = array<i32>} : memref<2x4096xf32, #tpu.memory_space<vmem>>, vector<16xf32>,
      tpu.vector_store %arg7[%swap3A_829, %swap3A_830], %gather3A_816 {strides = array<i32>} : memref<2x4096xf32, #tpu.memory_space<vmem>>, vector<16xf32>,
      %mul3A_832 = arith.constant 128 : i32
      %mul3A_833 = arith.muli %scan3A_751, %mul3A_832 : i32
      %add3A_834 = arith.constant 16 : i32
      %add3A_835 = arith.addi %mul3A_833, %add3A_834 : i32
      %swap3A_836 = arith.constant 1 : i32
      %swap3A_837 = arith.index_cast %swap3A_836 : i32 to index
      %swap3A_838 = arith.index_cast %add3A_835 : i32 to index
      %swap3A_839 = tpu.vector_load %arg7[%swap3A_837, %swap3A_838] {strides = array<i32>} : memref<2x4096xf32, #tpu.memory_space<vmem>>, vector<16xf32>,
      tpu.vector_store %arg7[%swap3A_837, %swap3A_838], %gather3A_817 {strides = array<i32>} : memref<2x4096xf32, #tpu.memory_space<vmem>>, vector<16xf32>,
      %mul3A_840 = arith.constant 128 : i32
      %mul3A_841 = arith.muli %scan3A_751, %mul3A_840 : i32
      %add3A_842 = arith.constant 32 : i32
      %add3A_843 = arith.addi %mul3A_841, %add3A_842 : i32
      %swap3A_844 = arith.constant 1 : i32
      %swap3A_845 = arith.index_cast %swap3A_844 : i32 to index
      %swap3A_846 = arith.index_cast %add3A_843 : i32 to index
      %swap3A_847 = tpu.vector_load %arg7[%swap3A_845, %swap3A_846] {strides = array<i32>} : memref<2x4096xf32, #tpu.memory_space<vmem>>, vector<16xf32>,
      tpu.vector_store %arg7[%swap3A_845, %swap3A_846], %gather3A_818 {strides = array<i32>} : memref<2x4096xf32, #tpu.memory_space<vmem>>, vector<16xf32>,
      %mul3A_848 = arith.constant 128 : i32
      %mul3A_849 = arith.muli %scan3A_751, %mul3A_848 : i32
      %add3A_850 = arith.constant 48 : i32
      %add3A_851 = arith.addi %mul3A_849, %add3A_850 : i32
      %swap3A_852 = arith.constant 1 : i32
      %swap3A_853 = arith.index_cast %swap3A_852 : i32 to index
      %swap3A_854 = arith.index_cast %add3A_851 : i32 to index
      %swap3A_855 = tpu.vector_load %arg7[%swap3A_853, %swap3A_854] {strides = array<i32>} : memref<2x4096xf32, #tpu.memory_space<vmem>>, vector<16xf32>,
      tpu.vector_store %arg7[%swap3A_853, %swap3A_854], %gather3A_819 {strides = array<i32>} : memref<2x4096xf32, #tpu.memory_space<vmem>>, vector<16xf32>,
      %mul3A_856 = arith.constant 128 : i32
      %mul3A_857 = arith.muli %scan3A_751, %mul3A_856 : i32
      %add3A_858 = arith.constant 64 : i32
      %add3A_859 = arith.addi %mul3A_857, %add3A_858 : i32
      %swap3A_860 = arith.constant 1 : i32
      %swap3A_861 = arith.index_cast %swap3A_860 : i32 to index
      %swap3A_862 = arith.index_cast %add3A_859 : i32 to index
      %swap3A_863 = tpu.vector_load %arg7[%swap3A_861, %swap3A_862] {strides = array<i32>} : memref<2x4096xf32, #tpu.memory_space<vmem>>, vector<16xf32>,
      tpu.vector_store %arg7[%swap3A_861, %swap3A_862], %gather3A_820 {strides = array<i32>} : memref<2x4096xf32, #tpu.memory_space<vmem>>, vector<16xf32>,
      %mul3A_864 = arith.constant 128 : i32
      %mul3A_865 = arith.muli %scan3A_751, %mul3A_864 : i32
      %add3A_866 = arith.constant 80 : i32
      %add3A_867 = arith.addi %mul3A_865, %add3A_866 : i32
      %swap3A_868 = arith.constant 1 : i32
      %swap3A_869 = arith.index_cast %swap3A_868 : i32 to index
      %swap3A_870 = arith.index_cast %add3A_867 : i32 to index
      %swap3A_871 = tpu.vector_load %arg7[%swap3A_869, %swap3A_870] {strides = array<i32>} : memref<2x4096xf32, #tpu.memory_space<vmem>>, vector<16xf32>,
      tpu.vector_store %arg7[%swap3A_869, %swap3A_870], %gather3A_821 {strides = array<i32>} : memref<2x4096xf32, #tpu.memory_space<vmem>>, vector<16xf32>,
      %mul3A_872 = arith.constant 128 : i32
      %mul3A_873 = arith.muli %scan3A_751, %mul3A_872 : i32
      %add3A_874 = arith.constant 96 : i32
      %add3A_875 = arith.addi %mul3A_873, %add3A_874 : i32
      %swap3A_876 = arith.constant 1 : i32
      %swap3A_877 = arith.index_cast %swap3A_876 : i32 to index
      %swap3A_878 = arith.index_cast %add3A_875 : i32 to index
      %swap3A_879 = tpu.vector_load %arg7[%swap3A_877, %swap3A_878] {strides = array<i32>} : memref<2x4096xf32, #tpu.memory_space<vmem>>, vector<16xf32>,
      tpu.vector_store %arg7[%swap3A_877, %swap3A_878], %gather3A_822 {strides = array<i32>} : memref<2x4096xf32, #tpu.memory_space<vmem>>, vector<16xf32>,
      %mul3A_880 = arith.constant 128 : i32
      %mul3A_881 = arith.muli %scan3A_751, %mul3A_880 : i32
      %add3A_882 = arith.constant 112 : i32
      %add3A_883 = arith.addi %mul3A_881, %add3A_882 : i32
      %swap3A_884 = arith.constant 1 : i32
      %swap3A_885 = arith.index_cast %swap3A_884 : i32 to index
      %swap3A_886 = arith.index_cast %add3A_883 : i32 to index
      %swap3A_887 = tpu.vector_load %arg7[%swap3A_885, %swap3A_886] {strides = array<i32>} : memref<2x4096xf32, #tpu.memory_space<vmem>>, vector<16xf32>,
      tpu.vector_store %arg7[%swap3A_885, %swap3A_886], %gather3A_823 {strides = array<i32>} : memref<2x4096xf32, #tpu.memory_space<vmem>>, vector<16xf32>,
      %scan3A_888 = arith.constant 5 : i32
      %scan3A_889 = arith.addi %scan3A_202, %scan3A_888 : i32
      %mul3A_890 = arith.constant 128 : i32
      %mul3A_891 = arith.muli %scan3A_889, %mul3A_890 : i32
      %add3A_892 = arith.constant 12288 : i32
      %add3A_893 = arith.addi %add3A_892, %mul3A_891 : i32
      %add3A_894 = arith.constant 0 : i32
      %add3A_895 = arith.addi %add3A_893, %add3A_894 : i32
      %get3A_896 = arith.index_cast %add3A_895 : i32 to index
      %get3A_897 = tpu.vector_load %arg6[%get3A_896] {strides = array<i32>} : memref<16384xi32, #tpu.memory_space<vmem>>, vector<16xi32>,
      %mul3A_898 = arith.constant 128 : i32
      %mul3A_899 = arith.muli %scan3A_889, %mul3A_898 : i32
      %add3A_900 = arith.constant 12288 : i32
      %add3A_901 = arith.addi %add3A_900, %mul3A_899 : i32
      %add3A_902 = arith.constant 16 : i32
      %add3A_903 = arith.addi %add3A_901, %add3A_902 : i32
      %get3A_904 = arith.index_cast %add3A_903 : i32 to index
      %get3A_905 = tpu.vector_load %arg6[%get3A_904] {strides = array<i32>} : memref<16384xi32, #tpu.memory_space<vmem>>, vector<16xi32>,
      %mul3A_906 = arith.constant 128 : i32
      %mul3A_907 = arith.muli %scan3A_889, %mul3A_906 : i32
      %add3A_908 = arith.constant 12288 : i32
      %add3A_909 = arith.addi %add3A_908, %mul3A_907 : i32
      %add3A_910 = arith.constant 32 : i32
      %add3A_911 = arith.addi %add3A_909, %add3A_910 : i32
      %get3A_912 = arith.index_cast %add3A_911 : i32 to index
      %get3A_913 = tpu.vector_load %arg6[%get3A_912] {strides = array<i32>} : memref<16384xi32, #tpu.memory_space<vmem>>, vector<16xi32>,
      %mul3A_914 = arith.constant 128 : i32
      %mul3A_915 = arith.muli %scan3A_889, %mul3A_914 : i32
      %add3A_916 = arith.constant 12288 : i32
      %add3A_917 = arith.addi %add3A_916, %mul3A_915 : i32
      %add3A_918 = arith.constant 48 : i32
      %add3A_919 = arith.addi %add3A_917, %add3A_918 : i32
      %get3A_920 = arith.index_cast %add3A_919 : i32 to index
      %get3A_921 = tpu.vector_load %arg6[%get3A_920] {strides = array<i32>} : memref<16384xi32, #tpu.memory_space<vmem>>, vector<16xi32>,
      %mul3A_922 = arith.constant 128 : i32
      %mul3A_923 = arith.muli %scan3A_889, %mul3A_922 : i32
      %add3A_924 = arith.constant 12288 : i32
      %add3A_925 = arith.addi %add3A_924, %mul3A_923 : i32
      %add3A_926 = arith.constant 64 : i32
      %add3A_927 = arith.addi %add3A_925, %add3A_926 : i32
      %get3A_928 = arith.index_cast %add3A_927 : i32 to index
      %get3A_929 = tpu.vector_load %arg6[%get3A_928] {strides = array<i32>} : memref<16384xi32, #tpu.memory_space<vmem>>, vector<16xi32>,
      %mul3A_930 = arith.constant 128 : i32
      %mul3A_931 = arith.muli %scan3A_889, %mul3A_930 : i32
      %add3A_932 = arith.constant 12288 : i32
      %add3A_933 = arith.addi %add3A_932, %mul3A_931 : i32
      %add3A_934 = arith.constant 80 : i32
      %add3A_935 = arith.addi %add3A_933, %add3A_934 : i32
      %get3A_936 = arith.index_cast %add3A_935 : i32 to index
      %get3A_937 = tpu.vector_load %arg6[%get3A_936] {strides = array<i32>} : memref<16384xi32, #tpu.memory_space<vmem>>, vector<16xi32>,
      %mul3A_938 = arith.constant 128 : i32
      %mul3A_939 = arith.muli %scan3A_889, %mul3A_938 : i32
      %add3A_940 = arith.constant 12288 : i32
      %add3A_941 = arith.addi %add3A_940, %mul3A_939 : i32
      %add3A_942 = arith.constant 96 : i32
      %add3A_943 = arith.addi %add3A_941, %add3A_942 : i32
      %get3A_944 = arith.index_cast %add3A_943 : i32 to index
      %get3A_945 = tpu.vector_load %arg6[%get3A_944] {strides = array<i32>} : memref<16384xi32, #tpu.memory_space<vmem>>, vector<16xi32>,
      %mul3A_946 = arith.constant 128 : i32
      %mul3A_947 = arith.muli %scan3A_889, %mul3A_946 : i32
      %add3A_948 = arith.constant 12288 : i32
      %add3A_949 = arith.addi %add3A_948, %mul3A_947 : i32
      %add3A_950 = arith.constant 112 : i32
      %add3A_951 = arith.addi %add3A_949, %add3A_950 : i32
      %get3A_952 = arith.index_cast %add3A_951 : i32 to index
      %get3A_953 = tpu.vector_load %arg6[%get3A_952] {strides = array<i32>} : memref<16384xi32, #tpu.memory_space<vmem>>, vector<16xi32>,
      %gather3A_954 = tpu.vector_load_idx %arg5[%get3A_897] : memref<100001xf32, #tpu.memory_space<vmem>>[vector<16xi32>], vector<16xf32>,
      %gather3A_955 = tpu.vector_load_idx %arg5[%get3A_905] : memref<100001xf32, #tpu.memory_space<vmem>>[vector<16xi32>], vector<16xf32>,
      %gather3A_956 = tpu.vector_load_idx %arg5[%get3A_913] : memref<100001xf32, #tpu.memory_space<vmem>>[vector<16xi32>], vector<16xf32>,
      %gather3A_957 = tpu.vector_load_idx %arg5[%get3A_921] : memref<100001xf32, #tpu.memory_space<vmem>>[vector<16xi32>], vector<16xf32>,
      %gather3A_958 = tpu.vector_load_idx %arg5[%get3A_929] : memref<100001xf32, #tpu.memory_space<vmem>>[vector<16xi32>], vector<16xf32>,
      %gather3A_959 = tpu.vector_load_idx %arg5[%get3A_937] : memref<100001xf32, #tpu.memory_space<vmem>>[vector<16xi32>], vector<16xf32>,
      %gather3A_960 = tpu.vector_load_idx %arg5[%get3A_945] : memref<100001xf32, #tpu.memory_space<vmem>>[vector<16xi32>], vector<16xf32>,
      %gather3A_961 = tpu.vector_load_idx %arg5[%get3A_953] : memref<100001xf32, #tpu.memory_space<vmem>>[vector<16xi32>], vector<16xf32>,
      %mul3A_962 = arith.constant 128 : i32
      %mul3A_963 = arith.muli %scan3A_889, %mul3A_962 : i32
      %add3A_964 = arith.constant 0 : i32
      %add3A_965 = arith.addi %mul3A_963, %add3A_964 : i32
      %swap3A_966 = arith.constant 1 : i32
      %swap3A_967 = arith.index_cast %swap3A_966 : i32 to index
      %swap3A_968 = arith.index_cast %add3A_965 : i32 to index
      %swap3A_969 = tpu.vector_load %arg7[%swap3A_967, %swap3A_968] {strides = array<i32>} : memref<2x4096xf32, #tpu.memory_space<vmem>>, vector<16xf32>,
      tpu.vector_store %arg7[%swap3A_967, %swap3A_968], %gather3A_954 {strides = array<i32>} : memref<2x4096xf32, #tpu.memory_space<vmem>>, vector<16xf32>,
      %mul3A_970 = arith.constant 128 : i32
      %mul3A_971 = arith.muli %scan3A_889, %mul3A_970 : i32
      %add3A_972 = arith.constant 16 : i32
      %add3A_973 = arith.addi %mul3A_971, %add3A_972 : i32
      %swap3A_974 = arith.constant 1 : i32
      %swap3A_975 = arith.index_cast %swap3A_974 : i32 to index
      %swap3A_976 = arith.index_cast %add3A_973 : i32 to index
      %swap3A_977 = tpu.vector_load %arg7[%swap3A_975, %swap3A_976] {strides = array<i32>} : memref<2x4096xf32, #tpu.memory_space<vmem>>, vector<16xf32>,
      tpu.vector_store %arg7[%swap3A_975, %swap3A_976], %gather3A_955 {strides = array<i32>} : memref<2x4096xf32, #tpu.memory_space<vmem>>, vector<16xf32>,
      %mul3A_978 = arith.constant 128 : i32
      %mul3A_979 = arith.muli %scan3A_889, %mul3A_978 : i32
      %add3A_980 = arith.constant 32 : i32
      %add3A_981 = arith.addi %mul3A_979, %add3A_980 : i32
      %swap3A_982 = arith.constant 1 : i32
      %swap3A_983 = arith.index_cast %swap3A_982 : i32 to index
      %swap3A_984 = arith.index_cast %add3A_981 : i32 to index
      %swap3A_985 = tpu.vector_load %arg7[%swap3A_983, %swap3A_984] {strides = array<i32>} : memref<2x4096xf32, #tpu.memory_space<vmem>>, vector<16xf32>,
      tpu.vector_store %arg7[%swap3A_983, %swap3A_984], %gather3A_956 {strides = array<i32>} : memref<2x4096xf32, #tpu.memory_space<vmem>>, vector<16xf32>,
      %mul3A_986 = arith.constant 128 : i32
      %mul3A_987 = arith.muli %scan3A_889, %mul3A_986 : i32
      %add3A_988 = arith.constant 48 : i32
      %add3A_989 = arith.addi %mul3A_987, %add3A_988 : i32
      %swap3A_990 = arith.constant 1 : i32
      %swap3A_991 = arith.index_cast %swap3A_990 : i32 to index
      %swap3A_992 = arith.index_cast %add3A_989 : i32 to index
      %swap3A_993 = tpu.vector_load %arg7[%swap3A_991, %swap3A_992] {strides = array<i32>} : memref<2x4096xf32, #tpu.memory_space<vmem>>, vector<16xf32>,
      tpu.vector_store %arg7[%swap3A_991, %swap3A_992], %gather3A_957 {strides = array<i32>} : memref<2x4096xf32, #tpu.memory_space<vmem>>, vector<16xf32>,
      %mul3A_994 = arith.constant 128 : i32
      %mul3A_995 = arith.muli %scan3A_889, %mul3A_994 : i32
      %add3A_996 = arith.constant 64 : i32
      %add3A_997 = arith.addi %mul3A_995, %add3A_996 : i32
      %swap3A_998 = arith.constant 1 : i32
      %swap3A_999 = arith.index_cast %swap3A_998 : i32 to index
      %swap3A_1000 = arith.index_cast %add3A_997 : i32 to index
      %swap3A_1001 = tpu.vector_load %arg7[%swap3A_999, %swap3A_1000] {strides = array<i32>} : memref<2x4096xf32, #tpu.memory_space<vmem>>, vector<16xf32>,
      tpu.vector_store %arg7[%swap3A_999, %swap3A_1000], %gather3A_958 {strides = array<i32>} : memref<2x4096xf32, #tpu.memory_space<vmem>>, vector<16xf32>,
      %mul3A_1002 = arith.constant 128 : i32
      %mul3A_1003 = arith.muli %scan3A_889, %mul3A_1002 : i32
      %add3A_1004 = arith.constant 80 : i32
      %add3A_1005 = arith.addi %mul3A_1003, %add3A_1004 : i32
      %swap3A_1006 = arith.constant 1 : i32
      %swap3A_1007 = arith.index_cast %swap3A_1006 : i32 to index
      %swap3A_1008 = arith.index_cast %add3A_1005 : i32 to index
      %swap3A_1009 = tpu.vector_load %arg7[%swap3A_1007, %swap3A_1008] {strides = array<i32>} : memref<2x4096xf32, #tpu.memory_space<vmem>>, vector<16xf32>,
      tpu.vector_store %arg7[%swap3A_1007, %swap3A_1008], %gather3A_959 {strides = array<i32>} : memref<2x4096xf32, #tpu.memory_space<vmem>>, vector<16xf32>,
      %mul3A_1010 = arith.constant 128 : i32
      %mul3A_1011 = arith.muli %scan3A_889, %mul3A_1010 : i32
      %add3A_1012 = arith.constant 96 : i32
      %add3A_1013 = arith.addi %mul3A_1011, %add3A_1012 : i32
      %swap3A_1014 = arith.constant 1 : i32
      %swap3A_1015 = arith.index_cast %swap3A_1014 : i32 to index
      %swap3A_1016 = arith.index_cast %add3A_1013 : i32 to index
      %swap3A_1017 = tpu.vector_load %arg7[%swap3A_1015, %swap3A_1016] {strides = array<i32>} : memref<2x4096xf32, #tpu.memory_space<vmem>>, vector<16xf32>,
      tpu.vector_store %arg7[%swap3A_1015, %swap3A_1016], %gather3A_960 {strides = array<i32>} : memref<2x4096xf32, #tpu.memory_space<vmem>>, vector<16xf32>,
      %mul3A_1018 = arith.constant 128 : i32
      %mul3A_1019 = arith.muli %scan3A_889, %mul3A_1018 : i32
      %add3A_1020 = arith.constant 112 : i32
      %add3A_1021 = arith.addi %mul3A_1019, %add3A_1020 : i32
      %swap3A_1022 = arith.constant 1 : i32
      %swap3A_1023 = arith.index_cast %swap3A_1022 : i32 to index
      %swap3A_1024 = arith.index_cast %add3A_1021 : i32 to index
      %swap3A_1025 = tpu.vector_load %arg7[%swap3A_1023, %swap3A_1024] {strides = array<i32>} : memref<2x4096xf32, #tpu.memory_space<vmem>>, vector<16xf32>,
      tpu.vector_store %arg7[%swap3A_1023, %swap3A_1024], %gather3A_961 {strides = array<i32>} : memref<2x4096xf32, #tpu.memory_space<vmem>>, vector<16xf32>,
      %scan3A_1026 = arith.constant 6 : i32
      %scan3A_1027 = arith.addi %scan3A_202, %scan3A_1026 : i32
      %mul3A_1028 = arith.constant 128 : i32
      %mul3A_1029 = arith.muli %scan3A_1027, %mul3A_1028 : i32
      %add3A_1030 = arith.constant 12288 : i32
      %add3A_1031 = arith.addi %add3A_1030, %mul3A_1029 : i32
      %add3A_1032 = arith.constant 0 : i32
      %add3A_1033 = arith.addi %add3A_1031, %add3A_1032 : i32
      %get3A_1034 = arith.index_cast %add3A_1033 : i32 to index
      %get3A_1035 = tpu.vector_load %arg6[%get3A_1034] {strides = array<i32>} : memref<16384xi32, #tpu.memory_space<vmem>>, vector<16xi32>,
      %mul3A_1036 = arith.constant 128 : i32
      %mul3A_1037 = arith.muli %scan3A_1027, %mul3A_1036 : i32
      %add3A_1038 = arith.constant 12288 : i32
      %add3A_1039 = arith.addi %add3A_1038, %mul3A_1037 : i32
      %add3A_1040 = arith.constant 16 : i32
      %add3A_1041 = arith.addi %add3A_1039, %add3A_1040 : i32
      %get3A_1042 = arith.index_cast %add3A_1041 : i32 to index
      %get3A_1043 = tpu.vector_load %arg6[%get3A_1042] {strides = array<i32>} : memref<16384xi32, #tpu.memory_space<vmem>>, vector<16xi32>,
      %mul3A_1044 = arith.constant 128 : i32
      %mul3A_1045 = arith.muli %scan3A_1027, %mul3A_1044 : i32
      %add3A_1046 = arith.constant 12288 : i32
      %add3A_1047 = arith.addi %add3A_1046, %mul3A_1045 : i32
      %add3A_1048 = arith.constant 32 : i32
      %add3A_1049 = arith.addi %add3A_1047, %add3A_1048 : i32
      %get3A_1050 = arith.index_cast %add3A_1049 : i32 to index
      %get3A_1051 = tpu.vector_load %arg6[%get3A_1050] {strides = array<i32>} : memref<16384xi32, #tpu.memory_space<vmem>>, vector<16xi32>,
      %mul3A_1052 = arith.constant 128 : i32
      %mul3A_1053 = arith.muli %scan3A_1027, %mul3A_1052 : i32
      %add3A_1054 = arith.constant 12288 : i32
      %add3A_1055 = arith.addi %add3A_1054, %mul3A_1053 : i32
      %add3A_1056 = arith.constant 48 : i32
      %add3A_1057 = arith.addi %add3A_1055, %add3A_1056 : i32
      %get3A_1058 = arith.index_cast %add3A_1057 : i32 to index
      %get3A_1059 = tpu.vector_load %arg6[%get3A_1058] {strides = array<i32>} : memref<16384xi32, #tpu.memory_space<vmem>>, vector<16xi32>,
      %mul3A_1060 = arith.constant 128 : i32
      %mul3A_1061 = arith.muli %scan3A_1027, %mul3A_1060 : i32
      %add3A_1062 = arith.constant 12288 : i32
      %add3A_1063 = arith.addi %add3A_1062, %mul3A_1061 : i32
      %add3A_1064 = arith.constant 64 : i32
      %add3A_1065 = arith.addi %add3A_1063, %add3A_1064 : i32
      %get3A_1066 = arith.index_cast %add3A_1065 : i32 to index
      %get3A_1067 = tpu.vector_load %arg6[%get3A_1066] {strides = array<i32>} : memref<16384xi32, #tpu.memory_space<vmem>>, vector<16xi32>,
      %mul3A_1068 = arith.constant 128 : i32
      %mul3A_1069 = arith.muli %scan3A_1027, %mul3A_1068 : i32
      %add3A_1070 = arith.constant 12288 : i32
      %add3A_1071 = arith.addi %add3A_1070, %mul3A_1069 : i32
      %add3A_1072 = arith.constant 80 : i32
      %add3A_1073 = arith.addi %add3A_1071, %add3A_1072 : i32
      %get3A_1074 = arith.index_cast %add3A_1073 : i32 to index
      %get3A_1075 = tpu.vector_load %arg6[%get3A_1074] {strides = array<i32>} : memref<16384xi32, #tpu.memory_space<vmem>>, vector<16xi32>,
      %mul3A_1076 = arith.constant 128 : i32
      %mul3A_1077 = arith.muli %scan3A_1027, %mul3A_1076 : i32
      %add3A_1078 = arith.constant 12288 : i32
      %add3A_1079 = arith.addi %add3A_1078, %mul3A_1077 : i32
      %add3A_1080 = arith.constant 96 : i32
      %add3A_1081 = arith.addi %add3A_1079, %add3A_1080 : i32
      %get3A_1082 = arith.index_cast %add3A_1081 : i32 to index
      %get3A_1083 = tpu.vector_load %arg6[%get3A_1082] {strides = array<i32>} : memref<16384xi32, #tpu.memory_space<vmem>>, vector<16xi32>,
      %mul3A_1084 = arith.constant 128 : i32
      %mul3A_1085 = arith.muli %scan3A_1027, %mul3A_1084 : i32
      %add3A_1086 = arith.constant 12288 : i32
      %add3A_1087 = arith.addi %add3A_1086, %mul3A_1085 : i32
      %add3A_1088 = arith.constant 112 : i32
      %add3A_1089 = arith.addi %add3A_1087, %add3A_1088 : i32
      %get3A_1090 = arith.index_cast %add3A_1089 : i32 to index
      %get3A_1091 = tpu.vector_load %arg6[%get3A_1090] {strides = array<i32>} : memref<16384xi32, #tpu.memory_space<vmem>>, vector<16xi32>,
      %gather3A_1092 = tpu.vector_load_idx %arg5[%get3A_1035] : memref<100001xf32, #tpu.memory_space<vmem>>[vector<16xi32>], vector<16xf32>,
      %gather3A_1093 = tpu.vector_load_idx %arg5[%get3A_1043] : memref<100001xf32, #tpu.memory_space<vmem>>[vector<16xi32>], vector<16xf32>,
      %gather3A_1094 = tpu.vector_load_idx %arg5[%get3A_1051] : memref<100001xf32, #tpu.memory_space<vmem>>[vector<16xi32>], vector<16xf32>,
      %gather3A_1095 = tpu.vector_load_idx %arg5[%get3A_1059] : memref<100001xf32, #tpu.memory_space<vmem>>[vector<16xi32>], vector<16xf32>,
      %gather3A_1096 = tpu.vector_load_idx %arg5[%get3A_1067] : memref<100001xf32, #tpu.memory_space<vmem>>[vector<16xi32>], vector<16xf32>,
      %gather3A_1097 = tpu.vector_load_idx %arg5[%get3A_1075] : memref<100001xf32, #tpu.memory_space<vmem>>[vector<16xi32>], vector<16xf32>,
      %gather3A_1098 = tpu.vector_load_idx %arg5[%get3A_1083] : memref<100001xf32, #tpu.memory_space<vmem>>[vector<16xi32>], vector<16xf32>,
      %gather3A_1099 = tpu.vector_load_idx %arg5[%get3A_1091] : memref<100001xf32, #tpu.memory_space<vmem>>[vector<16xi32>], vector<16xf32>,
      %mul3A_1100 = arith.constant 128 : i32
      %mul3A_1101 = arith.muli %scan3A_1027, %mul3A_1100 : i32
      %add3A_1102 = arith.constant 0 : i32
      %add3A_1103 = arith.addi %mul3A_1101, %add3A_1102 : i32
      %swap3A_1104 = arith.constant 1 : i32
      %swap3A_1105 = arith.index_cast %swap3A_1104 : i32 to index
      %swap3A_1106 = arith.index_cast %add3A_1103 : i32 to index
      %swap3A_1107 = tpu.vector_load %arg7[%swap3A_1105, %swap3A_1106] {strides = array<i32>} : memref<2x4096xf32, #tpu.memory_space<vmem>>, vector<16xf32>,
      tpu.vector_store %arg7[%swap3A_1105, %swap3A_1106], %gather3A_1092 {strides = array<i32>} : memref<2x4096xf32, #tpu.memory_space<vmem>>, vector<16xf32>,
      %mul3A_1108 = arith.constant 128 : i32
      %mul3A_1109 = arith.muli %scan3A_1027, %mul3A_1108 : i32
      %add3A_1110 = arith.constant 16 : i32
      %add3A_1111 = arith.addi %mul3A_1109, %add3A_1110 : i32
      %swap3A_1112 = arith.constant 1 : i32
      %swap3A_1113 = arith.index_cast %swap3A_1112 : i32 to index
      %swap3A_1114 = arith.index_cast %add3A_1111 : i32 to index
      %swap3A_1115 = tpu.vector_load %arg7[%swap3A_1113, %swap3A_1114] {strides = array<i32>} : memref<2x4096xf32, #tpu.memory_space<vmem>>, vector<16xf32>,
      tpu.vector_store %arg7[%swap3A_1113, %swap3A_1114], %gather3A_1093 {strides = array<i32>} : memref<2x4096xf32, #tpu.memory_space<vmem>>, vector<16xf32>,
      %mul3A_1116 = arith.constant 128 : i32
      %mul3A_1117 = arith.muli %scan3A_1027, %mul3A_1116 : i32
      %add3A_1118 = arith.constant 32 : i32
      %add3A_1119 = arith.addi %mul3A_1117, %add3A_1118 : i32
      %swap3A_1120 = arith.constant 1 : i32
      %swap3A_1121 = arith.index_cast %swap3A_1120 : i32 to index
      %swap3A_1122 = arith.index_cast %add3A_1119 : i32 to index
      %swap3A_1123 = tpu.vector_load %arg7[%swap3A_1121, %swap3A_1122] {strides = array<i32>} : memref<2x4096xf32, #tpu.memory_space<vmem>>, vector<16xf32>,
      tpu.vector_store %arg7[%swap3A_1121, %swap3A_1122], %gather3A_1094 {strides = array<i32>} : memref<2x4096xf32, #tpu.memory_space<vmem>>, vector<16xf32>,
      %mul3A_1124 = arith.constant 128 : i32
      %mul3A_1125 = arith.muli %scan3A_1027, %mul3A_1124 : i32
      %add3A_1126 = arith.constant 48 : i32
      %add3A_1127 = arith.addi %mul3A_1125, %add3A_1126 : i32
      %swap3A_1128 = arith.constant 1 : i32
      %swap3A_1129 = arith.index_cast %swap3A_1128 : i32 to index
      %swap3A_1130 = arith.index_cast %add3A_1127 : i32 to index
      %swap3A_1131 = tpu.vector_load %arg7[%swap3A_1129, %swap3A_1130] {strides = array<i32>} : memref<2x4096xf32, #tpu.memory_space<vmem>>, vector<16xf32>,
      tpu.vector_store %arg7[%swap3A_1129, %swap3A_1130], %gather3A_1095 {strides = array<i32>} : memref<2x4096xf32, #tpu.memory_space<vmem>>, vector<16xf32>,
      %mul3A_1132 = arith.constant 128 : i32
      %mul3A_1133 = arith.muli %scan3A_1027, %mul3A_1132 : i32
      %add3A_1134 = arith.constant 64 : i32
      %add3A_1135 = arith.addi %mul3A_1133, %add3A_1134 : i32
      %swap3A_1136 = arith.constant 1 : i32
      %swap3A_1137 = arith.index_cast %swap3A_1136 : i32 to index
      %swap3A_1138 = arith.index_cast %add3A_1135 : i32 to index
      %swap3A_1139 = tpu.vector_load %arg7[%swap3A_1137, %swap3A_1138] {strides = array<i32>} : memref<2x4096xf32, #tpu.memory_space<vmem>>, vector<16xf32>,
      tpu.vector_store %arg7[%swap3A_1137, %swap3A_1138], %gather3A_1096 {strides = array<i32>} : memref<2x4096xf32, #tpu.memory_space<vmem>>, vector<16xf32>,
      %mul3A_1140 = arith.constant 128 : i32
      %mul3A_1141 = arith.muli %scan3A_1027, %mul3A_1140 : i32
      %add3A_1142 = arith.constant 80 : i32
      %add3A_1143 = arith.addi %mul3A_1141, %add3A_1142 : i32
      %swap3A_1144 = arith.constant 1 : i32
      %swap3A_1145 = arith.index_cast %swap3A_1144 : i32 to index
      %swap3A_1146 = arith.index_cast %add3A_1143 : i32 to index
      %swap3A_1147 = tpu.vector_load %arg7[%swap3A_1145, %swap3A_1146] {strides = array<i32>} : memref<2x4096xf32, #tpu.memory_space<vmem>>, vector<16xf32>,
      tpu.vector_store %arg7[%swap3A_1145, %swap3A_1146], %gather3A_1097 {strides = array<i32>} : memref<2x4096xf32, #tpu.memory_space<vmem>>, vector<16xf32>,
      %mul3A_1148 = arith.constant 128 : i32
      %mul3A_1149 = arith.muli %scan3A_1027, %mul3A_1148 : i32
      %add3A_1150 = arith.constant 96 : i32
      %add3A_1151 = arith.addi %mul3A_1149, %add3A_1150 : i32
      %swap3A_1152 = arith.constant 1 : i32
      %swap3A_1153 = arith.index_cast %swap3A_1152 : i32 to index
      %swap3A_1154 = arith.index_cast %add3A_1151 : i32 to index
      %swap3A_1155 = tpu.vector_load %arg7[%swap3A_1153, %swap3A_1154] {strides = array<i32>} : memref<2x4096xf32, #tpu.memory_space<vmem>>, vector<16xf32>,
      tpu.vector_store %arg7[%swap3A_1153, %swap3A_1154], %gather3A_1098 {strides = array<i32>} : memref<2x4096xf32, #tpu.memory_space<vmem>>, vector<16xf32>,
      %mul3A_1156 = arith.constant 128 : i32
      %mul3A_1157 = arith.muli %scan3A_1027, %mul3A_1156 : i32
      %add3A_1158 = arith.constant 112 : i32
      %add3A_1159 = arith.addi %mul3A_1157, %add3A_1158 : i32
      %swap3A_1160 = arith.constant 1 : i32
      %swap3A_1161 = arith.index_cast %swap3A_1160 : i32 to index
      %swap3A_1162 = arith.index_cast %add3A_1159 : i32 to index
      %swap3A_1163 = tpu.vector_load %arg7[%swap3A_1161, %swap3A_1162] {strides = array<i32>} : memref<2x4096xf32, #tpu.memory_space<vmem>>, vector<16xf32>,
      tpu.vector_store %arg7[%swap3A_1161, %swap3A_1162], %gather3A_1099 {strides = array<i32>} : memref<2x4096xf32, #tpu.memory_space<vmem>>, vector<16xf32>,
      %scan3A_1164 = arith.constant 7 : i32
      %scan3A_1165 = arith.addi %scan3A_202, %scan3A_1164 : i32
      %mul3A_1166 = arith.constant 128 : i32
      %mul3A_1167 = arith.muli %scan3A_1165, %mul3A_1166 : i32
      %add3A_1168 = arith.constant 12288 : i32
      %add3A_1169 = arith.addi %add3A_1168, %mul3A_1167 : i32
      %add3A_1170 = arith.constant 0 : i32
      %add3A_1171 = arith.addi %add3A_1169, %add3A_1170 : i32
      %get3A_1172 = arith.index_cast %add3A_1171 : i32 to index
      %get3A_1173 = tpu.vector_load %arg6[%get3A_1172] {strides = array<i32>} : memref<16384xi32, #tpu.memory_space<vmem>>, vector<16xi32>,
      %mul3A_1174 = arith.constant 128 : i32
      %mul3A_1175 = arith.muli %scan3A_1165, %mul3A_1174 : i32
      %add3A_1176 = arith.constant 12288 : i32
      %add3A_1177 = arith.addi %add3A_1176, %mul3A_1175 : i32
      %add3A_1178 = arith.constant 16 : i32
      %add3A_1179 = arith.addi %add3A_1177, %add3A_1178 : i32
      %get3A_1180 = arith.index_cast %add3A_1179 : i32 to index
      %get3A_1181 = tpu.vector_load %arg6[%get3A_1180] {strides = array<i32>} : memref<16384xi32, #tpu.memory_space<vmem>>, vector<16xi32>,
      %mul3A_1182 = arith.constant 128 : i32
      %mul3A_1183 = arith.muli %scan3A_1165, %mul3A_1182 : i32
      %add3A_1184 = arith.constant 12288 : i32
      %add3A_1185 = arith.addi %add3A_1184, %mul3A_1183 : i32
      %add3A_1186 = arith.constant 32 : i32
      %add3A_1187 = arith.addi %add3A_1185, %add3A_1186 : i32
      %get3A_1188 = arith.index_cast %add3A_1187 : i32 to index
      %get3A_1189 = tpu.vector_load %arg6[%get3A_1188] {strides = array<i32>} : memref<16384xi32, #tpu.memory_space<vmem>>, vector<16xi32>,
      %mul3A_1190 = arith.constant 128 : i32
      %mul3A_1191 = arith.muli %scan3A_1165, %mul3A_1190 : i32
      %add3A_1192 = arith.constant 12288 : i32
      %add3A_1193 = arith.addi %add3A_1192, %mul3A_1191 : i32
      %add3A_1194 = arith.constant 48 : i32
      %add3A_1195 = arith.addi %add3A_1193, %add3A_1194 : i32
      %get3A_1196 = arith.index_cast %add3A_1195 : i32 to index
      %get3A_1197 = tpu.vector_load %arg6[%get3A_1196] {strides = array<i32>} : memref<16384xi32, #tpu.memory_space<vmem>>, vector<16xi32>,
      %mul3A_1198 = arith.constant 128 : i32
      %mul3A_1199 = arith.muli %scan3A_1165, %mul3A_1198 : i32
      %add3A_1200 = arith.constant 12288 : i32
      %add3A_1201 = arith.addi %add3A_1200, %mul3A_1199 : i32
      %add3A_1202 = arith.constant 64 : i32
      %add3A_1203 = arith.addi %add3A_1201, %add3A_1202 : i32
      %get3A_1204 = arith.index_cast %add3A_1203 : i32 to index
      %get3A_1205 = tpu.vector_load %arg6[%get3A_1204] {strides = array<i32>} : memref<16384xi32, #tpu.memory_space<vmem>>, vector<16xi32>,
      %mul3A_1206 = arith.constant 128 : i32
      %mul3A_1207 = arith.muli %scan3A_1165, %mul3A_1206 : i32
      %add3A_1208 = arith.constant 12288 : i32
      %add3A_1209 = arith.addi %add3A_1208, %mul3A_1207 : i32
      %add3A_1210 = arith.constant 80 : i32
      %add3A_1211 = arith.addi %add3A_1209, %add3A_1210 : i32
      %get3A_1212 = arith.index_cast %add3A_1211 : i32 to index
      %get3A_1213 = tpu.vector_load %arg6[%get3A_1212] {strides = array<i32>} : memref<16384xi32, #tpu.memory_space<vmem>>, vector<16xi32>,
      %mul3A_1214 = arith.constant 128 : i32
      %mul3A_1215 = arith.muli %scan3A_1165, %mul3A_1214 : i32
      %add3A_1216 = arith.constant 12288 : i32
      %add3A_1217 = arith.addi %add3A_1216, %mul3A_1215 : i32
      %add3A_1218 = arith.constant 96 : i32
      %add3A_1219 = arith.addi %add3A_1217, %add3A_1218 : i32
      %get3A_1220 = arith.index_cast %add3A_1219 : i32 to index
      %get3A_1221 = tpu.vector_load %arg6[%get3A_1220] {strides = array<i32>} : memref<16384xi32, #tpu.memory_space<vmem>>, vector<16xi32>,
      %mul3A_1222 = arith.constant 128 : i32
      %mul3A_1223 = arith.muli %scan3A_1165, %mul3A_1222 : i32
      %add3A_1224 = arith.constant 12288 : i32
      %add3A_1225 = arith.addi %add3A_1224, %mul3A_1223 : i32
      %add3A_1226 = arith.constant 112 : i32
      %add3A_1227 = arith.addi %add3A_1225, %add3A_1226 : i32
      %get3A_1228 = arith.index_cast %add3A_1227 : i32 to index
      %get3A_1229 = tpu.vector_load %arg6[%get3A_1228] {strides = array<i32>} : memref<16384xi32, #tpu.memory_space<vmem>>, vector<16xi32>,
      %gather3A_1230 = tpu.vector_load_idx %arg5[%get3A_1173] : memref<100001xf32, #tpu.memory_space<vmem>>[vector<16xi32>], vector<16xf32>,
      %gather3A_1231 = tpu.vector_load_idx %arg5[%get3A_1181] : memref<100001xf32, #tpu.memory_space<vmem>>[vector<16xi32>], vector<16xf32>,
      %gather3A_1232 = tpu.vector_load_idx %arg5[%get3A_1189] : memref<100001xf32, #tpu.memory_space<vmem>>[vector<16xi32>], vector<16xf32>,
      %gather3A_1233 = tpu.vector_load_idx %arg5[%get3A_1197] : memref<100001xf32, #tpu.memory_space<vmem>>[vector<16xi32>], vector<16xf32>,
      %gather3A_1234 = tpu.vector_load_idx %arg5[%get3A_1205] : memref<100001xf32, #tpu.memory_space<vmem>>[vector<16xi32>], vector<16xf32>,
      %gather3A_1235 = tpu.vector_load_idx %arg5[%get3A_1213] : memref<100001xf32, #tpu.memory_space<vmem>>[vector<16xi32>], vector<16xf32>,
      %gather3A_1236 = tpu.vector_load_idx %arg5[%get3A_1221] : memref<100001xf32, #tpu.memory_space<vmem>>[vector<16xi32>], vector<16xf32>,
      %gather3A_1237 = tpu.vector_load_idx %arg5[%get3A_1229] : memref<100001xf32, #tpu.memory_space<vmem>>[vector<16xi32>], vector<16xf32>,
      %mul3A_1238 = arith.constant 128 : i32
      %mul3A_1239 = arith.muli %scan3A_1165, %mul3A_1238 : i32
      %add3A_1240 = arith.constant 0 : i32
      %add3A_1241 = arith.addi %mul3A_1239, %add3A_1240 : i32
      %swap3A_1242 = arith.constant 1 : i32
      %swap3A_1243 = arith.index_cast %swap3A_1242 : i32 to index
      %swap3A_1244 = arith.index_cast %add3A_1241 : i32 to index
      %swap3A_1245 = tpu.vector_load %arg7[%swap3A_1243, %swap3A_1244] {strides = array<i32>} : memref<2x4096xf32, #tpu.memory_space<vmem>>, vector<16xf32>,
      tpu.vector_store %arg7[%swap3A_1243, %swap3A_1244], %gather3A_1230 {strides = array<i32>} : memref<2x4096xf32, #tpu.memory_space<vmem>>, vector<16xf32>,
      %mul3A_1246 = arith.constant 128 : i32
      %mul3A_1247 = arith.muli %scan3A_1165, %mul3A_1246 : i32
      %add3A_1248 = arith.constant 16 : i32
      %add3A_1249 = arith.addi %mul3A_1247, %add3A_1248 : i32
      %swap3A_1250 = arith.constant 1 : i32
      %swap3A_1251 = arith.index_cast %swap3A_1250 : i32 to index
      %swap3A_1252 = arith.index_cast %add3A_1249 : i32 to index
      %swap3A_1253 = tpu.vector_load %arg7[%swap3A_1251, %swap3A_1252] {strides = array<i32>} : memref<2x4096xf32, #tpu.memory_space<vmem>>, vector<16xf32>,
      tpu.vector_store %arg7[%swap3A_1251, %swap3A_1252], %gather3A_1231 {strides = array<i32>} : memref<2x4096xf32, #tpu.memory_space<vmem>>, vector<16xf32>,
      %mul3A_1254 = arith.constant 128 : i32
      %mul3A_1255 = arith.muli %scan3A_1165, %mul3A_1254 : i32
      %add3A_1256 = arith.constant 32 : i32
      %add3A_1257 = arith.addi %mul3A_1255, %add3A_1256 : i32
      %swap3A_1258 = arith.constant 1 : i32
      %swap3A_1259 = arith.index_cast %swap3A_1258 : i32 to index
      %swap3A_1260 = arith.index_cast %add3A_1257 : i32 to index
      %swap3A_1261 = tpu.vector_load %arg7[%swap3A_1259, %swap3A_1260] {strides = array<i32>} : memref<2x4096xf32, #tpu.memory_space<vmem>>, vector<16xf32>,
      tpu.vector_store %arg7[%swap3A_1259, %swap3A_1260], %gather3A_1232 {strides = array<i32>} : memref<2x4096xf32, #tpu.memory_space<vmem>>, vector<16xf32>,
      %mul3A_1262 = arith.constant 128 : i32
      %mul3A_1263 = arith.muli %scan3A_1165, %mul3A_1262 : i32
      %add3A_1264 = arith.constant 48 : i32
      %add3A_1265 = arith.addi %mul3A_1263, %add3A_1264 : i32
      %swap3A_1266 = arith.constant 1 : i32
      %swap3A_1267 = arith.index_cast %swap3A_1266 : i32 to index
      %swap3A_1268 = arith.index_cast %add3A_1265 : i32 to index
      %swap3A_1269 = tpu.vector_load %arg7[%swap3A_1267, %swap3A_1268] {strides = array<i32>} : memref<2x4096xf32, #tpu.memory_space<vmem>>, vector<16xf32>,
      tpu.vector_store %arg7[%swap3A_1267, %swap3A_1268], %gather3A_1233 {strides = array<i32>} : memref<2x4096xf32, #tpu.memory_space<vmem>>, vector<16xf32>,
      %mul3A_1270 = arith.constant 128 : i32
      %mul3A_1271 = arith.muli %scan3A_1165, %mul3A_1270 : i32
      %add3A_1272 = arith.constant 64 : i32
      %add3A_1273 = arith.addi %mul3A_1271, %add3A_1272 : i32
      %swap3A_1274 = arith.constant 1 : i32
      %swap3A_1275 = arith.index_cast %swap3A_1274 : i32 to index
      %swap3A_1276 = arith.index_cast %add3A_1273 : i32 to index
      %swap3A_1277 = tpu.vector_load %arg7[%swap3A_1275, %swap3A_1276] {strides = array<i32>} : memref<2x4096xf32, #tpu.memory_space<vmem>>, vector<16xf32>,
      tpu.vector_store %arg7[%swap3A_1275, %swap3A_1276], %gather3A_1234 {strides = array<i32>} : memref<2x4096xf32, #tpu.memory_space<vmem>>, vector<16xf32>,
      %mul3A_1278 = arith.constant 128 : i32
      %mul3A_1279 = arith.muli %scan3A_1165, %mul3A_1278 : i32
      %add3A_1280 = arith.constant 80 : i32
      %add3A_1281 = arith.addi %mul3A_1279, %add3A_1280 : i32
      %swap3A_1282 = arith.constant 1 : i32
      %swap3A_1283 = arith.index_cast %swap3A_1282 : i32 to index
      %swap3A_1284 = arith.index_cast %add3A_1281 : i32 to index
      %swap3A_1285 = tpu.vector_load %arg7[%swap3A_1283, %swap3A_1284] {strides = array<i32>} : memref<2x4096xf32, #tpu.memory_space<vmem>>, vector<16xf32>,
      tpu.vector_store %arg7[%swap3A_1283, %swap3A_1284], %gather3A_1235 {strides = array<i32>} : memref<2x4096xf32, #tpu.memory_space<vmem>>, vector<16xf32>,
      %mul3A_1286 = arith.constant 128 : i32
      %mul3A_1287 = arith.muli %scan3A_1165, %mul3A_1286 : i32
      %add3A_1288 = arith.constant 96 : i32
      %add3A_1289 = arith.addi %mul3A_1287, %add3A_1288 : i32
      %swap3A_1290 = arith.constant 1 : i32
      %swap3A_1291 = arith.index_cast %swap3A_1290 : i32 to index
      %swap3A_1292 = arith.index_cast %add3A_1289 : i32 to index
      %swap3A_1293 = tpu.vector_load %arg7[%swap3A_1291, %swap3A_1292] {strides = array<i32>} : memref<2x4096xf32, #tpu.memory_space<vmem>>, vector<16xf32>,
      tpu.vector_store %arg7[%swap3A_1291, %swap3A_1292], %gather3A_1236 {strides = array<i32>} : memref<2x4096xf32, #tpu.memory_space<vmem>>, vector<16xf32>,
      %mul3A_1294 = arith.constant 128 : i32
      %mul3A_1295 = arith.muli %scan3A_1165, %mul3A_1294 : i32
      %add3A_1296 = arith.constant 112 : i32
      %add3A_1297 = arith.addi %mul3A_1295, %add3A_1296 : i32
      %swap3A_1298 = arith.constant 1 : i32
      %swap3A_1299 = arith.index_cast %swap3A_1298 : i32 to index
      %swap3A_1300 = arith.index_cast %add3A_1297 : i32 to index
      %swap3A_1301 = tpu.vector_load %arg7[%swap3A_1299, %swap3A_1300] {strides = array<i32>} : memref<2x4096xf32, #tpu.memory_space<vmem>>, vector<16xf32>,
      tpu.vector_store %arg7[%swap3A_1299, %swap3A_1300], %gather3A_1237 {strides = array<i32>} : memref<2x4096xf32, #tpu.memory_space<vmem>>, vector<16xf32>,
    }
    %scan3A_162 = arith.constant 32 : i32
    %dma_start3A_163 = arith.constant 1 : i32
    %dma_start3A_164 = arith.constant 0 : i32
    %dma_start3A_165 = tpu.memref_slice %arg7[%dma_start3A_163, %dma_start3A_164] : memref<2x4096xf32, #tpu.memory_space<vmem>> -> memref<1x4096xf32, #tpu.memory_space<vmem>>
    %dma_start3A_166 = tpu.memref_squeeze %dma_start3A_165 : memref<1x4096xf32, #tpu.memory_space<vmem>> -> memref<4096xf32, #tpu.memory_space<vmem>>
    %dma_start3A_167 = arith.constant 12288 : i32
    %dma_start3A_168 = tpu.memref_slice %arg4[%add3A, %dma_start3A_167] : memref<32x16384xf32, #tpu.memory_space<hbm>> -> memref<1x4096xf32, #tpu.memory_space<hbm>>
    %dma_start3A_169 = tpu.memref_squeeze %dma_start3A_168 : memref<1x4096xf32, #tpu.memory_space<hbm>> -> memref<4096xf32, #tpu.memory_space<hbm>>
    %dma_start3A_170 = arith.constant 12288 : i32
    %dma_start3A_171 = tpu.memref_slice %arg4[%add3A, %dma_start3A_170] : memref<32x16384xf32, #tpu.memory_space<hbm>> -> memref<1x4096xf32, #tpu.memory_space<hbm>>
    %dma_start3A_172 = tpu.memref_squeeze %dma_start3A_171 : memref<1x4096xf32, #tpu.memory_space<hbm>> -> memref<4096xf32, #tpu.memory_space<hbm>>
    %dma_start3A_173 = arith.constant 0 : i32
    %dma_start3A_174 = tpu.memref_slice %arg7[%dma_start3A_163, %dma_start3A_173] : memref<2x4096xf32, #tpu.memory_space<vmem>> -> memref<1x4096xf32, #tpu.memory_space<vmem>>
    %dma_start3A_175 = tpu.memref_squeeze %dma_start3A_174 : memref<1x4096xf32, #tpu.memory_space<vmem>> -> memref<4096xf32, #tpu.memory_space<vmem>>
    tpu.enqueue_dma source(%dma_start3A_175 : memref<4096xf32, #tpu.memory_space<vmem>>) target(%dma_start3A_172 : memref<4096xf32, #tpu.memory_space<hbm>>) target_semaphore(%arg13 : memref<!tpu.dma_semaphore, #tpu.memory_space<semaphore_mem>>)
    %dma_wait3A_176 = arith.constant 0 : i32
    %dma_wait3A_177 = arith.constant 0 : i32
    %dma_wait3A_178 = tpu.memref_slice %arg7[%dma_wait3A_176, %dma_wait3A_177] : memref<2x4096xf32, #tpu.memory_space<vmem>> -> memref<1x4096xf32, #tpu.memory_space<vmem>>
    %dma_wait3A_179 = tpu.memref_squeeze %dma_wait3A_178 : memref<1x4096xf32, #tpu.memory_space<vmem>> -> memref<4096xf32, #tpu.memory_space<vmem>>
    %dma_wait3A_180 = arith.constant 8192 : i32
    %dma_wait3A_181 = tpu.memref_slice %arg4[%add3A, %dma_wait3A_180] : memref<32x16384xf32, #tpu.memory_space<hbm>> -> memref<1x4096xf32, #tpu.memory_space<hbm>>
    %dma_wait3A_182 = tpu.memref_squeeze %dma_wait3A_181 : memref<1x4096xf32, #tpu.memory_space<hbm>> -> memref<4096xf32, #tpu.memory_space<hbm>>
    %dma_wait3A_183 = arith.constant 8192 : i32
    %dma_wait3A_184 = tpu.memref_slice %arg4[%add3A, %dma_wait3A_183] : memref<32x16384xf32, #tpu.memory_space<hbm>> -> memref<1x4096xf32, #tpu.memory_space<hbm>>
    %dma_wait3A_185 = tpu.memref_squeeze %dma_wait3A_184 : memref<1x4096xf32, #tpu.memory_space<hbm>> -> memref<4096xf32, #tpu.memory_space<hbm>>
    %dma_wait3A_186 = arith.constant 0 : i32
    %dma_wait3A_187 = tpu.memref_slice %arg7[%dma_wait3A_176, %dma_wait3A_186] : memref<2x4096xf32, #tpu.memory_space<vmem>> -> memref<1x4096xf32, #tpu.memory_space<vmem>>
    %dma_wait3A_188 = tpu.memref_squeeze %dma_wait3A_187 : memref<1x4096xf32, #tpu.memory_space<vmem>> -> memref<4096xf32, #tpu.memory_space<vmem>>
    tpu.wait_dma2 semaphore(%arg13 : memref<!tpu.dma_semaphore, #tpu.memory_space<semaphore_mem>>) src(%dma_wait3A_188 : memref<4096xf32, #tpu.memory_space<vmem>>) dst(%dma_wait3A_185 : memref<4096xf32, #tpu.memory_space<hbm>>)
    %dma_wait3A_189 = arith.constant 1 : i32
    %dma_wait3A_190 = arith.constant 0 : i32
    %dma_wait3A_191 = tpu.memref_slice %arg7[%dma_wait3A_189, %dma_wait3A_190] : memref<2x4096xf32, #tpu.memory_space<vmem>> -> memref<1x4096xf32, #tpu.memory_space<vmem>>
    %dma_wait3A_192 = tpu.memref_squeeze %dma_wait3A_191 : memref<1x4096xf32, #tpu.memory_space<vmem>> -> memref<4096xf32, #tpu.memory_space<vmem>>
    %dma_wait3A_193 = arith.constant 12288 : i32
    %dma_wait3A_194 = tpu.memref_slice %arg4[%add3A, %dma_wait3A_193] : memref<32x16384xf32, #tpu.memory_space<hbm>> -> memref<1x4096xf32, #tpu.memory_space<hbm>>
    %dma_wait3A_195 = tpu.memref_squeeze %dma_wait3A_194 : memref<1x4096xf32, #tpu.memory_space<hbm>> -> memref<4096xf32, #tpu.memory_space<hbm>>
    %dma_wait3A_196 = arith.constant 12288 : i32
    %dma_wait3A_197 = tpu.memref_slice %arg4[%add3A, %dma_wait3A_196] : memref<32x16384xf32, #tpu.memory_space<hbm>> -> memref<1x4096xf32, #tpu.memory_space<hbm>>
    %dma_wait3A_198 = tpu.memref_squeeze %dma_wait3A_197 : memref<1x4096xf32, #tpu.memory_space<hbm>> -> memref<4096xf32, #tpu.memory_space<hbm>>
    %dma_wait3A_199 = arith.constant 0 : i32
    %dma_wait3A_200 = tpu.memref_slice %arg7[%dma_wait3A_189, %dma_wait3A_199] : memref<2x4096xf32, #tpu.memory_space<vmem>> -> memref<1x4096xf32, #tpu.memory_space<vmem>>
    %dma_wait3A_201 = tpu.memref_squeeze %dma_wait3A_200 : memref<1x4096xf32, #tpu.memory_space<vmem>> -> memref<4096xf32, #tpu.memory_space<vmem>>
    tpu.wait_dma2 semaphore(%arg13 : memref<!tpu.dma_semaphore, #tpu.memory_space<semaphore_mem>>) src(%dma_wait3A_201 : memref<4096xf32, #tpu.memory_space<vmem>>) dst(%dma_wait3A_198 : memref<4096xf32, #tpu.memory_space<hbm>>)
    return
  }
}

</mosaic_0001>

<sc_bundles>
// kernel: kernel.3.cloned.1.call-start
scs
__scs_entry_jumppad:
0x0: {  	(pc) =	sbr.rel $0x88, $3  }
0x1: {  	(tag) =	ssettag $0x0;
	lr =	simm.s32 $0x1  }
0x2: {  	[smem:$0x3F9F] =	sst lr;
	_ =	strace $0xD0000000  }
0x3: {  	_ = 	snop  }
0x4: {  	_ = 	snop  }
0x5: {  	_ = 	snop  }
0x6: {  	_ = 	snop  }
0x7: {  	_ = 	snop  }
__scs_overlays_trampoline_lowered:
0x8: {  	[smem:$0x3FAE] =	sst s0  }
0x9: {  	[smem:$0x3FAF] =	sst s1  }
0xa: {  	[smem:$0x3FB0] =	sst s2  }
0xb: {  	[smem:$0x3FB1] =	sst s3  }
0xc: {  	[smem:$0x3FB2] =	sst s4  }
0xd: {  	[smem:$0x3FB3] =	sst s5  }
0xe: {  	[smem:$0x3FB4] =	sst s6  }
0xf: {  	[smem:$0x3FB5] =	sst s7  }
0x10: {  	[smem:$0x3FB6] =	sst s8  }
0x11: {  	[smem:$0x3FB7] =	sst s9;
	s0 =	simm.s32 @!p0 $0x0  }
0x12: {  	s1 =	sld [smem:$0x3F9D];
	s0 =	simm.s32 @p0 $0x1  }
0x13: {  	[smem:$0x3FB8] =	sst s0;
	s0 =	simm.s32 @!p1 $0x0  }
0x14: {  	s2 =	sld [smem:$0x3F9C];
	s0 =	simm.s32 @p1 $0x1  }
0x15: {  	[smem:$0x3FB9] =	sst s0;
	s0 =	simm.s32 @!p2 $0x0  }
0x16: {  	s3 =	sld [smem:$0x3FDB];
	s0 =	simm.s32 @p2 $0x1  }
0x17: {  	s4 =	simm.s32 $0x1BF5;
	[smem:$0x3FBB] =	sst s0  }
0x18: {  	s0 =	sld [smem:$0x3F9E];
	_ =	swait.ge [sflag:s4], $0x0  }
0x19: {  	s7 =	sld [smem:$0x3F9F]  }
0x1a: {  	s8 =	sadd.s32 $0xFFFFE003, lr  }
0x1b: {  	s9 =	sadd.s32 $0xFFFFFEF7, lr;
	s5 =	simm.s32 $0xFFFFFFFF;
	p2 =	slt.u32 s8, $0xFFFFF086  }
0x1c: {  	p1 =	slt.u32 s9, $0xF7A;
	s5 =	simm.s32 @!p2 $0x0  }
0x1d: {  	s5 =	simm.s32 @p1 $0x1;
	p0 =	seq.s32 s7, s2  }
0x1e: {  	s7 =	smul.u32 @!p0 $0xF7A, s2;
	p2 =	seq.s32 @!p0 s5, $0x0  }
0x1f: {  	s9 =	smul.u32 $0xF7A, s1;
	s8 =	simm.s32 @!p0 $0x1BF5;
	p2 =	por !p2, p0  }
0x20: {  	[sflag:s8] =	ssyncset.s32 @!p0 $0xFFFFF086;
	s6 =	sadd.s32 @!p0 s3, s7;
	s7 =	simm.s32 @!p0 $0x108  }
0x21: {  	s3 =	sadd.s32 s3, s9;
	s6 =	sadd.s32 @!p0 $0x88, s6;
	s7 =	simm.s32 @p2 $0x1082  }
0x22: {  	[simem:s7], [sflag:s8] =	dma.local @!p0 [hbm:s6], $0xF7A  }
0x23: {  	s9 =	sor.u32 $0xD0000000, s2;
	s6 =	simm.s32 $0x108;
	_ =	swait.ge @!p0 [sflag:s8], $0x0  }
0x24: {  	s3 =	sadd.s32 $0x88, s3;
	s6 =	simm.s32 @!p1 $0x1082;
	[sflag:s4] =	ssyncset.s32 $0xFFFFF086  }
0x25: {  	[simem:s6], [sflag:s4] =	dma.local [hbm:s3], $0xF7A  }
0x26: {  	[smem:$0x3F9F] =	sst s1;
	(tag) =	ssettag s2;
	_ =	strace s9  }
0x27: {  	s1 =	sld [smem:$0x3FAF]  }
0x28: {  	s2 =	sld [smem:$0x3FB0]  }
0x29: {  	s4 =	sld [smem:$0x3FB2]  }
0x2a: {  	p0 =	seq.s32 s5, $0x0;
	s5 =	sld [smem:$0x3FB3]  }
0x2b: {  	s6 =	sld [smem:$0x3FB4]  }
0x2c: {  	s7 =	sld [smem:$0x3FB5]  }
0x2d: {  	s3 =	simm.s32 $0x108;
	s8 =	sld [smem:$0x3FB6]  }
0x2e: {  	s3 =	simm.s32 @!p0 $0x1082;
	s9 =	sld [smem:$0x3FB7]  }
0x2f: {  	lr =	sadd.s32 s0, s3;
	s0 =	sld [smem:$0x3FAE]  }
0x30: {  	s3 =	sld [smem:$0x3FB1]  }
0x31: {  	[smem:$0x3FBA] =	sst s10  }
0x32: {  	s10 =	sld [smem:$0x3FB8];
	_ =	sdelay $0x3  }
0x33: {  	p0 =	seq.s32 s10, $0x1;
	s10 =	sld [smem:$0x3FBA];
	_ =	sdelay $0x3  }
0x34: {  	[smem:$0x3FBA] =	sst s10  }
0x35: {  	s10 =	sld [smem:$0x3FB9];
	_ =	sdelay $0x3  }
0x36: {  	p1 =	seq.s32 s10, $0x1;
	s10 =	sld [smem:$0x3FBA];
	_ =	sdelay $0x3  }
0x37: {  	[smem:$0x3FBA] =	sst s10  }
0x38: {  	s10 =	sld [smem:$0x3FBB]  }
0x39: {  	_ = 	snop;
	(pc) =	sbr.ind lr, $3  }
0x3a: {  	_ = 	snop  }
0x3b: {  	_ = 	snop  }
0x3c: {  	p2 =	seq.s32 s10, $0x1;
	s10 =	sld [smem:$0x3FBA]  }
0x3d: {  	_ =	shalt  }
0x3e: {  	_ =	shalt  }
0x3f: {  	_ =	shalt  }
0x40: {  	_ =	shalt  }
0x41: {  	_ =	shalt  }
0x42: {  	_ =	shalt  }
0x43: {  	_ =	shalt  }
0x44: {  	_ =	shalt  }
0x45: {  	_ =	shalt  }
0x46: {  	_ =	shalt  }
0x47: {  	_ =	shalt  }
0x48: {  	_ =	shalt  }
0x49: {  	_ =	shalt  }
0x4a: {  	_ =	shalt  }
0x4b: {  	_ =	shalt  }
0x4c: {  	_ =	shalt  }
0x4d: {  	_ =	shalt  }
0x4e: {  	_ =	shalt  }
0x4f: {  	_ =	shalt  }
0x50: {  	_ =	shalt  }
0x51: {  	_ =	shalt  }
0x52: {  	_ =	shalt  }
0x53: {  	_ =	shalt  }
0x54: {  	_ =	shalt  }
0x55: {  	_ =	shalt  }
0x56: {  	_ =	shalt  }
0x57: {  	_ =	shalt  }
0x58: {  	_ =	shalt  }
0x59: {  	_ =	shalt  }
0x5a: {  	_ =	shalt  }
0x5b: {  	_ =	shalt  }
0x5c: {  	_ =	shalt  }
0x5d: {  	_ =	shalt  }
0x5e: {  	_ =	shalt  }
0x5f: {  	_ =	shalt  }
0x60: {  	_ =	shalt  }
0x61: {  	_ =	shalt  }
0x62: {  	_ =	shalt  }
0x63: {  	_ =	shalt  }
0x64: {  	_ =	shalt  }
0x65: {  	_ =	shalt  }
0x66: {  	_ =	shalt  }
0x67: {  	_ =	shalt  }
0x68: {  	_ =	shalt  }
0x69: {  	_ =	shalt  }
0x6a: {  	_ =	shalt  }
0x6b: {  	_ =	shalt  }
0x6c: {  	_ =	shalt  }
0x6d: {  	_ =	shalt  }
0x6e: {  	_ =	shalt  }
0x6f: {  	_ =	shalt  }
0x70: {  	_ =	shalt  }
0x71: {  	_ =	shalt  }
0x72: {  	_ =	shalt  }
0x73: {  	_ =	shalt  }
0x74: {  	_ =	shalt  }
0x75: {  	_ =	shalt  }
0x76: {  	_ =	shalt  }
0x77: {  	_ =	shalt  }
0x78: {  	_ =	shalt  }
0x79: {  	_ =	shalt  }
0x7a: {  	_ =	shalt  }
0x7b: {  	_ =	shalt  }
0x7c: {  	_ =	shalt  }
0x7d: {  	_ =	shalt  }
0x7e: {  	_ =	shalt  }
0x7f: {  	_ =	shalt  }
0x80: {  	_ =	shalt  }
0x81: {  	_ =	shalt  }
0x82: {  	_ =	shalt  }
0x83: {  	_ =	shalt  }
0x84: {  	_ =	shalt  }
0x85: {  	_ =	shalt  }
0x86: {  	_ =	shalt  }
0x87: {  	_ =	shalt  }
.Lfunc_end0:
.L_simem_size_0:
called_computation_lowered:
.L_overlay_start_0:
0x88: {  	s2 =	sld [smem:$0x3FD9]  }
0x89: {  	s3 =	sld [smem:$0x3FFE];
	_ =	sdelay $0x1  }
0x8a: {  	s1 =	srdreg.scid  }
0x8b: {  	s0 =	sand.u32 $0x1, s1  }
0x8c: {  	s18 =	sshll.u32 s0, $0xA;
	s2 =	sadd.s32 s3, s2  }
0x8d: {  	s2 =	sadd.s32 s2, s18  }
0x8e: {  	[smem:$0x3FC6] =	sst s2  }
0x8f: {  	_ = 	snop  }
0x90: {  	s2 =	sld [smem:$0x3FC9]  }
0x91: {  	s19 =	sld [smem:$0x3FC8]  }
0x92: {  	s4 =	sld [smem:$0x3FD0];
	(tm) =	ssettm $0x1  }
0x93: {  	s5 =	sld [smem:$0x3FFB];
	_ =	sdelay $0x3  }
0x94: {  	_ =	strace s5  }
0x95: {  	s5 =	sld [smem:$0x3FFC];
	_ =	sdelay $0x3  }
0x96: {  	_ =	strace s5  }
0x97: {  	s5 =	sld [smem:$0x3FFD];
	_ =	sdelay $0x3  }
0x98: {  	_ =	strace s5  }
0x99: {  	_ =	strace $0x8FFFFFFF  }
0x9a: {  	s20 =	sld [smem:$0x3FDB];
	_ =	sdelay $0x1  }
0x9b: {  	s6 =	simm.s32 $_scs_section_size  }
0x9c: {  	s7 =	simm.s32 $_size__tile_overlayer_lowered;
	s8 =	simm.s32 $_tile_overlayer_lowered  }
0x9d: {  	s23 =	simm.s32 $0x1BFF;
	s22 =	sshll.u32 s8, $0x1;
	s5 =	sadd.s32 s6, s20  }
0x9e: {  	s9 =	simm.s32 $0x0;
	s21 =	sshll.u32 s7, $0x1;
	s7 =	sadd.s32 s22, s5  }
0x9f: {  	[timem:s9], [sflag:s23] =	dma.local [hbm:s7], s21  }
0xa0: {  	_ =	swait.ge [sflag:s23], s21  }
0xa1: {  	s6 =	ssub.s32 $0x0, s21;
	[sflag:s23] =	ssyncset.done $0x0  }
0xa2: {  	[sflag:s23] =	ssyncadd.s32 s6;
	_ =	sdelay $0x1  }
0xa3: {  	s24 =	simm.s32 $0x1B8B  }
0xa4: {  	_ =	swait.ge [sflag:s24], $0x1  }
0xa5: {  	[sflag:s24] =	ssyncset.done $0x0  }
0xa6: {  	s25 =	simm.s32 $0x1B8E;
	[sflag:s24] =	ssyncadd.s32 $0xFFFFFFFF  }
0xa7: {  	s26 =	simm.s32 $execute0_lowered;
	[smem:$0x3FD2] =	sst s25  }
0xa8: {  	s6 =	sshll.u32 s26, $0x1;
	_ =	strace $0x80000046;
	[dreg:$0x1] =	wrdreg $0xFFFFFFFF  }
0xa9: {  	s28 =	simm.s32 $_size_execute0_lowered;
	s5 =	sadd.s32 s5, s6;
	[dreg:$0x0] =	wrdreg $0x0  }
0xaa: {  	s6 =	sshll.u32 s28, $0x1;
	[dreg:$0x2] =	wrdreg s5  }
0xab: {  	[dreg:$0x3] =	wrdreg s6  }
0xac: {  	[dreg:$0x4] =	wrdreg $0xC0  }
0xad: {  	_ =	task [dreg:s9], $0x5FFFF  }
0xae: {  	[dreg:$0x1] =	wrdreg $0xFFFFFFFF  }
0xaf: {  	[dreg:$0x0] =	wrdreg $0x60  }
0xb0: {  	[dreg:$0x2] =	wrdreg s2  }
0xb1: {  	[dreg:$0x3] =	wrdreg s19  }
0xb2: {  	[dreg:$0x4] =	wrdreg s4  }
0xb3: {  	[dreg:$0x5] =	wrdreg $0x9  }
0xb4: {  	_ =	task.clear_ibuf [dreg:s9], $0x6FFFF;
	_ =	strace $0x90000046  }
0xb5: {  	s29 =	simm.s32 $0x9;
	_ =	strace $0x80000048  }
0xb6: {  	_ =	swait.ge [sflag:s29], $0x1  }
0xb7: {  	[sflag:s29] =	ssyncadd.s32 $0xFFFFFFFF  }
0xb8: {  	_ =	strace $0x90000048  }
0xb9: {  	_ =	sfence  }
0xba: {  	s30 =	sld [smem:$0x0];
	_ =	sdelay $0x2  }
0xbb: {  	s31 =	sshll.u32 s1, $0xD;
	s1 =	sshrl.u32 s1, $0x2  }
0xbc: {  	s3 =	sand.u32 $0x4000, s31;
	s1 =	sadd.s32 s1, s30  }
0xbd: {  	s0 =	sor.u32 s3, s0;
	s1 =	sshll.u32 s1, $0x11  }
0xbe: {  	s0 =	sor.u32 s1, s0  }
0xbf: {  	s0 =	sadd.s32 $0x8F2B, s0  }
0xc0: {  	[sflag:s0] =	ssyncadd.remote.s32 $0x1  }
0xc1: {  	_ =	sfence.sel $0xFFFF  }
0xc2: {  	[dreg:$0x0] =	wrdreg $0xFFFFFFFF;
	(pc) =	sbr.abs _section_cstart, $3  }
0xc3: {  	[dreg:$0x1] =	wrdreg $0xFFFFFFFF  }
0xc4: {  	_ =	task.clear_ibuf [dreg:s9], $0x2FFFF;
	_ =	strace $0x9FFFFFFF  }
0xc5: {  	(tm) =	ssettm $0x7FFFFFFF  }
tec
execute0_lowered:
.L_overlay_start_1:
0x0: {  	(tag) =	ssettag $0x1  }
0x1: {  	s1 =	rddreg [dreg:$0x0]  }
0x2: {  	s4 =	rddreg [dreg:$0x1]  }
0x3: {  	s7 =	rddreg [dreg:$0x2]  }
0x4: {  	s0 =	rddreg [dreg:$0x3]  }
0x5: {  	s3 =	simm.s32 $0x0;
	s5 =	srdreg.scid;
	s2 =	stileid.u32  }
0x6: {  	s13 =	simm.s32 $0x18700;
	s14 =	simm.s32 $0x80;
	s15 =	simm.s32 $0x400  }
0x7: {  	s16 =	simm.s32 $0x19700;
	s17 =	simm.s32 $0x1A700;
	s18 =	simm.s32 $0x1B700  }
0x8: {  	s19 =	simm.s32 $0x2;
	s20 =	simm.s32 $0x1;
	s21 =	simm.s32 $0x3  }
0x9: {  	s22 =	simm.s32 $0x4;
	s23 =	simm.s32 $0x6;
	s24 =	simm.s32 $0x5  }
0xa: {  	s25 =	simm.s32 $0x0;
	[smem:$0x7FF] =	sst s3;
	s5 =	sand.u32 $0x1, s5  }
0xb: {  	s6 =	sshrl.u32 s2, $0x2;
	s8 =	sshll.u32 s2, $0x8;
	s9 =	sshll.u32 s5, $0x7  }
0xc: {  	s8 =	sand.u32 $0x300, s8;
	s10 =	smul.u32 $0xC3800, s6;
	_ =	strace $0x80000047  }
0xd: {  	s5 =	ssub.s32 $0x2, s5;
	s6 =	sshll.u32 s6, $0x11;
	s8 =	sor.u32 s9, s8  }
0xe: {  	s31 =	sshrl.u32 s5, $0x1;
	s9 =	sor.u32 s10, s8;
	s6 =	sor.u32 s6, s8  }
0xf: {  	s12 =	ssub.s32 s5, s31;
	s5 =	sadd.s32 $0x200, s1;
	s9 =	sshrl.u32 s9, $0x3  }
0x10: {  	s8 =	sshrl.u32 s6, $0x3;
	s6 =	sadd.s32 $0x400, s1;
	s12 =	smax.u32 s12, $0x1  }
0x11: {  	s4 =	sadd.s32 s4, s9;
	s7 =	sadd.s32 s7, s8;
	s8 =	sadd.s32 $0x600, s1  }
0x12: {  	s9 =	sadd.s32 $0x1000, s7;
	s10 =	sadd.s32 $0x2000, s7;
	s11 =	sadd.s32 $0x3000, s7  }
.LBB2_1:
0x13: {  	[tilespmem:s13], [sflag:$0x2] =	stream.linear.gather [hbm4b:s1+s3], $0x1000, $0x38;
	[tilespmem:$0x1E700] =	vst v63  }
0x14: {  	_ = 	snop  }
0x15: {  	[tilespmem:s3], [sflag:$0x1] =	stream.strided.gather [hbm4b:s4+s14], $0x18700, s15, s14, $0x38;
	[tilespmem:$0x1E700] =	vst v63  }
0x16: {  	_ = 	snop  }
0x17: {  	[tilespmem:s16], [sflag:$0x3] =	stream.linear.gather [hbm4b:s5+s3], $0x1000, $0x38;
	[tilespmem:$0x1E700] =	vst v63  }
0x18: {  	_ = 	snop  }
0x19: {  	[tilespmem:s17], [sflag:$0x4] =	stream.linear.gather [hbm4b:s6+s3], $0x1000, $0x38;
	[tilespmem:$0x1E700] =	vst v63  }
0x1a: {  	_ = 	snop  }
0x1b: {  	[tilespmem:s18], [sflag:$0x5] =	stream.linear.gather [hbm4b:s8+s3], $0x1000, $0x38;
	[tilespmem:$0x1E700] =	vst v63  }
0x1c: {  	_ =	swait.ge [sflag:s19], $0x1000  }
0x1d: {  	[sflag:s19] =	ssyncset.done $0x0  }
0x1e: {  	[sflag:s19] =	ssyncadd.s32 $0xFFFFF000  }
0x1f: {  	_ =	swait.ge [sflag:s20], $0x18700  }
0x20: {  	s26 =	simm.s32 $0xFFFFFFF8;
	[sflag:s20] =	ssyncset.done $0x0  }
0x21: {  	s28 =	simm.s32 $0x18900;
	s29 =	simm.s32 $0x1CB00;
	[sflag:s20] =	ssyncadd.s32 $0xFFFE7900  }
.LBB2_2:
0x22: {  	v0 =	vld [tilespmem:s28+$0xFFFFFE00]  }
0x23: {  	v1 =	vld [tilespmem:s28+$0xFFFFFE10]  }
0x24: {  	v2 =	vld [tilespmem:s28+$0xFFFFFE20]  }
0x25: {  	v3 =	vld [tilespmem:s28+$0xFFFFFE30]  }
0x26: {  	v4 =	vld [tilespmem:s28+$0xFFFFFE40]  }
0x27: {  	v5 =	vld [tilespmem:s28+$0xFFFFFE50]  }
0x28: {  	v6 =	vld [tilespmem:s28+$0xFFFFFE60]  }
0x29: {  	v7 =	vld [tilespmem:s28+$0xFFFFFE70]  }
0x2a: {  	v0 =	vld.idx.msk [tilespmem:v0+s3+$0x0], $0xffff  }
0x2b: {  	v1 =	vld.idx.msk [tilespmem:v1+s3+$0x0], $0xffff  }
0x2c: {  	v2 =	vld.idx.msk [tilespmem:v2+s3+$0x0], $0xffff  }
0x2d: {  	v3 =	vld.idx.msk [tilespmem:v3+s3+$0x0], $0xffff  }
0x2e: {  	v4 =	vld.idx.msk [tilespmem:v4+s3+$0x0], $0xffff  }
0x2f: {  	v5 =	vld.idx.msk [tilespmem:v5+s3+$0x0], $0xffff  }
0x30: {  	v6 =	vld.idx.msk [tilespmem:v6+s3+$0x0], $0xffff  }
0x31: {  	v7 =	vld.idx.msk [tilespmem:v7+s3+$0x0], $0xffff;
	[tilespmem:s29+$0xFFFFFC00] =	vst v0  }
0x32: {  	[tilespmem:s29+$0xFFFFFC10] =	vst v1  }
0x33: {  	[tilespmem:s29+$0xFFFFFC20] =	vst v2  }
0x34: {  	[tilespmem:s29+$0xFFFFFC30] =	vst v3  }
0x35: {  	[tilespmem:s29+$0xFFFFFC40] =	vst v4  }
0x36: {  	[tilespmem:s29+$0xFFFFFC50] =	vst v5  }
0x37: {  	[tilespmem:s29+$0xFFFFFC60] =	vst v6  }
0x38: {  	[tilespmem:s29+$0xFFFFFC70] =	vst v7  }
0x39: {  	v0 =	vld [tilespmem:s28+$0xFFFFFE80]  }
0x3a: {  	v1 =	vld [tilespmem:s28+$0xFFFFFE90]  }
0x3b: {  	v2 =	vld [tilespmem:s28+$0xFFFFFEA0]  }
0x3c: {  	v3 =	vld [tilespmem:s28+$0xFFFFFEB0]  }
0x3d: {  	v4 =	vld [tilespmem:s28+$0xFFFFFEC0]  }
0x3e: {  	v5 =	vld [tilespmem:s28+$0xFFFFFED0]  }
0x3f: {  	v6 =	vld [tilespmem:s28+$0xFFFFFEE0]  }
0x40: {  	v7 =	vld [tilespmem:s28+$0xFFFFFEF0]  }
0x41: {  	v0 =	vld.idx.msk [tilespmem:v0+s3+$0x0], $0xffff  }
0x42: {  	v1 =	vld.idx.msk [tilespmem:v1+s3+$0x0], $0xffff  }
0x43: {  	v2 =	vld.idx.msk [tilespmem:v2+s3+$0x0], $0xffff  }
0x44: {  	v3 =	vld.idx.msk [tilespmem:v3+s3+$0x0], $0xffff  }
0x45: {  	v4 =	vld.idx.msk [tilespmem:v4+s3+$0x0], $0xffff  }
0x46: {  	v5 =	vld.idx.msk [tilespmem:v5+s3+$0x0], $0xffff  }
0x47: {  	v6 =	vld.idx.msk [tilespmem:v6+s3+$0x0], $0xffff  }
0x48: {  	v7 =	vld.idx.msk [tilespmem:v7+s3+$0x0], $0xffff;
	[tilespmem:s29+$0xFFFFFD00] =	vst v0  }
0x49: {  	[tilespmem:s29+$0xFFFFFD10] =	vst v1  }
0x4a: {  	[tilespmem:s29+$0xFFFFFD20] =	vst v2  }
0x4b: {  	[tilespmem:s29+$0xFFFFFD30] =	vst v3  }
0x4c: {  	[tilespmem:s29+$0xFFFFFD40] =	vst v4  }
0x4d: {  	[tilespmem:s29+$0xFFFFFD50] =	vst v5  }
0x4e: {  	[tilespmem:s29+$0xFFFFFD60] =	vst v6  }
0x4f: {  	[tilespmem:s29+$0xFFFFFD70] =	vst v7  }
0x50: {  	v0 =	vld [tilespmem:s28+$0xFFFFFF00]  }
0x51: {  	v1 =	vld [tilespmem:s28+$0xFFFFFF10]  }
0x52: {  	v2 =	vld [tilespmem:s28+$0xFFFFFF20]  }
0x53: {  	v3 =	vld [tilespmem:s28+$0xFFFFFF30]  }
0x54: {  	v4 =	vld [tilespmem:s28+$0xFFFFFF40]  }
0x55: {  	v5 =	vld [tilespmem:s28+$0xFFFFFF50]  }
0x56: {  	v6 =	vld [tilespmem:s28+$0xFFFFFF60]  }
0x57: {  	v7 =	vld [tilespmem:s28+$0xFFFFFF70]  }
0x58: {  	v0 =	vld.idx.msk [tilespmem:v0+s3+$0x0], $0xffff  }
0x59: {  	v1 =	vld.idx.msk [tilespmem:v1+s3+$0x0], $0xffff  }
0x5a: {  	v2 =	vld.idx.msk [tilespmem:v2+s3+$0x0], $0xffff  }
0x5b: {  	v3 =	vld.idx.msk [tilespmem:v3+s3+$0x0], $0xffff  }
0x5c: {  	v4 =	vld.idx.msk [tilespmem:v4+s3+$0x0], $0xffff  }
0x5d: {  	v5 =	vld.idx.msk [tilespmem:v5+s3+$0x0], $0xffff  }
0x5e: {  	v6 =	vld.idx.msk [tilespmem:v6+s3+$0x0], $0xffff  }
0x5f: {  	v7 =	vld.idx.msk [tilespmem:v7+s3+$0x0], $0xffff;
	[tilespmem:s29+$0xFFFFFE00] =	vst v0  }
0x60: {  	[tilespmem:s29+$0xFFFFFE10] =	vst v1  }
0x61: {  	[tilespmem:s29+$0xFFFFFE20] =	vst v2  }
0x62: {  	[tilespmem:s29+$0xFFFFFE30] =	vst v3  }
0x63: {  	[tilespmem:s29+$0xFFFFFE40] =	vst v4  }
0x64: {  	[tilespmem:s29+$0xFFFFFE50] =	vst v5  }
0x65: {  	[tilespmem:s29+$0xFFFFFE60] =	vst v6  }
0x66: {  	[tilespmem:s29+$0xFFFFFE70] =	vst v7  }
0x67: {  	v0 =	vld [tilespmem:s28+$0xFFFFFF80]  }
0x68: {  	v1 =	vld [tilespmem:s28+$0xFFFFFF90]  }
0x69: {  	v2 =	vld [tilespmem:s28+$0xFFFFFFA0]  }
0x6a: {  	v3 =	vld [tilespmem:s28+$0xFFFFFFB0]  }
0x6b: {  	v4 =	vld [tilespmem:s28+$0xFFFFFFC0]  }
0x6c: {  	v5 =	vld [tilespmem:s28+$0xFFFFFFD0]  }
0x6d: {  	v6 =	vld [tilespmem:s28+$0xFFFFFFE0]  }
0x6e: {  	v7 =	vld [tilespmem:s28+$0xFFFFFFF0]  }
0x6f: {  	v0 =	vld.idx.msk [tilespmem:v0+s3+$0x0], $0xffff  }
0x70: {  	v1 =	vld.idx.msk [tilespmem:v1+s3+$0x0], $0xffff  }
0x71: {  	v2 =	vld.idx.msk [tilespmem:v2+s3+$0x0], $0xffff  }
0x72: {  	v3 =	vld.idx.msk [tilespmem:v3+s3+$0x0], $0xffff  }
0x73: {  	v4 =	vld.idx.msk [tilespmem:v4+s3+$0x0], $0xffff  }
0x74: {  	v5 =	vld.idx.msk [tilespmem:v5+s3+$0x0], $0xffff  }
0x75: {  	v6 =	vld.idx.msk [tilespmem:v6+s3+$0x0], $0xffff  }
0x76: {  	v7 =	vld.idx.msk [tilespmem:v7+s3+$0x0], $0xffff;
	[tilespmem:s29+$0xFFFFFF00] =	vst v0  }
0x77: {  	[tilespmem:s29+$0xFFFFFF10] =	vst v1  }
0x78: {  	[tilespmem:s29+$0xFFFFFF20] =	vst v2  }
0x79: {  	[tilespmem:s29+$0xFFFFFF30] =	vst v3  }
0x7a: {  	[tilespmem:s29+$0xFFFFFF40] =	vst v4  }
0x7b: {  	[tilespmem:s29+$0xFFFFFF50] =	vst v5  }
0x7c: {  	[tilespmem:s29+$0xFFFFFF60] =	vst v6  }
0x7d: {  	[tilespmem:s29+$0xFFFFFF70] =	vst v7  }
0x7e: {  	v0 =	vld [tilespmem:s28+$0x0]  }
0x7f: {  	v1 =	vld [tilespmem:s28+$0x10]  }
0x80: {  	v2 =	vld [tilespmem:s28+$0x20]  }
0x81: {  	v3 =	vld [tilespmem:s28+$0x30]  }
0x82: {  	v4 =	vld [tilespmem:s28+$0x40]  }
0x83: {  	v5 =	vld [tilespmem:s28+$0x50]  }
0x84: {  	v6 =	vld [tilespmem:s28+$0x60]  }
0x85: {  	v7 =	vld [tilespmem:s28+$0x70]  }
0x86: {  	v0 =	vld.idx.msk [tilespmem:v0+s3+$0x0], $0xffff  }
0x87: {  	v1 =	vld.idx.msk [tilespmem:v1+s3+$0x0], $0xffff  }
0x88: {  	v2 =	vld.idx.msk [tilespmem:v2+s3+$0x0], $0xffff  }
0x89: {  	v3 =	vld.idx.msk [tilespmem:v3+s3+$0x0], $0xffff  }
0x8a: {  	v4 =	vld.idx.msk [tilespmem:v4+s3+$0x0], $0xffff  }
0x8b: {  	v5 =	vld.idx.msk [tilespmem:v5+s3+$0x0], $0xffff  }
0x8c: {  	v6 =	vld.idx.msk [tilespmem:v6+s3+$0x0], $0xffff  }
0x8d: {  	v7 =	vld.idx.msk [tilespmem:v7+s3+$0x0], $0xffff;
	[tilespmem:s29+$0x0] =	vst v0  }
0x8e: {  	[tilespmem:s29+$0x10] =	vst v1  }
0x8f: {  	[tilespmem:s29+$0x20] =	vst v2  }
0x90: {  	[tilespmem:s29+$0x30] =	vst v3  }
0x91: {  	[tilespmem:s29+$0x40] =	vst v4  }
0x92: {  	[tilespmem:s29+$0x50] =	vst v5  }
0x93: {  	[tilespmem:s29+$0x60] =	vst v6  }
0x94: {  	[tilespmem:s29+$0x70] =	vst v7  }
0x95: {  	v0 =	vld [tilespmem:s28+$0x80]  }
0x96: {  	v1 =	vld [tilespmem:s28+$0x90]  }
0x97: {  	v2 =	vld [tilespmem:s28+$0xA0]  }
0x98: {  	v3 =	vld [tilespmem:s28+$0xB0]  }
0x99: {  	v4 =	vld [tilespmem:s28+$0xC0]  }
0x9a: {  	v5 =	vld [tilespmem:s28+$0xD0]  }
0x9b: {  	v6 =	vld [tilespmem:s28+$0xE0]  }
0x9c: {  	v7 =	vld [tilespmem:s28+$0xF0]  }
0x9d: {  	v0 =	vld.idx.msk [tilespmem:v0+s3+$0x0], $0xffff  }
0x9e: {  	v1 =	vld.idx.msk [tilespmem:v1+s3+$0x0], $0xffff  }
0x9f: {  	v2 =	vld.idx.msk [tilespmem:v2+s3+$0x0], $0xffff  }
0xa0: {  	v3 =	vld.idx.msk [tilespmem:v3+s3+$0x0], $0xffff  }
0xa1: {  	v4 =	vld.idx.msk [tilespmem:v4+s3+$0x0], $0xffff  }
0xa2: {  	v5 =	vld.idx.msk [tilespmem:v5+s3+$0x0], $0xffff  }
0xa3: {  	v6 =	vld.idx.msk [tilespmem:v6+s3+$0x0], $0xffff  }
0xa4: {  	v7 =	vld.idx.msk [tilespmem:v7+s3+$0x0], $0xffff;
	[tilespmem:s29+$0x100] =	vst v0  }
0xa5: {  	[tilespmem:s29+$0x110] =	vst v1  }
0xa6: {  	[tilespmem:s29+$0x120] =	vst v2  }
0xa7: {  	[tilespmem:s29+$0x130] =	vst v3  }
0xa8: {  	[tilespmem:s29+$0x140] =	vst v4  }
0xa9: {  	[tilespmem:s29+$0x150] =	vst v5  }
0xaa: {  	[tilespmem:s29+$0x160] =	vst v6  }
0xab: {  	[tilespmem:s29+$0x170] =	vst v7  }
0xac: {  	v0 =	vld [tilespmem:s28+$0x100]  }
0xad: {  	v1 =	vld [tilespmem:s28+$0x110]  }
0xae: {  	v2 =	vld [tilespmem:s28+$0x120]  }
0xaf: {  	v3 =	vld [tilespmem:s28+$0x130]  }
0xb0: {  	v4 =	vld [tilespmem:s28+$0x140]  }
0xb1: {  	v5 =	vld [tilespmem:s28+$0x150]  }
0xb2: {  	v6 =	vld [tilespmem:s28+$0x160]  }
0xb3: {  	v7 =	vld [tilespmem:s28+$0x170]  }
0xb4: {  	v0 =	vld.idx.msk [tilespmem:v0+s3+$0x0], $0xffff  }
0xb5: {  	v1 =	vld.idx.msk [tilespmem:v1+s3+$0x0], $0xffff  }
0xb6: {  	v2 =	vld.idx.msk [tilespmem:v2+s3+$0x0], $0xffff  }
0xb7: {  	v3 =	vld.idx.msk [tilespmem:v3+s3+$0x0], $0xffff  }
0xb8: {  	v4 =	vld.idx.msk [tilespmem:v4+s3+$0x0], $0xffff  }
0xb9: {  	v5 =	vld.idx.msk [tilespmem:v5+s3+$0x0], $0xffff  }
0xba: {  	v6 =	vld.idx.msk [tilespmem:v6+s3+$0x0], $0xffff  }
0xbb: {  	v7 =	vld.idx.msk [tilespmem:v7+s3+$0x0], $0xffff;
	[tilespmem:s29+$0x200] =	vst v0  }
0xbc: {  	[tilespmem:s29+$0x210] =	vst v1  }
0xbd: {  	[tilespmem:s29+$0x220] =	vst v2  }
0xbe: {  	[tilespmem:s29+$0x230] =	vst v3  }
0xbf: {  	[tilespmem:s29+$0x240] =	vst v4  }
0xc0: {  	[tilespmem:s29+$0x250] =	vst v5  }
0xc1: {  	[tilespmem:s29+$0x260] =	vst v6  }
0xc2: {  	[tilespmem:s29+$0x270] =	vst v7  }
0xc3: {  	v0 =	vld [tilespmem:s28+$0x180]  }
0xc4: {  	v1 =	vld [tilespmem:s28+$0x190]  }
0xc5: {  	v2 =	vld [tilespmem:s28+$0x1A0]  }
0xc6: {  	v3 =	vld [tilespmem:s28+$0x1B0]  }
0xc7: {  	v4 =	vld [tilespmem:s28+$0x1C0]  }
0xc8: {  	v5 =	vld [tilespmem:s28+$0x1D0]  }
0xc9: {  	v6 =	vld [tilespmem:s28+$0x1E0]  }
0xca: {  	v7 =	vld [tilespmem:s28+$0x1F0]  }
0xcb: {  	v0 =	vld.idx.msk [tilespmem:v0+s3+$0x0], $0xffff  }
0xcc: {  	v1 =	vld.idx.msk [tilespmem:v1+s3+$0x0], $0xffff  }
0xcd: {  	v2 =	vld.idx.msk [tilespmem:v2+s3+$0x0], $0xffff  }
0xce: {  	v3 =	vld.idx.msk [tilespmem:v3+s3+$0x0], $0xffff  }
0xcf: {  	v4 =	vld.idx.msk [tilespmem:v4+s3+$0x0], $0xffff  }
0xd0: {  	v5 =	vld.idx.msk [tilespmem:v5+s3+$0x0], $0xffff  }
0xd1: {  	v6 =	vld.idx.msk [tilespmem:v6+s3+$0x0], $0xffff  }
0xd2: {  	v7 =	vld.idx.msk [tilespmem:v7+s3+$0x0], $0xffff;
	[tilespmem:s29+$0x300] =	vst v0  }
0xd3: {  	s26 =	sadd.s32 $0x8, s26;
	[tilespmem:s29+$0x310] =	vst v1  }
0xd4: {  	p0 =	slt.u32 s26, $0x18;
	[tilespmem:s29+$0x320] =	vst v2  }
.Ltmp0:
0xd5: {  	[tilespmem:s29+$0x330] =	vst v3;
	(pc) =	sbr.rel @p0 .LBB2_2-.Ltmp0, $4  }
0xd6: {  	[tilespmem:s29+$0x340] =	vst v4  }
0xd7: {  	[tilespmem:s29+$0x350] =	vst v5  }
0xd8: {  	[tilespmem:s29+$0x360] =	vst v6  }
0xd9: {  	s28 =	sadd.s32 $0x400, s28;
	[tilespmem:s29+$0x370] =	vst v7;
	s29 =	sadd.s32 $0x800, s29  }
0xda: {  	s26 =	simm.s32 $0x1C700  }
0xdb: {  	s28 =	simm.s32 $0x80;
	s30 =	sadd.s32 $0x0, s7;
	s29 =	simm.s32 $0x1C800  }
.LBB2_4:
0xdc: {  	[hbm4b:s30+s3] =	stream.linear.scatter [tilespmem:s26], [sflag:$0x6], $0x80, $0x38;
	[tilespmem:$0x1E700] =	vst v63  }
0xdd: {  	s30 =	smov.u32 s28;
	s26 =	smov.u32 s29;
	p0 =	sne.s32 s28, $0xF80  }
.Ltmp1:
0xde: {  	s28 =	sadd.s32 $0x80, s28;
	(pc) =	sbr.rel @p0 .LBB2_4-.Ltmp1, $2  }
0xdf: {  	_ =	sdelay $0x2  }
0xe0: {  	s29 =	sadd.s32 $0x100, s29;
	s30 =	sadd.s32 s30, s7  }
0xe1: {  	[hbm4b:s30+s3] =	stream.linear.scatter [tilespmem:s26], [sflag:$0x6], $0x80, $0x38;
	[tilespmem:$0x1E700] =	vst v63  }
0xe2: {  	_ =	swait.ge [sflag:s21], $0x1000  }
0xe3: {  	s26 =	simm.s32 $0xFFFFFFF8;
	[sflag:s21] =	ssyncset.done $0x0  }
0xe4: {  	s28 =	simm.s32 $0x19AF0;
	s29 =	simm.s32 $0x1CB80;
	[sflag:s21] =	ssyncadd.s32 $0xFFFFF000  }
.LBB2_6:
0xe5: {  	v0 =	vld [tilespmem:s28+$0xFFFFFC10]  }
0xe6: {  	v1 =	vld [tilespmem:s28+$0xFFFFFC20]  }
0xe7: {  	v2 =	vld [tilespmem:s28+$0xFFFFFC30]  }
0xe8: {  	v3 =	vld [tilespmem:s28+$0xFFFFFC40]  }
0xe9: {  	v4 =	vld [tilespmem:s28+$0xFFFFFC50]  }
0xea: {  	v5 =	vld [tilespmem:s28+$0xFFFFFC60]  }
0xeb: {  	v6 =	vld [tilespmem:s28+$0xFFFFFC70]  }
0xec: {  	v7 =	vld [tilespmem:s28+$0xFFFFFC80]  }
0xed: {  	v0 =	vld.idx.msk [tilespmem:v0+s3+$0x0], $0xffff  }
0xee: {  	v1 =	vld.idx.msk [tilespmem:v1+s3+$0x0], $0xffff  }
0xef: {  	v2 =	vld.idx.msk [tilespmem:v2+s3+$0x0], $0xffff  }
0xf0: {  	v3 =	vld.idx.msk [tilespmem:v3+s3+$0x0], $0xffff  }
0xf1: {  	v4 =	vld.idx.msk [tilespmem:v4+s3+$0x0], $0xffff  }
0xf2: {  	v5 =	vld.idx.msk [tilespmem:v5+s3+$0x0], $0xffff  }
0xf3: {  	v6 =	vld.idx.msk [tilespmem:v6+s3+$0x0], $0xffff  }
0xf4: {  	v7 =	vld.idx.msk [tilespmem:v7+s3+$0x0], $0xffff;
	[tilespmem:s29+$0xFFFFFC00] =	vst v0  }
0xf5: {  	[tilespmem:s29+$0xFFFFFC10] =	vst v1  }
0xf6: {  	[tilespmem:s29+$0xFFFFFC20] =	vst v2  }
0xf7: {  	[tilespmem:s29+$0xFFFFFC30] =	vst v3  }
0xf8: {  	[tilespmem:s29+$0xFFFFFC40] =	vst v4  }
0xf9: {  	[tilespmem:s29+$0xFFFFFC50] =	vst v5  }
0xfa: {  	[tilespmem:s29+$0xFFFFFC60] =	vst v6  }
0xfb: {  	[tilespmem:s29+$0xFFFFFC70] =	vst v7  }
0xfc: {  	v0 =	vld [tilespmem:s28+$0xFFFFFC90]  }
0xfd: {  	v1 =	vld [tilespmem:s28+$0xFFFFFCA0]  }
0xfe: {  	v2 =	vld [tilespmem:s28+$0xFFFFFCB0]  }
0xff: {  	v3 =	vld [tilespmem:s28+$0xFFFFFCC0]  }
0x100: {  	v4 =	vld [tilespmem:s28+$0xFFFFFCD0]  }
0x101: {  	v5 =	vld [tilespmem:s28+$0xFFFFFCE0]  }
0x102: {  	v6 =	vld [tilespmem:s28+$0xFFFFFCF0]  }
0x103: {  	v7 =	vld [tilespmem:s28+$0xFFFFFD00]  }
0x104: {  	v0 =	vld.idx.msk [tilespmem:v0+s3+$0x0], $0xffff  }
0x105: {  	v1 =	vld.idx.msk [tilespmem:v1+s3+$0x0], $0xffff  }
0x106: {  	v2 =	vld.idx.msk [tilespmem:v2+s3+$0x0], $0xffff  }
0x107: {  	v3 =	vld.idx.msk [tilespmem:v3+s3+$0x0], $0xffff  }
0x108: {  	v4 =	vld.idx.msk [tilespmem:v4+s3+$0x0], $0xffff  }
0x109: {  	v5 =	vld.idx.msk [tilespmem:v5+s3+$0x0], $0xffff  }
0x10a: {  	v6 =	vld.idx.msk [tilespmem:v6+s3+$0x0], $0xffff  }
0x10b: {  	v7 =	vld.idx.msk [tilespmem:v7+s3+$0x0], $0xffff;
	[tilespmem:s29+$0xFFFFFD00] =	vst v0  }
0x10c: {  	[tilespmem:s29+$0xFFFFFD10] =	vst v1  }
0x10d: {  	[tilespmem:s29+$0xFFFFFD20] =	vst v2  }
0x10e: {  	[tilespmem:s29+$0xFFFFFD30] =	vst v3  }
0x10f: {  	[tilespmem:s29+$0xFFFFFD40] =	vst v4  }
0x110: {  	[tilespmem:s29+$0xFFFFFD50] =	vst v5  }
0x111: {  	[tilespmem:s29+$0xFFFFFD60] =	vst v6  }
0x112: {  	[tilespmem:s29+$0xFFFFFD70] =	vst v7  }
0x113: {  	v0 =	vld [tilespmem:s28+$0xFFFFFD10]  }
0x114: {  	v1 =	vld [tilespmem:s28+$0xFFFFFD20]  }
0x115: {  	v2 =	vld [tilespmem:s28+$0xFFFFFD30]  }
0x116: {  	v3 =	vld [tilespmem:s28+$0xFFFFFD40]  }
0x117: {  	v4 =	vld [tilespmem:s28+$0xFFFFFD50]  }
0x118: {  	v5 =	vld [tilespmem:s28+$0xFFFFFD60]  }
0x119: {  	v6 =	vld [tilespmem:s28+$0xFFFFFD70]  }
0x11a: {  	v7 =	vld [tilespmem:s28+$0xFFFFFD80]  }
0x11b: {  	v0 =	vld.idx.msk [tilespmem:v0+s3+$0x0], $0xffff  }
0x11c: {  	v1 =	vld.idx.msk [tilespmem:v1+s3+$0x0], $0xffff  }
0x11d: {  	v2 =	vld.idx.msk [tilespmem:v2+s3+$0x0], $0xffff  }
0x11e: {  	v3 =	vld.idx.msk [tilespmem:v3+s3+$0x0], $0xffff  }
0x11f: {  	v4 =	vld.idx.msk [tilespmem:v4+s3+$0x0], $0xffff  }
0x120: {  	v5 =	vld.idx.msk [tilespmem:v5+s3+$0x0], $0xffff  }
0x121: {  	v6 =	vld.idx.msk [tilespmem:v6+s3+$0x0], $0xffff  }
0x122: {  	v7 =	vld.idx.msk [tilespmem:v7+s3+$0x0], $0xffff;
	[tilespmem:s29+$0xFFFFFE00] =	vst v0  }
0x123: {  	[tilespmem:s29+$0xFFFFFE10] =	vst v1  }
0x124: {  	[tilespmem:s29+$0xFFFFFE20] =	vst v2  }
0x125: {  	[tilespmem:s29+$0xFFFFFE30] =	vst v3  }
0x126: {  	[tilespmem:s29+$0xFFFFFE40] =	vst v4  }
0x127: {  	[tilespmem:s29+$0xFFFFFE50] =	vst v5  }
0x128: {  	[tilespmem:s29+$0xFFFFFE60] =	vst v6  }
0x129: {  	[tilespmem:s29+$0xFFFFFE70] =	vst v7  }
0x12a: {  	v0 =	vld [tilespmem:s28+$0xFFFFFD90]  }
0x12b: {  	v1 =	vld [tilespmem:s28+$0xFFFFFDA0]  }
0x12c: {  	v2 =	vld [tilespmem:s28+$0xFFFFFDB0]  }
0x12d: {  	v3 =	vld [tilespmem:s28+$0xFFFFFDC0]  }
0x12e: {  	v4 =	vld [tilespmem:s28+$0xFFFFFDD0]  }
0x12f: {  	v5 =	vld [tilespmem:s28+$0xFFFFFDE0]  }
0x130: {  	v6 =	vld [tilespmem:s28+$0xFFFFFDF0]  }
0x131: {  	v7 =	vld [tilespmem:s28+$0xFFFFFE00]  }
0x132: {  	v0 =	vld.idx.msk [tilespmem:v0+s3+$0x0], $0xffff  }
0x133: {  	v1 =	vld.idx.msk [tilespmem:v1+s3+$0x0], $0xffff  }
0x134: {  	v2 =	vld.idx.msk [tilespmem:v2+s3+$0x0], $0xffff  }
0x135: {  	v3 =	vld.idx.msk [tilespmem:v3+s3+$0x0], $0xffff  }
0x136: {  	v4 =	vld.idx.msk [tilespmem:v4+s3+$0x0], $0xffff  }
0x137: {  	v5 =	vld.idx.msk [tilespmem:v5+s3+$0x0], $0xffff  }
0x138: {  	v6 =	vld.idx.msk [tilespmem:v6+s3+$0x0], $0xffff  }
0x139: {  	v7 =	vld.idx.msk [tilespmem:v7+s3+$0x0], $0xffff;
	[tilespmem:s29+$0xFFFFFF00] =	vst v0  }
0x13a: {  	[tilespmem:s29+$0xFFFFFF10] =	vst v1  }
0x13b: {  	[tilespmem:s29+$0xFFFFFF20] =	vst v2  }
0x13c: {  	[tilespmem:s29+$0xFFFFFF30] =	vst v3  }
0x13d: {  	[tilespmem:s29+$0xFFFFFF40] =	vst v4  }
0x13e: {  	[tilespmem:s29+$0xFFFFFF50] =	vst v5  }
0x13f: {  	[tilespmem:s29+$0xFFFFFF60] =	vst v6  }
0x140: {  	[tilespmem:s29+$0xFFFFFF70] =	vst v7  }
0x141: {  	v0 =	vld [tilespmem:s28+$0xFFFFFE10]  }
0x142: {  	v1 =	vld [tilespmem:s28+$0xFFFFFE20]  }
0x143: {  	v2 =	vld [tilespmem:s28+$0xFFFFFE30]  }
0x144: {  	v3 =	vld [tilespmem:s28+$0xFFFFFE40]  }
0x145: {  	v4 =	vld [tilespmem:s28+$0xFFFFFE50]  }
0x146: {  	v5 =	vld [tilespmem:s28+$0xFFFFFE60]  }
0x147: {  	v6 =	vld [tilespmem:s28+$0xFFFFFE70]  }
0x148: {  	v7 =	vld [tilespmem:s28+$0xFFFFFE80]  }
0x149: {  	v0 =	vld.idx.msk [tilespmem:v0+s3+$0x0], $0xffff  }
0x14a: {  	v1 =	vld.idx.msk [tilespmem:v1+s3+$0x0], $0xffff  }
0x14b: {  	v2 =	vld.idx.msk [tilespmem:v2+s3+$0x0], $0xffff  }
0x14c: {  	v3 =	vld.idx.msk [tilespmem:v3+s3+$0x0], $0xffff  }
0x14d: {  	v4 =	vld.idx.msk [tilespmem:v4+s3+$0x0], $0xffff  }
0x14e: {  	v5 =	vld.idx.msk [tilespmem:v5+s3+$0x0], $0xffff  }
0x14f: {  	v6 =	vld.idx.msk [tilespmem:v6+s3+$0x0], $0xffff  }
0x150: {  	v7 =	vld.idx.msk [tilespmem:v7+s3+$0x0], $0xffff;
	[tilespmem:s29+$0x0] =	vst v0  }
0x151: {  	[tilespmem:s29+$0x10] =	vst v1  }
0x152: {  	[tilespmem:s29+$0x20] =	vst v2  }
0x153: {  	[tilespmem:s29+$0x30] =	vst v3  }
0x154: {  	[tilespmem:s29+$0x40] =	vst v4  }
0x155: {  	[tilespmem:s29+$0x50] =	vst v5  }
0x156: {  	[tilespmem:s29+$0x60] =	vst v6  }
0x157: {  	[tilespmem:s29+$0x70] =	vst v7  }
0x158: {  	v0 =	vld [tilespmem:s28+$0xFFFFFE90]  }
0x159: {  	v1 =	vld [tilespmem:s28+$0xFFFFFEA0]  }
0x15a: {  	v2 =	vld [tilespmem:s28+$0xFFFFFEB0]  }
0x15b: {  	v3 =	vld [tilespmem:s28+$0xFFFFFEC0]  }
0x15c: {  	v4 =	vld [tilespmem:s28+$0xFFFFFED0]  }
0x15d: {  	v5 =	vld [tilespmem:s28+$0xFFFFFEE0]  }
0x15e: {  	v6 =	vld [tilespmem:s28+$0xFFFFFEF0]  }
0x15f: {  	v7 =	vld [tilespmem:s28+$0xFFFFFF00]  }
0x160: {  	v0 =	vld.idx.msk [tilespmem:v0+s3+$0x0], $0xffff  }
0x161: {  	v1 =	vld.idx.msk [tilespmem:v1+s3+$0x0], $0xffff  }
0x162: {  	v2 =	vld.idx.msk [tilespmem:v2+s3+$0x0], $0xffff  }
0x163: {  	v3 =	vld.idx.msk [tilespmem:v3+s3+$0x0], $0xffff  }
0x164: {  	v4 =	vld.idx.msk [tilespmem:v4+s3+$0x0], $0xffff  }
0x165: {  	v5 =	vld.idx.msk [tilespmem:v5+s3+$0x0], $0xffff  }
0x166: {  	v6 =	vld.idx.msk [tilespmem:v6+s3+$0x0], $0xffff  }
0x167: {  	v7 =	vld.idx.msk [tilespmem:v7+s3+$0x0], $0xffff;
	[tilespmem:s29+$0x100] =	vst v0  }
0x168: {  	[tilespmem:s29+$0x110] =	vst v1  }
0x169: {  	[tilespmem:s29+$0x120] =	vst v2  }
0x16a: {  	[tilespmem:s29+$0x130] =	vst v3  }
0x16b: {  	[tilespmem:s29+$0x140] =	vst v4  }
0x16c: {  	[tilespmem:s29+$0x150] =	vst v5  }
0x16d: {  	[tilespmem:s29+$0x160] =	vst v6  }
0x16e: {  	[tilespmem:s29+$0x170] =	vst v7  }
0x16f: {  	v0 =	vld [tilespmem:s28+$0xFFFFFF10]  }
0x170: {  	v1 =	vld [tilespmem:s28+$0xFFFFFF20]  }
0x171: {  	v2 =	vld [tilespmem:s28+$0xFFFFFF30]  }
0x172: {  	v3 =	vld [tilespmem:s28+$0xFFFFFF40]  }
0x173: {  	v4 =	vld [tilespmem:s28+$0xFFFFFF50]  }
0x174: {  	v5 =	vld [tilespmem:s28+$0xFFFFFF60]  }
0x175: {  	v6 =	vld [tilespmem:s28+$0xFFFFFF70]  }
0x176: {  	v7 =	vld [tilespmem:s28+$0xFFFFFF80]  }
0x177: {  	v0 =	vld.idx.msk [tilespmem:v0+s3+$0x0], $0xffff  }
0x178: {  	v1 =	vld.idx.msk [tilespmem:v1+s3+$0x0], $0xffff  }
0x179: {  	v2 =	vld.idx.msk [tilespmem:v2+s3+$0x0], $0xffff  }
0x17a: {  	v3 =	vld.idx.msk [tilespmem:v3+s3+$0x0], $0xffff  }
0x17b: {  	v4 =	vld.idx.msk [tilespmem:v4+s3+$0x0], $0xffff  }
0x17c: {  	v5 =	vld.idx.msk [tilespmem:v5+s3+$0x0], $0xffff  }
0x17d: {  	v6 =	vld.idx.msk [tilespmem:v6+s3+$0x0], $0xffff  }
0x17e: {  	v7 =	vld.idx.msk [tilespmem:v7+s3+$0x0], $0xffff;
	[tilespmem:s29+$0x200] =	vst v0  }
0x17f: {  	[tilespmem:s29+$0x210] =	vst v1  }
0x180: {  	[tilespmem:s29+$0x220] =	vst v2  }
0x181: {  	[tilespmem:s29+$0x230] =	vst v3  }
0x182: {  	[tilespmem:s29+$0x240] =	vst v4  }
0x183: {  	[tilespmem:s29+$0x250] =	vst v5  }
0x184: {  	[tilespmem:s29+$0x260] =	vst v6  }
0x185: {  	[tilespmem:s29+$0x270] =	vst v7  }
0x186: {  	v0 =	vld [tilespmem:s28+$0xFFFFFF90]  }
0x187: {  	v1 =	vld [tilespmem:s28+$0xFFFFFFA0]  }
0x188: {  	v2 =	vld [tilespmem:s28+$0xFFFFFFB0]  }
0x189: {  	v3 =	vld [tilespmem:s28+$0xFFFFFFC0]  }
0x18a: {  	v4 =	vld [tilespmem:s28+$0xFFFFFFD0]  }
0x18b: {  	v5 =	vld [tilespmem:s28+$0xFFFFFFE0]  }
0x18c: {  	v6 =	vld [tilespmem:s28+$0xFFFFFFF0]  }
0x18d: {  	v7 =	vld [tilespmem:s28+$0x0]  }
0x18e: {  	v0 =	vld.idx.msk [tilespmem:v0+s3+$0x0], $0xffff  }
0x18f: {  	v1 =	vld.idx.msk [tilespmem:v1+s3+$0x0], $0xffff  }
0x190: {  	v2 =	vld.idx.msk [tilespmem:v2+s3+$0x0], $0xffff  }
0x191: {  	v3 =	vld.idx.msk [tilespmem:v3+s3+$0x0], $0xffff  }
0x192: {  	v4 =	vld.idx.msk [tilespmem:v4+s3+$0x0], $0xffff  }
0x193: {  	v5 =	vld.idx.msk [tilespmem:v5+s3+$0x0], $0xffff  }
0x194: {  	v6 =	vld.idx.msk [tilespmem:v6+s3+$0x0], $0xffff  }
0x195: {  	v7 =	vld.idx.msk [tilespmem:v7+s3+$0x0], $0xffff;
	[tilespmem:s29+$0x300] =	vst v0  }
0x196: {  	s26 =	sadd.s32 $0x8, s26;
	[tilespmem:s29+$0x310] =	vst v1  }
0x197: {  	p0 =	slt.u32 s26, $0x18;
	[tilespmem:s29+$0x320] =	vst v2  }
.Ltmp2:
0x198: {  	[tilespmem:s29+$0x330] =	vst v3;
	(pc) =	sbr.rel @p0 .LBB2_6-.Ltmp2, $4  }
0x199: {  	[tilespmem:s29+$0x340] =	vst v4  }
0x19a: {  	[tilespmem:s29+$0x350] =	vst v5  }
0x19b: {  	[tilespmem:s29+$0x360] =	vst v6  }
0x19c: {  	s28 =	sadd.s32 $0x400, s28;
	[tilespmem:s29+$0x370] =	vst v7;
	s29 =	sadd.s32 $0x800, s29  }
0x19d: {  	s26 =	simm.s32 $0x1C780  }
0x19e: {  	s28 =	simm.s32 $0x80;
	s30 =	sadd.s32 $0x0, s9;
	s29 =	simm.s32 $0x1C880  }
.LBB2_8:
0x19f: {  	[hbm4b:s30+s3] =	stream.linear.scatter [tilespmem:s26], [sflag:$0x6], $0x80, $0x38;
	[tilespmem:$0x1E700] =	vst v63  }
0x1a0: {  	s30 =	smov.u32 s28;
	s26 =	smov.u32 s29;
	p0 =	sne.s32 s28, $0xF80  }
.Ltmp3:
0x1a1: {  	s28 =	sadd.s32 $0x80, s28;
	(pc) =	sbr.rel @p0 .LBB2_8-.Ltmp3, $2  }
0x1a2: {  	_ =	sdelay $0x2  }
0x1a3: {  	s29 =	sadd.s32 $0x100, s29;
	s30 =	sadd.s32 s30, s9  }
0x1a4: {  	[hbm4b:s30+s3] =	stream.linear.scatter [tilespmem:s26], [sflag:$0x6], $0x80, $0x38;
	[tilespmem:$0x1E700] =	vst v63  }
0x1a5: {  	_ =	swait.ge [sflag:s22], $0x1000  }
0x1a6: {  	[sflag:s22] =	ssyncset.done $0x0  }
0x1a7: {  	[sflag:s22] =	ssyncadd.s32 $0xFFFFF000  }
0x1a8: {  	_ =	swait.ge [sflag:s23], $0x1000  }
0x1a9: {  	s26 =	simm.s32 $0xFFFFFFF8;
	[sflag:s23] =	ssyncset.done $0x0  }
0x1aa: {  	s28 =	simm.s32 $0x1AAF0;
	s29 =	simm.s32 $0x1CB00;
	[sflag:s23] =	ssyncadd.s32 $0xFFFFF000  }
.LBB2_10:
0x1ab: {  	v0 =	vld [tilespmem:s28+$0xFFFFFC10]  }
0x1ac: {  	v1 =	vld [tilespmem:s28+$0xFFFFFC20]  }
0x1ad: {  	v2 =	vld [tilespmem:s28+$0xFFFFFC30]  }
0x1ae: {  	v3 =	vld [tilespmem:s28+$0xFFFFFC40]  }
0x1af: {  	v4 =	vld [tilespmem:s28+$0xFFFFFC50]  }
0x1b0: {  	v5 =	vld [tilespmem:s28+$0xFFFFFC60]  }
0x1b1: {  	v6 =	vld [tilespmem:s28+$0xFFFFFC70]  }
0x1b2: {  	v7 =	vld [tilespmem:s28+$0xFFFFFC80]  }
0x1b3: {  	v0 =	vld.idx.msk [tilespmem:v0+s3+$0x0], $0xffff  }
0x1b4: {  	v1 =	vld.idx.msk [tilespmem:v1+s3+$0x0], $0xffff  }
0x1b5: {  	v2 =	vld.idx.msk [tilespmem:v2+s3+$0x0], $0xffff  }
0x1b6: {  	v3 =	vld.idx.msk [tilespmem:v3+s3+$0x0], $0xffff  }
0x1b7: {  	v4 =	vld.idx.msk [tilespmem:v4+s3+$0x0], $0xffff  }
0x1b8: {  	v5 =	vld.idx.msk [tilespmem:v5+s3+$0x0], $0xffff  }
0x1b9: {  	v6 =	vld.idx.msk [tilespmem:v6+s3+$0x0], $0xffff  }
0x1ba: {  	v7 =	vld.idx.msk [tilespmem:v7+s3+$0x0], $0xffff;
	[tilespmem:s29+$0xFFFFFC00] =	vst v0  }
0x1bb: {  	[tilespmem:s29+$0xFFFFFC10] =	vst v1  }
0x1bc: {  	[tilespmem:s29+$0xFFFFFC20] =	vst v2  }
0x1bd: {  	[tilespmem:s29+$0xFFFFFC30] =	vst v3  }
0x1be: {  	[tilespmem:s29+$0xFFFFFC40] =	vst v4  }
0x1bf: {  	[tilespmem:s29+$0xFFFFFC50] =	vst v5  }
0x1c0: {  	[tilespmem:s29+$0xFFFFFC60] =	vst v6  }
0x1c1: {  	[tilespmem:s29+$0xFFFFFC70] =	vst v7  }
0x1c2: {  	v0 =	vld [tilespmem:s28+$0xFFFFFC90]  }
0x1c3: {  	v1 =	vld [tilespmem:s28+$0xFFFFFCA0]  }
0x1c4: {  	v2 =	vld [tilespmem:s28+$0xFFFFFCB0]  }
0x1c5: {  	v3 =	vld [tilespmem:s28+$0xFFFFFCC0]  }
0x1c6: {  	v4 =	vld [tilespmem:s28+$0xFFFFFCD0]  }
0x1c7: {  	v5 =	vld [tilespmem:s28+$0xFFFFFCE0]  }
0x1c8: {  	v6 =	vld [tilespmem:s28+$0xFFFFFCF0]  }
0x1c9: {  	v7 =	vld [tilespmem:s28+$0xFFFFFD00]  }
0x1ca: {  	v0 =	vld.idx.msk [tilespmem:v0+s3+$0x0], $0xffff  }
0x1cb: {  	v1 =	vld.idx.msk [tilespmem:v1+s3+$0x0], $0xffff  }
0x1cc: {  	v2 =	vld.idx.msk [tilespmem:v2+s3+$0x0], $0xffff  }
0x1cd: {  	v3 =	vld.idx.msk [tilespmem:v3+s3+$0x0], $0xffff  }
0x1ce: {  	v4 =	vld.idx.msk [tilespmem:v4+s3+$0x0], $0xffff  }
0x1cf: {  	v5 =	vld.idx.msk [tilespmem:v5+s3+$0x0], $0xffff  }
0x1d0: {  	v6 =	vld.idx.msk [tilespmem:v6+s3+$0x0], $0xffff  }
0x1d1: {  	v7 =	vld.idx.msk [tilespmem:v7+s3+$0x0], $0xffff;
	[tilespmem:s29+$0xFFFFFD00] =	vst v0  }
0x1d2: {  	[tilespmem:s29+$0xFFFFFD10] =	vst v1  }
0x1d3: {  	[tilespmem:s29+$0xFFFFFD20] =	vst v2  }
0x1d4: {  	[tilespmem:s29+$0xFFFFFD30] =	vst v3  }
0x1d5: {  	[tilespmem:s29+$0xFFFFFD40] =	vst v4  }
0x1d6: {  	[tilespmem:s29+$0xFFFFFD50] =	vst v5  }
0x1d7: {  	[tilespmem:s29+$0xFFFFFD60] =	vst v6  }
0x1d8: {  	[tilespmem:s29+$0xFFFFFD70] =	vst v7  }
0x1d9: {  	v0 =	vld [tilespmem:s28+$0xFFFFFD10]  }
0x1da: {  	v1 =	vld [tilespmem:s28+$0xFFFFFD20]  }
0x1db: {  	v2 =	vld [tilespmem:s28+$0xFFFFFD30]  }
0x1dc: {  	v3 =	vld [tilespmem:s28+$0xFFFFFD40]  }
0x1dd: {  	v4 =	vld [tilespmem:s28+$0xFFFFFD50]  }
0x1de: {  	v5 =	vld [tilespmem:s28+$0xFFFFFD60]  }
0x1df: {  	v6 =	vld [tilespmem:s28+$0xFFFFFD70]  }
0x1e0: {  	v7 =	vld [tilespmem:s28+$0xFFFFFD80]  }
0x1e1: {  	v0 =	vld.idx.msk [tilespmem:v0+s3+$0x0], $0xffff  }
0x1e2: {  	v1 =	vld.idx.msk [tilespmem:v1+s3+$0x0], $0xffff  }
0x1e3: {  	v2 =	vld.idx.msk [tilespmem:v2+s3+$0x0], $0xffff  }
0x1e4: {  	v3 =	vld.idx.msk [tilespmem:v3+s3+$0x0], $0xffff  }
0x1e5: {  	v4 =	vld.idx.msk [tilespmem:v4+s3+$0x0], $0xffff  }
0x1e6: {  	v5 =	vld.idx.msk [tilespmem:v5+s3+$0x0], $0xffff  }
0x1e7: {  	v6 =	vld.idx.msk [tilespmem:v6+s3+$0x0], $0xffff  }
0x1e8: {  	v7 =	vld.idx.msk [tilespmem:v7+s3+$0x0], $0xffff;
	[tilespmem:s29+$0xFFFFFE00] =	vst v0  }
0x1e9: {  	[tilespmem:s29+$0xFFFFFE10] =	vst v1  }
0x1ea: {  	[tilespmem:s29+$0xFFFFFE20] =	vst v2  }
0x1eb: {  	[tilespmem:s29+$0xFFFFFE30] =	vst v3  }
0x1ec: {  	[tilespmem:s29+$0xFFFFFE40] =	vst v4  }
0x1ed: {  	[tilespmem:s29+$0xFFFFFE50] =	vst v5  }
0x1ee: {  	[tilespmem:s29+$0xFFFFFE60] =	vst v6  }
0x1ef: {  	[tilespmem:s29+$0xFFFFFE70] =	vst v7  }
0x1f0: {  	v0 =	vld [tilespmem:s28+$0xFFFFFD90]  }
0x1f1: {  	v1 =	vld [tilespmem:s28+$0xFFFFFDA0]  }
0x1f2: {  	v2 =	vld [tilespmem:s28+$0xFFFFFDB0]  }
0x1f3: {  	v3 =	vld [tilespmem:s28+$0xFFFFFDC0]  }
0x1f4: {  	v4 =	vld [tilespmem:s28+$0xFFFFFDD0]  }
0x1f5: {  	v5 =	vld [tilespmem:s28+$0xFFFFFDE0]  }
0x1f6: {  	v6 =	vld [tilespmem:s28+$0xFFFFFDF0]  }
0x1f7: {  	v7 =	vld [tilespmem:s28+$0xFFFFFE00]  }
0x1f8: {  	v0 =	vld.idx.msk [tilespmem:v0+s3+$0x0], $0xffff  }
0x1f9: {  	v1 =	vld.idx.msk [tilespmem:v1+s3+$0x0], $0xffff  }
0x1fa: {  	v2 =	vld.idx.msk [tilespmem:v2+s3+$0x0], $0xffff  }
0x1fb: {  	v3 =	vld.idx.msk [tilespmem:v3+s3+$0x0], $0xffff  }
0x1fc: {  	v4 =	vld.idx.msk [tilespmem:v4+s3+$0x0], $0xffff  }
0x1fd: {  	v5 =	vld.idx.msk [tilespmem:v5+s3+$0x0], $0xffff  }
0x1fe: {  	v6 =	vld.idx.msk [tilespmem:v6+s3+$0x0], $0xffff  }
0x1ff: {  	v7 =	vld.idx.msk [tilespmem:v7+s3+$0x0], $0xffff;
	[tilespmem:s29+$0xFFFFFF00] =	vst v0  }
0x200: {  	[tilespmem:s29+$0xFFFFFF10] =	vst v1  }
0x201: {  	[tilespmem:s29+$0xFFFFFF20] =	vst v2  }
0x202: {  	[tilespmem:s29+$0xFFFFFF30] =	vst v3  }
0x203: {  	[tilespmem:s29+$0xFFFFFF40] =	vst v4  }
0x204: {  	[tilespmem:s29+$0xFFFFFF50] =	vst v5  }
0x205: {  	[tilespmem:s29+$0xFFFFFF60] =	vst v6  }
0x206: {  	[tilespmem:s29+$0xFFFFFF70] =	vst v7  }
0x207: {  	v0 =	vld [tilespmem:s28+$0xFFFFFE10]  }
0x208: {  	v1 =	vld [tilespmem:s28+$0xFFFFFE20]  }
0x209: {  	v2 =	vld [tilespmem:s28+$0xFFFFFE30]  }
0x20a: {  	v3 =	vld [tilespmem:s28+$0xFFFFFE40]  }
0x20b: {  	v4 =	vld [tilespmem:s28+$0xFFFFFE50]  }
0x20c: {  	v5 =	vld [tilespmem:s28+$0xFFFFFE60]  }
0x20d: {  	v6 =	vld [tilespmem:s28+$0xFFFFFE70]  }
0x20e: {  	v7 =	vld [tilespmem:s28+$0xFFFFFE80]  }
0x20f: {  	v0 =	vld.idx.msk [tilespmem:v0+s3+$0x0], $0xffff  }
0x210: {  	v1 =	vld.idx.msk [tilespmem:v1+s3+$0x0], $0xffff  }
0x211: {  	v2 =	vld.idx.msk [tilespmem:v2+s3+$0x0], $0xffff  }
0x212: {  	v3 =	vld.idx.msk [tilespmem:v3+s3+$0x0], $0xffff  }
0x213: {  	v4 =	vld.idx.msk [tilespmem:v4+s3+$0x0], $0xffff  }
0x214: {  	v5 =	vld.idx.msk [tilespmem:v5+s3+$0x0], $0xffff  }
0x215: {  	v6 =	vld.idx.msk [tilespmem:v6+s3+$0x0], $0xffff  }
0x216: {  	v7 =	vld.idx.msk [tilespmem:v7+s3+$0x0], $0xffff;
	[tilespmem:s29+$0x0] =	vst v0  }
0x217: {  	[tilespmem:s29+$0x10] =	vst v1  }
0x218: {  	[tilespmem:s29+$0x20] =	vst v2  }
0x219: {  	[tilespmem:s29+$0x30] =	vst v3  }
0x21a: {  	[tilespmem:s29+$0x40] =	vst v4  }
0x21b: {  	[tilespmem:s29+$0x50] =	vst v5  }
0x21c: {  	[tilespmem:s29+$0x60] =	vst v6  }
0x21d: {  	[tilespmem:s29+$0x70] =	vst v7  }
0x21e: {  	v0 =	vld [tilespmem:s28+$0xFFFFFE90]  }
0x21f: {  	v1 =	vld [tilespmem:s28+$0xFFFFFEA0]  }
0x220: {  	v2 =	vld [tilespmem:s28+$0xFFFFFEB0]  }
0x221: {  	v3 =	vld [tilespmem:s28+$0xFFFFFEC0]  }
0x222: {  	v4 =	vld [tilespmem:s28+$0xFFFFFED0]  }
0x223: {  	v5 =	vld [tilespmem:s28+$0xFFFFFEE0]  }
0x224: {  	v6 =	vld [tilespmem:s28+$0xFFFFFEF0]  }
0x225: {  	v7 =	vld [tilespmem:s28+$0xFFFFFF00]  }
0x226: {  	v0 =	vld.idx.msk [tilespmem:v0+s3+$0x0], $0xffff  }
0x227: {  	v1 =	vld.idx.msk [tilespmem:v1+s3+$0x0], $0xffff  }
0x228: {  	v2 =	vld.idx.msk [tilespmem:v2+s3+$0x0], $0xffff  }
0x229: {  	v3 =	vld.idx.msk [tilespmem:v3+s3+$0x0], $0xffff  }
0x22a: {  	v4 =	vld.idx.msk [tilespmem:v4+s3+$0x0], $0xffff  }
0x22b: {  	v5 =	vld.idx.msk [tilespmem:v5+s3+$0x0], $0xffff  }
0x22c: {  	v6 =	vld.idx.msk [tilespmem:v6+s3+$0x0], $0xffff  }
0x22d: {  	v7 =	vld.idx.msk [tilespmem:v7+s3+$0x0], $0xffff;
	[tilespmem:s29+$0x100] =	vst v0  }
0x22e: {  	[tilespmem:s29+$0x110] =	vst v1  }
0x22f: {  	[tilespmem:s29+$0x120] =	vst v2  }
0x230: {  	[tilespmem:s29+$0x130] =	vst v3  }
0x231: {  	[tilespmem:s29+$0x140] =	vst v4  }
0x232: {  	[tilespmem:s29+$0x150] =	vst v5  }
0x233: {  	[tilespmem:s29+$0x160] =	vst v6  }
0x234: {  	[tilespmem:s29+$0x170] =	vst v7  }
0x235: {  	v0 =	vld [tilespmem:s28+$0xFFFFFF10]  }
0x236: {  	v1 =	vld [tilespmem:s28+$0xFFFFFF20]  }
0x237: {  	v2 =	vld [tilespmem:s28+$0xFFFFFF30]  }
0x238: {  	v3 =	vld [tilespmem:s28+$0xFFFFFF40]  }
0x239: {  	v4 =	vld [tilespmem:s28+$0xFFFFFF50]  }
0x23a: {  	v5 =	vld [tilespmem:s28+$0xFFFFFF60]  }
0x23b: {  	v6 =	vld [tilespmem:s28+$0xFFFFFF70]  }
0x23c: {  	v7 =	vld [tilespmem:s28+$0xFFFFFF80]  }
0x23d: {  	v0 =	vld.idx.msk [tilespmem:v0+s3+$0x0], $0xffff  }
0x23e: {  	v1 =	vld.idx.msk [tilespmem:v1+s3+$0x0], $0xffff  }
0x23f: {  	v2 =	vld.idx.msk [tilespmem:v2+s3+$0x0], $0xffff  }
0x240: {  	v3 =	vld.idx.msk [tilespmem:v3+s3+$0x0], $0xffff  }
0x241: {  	v4 =	vld.idx.msk [tilespmem:v4+s3+$0x0], $0xffff  }
0x242: {  	v5 =	vld.idx.msk [tilespmem:v5+s3+$0x0], $0xffff  }
0x243: {  	v6 =	vld.idx.msk [tilespmem:v6+s3+$0x0], $0xffff  }
0x244: {  	v7 =	vld.idx.msk [tilespmem:v7+s3+$0x0], $0xffff;
	[tilespmem:s29+$0x200] =	vst v0  }
0x245: {  	[tilespmem:s29+$0x210] =	vst v1  }
0x246: {  	[tilespmem:s29+$0x220] =	vst v2  }
0x247: {  	[tilespmem:s29+$0x230] =	vst v3  }
0x248: {  	[tilespmem:s29+$0x240] =	vst v4  }
0x249: {  	[tilespmem:s29+$0x250] =	vst v5  }
0x24a: {  	[tilespmem:s29+$0x260] =	vst v6  }
0x24b: {  	[tilespmem:s29+$0x270] =	vst v7  }
0x24c: {  	v0 =	vld [tilespmem:s28+$0xFFFFFF90]  }
0x24d: {  	v1 =	vld [tilespmem:s28+$0xFFFFFFA0]  }
0x24e: {  	v2 =	vld [tilespmem:s28+$0xFFFFFFB0]  }
0x24f: {  	v3 =	vld [tilespmem:s28+$0xFFFFFFC0]  }
0x250: {  	v4 =	vld [tilespmem:s28+$0xFFFFFFD0]  }
0x251: {  	v5 =	vld [tilespmem:s28+$0xFFFFFFE0]  }
0x252: {  	v6 =	vld [tilespmem:s28+$0xFFFFFFF0]  }
0x253: {  	v7 =	vld [tilespmem:s28+$0x0]  }
0x254: {  	v0 =	vld.idx.msk [tilespmem:v0+s3+$0x0], $0xffff  }
0x255: {  	v1 =	vld.idx.msk [tilespmem:v1+s3+$0x0], $0xffff  }
0x256: {  	v2 =	vld.idx.msk [tilespmem:v2+s3+$0x0], $0xffff  }
0x257: {  	v3 =	vld.idx.msk [tilespmem:v3+s3+$0x0], $0xffff  }
0x258: {  	v4 =	vld.idx.msk [tilespmem:v4+s3+$0x0], $0xffff  }
0x259: {  	v5 =	vld.idx.msk [tilespmem:v5+s3+$0x0], $0xffff  }
0x25a: {  	v6 =	vld.idx.msk [tilespmem:v6+s3+$0x0], $0xffff  }
0x25b: {  	v7 =	vld.idx.msk [tilespmem:v7+s3+$0x0], $0xffff;
	[tilespmem:s29+$0x300] =	vst v0  }
0x25c: {  	s26 =	sadd.s32 $0x8, s26;
	[tilespmem:s29+$0x310] =	vst v1  }
0x25d: {  	p0 =	slt.u32 s26, $0x18;
	[tilespmem:s29+$0x320] =	vst v2  }
.Ltmp4:
0x25e: {  	[tilespmem:s29+$0x330] =	vst v3;
	(pc) =	sbr.rel @p0 .LBB2_10-.Ltmp4, $4  }
0x25f: {  	[tilespmem:s29+$0x340] =	vst v4  }
0x260: {  	[tilespmem:s29+$0x350] =	vst v5  }
0x261: {  	[tilespmem:s29+$0x360] =	vst v6  }
0x262: {  	s28 =	sadd.s32 $0x400, s28;
	[tilespmem:s29+$0x370] =	vst v7;
	s29 =	sadd.s32 $0x800, s29  }
0x263: {  	s26 =	simm.s32 $0x1C700  }
0x264: {  	s28 =	simm.s32 $0x80;
	s30 =	sadd.s32 $0x0, s10;
	s29 =	simm.s32 $0x1C800  }
.LBB2_12:
0x265: {  	[hbm4b:s30+s3] =	stream.linear.scatter [tilespmem:s26], [sflag:$0x6], $0x80, $0x38;
	[tilespmem:$0x1E700] =	vst v63  }
0x266: {  	s30 =	smov.u32 s28;
	s26 =	smov.u32 s29;
	p0 =	sne.s32 s28, $0xF80  }
.Ltmp5:
0x267: {  	s28 =	sadd.s32 $0x80, s28;
	(pc) =	sbr.rel @p0 .LBB2_12-.Ltmp5, $2  }
0x268: {  	_ =	sdelay $0x2  }
0x269: {  	s29 =	sadd.s32 $0x100, s29;
	s30 =	sadd.s32 s30, s10  }
0x26a: {  	[hbm4b:s30+s3] =	stream.linear.scatter [tilespmem:s26], [sflag:$0x6], $0x80, $0x38;
	[tilespmem:$0x1E700] =	vst v63  }
0x26b: {  	_ =	swait.ge [sflag:s24], $0x1000  }
0x26c: {  	[sflag:s24] =	ssyncset.done $0x0  }
0x26d: {  	[sflag:s24] =	ssyncadd.s32 $0xFFFFF000  }
0x26e: {  	_ =	swait.ge [sflag:s23], $0x1000  }
0x26f: {  	s26 =	simm.s32 $0xFFFFFFF8;
	[sflag:s23] =	ssyncset.done $0x0  }
0x270: {  	s28 =	simm.s32 $0x1BAF0;
	s29 =	simm.s32 $0x1CB80;
	[sflag:s23] =	ssyncadd.s32 $0xFFFFF000  }
.LBB2_14:
0x271: {  	v0 =	vld [tilespmem:s28+$0xFFFFFC10]  }
0x272: {  	v1 =	vld [tilespmem:s28+$0xFFFFFC20]  }
0x273: {  	v2 =	vld [tilespmem:s28+$0xFFFFFC30]  }
0x274: {  	v3 =	vld [tilespmem:s28+$0xFFFFFC40]  }
0x275: {  	v4 =	vld [tilespmem:s28+$0xFFFFFC50]  }
0x276: {  	v5 =	vld [tilespmem:s28+$0xFFFFFC60]  }
0x277: {  	v6 =	vld [tilespmem:s28+$0xFFFFFC70]  }
0x278: {  	v7 =	vld [tilespmem:s28+$0xFFFFFC80]  }
0x279: {  	v0 =	vld.idx.msk [tilespmem:v0+s3+$0x0], $0xffff  }
0x27a: {  	v1 =	vld.idx.msk [tilespmem:v1+s3+$0x0], $0xffff  }
0x27b: {  	v2 =	vld.idx.msk [tilespmem:v2+s3+$0x0], $0xffff  }
0x27c: {  	v3 =	vld.idx.msk [tilespmem:v3+s3+$0x0], $0xffff  }
0x27d: {  	v4 =	vld.idx.msk [tilespmem:v4+s3+$0x0], $0xffff  }
0x27e: {  	v5 =	vld.idx.msk [tilespmem:v5+s3+$0x0], $0xffff  }
0x27f: {  	v6 =	vld.idx.msk [tilespmem:v6+s3+$0x0], $0xffff  }
0x280: {  	v7 =	vld.idx.msk [tilespmem:v7+s3+$0x0], $0xffff;
	[tilespmem:s29+$0xFFFFFC00] =	vst v0  }
0x281: {  	[tilespmem:s29+$0xFFFFFC10] =	vst v1  }
0x282: {  	[tilespmem:s29+$0xFFFFFC20] =	vst v2  }
0x283: {  	[tilespmem:s29+$0xFFFFFC30] =	vst v3  }
0x284: {  	[tilespmem:s29+$0xFFFFFC40] =	vst v4  }
0x285: {  	[tilespmem:s29+$0xFFFFFC50] =	vst v5  }
0x286: {  	[tilespmem:s29+$0xFFFFFC60] =	vst v6  }
0x287: {  	[tilespmem:s29+$0xFFFFFC70] =	vst v7  }
0x288: {  	v0 =	vld [tilespmem:s28+$0xFFFFFC90]  }
0x289: {  	v1 =	vld [tilespmem:s28+$0xFFFFFCA0]  }
0x28a: {  	v2 =	vld [tilespmem:s28+$0xFFFFFCB0]  }
0x28b: {  	v3 =	vld [tilespmem:s28+$0xFFFFFCC0]  }
0x28c: {  	v4 =	vld [tilespmem:s28+$0xFFFFFCD0]  }
0x28d: {  	v5 =	vld [tilespmem:s28+$0xFFFFFCE0]  }
0x28e: {  	v6 =	vld [tilespmem:s28+$0xFFFFFCF0]  }
0x28f: {  	v7 =	vld [tilespmem:s28+$0xFFFFFD00]  }
0x290: {  	v0 =	vld.idx.msk [tilespmem:v0+s3+$0x0], $0xffff  }
0x291: {  	v1 =	vld.idx.msk [tilespmem:v1+s3+$0x0], $0xffff  }
0x292: {  	v2 =	vld.idx.msk [tilespmem:v2+s3+$0x0], $0xffff  }
0x293: {  	v3 =	vld.idx.msk [tilespmem:v3+s3+$0x0], $0xffff  }
0x294: {  	v4 =	vld.idx.msk [tilespmem:v4+s3+$0x0], $0xffff  }
0x295: {  	v5 =	vld.idx.msk [tilespmem:v5+s3+$0x0], $0xffff  }
0x296: {  	v6 =	vld.idx.msk [tilespmem:v6+s3+$0x0], $0xffff  }
0x297: {  	v7 =	vld.idx.msk [tilespmem:v7+s3+$0x0], $0xffff;
	[tilespmem:s29+$0xFFFFFD00] =	vst v0  }
0x298: {  	[tilespmem:s29+$0xFFFFFD10] =	vst v1  }
0x299: {  	[tilespmem:s29+$0xFFFFFD20] =	vst v2  }
0x29a: {  	[tilespmem:s29+$0xFFFFFD30] =	vst v3  }
0x29b: {  	[tilespmem:s29+$0xFFFFFD40] =	vst v4  }
0x29c: {  	[tilespmem:s29+$0xFFFFFD50] =	vst v5  }
0x29d: {  	[tilespmem:s29+$0xFFFFFD60] =	vst v6  }
0x29e: {  	[tilespmem:s29+$0xFFFFFD70] =	vst v7  }
0x29f: {  	v0 =	vld [tilespmem:s28+$0xFFFFFD10]  }
0x2a0: {  	v1 =	vld [tilespmem:s28+$0xFFFFFD20]  }
0x2a1: {  	v2 =	vld [tilespmem:s28+$0xFFFFFD30]  }
0x2a2: {  	v3 =	vld [tilespmem:s28+$0xFFFFFD40]  }
0x2a3: {  	v4 =	vld [tilespmem:s28+$0xFFFFFD50]  }
0x2a4: {  	v5 =	vld [tilespmem:s28+$0xFFFFFD60]  }
0x2a5: {  	v6 =	vld [tilespmem:s28+$0xFFFFFD70]  }
0x2a6: {  	v7 =	vld [tilespmem:s28+$0xFFFFFD80]  }
0x2a7: {  	v0 =	vld.idx.msk [tilespmem:v0+s3+$0x0], $0xffff  }
0x2a8: {  	v1 =	vld.idx.msk [tilespmem:v1+s3+$0x0], $0xffff  }
0x2a9: {  	v2 =	vld.idx.msk [tilespmem:v2+s3+$0x0], $0xffff  }
0x2aa: {  	v3 =	vld.idx.msk [tilespmem:v3+s3+$0x0], $0xffff  }
0x2ab: {  	v4 =	vld.idx.msk [tilespmem:v4+s3+$0x0], $0xffff  }
0x2ac: {  	v5 =	vld.idx.msk [tilespmem:v5+s3+$0x0], $0xffff  }
0x2ad: {  	v6 =	vld.idx.msk [tilespmem:v6+s3+$0x0], $0xffff  }
0x2ae: {  	v7 =	vld.idx.msk [tilespmem:v7+s3+$0x0], $0xffff;
	[tilespmem:s29+$0xFFFFFE00] =	vst v0  }
0x2af: {  	[tilespmem:s29+$0xFFFFFE10] =	vst v1  }
0x2b0: {  	[tilespmem:s29+$0xFFFFFE20] =	vst v2  }
0x2b1: {  	[tilespmem:s29+$0xFFFFFE30] =	vst v3  }
0x2b2: {  	[tilespmem:s29+$0xFFFFFE40] =	vst v4  }
0x2b3: {  	[tilespmem:s29+$0xFFFFFE50] =	vst v5  }
0x2b4: {  	[tilespmem:s29+$0xFFFFFE60] =	vst v6  }
0x2b5: {  	[tilespmem:s29+$0xFFFFFE70] =	vst v7  }
0x2b6: {  	v0 =	vld [tilespmem:s28+$0xFFFFFD90]  }
0x2b7: {  	v1 =	vld [tilespmem:s28+$0xFFFFFDA0]  }
0x2b8: {  	v2 =	vld [tilespmem:s28+$0xFFFFFDB0]  }
0x2b9: {  	v3 =	vld [tilespmem:s28+$0xFFFFFDC0]  }
0x2ba: {  	v4 =	vld [tilespmem:s28+$0xFFFFFDD0]  }
0x2bb: {  	v5 =	vld [tilespmem:s28+$0xFFFFFDE0]  }
0x2bc: {  	v6 =	vld [tilespmem:s28+$0xFFFFFDF0]  }
0x2bd: {  	v7 =	vld [tilespmem:s28+$0xFFFFFE00]  }
0x2be: {  	v0 =	vld.idx.msk [tilespmem:v0+s3+$0x0], $0xffff  }
0x2bf: {  	v1 =	vld.idx.msk [tilespmem:v1+s3+$0x0], $0xffff  }
0x2c0: {  	v2 =	vld.idx.msk [tilespmem:v2+s3+$0x0], $0xffff  }
0x2c1: {  	v3 =	vld.idx.msk [tilespmem:v3+s3+$0x0], $0xffff  }
0x2c2: {  	v4 =	vld.idx.msk [tilespmem:v4+s3+$0x0], $0xffff  }
0x2c3: {  	v5 =	vld.idx.msk [tilespmem:v5+s3+$0x0], $0xffff  }
0x2c4: {  	v6 =	vld.idx.msk [tilespmem:v6+s3+$0x0], $0xffff  }
0x2c5: {  	v7 =	vld.idx.msk [tilespmem:v7+s3+$0x0], $0xffff;
	[tilespmem:s29+$0xFFFFFF00] =	vst v0  }
0x2c6: {  	[tilespmem:s29+$0xFFFFFF10] =	vst v1  }
0x2c7: {  	[tilespmem:s29+$0xFFFFFF20] =	vst v2  }
0x2c8: {  	[tilespmem:s29+$0xFFFFFF30] =	vst v3  }
0x2c9: {  	[tilespmem:s29+$0xFFFFFF40] =	vst v4  }
0x2ca: {  	[tilespmem:s29+$0xFFFFFF50] =	vst v5  }
0x2cb: {  	[tilespmem:s29+$0xFFFFFF60] =	vst v6  }
0x2cc: {  	[tilespmem:s29+$0xFFFFFF70] =	vst v7  }
0x2cd: {  	v0 =	vld [tilespmem:s28+$0xFFFFFE10]  }
0x2ce: {  	v1 =	vld [tilespmem:s28+$0xFFFFFE20]  }
0x2cf: {  	v2 =	vld [tilespmem:s28+$0xFFFFFE30]  }
0x2d0: {  	v3 =	vld [tilespmem:s28+$0xFFFFFE40]  }
0x2d1: {  	v4 =	vld [tilespmem:s28+$0xFFFFFE50]  }
0x2d2: {  	v5 =	vld [tilespmem:s28+$0xFFFFFE60]  }
0x2d3: {  	v6 =	vld [tilespmem:s28+$0xFFFFFE70]  }
0x2d4: {  	v7 =	vld [tilespmem:s28+$0xFFFFFE80]  }
0x2d5: {  	v0 =	vld.idx.msk [tilespmem:v0+s3+$0x0], $0xffff  }
0x2d6: {  	v1 =	vld.idx.msk [tilespmem:v1+s3+$0x0], $0xffff  }
0x2d7: {  	v2 =	vld.idx.msk [tilespmem:v2+s3+$0x0], $0xffff  }
0x2d8: {  	v3 =	vld.idx.msk [tilespmem:v3+s3+$0x0], $0xffff  }
0x2d9: {  	v4 =	vld.idx.msk [tilespmem:v4+s3+$0x0], $0xffff  }
0x2da: {  	v5 =	vld.idx.msk [tilespmem:v5+s3+$0x0], $0xffff  }
0x2db: {  	v6 =	vld.idx.msk [tilespmem:v6+s3+$0x0], $0xffff  }
0x2dc: {  	v7 =	vld.idx.msk [tilespmem:v7+s3+$0x0], $0xffff;
	[tilespmem:s29+$0x0] =	vst v0  }
0x2dd: {  	[tilespmem:s29+$0x10] =	vst v1  }
0x2de: {  	[tilespmem:s29+$0x20] =	vst v2  }
0x2df: {  	[tilespmem:s29+$0x30] =	vst v3  }
0x2e0: {  	[tilespmem:s29+$0x40] =	vst v4  }
0x2e1: {  	[tilespmem:s29+$0x50] =	vst v5  }
0x2e2: {  	[tilespmem:s29+$0x60] =	vst v6  }
0x2e3: {  	[tilespmem:s29+$0x70] =	vst v7  }
0x2e4: {  	v0 =	vld [tilespmem:s28+$0xFFFFFE90]  }
0x2e5: {  	v1 =	vld [tilespmem:s28+$0xFFFFFEA0]  }
0x2e6: {  	v2 =	vld [tilespmem:s28+$0xFFFFFEB0]  }
0x2e7: {  	v3 =	vld [tilespmem:s28+$0xFFFFFEC0]  }
0x2e8: {  	v4 =	vld [tilespmem:s28+$0xFFFFFED0]  }
0x2e9: {  	v5 =	vld [tilespmem:s28+$0xFFFFFEE0]  }
0x2ea: {  	v6 =	vld [tilespmem:s28+$0xFFFFFEF0]  }
0x2eb: {  	v7 =	vld [tilespmem:s28+$0xFFFFFF00]  }
0x2ec: {  	v0 =	vld.idx.msk [tilespmem:v0+s3+$0x0], $0xffff  }
0x2ed: {  	v1 =	vld.idx.msk [tilespmem:v1+s3+$0x0], $0xffff  }
0x2ee: {  	v2 =	vld.idx.msk [tilespmem:v2+s3+$0x0], $0xffff  }
0x2ef: {  	v3 =	vld.idx.msk [tilespmem:v3+s3+$0x0], $0xffff  }
0x2f0: {  	v4 =	vld.idx.msk [tilespmem:v4+s3+$0x0], $0xffff  }
0x2f1: {  	v5 =	vld.idx.msk [tilespmem:v5+s3+$0x0], $0xffff  }
0x2f2: {  	v6 =	vld.idx.msk [tilespmem:v6+s3+$0x0], $0xffff  }
0x2f3: {  	v7 =	vld.idx.msk [tilespmem:v7+s3+$0x0], $0xffff;
	[tilespmem:s29+$0x100] =	vst v0  }
0x2f4: {  	[tilespmem:s29+$0x110] =	vst v1  }
0x2f5: {  	[tilespmem:s29+$0x120] =	vst v2  }
0x2f6: {  	[tilespmem:s29+$0x130] =	vst v3  }
0x2f7: {  	[tilespmem:s29+$0x140] =	vst v4  }
0x2f8: {  	[tilespmem:s29+$0x150] =	vst v5  }
0x2f9: {  	[tilespmem:s29+$0x160] =	vst v6  }
0x2fa: {  	[tilespmem:s29+$0x170] =	vst v7  }
0x2fb: {  	v0 =	vld [tilespmem:s28+$0xFFFFFF10]  }
0x2fc: {  	v1 =	vld [tilespmem:s28+$0xFFFFFF20]  }
0x2fd: {  	v2 =	vld [tilespmem:s28+$0xFFFFFF30]  }
0x2fe: {  	v3 =	vld [tilespmem:s28+$0xFFFFFF40]  }
0x2ff: {  	v4 =	vld [tilespmem:s28+$0xFFFFFF50]  }
0x300: {  	v5 =	vld [tilespmem:s28+$0xFFFFFF60]  }
0x301: {  	v6 =	vld [tilespmem:s28+$0xFFFFFF70]  }
0x302: {  	v7 =	vld [tilespmem:s28+$0xFFFFFF80]  }
0x303: {  	v0 =	vld.idx.msk [tilespmem:v0+s3+$0x0], $0xffff  }
0x304: {  	v1 =	vld.idx.msk [tilespmem:v1+s3+$0x0], $0xffff  }
0x305: {  	v2 =	vld.idx.msk [tilespmem:v2+s3+$0x0], $0xffff  }
0x306: {  	v3 =	vld.idx.msk [tilespmem:v3+s3+$0x0], $0xffff  }
0x307: {  	v4 =	vld.idx.msk [tilespmem:v4+s3+$0x0], $0xffff  }
0x308: {  	v5 =	vld.idx.msk [tilespmem:v5+s3+$0x0], $0xffff  }
0x309: {  	v6 =	vld.idx.msk [tilespmem:v6+s3+$0x0], $0xffff  }
0x30a: {  	v7 =	vld.idx.msk [tilespmem:v7+s3+$0x0], $0xffff;
	[tilespmem:s29+$0x200] =	vst v0  }
0x30b: {  	[tilespmem:s29+$0x210] =	vst v1  }
0x30c: {  	[tilespmem:s29+$0x220] =	vst v2  }
0x30d: {  	[tilespmem:s29+$0x230] =	vst v3  }
0x30e: {  	[tilespmem:s29+$0x240] =	vst v4  }
0x30f: {  	[tilespmem:s29+$0x250] =	vst v5  }
0x310: {  	[tilespmem:s29+$0x260] =	vst v6  }
0x311: {  	[tilespmem:s29+$0x270] =	vst v7  }
0x312: {  	v0 =	vld [tilespmem:s28+$0xFFFFFF90]  }
0x313: {  	v1 =	vld [tilespmem:s28+$0xFFFFFFA0]  }
0x314: {  	v2 =	vld [tilespmem:s28+$0xFFFFFFB0]  }
0x315: {  	v3 =	vld [tilespmem:s28+$0xFFFFFFC0]  }
0x316: {  	v4 =	vld [tilespmem:s28+$0xFFFFFFD0]  }
0x317: {  	v5 =	vld [tilespmem:s28+$0xFFFFFFE0]  }
0x318: {  	v6 =	vld [tilespmem:s28+$0xFFFFFFF0]  }
0x319: {  	v7 =	vld [tilespmem:s28+$0x0]  }
0x31a: {  	v0 =	vld.idx.msk [tilespmem:v0+s3+$0x0], $0xffff  }
0x31b: {  	v1 =	vld.idx.msk [tilespmem:v1+s3+$0x0], $0xffff  }
0x31c: {  	v2 =	vld.idx.msk [tilespmem:v2+s3+$0x0], $0xffff  }
0x31d: {  	v3 =	vld.idx.msk [tilespmem:v3+s3+$0x0], $0xffff  }
0x31e: {  	v4 =	vld.idx.msk [tilespmem:v4+s3+$0x0], $0xffff  }
0x31f: {  	v5 =	vld.idx.msk [tilespmem:v5+s3+$0x0], $0xffff  }
0x320: {  	v6 =	vld.idx.msk [tilespmem:v6+s3+$0x0], $0xffff  }
0x321: {  	v7 =	vld.idx.msk [tilespmem:v7+s3+$0x0], $0xffff;
	[tilespmem:s29+$0x300] =	vst v0  }
0x322: {  	s26 =	sadd.s32 $0x8, s26;
	[tilespmem:s29+$0x310] =	vst v1  }
0x323: {  	p0 =	slt.u32 s26, $0x18;
	[tilespmem:s29+$0x320] =	vst v2  }
.Ltmp6:
0x324: {  	[tilespmem:s29+$0x330] =	vst v3;
	(pc) =	sbr.rel @p0 .LBB2_14-.Ltmp6, $4  }
0x325: {  	[tilespmem:s29+$0x340] =	vst v4  }
0x326: {  	[tilespmem:s29+$0x350] =	vst v5  }
0x327: {  	[tilespmem:s29+$0x360] =	vst v6  }
0x328: {  	s28 =	sadd.s32 $0x400, s28;
	[tilespmem:s29+$0x370] =	vst v7;
	s29 =	sadd.s32 $0x800, s29  }
0x329: {  	s26 =	simm.s32 $0x1C780  }
0x32a: {  	s28 =	simm.s32 $0x80;
	s30 =	sadd.s32 $0x0, s11;
	s29 =	simm.s32 $0x1C880  }
.LBB2_16:
0x32b: {  	[hbm4b:s30+s3] =	stream.linear.scatter [tilespmem:s26], [sflag:$0x6], $0x80, $0x38;
	[tilespmem:$0x1E700] =	vst v63  }
0x32c: {  	s30 =	smov.u32 s28;
	s26 =	smov.u32 s29;
	p0 =	sne.s32 s28, $0xF80  }
.Ltmp7:
0x32d: {  	s28 =	sadd.s32 $0x80, s28;
	(pc) =	sbr.rel @p0 .LBB2_16-.Ltmp7, $2  }
0x32e: {  	_ =	sdelay $0x2  }
0x32f: {  	s29 =	sadd.s32 $0x100, s29;
	s30 =	sadd.s32 s30, s11  }
0x330: {  	[hbm4b:s30+s3] =	stream.linear.scatter [tilespmem:s26], [sflag:$0x6], $0x80, $0x38;
	[tilespmem:$0x1E700] =	vst v63  }
0x331: {  	s25 =	sadd.s32 $0x1, s25  }
0x332: {  	_ =	swait.ge [sflag:s23], $0x1000;
	p0 =	sne.s32 s25, s12  }
.Ltmp8:
0x333: {  	[sflag:s23] =	ssyncset.done $0x0;
	(pc) =	sbr.rel @p0 .LBB2_1-.Ltmp8, $4  }
0x334: {  	[sflag:s23] =	ssyncadd.s32 $0xFFFFF000  }
0x335: {  	_ =	swait.ge [sflag:s23], $0x1000  }
0x336: {  	[sflag:s23] =	ssyncset.done $0x0  }
0x337: {  	[sflag:s23] =	ssyncadd.s32 $0xFFFFF000  }
0x338: {  	_ =	sfence.sel $0x180000  }
0x339: {  	[bflag:$0x0] =	sbarrier.arrive $0xFFFF  }
0x33a: {  	p0 =	sne.s32 s2, $0x0;
	_ =	strace $0x90000047  }
0x33b: {  	s0 =	sadd.s32 @!p0 $0x100000, s0;
	[bflag:$0x2] =	sbarrier.arrive $0xFFFF  }
0x33c: {  	[sflag:s0] =	ssyncadd.tile.s32 @!p0 $0x1;
	_ =	shalt  }
.Lfunc_end2:
_tile_overlayer_lowered:
.L_overlay_start_2:
0x33d: {  	(tag) =	ssettag $0x2  }
0x33e: {  	s0 =	rddreg [dreg:$0x0];
	s2 =	stileid.u32  }
0x33f: {  	s1 =	rddreg [dreg:$0x1];
	p0 =	sne.s32 s2, $0x0  }
0x340: {  	s3 =	rddreg [dreg:$0x2];
	[bflag:$0x3] =	sbarrier.arrive $0xFFFF;
	s2 =	simm.s32 @!p0 $0x1C07  }
0x341: {  	[timem:s3], [sflag:s2] =	dma.local @!p0 [hbm:s0], s1  }
0x342: {  	s0 =	simm.s32 @!p0 $0x7  }
0x343: {  	_ =	swait.ge @!p0 [sflag:s0], s1  }
0x344: {  	s1 =	ssub.s32 @!p0 $0x0, s1;
	[sflag:s0] =	ssyncset.done @!p0 $0x0  }
0x345: {  	[sflag:s0] =	ssyncadd.s32 @!p0 s1  }
0x346: {  	[bflag:$0x3] =	sbarrier.arrive $0xFFFF  }
0x347: {  	_ =	shalt  }

</sc_bundles>
